<compile_context>
chip_gen: v7x
topology: tpu7x:2x2x1
jax: 0.10.2.dev20260603
libtpu: 0.0.44.dev20260713+nightly
codegen_flags: <defaults>
</compile_context>

<pallas_src>
import functools

import numpy as np
import jax
import jax.numpy as jnp
from jax import lax
from jax.experimental import pallas as pl
from jax.experimental.pallas import tpu as pltpu
from jax.experimental.pallas import tpu_sc as plsc

D = 256
H = 8
L = 4
P = 4
C = 32
B = 4
Q = 2048
SPATIAL = np.array([[64, 64], [32, 32], [16, 16], [8, 8]], dtype=np.int64)
LEN_V = int(SPATIAL.prod(1).sum())
NCOL = H * L * P * 4

QB = 256
NW = 32
CHB = 16
SS = 8
NBAGS = B * Q * H
BPW = NBAGS // NW
NCH = BPW // CHB

_c = np.arange(NCOL)
_k = _c % 4
_l = (_c // 16) % L
_h = _c // 64
_loff = np.concatenate([[0], np.cumsum(SPATIAL.prod(1))[:-1]]).astype(np.int64)
CF = np.stack([
    (_k % 2).astype(np.float32),
    (_k // 2).astype(np.float32),
    SPATIAL[_l, 1].astype(np.float32),
    SPATIAL[_l, 0].astype(np.float32),
]).astype(np.float32)
CI = np.stack([
    SPATIAL[_l, 1].astype(np.int64),
    _loff[_l],
    _h,
]).astype(np.int32)
SX = np.zeros((2 * L, NCOL), np.float32)
SY = np.zeros((2 * L, NCOL), np.float32)
SX[2 * _l, _c] = 1.0
SY[2 * _l + 1, _c] = 1.0
GH8 = (0.25 * (_h[:, None] == np.arange(H)[None, :])).astype(np.float32)
SH8 = (np.arange(H)[:, None] == _h[None, :]).astype(np.float32)

_perm = np.concatenate([np.arange(0, C, 2), np.arange(1, C, 2)])
ROWPERM = np.concatenate([h * C + _perm for h in range(H)])



def _vproj_body(v_ref, w_ref, b_ref, o_ref):
    o_ref[0] = (jnp.dot(v_ref[0], w_ref[...])
                + b_ref[...]).astype(jnp.bfloat16)


def _outproj_body(v_ref, w_ref, b_ref, o_ref):
    x = v_ref[...].reshape(Q, D)
    o_ref[0] = jnp.dot(x, w_ref[...]) + b_ref[...]


def _prep_body(q_ref, rp_ref, wx_ref, wy_ref, wa_ref, bx_ref, by_ref, ba_ref,
               sx_ref, sy_ref, gh_ref, sh_ref, cf_ref, ci_ref, idx_ref, w_ref):
    q = q_ref[0]
    ox = jnp.dot(q, wx_ref[...]) + bx_ref[...]
    oy = jnp.dot(q, wy_ref[...]) + by_ref[...]
    hp = lax.Precision.HIGHEST
    ea = jnp.exp(jnp.dot(q, wa_ref[...]) + ba_ref[...])
    den8 = jnp.dot(ea, gh_ref[...], precision=hp)
    aw = ea / jnp.dot(den8, sh_ref[...], precision=hp)
    rp = rp_ref[0]
    rpx = jnp.dot(rp, sx_ref[...], precision=hp)
    rpy = jnp.dot(rp, sy_ref[...], precision=hp)
    kx = cf_ref[0:1]
    ky = cf_ref[1:2]
    wf = cf_ref[2:3]
    hf = cf_ref[3:4]
    x = rpx * wf + ox - 0.5
    y = rpy * hf + oy - 0.5
    x0 = jnp.floor(x)
    fx = x - x0
    y0 = jnp.floor(y)
    fy = y - y0
    xk = x0 + kx
    yk = y0 + ky
    wxw = 1.0 - fx + kx * (2.0 * fx - 1.0)
    wyw = 1.0 - fy + ky * (2.0 * fy - 1.0)
    valid = ((xk >= 0.0) & (xk <= wf - 1.0) & (yk >= 0.0) & (yk <= hf - 1.0))
    xi = jnp.clip(xk, 0.0, wf - 1.0).astype(jnp.int32)
    yi = jnp.clip(yk, 0.0, hf - 1.0).astype(jnp.int32)
    wi = ci_ref[0:1]
    loff = ci_ref[1:2]
    hid = ci_ref[2:3]
    b = pl.program_id(0)
    pos = loff + yi * wi + xi
    idx_ref[0] = ((pos + b * LEN_V) * H + hid).reshape(NCH, SS, 128)
    w_ref[0] = (aw * wxw * wyw
                * valid.astype(jnp.float32)).reshape(NCH, SS, 128)


def _vproj(value, W_val, b_val2):
    rb = LEN_V // 4
    return pl.pallas_call(
        _vproj_body,
        grid=(B, 4),
        in_specs=[
            pl.BlockSpec((1, rb, D), lambda b, r: (b, r, 0)),
            pl.BlockSpec((D, D), lambda b, r: (0, 0)),
            pl.BlockSpec((1, D), lambda b, r: (0, 0)),
        ],
        out_specs=pl.BlockSpec((1, rb, D), lambda b, r: (b, r, 0)),
        out_shape=jax.ShapeDtypeStruct((B, LEN_V, D), jnp.bfloat16),
    )(value, W_val, b_val2)


def _outproj(x, W_out, b_out2):
    return pl.pallas_call(
        _outproj_body,
        grid=(B,),
        in_specs=[
            pl.BlockSpec((8, NCH // 2, 8, 128), lambda b: (b, 0, 0, 0)),
            pl.BlockSpec((D, D), lambda b: (0, 0)),
            pl.BlockSpec((1, D), lambda b: (0, 0)),
        ],
        out_specs=pl.BlockSpec((1, Q, D), lambda b: (b, 0, 0)),
        out_shape=jax.ShapeDtypeStruct((B, Q, D), jnp.float32),
    )(x, W_out, b_out2)


def _prep(query, rp8, Wx, Wy, Wa, bx, by, ba, sx, sy, gh, sh, cf, ci):
    z2 = lambda b, qb: (0, 0)
    return pl.pallas_call(
        _prep_body,
        grid=(B, Q // QB),
        in_specs=[
            pl.BlockSpec((1, QB, D), lambda b, qb: (b, qb, 0)),
            pl.BlockSpec((1, QB, 2 * L), lambda b, qb: (b, qb, 0)),
            pl.BlockSpec((D, NCOL), z2),
            pl.BlockSpec((D, NCOL), z2),
            pl.BlockSpec((D, NCOL), z2),
            pl.BlockSpec((1, NCOL), z2),
            pl.BlockSpec((1, NCOL), z2),
            pl.BlockSpec((1, NCOL), z2),
            pl.BlockSpec((2 * L, NCOL), z2),
            pl.BlockSpec((2 * L, NCOL), z2),
            pl.BlockSpec((NCOL, H), z2),
            pl.BlockSpec((H, NCOL), z2),
            pl.BlockSpec((4, NCOL), z2),
            pl.BlockSpec((3, NCOL), z2),
        ],
        out_specs=[
            pl.BlockSpec((1, NCH, SS, 128),
                         lambda b, qb: (b * (Q // QB) + qb, 0, 0, 0)),
            pl.BlockSpec((1, NCH, SS, 128),
                         lambda b, qb: (b * (Q // QB) + qb, 0, 0, 0)),
        ],
        out_shape=[
            jax.ShapeDtypeStruct((NW, NCH, SS, 128), jnp.int32),
            jax.ShapeDtypeStruct((NW, NCH, SS, 128), jnp.float32),
        ],
    )(query, rp8, Wx, Wy, Wa, bx, by, ba, sx, sy, gh, sh, cf, ci)


def _splat(v, j):
    return lax.gather(
        v, jnp.full((16, 1), j, jnp.int32),
        lax.GatherDimensionNumbers(
            offset_dims=(), collapsed_slice_dims=(0,), start_index_map=(0,)),
        (1,), mode=lax.GatherScatterMode.PROMISE_IN_BOUNDS)


def _sc_body(vtab, idxh, wgth, outh, idx_v, wgt_v, rows_v, out_v,
             isem0, isem1, gsem0, gsem1, osem0, osem1):
    w = lax.axis_index("c") * 16 + lax.axis_index("s")
    isem = (isem0, isem1)
    gsem = (gsem0, gsem1)
    osem = (osem0, osem1)

    def start_iw(ci, p):
        pltpu.make_async_copy(idxh.at[w, ci], idx_v.at[p], isem[p]).start()
        pltpu.make_async_copy(wgth.at[w, ci], wgt_v.at[p], isem[p]).start()

    def wait_iw(p):
        pltpu.make_async_copy(idxh.at[w, 0], idx_v.at[p], isem[p]).wait()
        pltpu.make_async_copy(wgth.at[w, 0], wgt_v.at[p], isem[p]).wait()

    def fire(p):
        for j in range(SS):
            pltpu.make_async_copy(
                vtab.at[idx_v.at[p, j]], rows_v.at[p, j], gsem[p]).start()

    def drain(p):
        for j in range(SS):
            pltpu.make_async_copy(
                vtab.at[idx_v.at[p, j]], rows_v.at[p, j], gsem[p]).wait()

    def compute(p):
        def bag_body(bag, carry):
            jh = bag // 2
            rb = (bag % 2) * 64
            a0 = [jnp.zeros((16,), jnp.float32) for _ in range(4)]
            a1 = [jnp.zeros((16,), jnp.float32) for _ in range(4)]
            for s16 in range(4):
                wblk = wgt_v[p, jh, pl.ds(rb + s16 * 16, 16)]
                for jj in range(16):
                    r = rb + s16 * 16 + jj
                    k = jj & 3
                    wv = _splat(wblk, jj)
                    ri = plsc.bitcast(rows_v[p, jh, r, :], jnp.int32)
                    ra = plsc.bitcast(lax.shift_left(ri, 16), jnp.float32)
                    rc = plsc.bitcast(
                        jnp.bitwise_and(ri, jnp.int32(-65536)), jnp.float32)
                    a0[k] = a0[k] + wv * ra
                    a1[k] = a1[k] + wv * rc
            acc0 = (a0[0] + a0[1]) + (a0[2] + a0[3])
            acc1 = (a1[0] + a1[1]) + (a1[2] + a1[3])
            out_v[p, bag // 4, pl.ds((bag % 4) * C, 16)] = acc0
            out_v[p, bag // 4, pl.ds((bag % 4) * C + 16, 16)] = acc1
            return carry

        lax.fori_loop(0, CHB, bag_body, 0)

    def step(ci, p):
        @pl.when(ci + 1 < NCH)
        def _():
            wait_iw(1 - p)
            fire(1 - p)

        drain(p)

        @pl.when(ci >= 2)
        def _():
            pltpu.make_async_copy(
                out_v.at[p], outh.at[w, 0, pl.ds(0, 4)], osem[p]).wait()

        compute(p)
        pltpu.make_async_copy(
            out_v.at[p], outh.at[w, ci // 2, pl.ds((ci % 2) * 4, 4)],
            osem[p]).start()

        @pl.when(ci + 2 < NCH)
        def _():
            start_iw(ci + 2, p)

    start_iw(0, 0)
    wait_iw(0)
    fire(0)
    start_iw(1, 1)

    def outer(i2, carry):
        step(2 * i2, 0)
        step(2 * i2 + 1, 1)
        return carry

    lax.fori_loop(0, NCH // 2, outer, 0)

    pltpu.make_async_copy(out_v.at[0], outh.at[w, 0, pl.ds(0, 4)], osem[0]).wait()
    pltpu.make_async_copy(out_v.at[1], outh.at[w, 0, pl.ds(0, 4)], osem[1]).wait()


@functools.cache
def _sc():
    return pl.kernel(
        _sc_body,
        out_type=jax.ShapeDtypeStruct((NW, NCH // 2, 8, 128), jnp.float32),
        mesh=plsc.VectorSubcoreMesh(core_axis_name="c", subcore_axis_name="s",
                                    num_cores=2, num_subcores=16),
        scratch_types=[
            pltpu.VMEM((2, SS, 128), jnp.int32),
            pltpu.VMEM((2, SS, 128), jnp.float32),
            pltpu.VMEM((2, SS, 128, C), jnp.bfloat16),
            pltpu.VMEM((2, 4, 128), jnp.float32),
            pltpu.SemaphoreType.DMA,
            pltpu.SemaphoreType.DMA,
            pltpu.SemaphoreType.DMA,
            pltpu.SemaphoreType.DMA,
            pltpu.SemaphoreType.DMA,
            pltpu.SemaphoreType.DMA,
        ],
        compiler_params=pltpu.CompilerParams(use_tc_tiling_on_sc=False,
                                             needs_layout_passes=False),
    )


def kernel(query, reference_points, value, value_spatial_shapes,
           W_off, b_off, W_attn, b_attn, W_val, b_val, W_out, b_out):
    Wo = W_off.reshape(D, H, L, P, 2)
    Wx = jnp.broadcast_to(Wo[..., 0][..., None], (D, H, L, P, 4)).reshape(D, NCOL)
    Wy = jnp.broadcast_to(Wo[..., 1][..., None], (D, H, L, P, 4)).reshape(D, NCOL)
    bo = b_off.reshape(H, L, P, 2)
    bx = jnp.broadcast_to(bo[..., 0][..., None], (H, L, P, 4)).reshape(1, NCOL)
    by = jnp.broadcast_to(bo[..., 1][..., None], (H, L, P, 4)).reshape(1, NCOL)
    Wa = jnp.broadcast_to(W_attn.reshape(D, H, L * P)[..., None],
                          (D, H, L * P, 4)).reshape(D, NCOL)
    ba = jnp.broadcast_to(b_attn.reshape(H, L * P)[..., None],
                          (H, L * P, 4)).reshape(1, NCOL)
    rp8 = reference_points.reshape(B, Q, 2 * L)

    v = _vproj(value, W_val, b_val.reshape(1, D))
    idx, wgt = _prep(query, rp8, Wx, Wy, Wa, bx, by, ba,
                     jnp.asarray(SX), jnp.asarray(SY), jnp.asarray(GH8),
                     jnp.asarray(SH8), jnp.asarray(CF), jnp.asarray(CI))
    agg = _sc()(v.reshape(B * LEN_V * H, C), idx, wgt)
    return _outproj(agg, W_out[jnp.asarray(ROWPERM)], b_out.reshape(1, D))

# --- scband reference (transcript-rebuilt; emitter-appended) ---
"""Pipeline reference for scband-msdeformable-attention-77816217469504 (READ-ONLY COPY).

The authoritative reference and input builder live on the scoring server;
editing this copy changes nothing except your own understanding.
"""

import jax, jax.numpy as jnp
import numpy as np

EMBED_DIM = 256
NUM_HEADS = 8
NUM_LEVELS = 4
NUM_POINTS = 4
SPATIAL = np.array([[64, 64], [32, 32], [16, 16], [8, 8]], dtype=np.int64)
LEN_V = int(SPATIAL.prod(1).sum())
BS = 4
LEN_Q = 2048


def setup_inputs(seed: int = 0) -> dict:
    key = jax.random.key(seed)
    ks = jax.random.split(key, 16)
    d = EMBED_DIM
    tp = NUM_HEADS * NUM_LEVELS * NUM_POINTS
    return {
        'query': jax.random.normal(ks[0], (BS, LEN_Q, d), jnp.float32),
        'reference_points': jax.random.uniform(ks[1], (BS, LEN_Q, NUM_LEVELS, 2), dtype=jnp.float32),
        'value': jax.random.normal(ks[2], (BS, LEN_V, d), jnp.float32),
        'value_spatial_shapes': jnp.asarray(SPATIAL),
        'W_off': jax.random.normal(ks[3], (d, tp * 2), jnp.float32) * 0.01,
        'b_off': jax.random.normal(ks[4], (tp * 2,), jnp.float32) * 0.5,
        'W_attn': jax.random.normal(ks[5], (d, tp), jnp.float32) * 0.02,
        'b_attn': jnp.zeros((tp,), jnp.float32),
        'W_val': jax.random.normal(ks[6], (d, d), jnp.float32) * (1.0 / np.sqrt(d)),
        'b_val': jnp.zeros((d,), jnp.float32),
        'W_out': jax.random.normal(ks[7], (d, d), jnp.float32) * (1.0 / np.sqrt(d)),
        'b_out': jnp.zeros((d,), jnp.float32),
    }


def grid_sample_bilinear(img, grid):
    # img: [N, C, H, W]; grid: [N, Hg, Wg, 2] normalized to [-1, 1], align_corners=False, padding zeros
    N, C, H, W = img.shape
    x = (grid[..., 0] + 1.0) * W / 2.0 - 0.5
    y = (grid[..., 1] + 1.0) * H / 2.0 - 0.5
    x0 = jnp.floor(x)
    y0 = jnp.floor(y)
    x1 = x0 + 1.0
    y1 = y0 + 1.0
    wx1 = x - x0
    wx0 = 1.0 - wx1
    wy1 = y - y0
    wy0 = 1.0 - wy1
    flat = img.reshape(N, C, H * W)

    def gather(xi, yi):
        valid = (xi >= 0) & (xi <= W - 1) & (yi >= 0) & (yi <= H - 1)
        xi_c = jnp.clip(xi, 0, W - 1).astype(jnp.int32)
        yi_c = jnp.clip(yi, 0, H - 1).astype(jnp.int32)
        idx = (yi_c * W + xi_c).reshape(N, 1, -1)
        vals = jnp.take_along_axis(flat, jnp.broadcast_to(idx, (N, C, idx.shape[-1])), axis=2)
        vals = vals.reshape(N, C, grid.shape[1], grid.shape[2])
        return vals * valid.astype(img.dtype)[:, None]

    v00 = gather(x0, y0)
    v01 = gather(x1, y0)
    v10 = gather(x0, y1)
    v11 = gather(x1, y1)
    out = (v00 * (wx0 * wy0)[:, None] + v01 * (wx1 * wy0)[:, None]
           + v10 * (wx0 * wy1)[:, None] + v11 * (wx1 * wy1)[:, None])
    return out


def reference(query, reference_points, value, value_spatial_shapes, W_off, b_off, W_attn, b_attn, W_val, b_val, W_out, b_out):
    bs, Len_q, d = query.shape
    Len_v = value.shape[1]
    Hh = NUM_HEADS
    L = NUM_LEVELS
    P = NUM_POINTS
    c = d // Hh
    spatial = SPATIAL
    v = value @ W_val + b_val
    v = v.reshape(bs, Len_v, Hh, c)
    off = (query @ W_off + b_off).reshape(bs, Len_q, Hh, L, P, 2)
    aw = (query @ W_attn + b_attn).reshape(bs, Len_q, Hh, L * P)
    aw = jax.nn.softmax(aw, axis=-1).reshape(bs, Len_q, Hh, L, P)
    normalizer = value_spatial_shapes[:, ::-1].astype(jnp.float32).reshape(1, 1, 1, L, 1, 2)
    loc = reference_points.reshape(bs, Len_q, 1, L, 1, 2) + off / normalizer
    grids = 2.0 * loc - 1.0
    sampled = []
    start = 0
    for lvl in range(L):
        h, w = int(spatial[lvl, 0]), int(spatial[lvl, 1])
        vl = v[:, start:start + h * w]
        start += h * w
        vl = vl.transpose(0, 2, 3, 1).reshape(bs * Hh, c, h, w)
        gl = grids[:, :, :, lvl].transpose(0, 2, 1, 3, 4).reshape(bs * Hh, Len_q, P, 2)
        sampled.append(grid_sample_bilinear(vl, gl))
    samp = jnp.stack(sampled, axis=-2).reshape(bs * Hh, c, Len_q, L * P)
    awr = aw.transpose(0, 2, 1, 3, 4).reshape(bs * Hh, 1, Len_q, L * P)
    out = (samp * awr).sum(-1).reshape(bs, Hh * c, Len_q).transpose(0, 2, 1)
    return out @ W_out + b_out

if __name__ == "__main__":
    import jax
    _d = setup_inputs()
    print(jax.jit(kernel)(*tuple(_d.values())))

</pallas_src>

<mosaic_0001>
#map = affine_map<(d0, d1) -> (0, 0)>
#map1 = affine_map<(d0, d1) -> (0, 0, 0, 0)>
module attributes {stable_mosaic.version = 14 : i64} {
  func.func @_sc_body(%arg0: i32, %arg1: i32, %arg2: memref<174080x32xbf16, #tpu.memory_space<hbm>>, %arg3: memref<32x128x8x128xi32, #tpu.memory_space<hbm>>, %arg4: memref<32x128x8x128xf32, #tpu.memory_space<hbm>>, %arg5: memref<32x64x8x128xf32, #tpu.memory_space<hbm>>, %arg6: memref<2x8x128xi32, #tpu.memory_space<vmem>>, %arg7: memref<2x8x128xf32, #tpu.memory_space<vmem>>, %arg8: memref<2x8x128x32xbf16, #tpu.memory_space<vmem>>, %arg9: memref<2x4x128xf32, #tpu.memory_space<vmem>>, %arg10: memref<!tpu.dma_semaphore, #tpu.memory_space<semaphore_mem>>, %arg11: memref<!tpu.dma_semaphore, #tpu.memory_space<semaphore_mem>>, %arg12: memref<!tpu.dma_semaphore, #tpu.memory_space<semaphore_mem>>, %arg13: memref<!tpu.dma_semaphore, #tpu.memory_space<semaphore_mem>>, %arg14: memref<!tpu.dma_semaphore, #tpu.memory_space<semaphore_mem>>, %arg15: memref<!tpu.dma_semaphore, #tpu.memory_space<semaphore_mem>>) attributes {dimension_semantics = [#tpu.dimension_semantics<core_parallel>, #tpu.dimension_semantics<subcore_parallel>], iteration_bounds = array<i64: 2, 16>, scalar_prefetch = 0 : i64, scratch_operands = 10 : i64, tpu.core_type = #tpu.core_type<sc_vector_subcore>, window_params = [{transform_indices = #map}, {transform_indices = #map1}, {transform_indices = #map1}, {transform_indices = #map1}]} {
    %mul3A = arith.constant 16 : i32
    %mul3A_0 = arith.muli %arg0, %mul3A : i32
    %add3A = arith.addi %mul3A_0, %arg1 : i32
    %dma_start3A = arith.constant 0 : i32
    %dma_start3A_1 = arith.constant 0 : i32
    %dma_start3A_2 = arith.constant 0 : i32
    %dma_start3A_3 = arith.constant 0 : i32
    %dma_start3A_4 = tpu.memref_slice %arg6[%dma_start3A_1, %dma_start3A_2, %dma_start3A_3] : memref<2x8x128xi32, #tpu.memory_space<vmem>> -> memref<1x8x128xi32, #tpu.memory_space<vmem>>
    %dma_start3A_5 = tpu.memref_squeeze %dma_start3A_4 : memref<1x8x128xi32, #tpu.memory_space<vmem>> -> memref<8x128xi32, #tpu.memory_space<vmem>>
    %dma_start3A_6 = arith.constant 0 : i32
    %dma_start3A_7 = arith.constant 0 : i32
    %dma_start3A_8 = tpu.memref_slice %arg3[%add3A, %dma_start3A, %dma_start3A_6, %dma_start3A_7] : memref<32x128x8x128xi32, #tpu.memory_space<hbm>> -> memref<1x1x8x128xi32, #tpu.memory_space<hbm>>
    %dma_start3A_9 = tpu.memref_squeeze %dma_start3A_8 : memref<1x1x8x128xi32, #tpu.memory_space<hbm>> -> memref<8x128xi32, #tpu.memory_space<hbm>>
    %dma_start3A_10 = arith.constant 0 : i32
    %dma_start3A_11 = arith.constant 0 : i32
    %dma_start3A_12 = tpu.memref_slice %arg6[%dma_start3A_1, %dma_start3A_10, %dma_start3A_11] : memref<2x8x128xi32, #tpu.memory_space<vmem>> -> memref<1x8x128xi32, #tpu.memory_space<vmem>>
    %dma_start3A_13 = tpu.memref_squeeze %dma_start3A_12 : memref<1x8x128xi32, #tpu.memory_space<vmem>> -> memref<8x128xi32, #tpu.memory_space<vmem>>
    %dma_start3A_14 = arith.constant 0 : i32
    %dma_start3A_15 = arith.constant 0 : i32
    %dma_start3A_16 = tpu.memref_slice %arg3[%add3A, %dma_start3A, %dma_start3A_14, %dma_start3A_15] : memref<32x128x8x128xi32, #tpu.memory_space<hbm>> -> memref<1x1x8x128xi32, #tpu.memory_space<hbm>>
    %dma_start3A_17 = tpu.memref_squeeze %dma_start3A_16 : memref<1x1x8x128xi32, #tpu.memory_space<hbm>> -> memref<8x128xi32, #tpu.memory_space<hbm>>
    tpu.enqueue_dma source(%dma_start3A_17 : memref<8x128xi32, #tpu.memory_space<hbm>>) target(%dma_start3A_13 : memref<8x128xi32, #tpu.memory_space<vmem>>) target_semaphore(%arg10 : memref<!tpu.dma_semaphore, #tpu.memory_space<semaphore_mem>>)
    %dma_start3A_18 = arith.constant 0 : i32
    %dma_start3A_19 = arith.constant 0 : i32
    %dma_start3A_20 = arith.constant 0 : i32
    %dma_start3A_21 = arith.constant 0 : i32
    %dma_start3A_22 = tpu.memref_slice %arg7[%dma_start3A_19, %dma_start3A_20, %dma_start3A_21] : memref<2x8x128xf32, #tpu.memory_space<vmem>> -> memref<1x8x128xf32, #tpu.memory_space<vmem>>
    %dma_start3A_23 = tpu.memref_squeeze %dma_start3A_22 : memref<1x8x128xf32, #tpu.memory_space<vmem>> -> memref<8x128xf32, #tpu.memory_space<vmem>>
    %dma_start3A_24 = arith.constant 0 : i32
    %dma_start3A_25 = arith.constant 0 : i32
    %dma_start3A_26 = tpu.memref_slice %arg4[%add3A, %dma_start3A_18, %dma_start3A_24, %dma_start3A_25] : memref<32x128x8x128xf32, #tpu.memory_space<hbm>> -> memref<1x1x8x128xf32, #tpu.memory_space<hbm>>
    %dma_start3A_27 = tpu.memref_squeeze %dma_start3A_26 : memref<1x1x8x128xf32, #tpu.memory_space<hbm>> -> memref<8x128xf32, #tpu.memory_space<hbm>>
    %dma_start3A_28 = arith.constant 0 : i32
    %dma_start3A_29 = arith.constant 0 : i32
    %dma_start3A_30 = tpu.memref_slice %arg7[%dma_start3A_19, %dma_start3A_28, %dma_start3A_29] : memref<2x8x128xf32, #tpu.memory_space<vmem>> -> memref<1x8x128xf32, #tpu.memory_space<vmem>>
    %dma_start3A_31 = tpu.memref_squeeze %dma_start3A_30 : memref<1x8x128xf32, #tpu.memory_space<vmem>> -> memref<8x128xf32, #tpu.memory_space<vmem>>
    %dma_start3A_32 = arith.constant 0 : i32
    %dma_start3A_33 = arith.constant 0 : i32
    %dma_start3A_34 = tpu.memref_slice %arg4[%add3A, %dma_start3A_18, %dma_start3A_32, %dma_start3A_33] : memref<32x128x8x128xf32, #tpu.memory_space<hbm>> -> memref<1x1x8x128xf32, #tpu.memory_space<hbm>>
    %dma_start3A_35 = tpu.memref_squeeze %dma_start3A_34 : memref<1x1x8x128xf32, #tpu.memory_space<hbm>> -> memref<8x128xf32, #tpu.memory_space<hbm>>
    tpu.enqueue_dma source(%dma_start3A_35 : memref<8x128xf32, #tpu.memory_space<hbm>>) target(%dma_start3A_31 : memref<8x128xf32, #tpu.memory_space<vmem>>) target_semaphore(%arg10 : memref<!tpu.dma_semaphore, #tpu.memory_space<semaphore_mem>>)
    %dma_wait3A = arith.constant 0 : i32
    %dma_wait3A_36 = arith.constant 0 : i32
    %dma_wait3A_37 = arith.constant 0 : i32
    %dma_wait3A_38 = arith.constant 0 : i32
    %dma_wait3A_39 = tpu.memref_slice %arg6[%dma_wait3A_36, %dma_wait3A_37, %dma_wait3A_38] : memref<2x8x128xi32, #tpu.memory_space<vmem>> -> memref<1x8x128xi32, #tpu.memory_space<vmem>>
    %dma_wait3A_40 = tpu.memref_squeeze %dma_wait3A_39 : memref<1x8x128xi32, #tpu.memory_space<vmem>> -> memref<8x128xi32, #tpu.memory_space<vmem>>
    %dma_wait3A_41 = arith.constant 0 : i32
    %dma_wait3A_42 = arith.constant 0 : i32
    %dma_wait3A_43 = tpu.memref_slice %arg3[%add3A, %dma_wait3A, %dma_wait3A_41, %dma_wait3A_42] : memref<32x128x8x128xi32, #tpu.memory_space<hbm>> -> memref<1x1x8x128xi32, #tpu.memory_space<hbm>>
    %dma_wait3A_44 = tpu.memref_squeeze %dma_wait3A_43 : memref<1x1x8x128xi32, #tpu.memory_space<hbm>> -> memref<8x128xi32, #tpu.memory_space<hbm>>
    %dma_wait3A_45 = arith.constant 0 : i32
    %dma_wait3A_46 = arith.constant 0 : i32
    %dma_wait3A_47 = tpu.memref_slice %arg6[%dma_wait3A_36, %dma_wait3A_45, %dma_wait3A_46] : memref<2x8x128xi32, #tpu.memory_space<vmem>> -> memref<1x8x128xi32, #tpu.memory_space<vmem>>
    %dma_wait3A_48 = tpu.memref_squeeze %dma_wait3A_47 : memref<1x8x128xi32, #tpu.memory_space<vmem>> -> memref<8x128xi32, #tpu.memory_space<vmem>>
    %dma_wait3A_49 = arith.constant 0 : i32
    %dma_wait3A_50 = arith.constant 0 : i32
    %dma_wait3A_51 = tpu.memref_slice %arg3[%add3A, %dma_wait3A, %dma_wait3A_49, %dma_wait3A_50] : memref<32x128x8x128xi32, #tpu.memory_space<hbm>> -> memref<1x1x8x128xi32, #tpu.memory_space<hbm>>
    %dma_wait3A_52 = tpu.memref_squeeze %dma_wait3A_51 : memref<1x1x8x128xi32, #tpu.memory_space<hbm>> -> memref<8x128xi32, #tpu.memory_space<hbm>>
    tpu.wait_dma2 semaphore(%arg10 : memref<!tpu.dma_semaphore, #tpu.memory_space<semaphore_mem>>) src(%dma_wait3A_52 : memref<8x128xi32, #tpu.memory_space<hbm>>) dst(%dma_wait3A_48 : memref<8x128xi32, #tpu.memory_space<vmem>>)
    %dma_wait3A_53 = arith.constant 0 : i32
    %dma_wait3A_54 = arith.constant 0 : i32
    %dma_wait3A_55 = arith.constant 0 : i32
    %dma_wait3A_56 = arith.constant 0 : i32
    %dma_wait3A_57 = tpu.memref_slice %arg7[%dma_wait3A_54, %dma_wait3A_55, %dma_wait3A_56] : memref<2x8x128xf32, #tpu.memory_space<vmem>> -> memref<1x8x128xf32, #tpu.memory_space<vmem>>
    %dma_wait3A_58 = tpu.memref_squeeze %dma_wait3A_57 : memref<1x8x128xf32, #tpu.memory_space<vmem>> -> memref<8x128xf32, #tpu.memory_space<vmem>>
    %dma_wait3A_59 = arith.constant 0 : i32
    %dma_wait3A_60 = arith.constant 0 : i32
    %dma_wait3A_61 = tpu.memref_slice %arg4[%add3A, %dma_wait3A_53, %dma_wait3A_59, %dma_wait3A_60] : memref<32x128x8x128xf32, #tpu.memory_space<hbm>> -> memref<1x1x8x128xf32, #tpu.memory_space<hbm>>
    %dma_wait3A_62 = tpu.memref_squeeze %dma_wait3A_61 : memref<1x1x8x128xf32, #tpu.memory_space<hbm>> -> memref<8x128xf32, #tpu.memory_space<hbm>>
    %dma_wait3A_63 = arith.constant 0 : i32
    %dma_wait3A_64 = arith.constant 0 : i32
    %dma_wait3A_65 = tpu.memref_slice %arg7[%dma_wait3A_54, %dma_wait3A_63, %dma_wait3A_64] : memref<2x8x128xf32, #tpu.memory_space<vmem>> -> memref<1x8x128xf32, #tpu.memory_space<vmem>>
    %dma_wait3A_66 = tpu.memref_squeeze %dma_wait3A_65 : memref<1x8x128xf32, #tpu.memory_space<vmem>> -> memref<8x128xf32, #tpu.memory_space<vmem>>
    %dma_wait3A_67 = arith.constant 0 : i32
    %dma_wait3A_68 = arith.constant 0 : i32
    %dma_wait3A_69 = tpu.memref_slice %arg4[%add3A, %dma_wait3A_53, %dma_wait3A_67, %dma_wait3A_68] : memref<32x128x8x128xf32, #tpu.memory_space<hbm>> -> memref<1x1x8x128xf32, #tpu.memory_space<hbm>>
    %dma_wait3A_70 = tpu.memref_squeeze %dma_wait3A_69 : memref<1x1x8x128xf32, #tpu.memory_space<hbm>> -> memref<8x128xf32, #tpu.memory_space<hbm>>
    tpu.wait_dma2 semaphore(%arg10 : memref<!tpu.dma_semaphore, #tpu.memory_space<semaphore_mem>>) src(%dma_wait3A_70 : memref<8x128xf32, #tpu.memory_space<hbm>>) dst(%dma_wait3A_66 : memref<8x128xf32, #tpu.memory_space<vmem>>)
    %dma_start3A_71 = arith.constant 0 : i32
    %dma_start3A_72 = arith.constant 0 : i32
    %dma_start3A_73 = arith.constant 0 : i32
    %dma_start3A_74 = arith.constant 0 : i32
    %dma_start3A_75 = arith.constant 0 : i32
    %dma_start3A_76 = arith.constant 0 : i32
    %dma_start3A_77 = tpu.memref_slice %arg8[%dma_start3A_73, %dma_start3A_74, %dma_start3A_75, %dma_start3A_76] : memref<2x8x128x32xbf16, #tpu.memory_space<vmem>> -> memref<1x1x128x32xbf16, #tpu.memory_space<vmem>>
    %dma_start3A_78 = tpu.memref_squeeze %dma_start3A_77 : memref<1x1x128x32xbf16, #tpu.memory_space<vmem>> -> memref<128x32xbf16, #tpu.memory_space<vmem>>
    %dma_start3A_79 = arith.constant 0 : i32
    %dma_start3A_80 = tpu.memref_slice %arg6[%dma_start3A_71, %dma_start3A_72, %dma_start3A_79] : memref<2x8x128xi32, #tpu.memory_space<vmem>> -> memref<1x1x128xi32, #tpu.memory_space<vmem>>
    %dma_start3A_81 = tpu.memref_squeeze %dma_start3A_80 : memref<1x1x128xi32, #tpu.memory_space<vmem>> -> memref<128xi32, #tpu.memory_space<vmem>>
    %dma_start3A_82 = arith.constant 0 : i32
    %dma_start3A_83 = arith.constant 0 : i32
    %dma_start3A_84 = tpu.memref_slice %arg2[%dma_start3A_82, %dma_start3A_83] : memref<174080x32xbf16, #tpu.memory_space<hbm>> -> memref<174080x32xbf16, #tpu.memory_space<hbm>>
    tpu.enqueue_indirect_dma source(%dma_start3A_84 : memref<174080x32xbf16, #tpu.memory_space<hbm>>) target(%dma_start3A_78 : memref<128x32xbf16, #tpu.memory_space<vmem>>) offsets(%dma_start3A_81 : memref<128xi32, #tpu.memory_space<vmem>>) semaphore(%arg12 : memref<!tpu.dma_semaphore, #tpu.memory_space<semaphore_mem>>)
    %dma_start3A_85 = arith.constant 0 : i32
    %dma_start3A_86 = arith.constant 1 : i32
    %dma_start3A_87 = arith.constant 0 : i32
    %dma_start3A_88 = arith.constant 1 : i32
    %dma_start3A_89 = arith.constant 0 : i32
    %dma_start3A_90 = arith.constant 0 : i32
    %dma_start3A_91 = tpu.memref_slice %arg8[%dma_start3A_87, %dma_start3A_88, %dma_start3A_89, %dma_start3A_90] : memref<2x8x128x32xbf16, #tpu.memory_space<vmem>> -> memref<1x1x128x32xbf16, #tpu.memory_space<vmem>>
    %dma_start3A_92 = tpu.memref_squeeze %dma_start3A_91 : memref<1x1x128x32xbf16, #tpu.memory_space<vmem>> -> memref<128x32xbf16, #tpu.memory_space<vmem>>
    %dma_start3A_93 = arith.constant 0 : i32
    %dma_start3A_94 = tpu.memref_slice %arg6[%dma_start3A_85, %dma_start3A_86, %dma_start3A_93] : memref<2x8x128xi32, #tpu.memory_space<vmem>> -> memref<1x1x128xi32, #tpu.memory_space<vmem>>
    %dma_start3A_95 = tpu.memref_squeeze %dma_start3A_94 : memref<1x1x128xi32, #tpu.memory_space<vmem>> -> memref<128xi32, #tpu.memory_space<vmem>>
    %dma_start3A_96 = arith.constant 0 : i32
    %dma_start3A_97 = arith.constant 0 : i32
    %dma_start3A_98 = tpu.memref_slice %arg2[%dma_start3A_96, %dma_start3A_97] : memref<174080x32xbf16, #tpu.memory_space<hbm>> -> memref<174080x32xbf16, #tpu.memory_space<hbm>>
    tpu.enqueue_indirect_dma source(%dma_start3A_98 : memref<174080x32xbf16, #tpu.memory_space<hbm>>) target(%dma_start3A_92 : memref<128x32xbf16, #tpu.memory_space<vmem>>) offsets(%dma_start3A_95 : memref<128xi32, #tpu.memory_space<vmem>>) semaphore(%arg12 : memref<!tpu.dma_semaphore, #tpu.memory_space<semaphore_mem>>)
    %dma_start3A_99 = arith.constant 0 : i32
    %dma_start3A_100 = arith.constant 2 : i32
    %dma_start3A_101 = arith.constant 0 : i32
    %dma_start3A_102 = arith.constant 2 : i32
    %dma_start3A_103 = arith.constant 0 : i32
    %dma_start3A_104 = arith.constant 0 : i32
    %dma_start3A_105 = tpu.memref_slice %arg8[%dma_start3A_101, %dma_start3A_102, %dma_start3A_103, %dma_start3A_104] : memref<2x8x128x32xbf16, #tpu.memory_space<vmem>> -> memref<1x1x128x32xbf16, #tpu.memory_space<vmem>>
    %dma_start3A_106 = tpu.memref_squeeze %dma_start3A_105 : memref<1x1x128x32xbf16, #tpu.memory_space<vmem>> -> memref<128x32xbf16, #tpu.memory_space<vmem>>
    %dma_start3A_107 = arith.constant 0 : i32
    %dma_start3A_108 = tpu.memref_slice %arg6[%dma_start3A_99, %dma_start3A_100, %dma_start3A_107] : memref<2x8x128xi32, #tpu.memory_space<vmem>> -> memref<1x1x128xi32, #tpu.memory_space<vmem>>
    %dma_start3A_109 = tpu.memref_squeeze %dma_start3A_108 : memref<1x1x128xi32, #tpu.memory_space<vmem>> -> memref<128xi32, #tpu.memory_space<vmem>>
    %dma_start3A_110 = arith.constant 0 : i32
    %dma_start3A_111 = arith.constant 0 : i32
    %dma_start3A_112 = tpu.memref_slice %arg2[%dma_start3A_110, %dma_start3A_111] : memref<174080x32xbf16, #tpu.memory_space<hbm>> -> memref<174080x32xbf16, #tpu.memory_space<hbm>>
    tpu.enqueue_indirect_dma source(%dma_start3A_112 : memref<174080x32xbf16, #tpu.memory_space<hbm>>) target(%dma_start3A_106 : memref<128x32xbf16, #tpu.memory_space<vmem>>) offsets(%dma_start3A_109 : memref<128xi32, #tpu.memory_space<vmem>>) semaphore(%arg12 : memref<!tpu.dma_semaphore, #tpu.memory_space<semaphore_mem>>)
    %dma_start3A_113 = arith.constant 0 : i32
    %dma_start3A_114 = arith.constant 3 : i32
    %dma_start3A_115 = arith.constant 0 : i32
    %dma_start3A_116 = arith.constant 3 : i32
    %dma_start3A_117 = arith.constant 0 : i32
    %dma_start3A_118 = arith.constant 0 : i32
    %dma_start3A_119 = tpu.memref_slice %arg8[%dma_start3A_115, %dma_start3A_116, %dma_start3A_117, %dma_start3A_118] : memref<2x8x128x32xbf16, #tpu.memory_space<vmem>> -> memref<1x1x128x32xbf16, #tpu.memory_space<vmem>>
    %dma_start3A_120 = tpu.memref_squeeze %dma_start3A_119 : memref<1x1x128x32xbf16, #tpu.memory_space<vmem>> -> memref<128x32xbf16, #tpu.memory_space<vmem>>
    %dma_start3A_121 = arith.constant 0 : i32
    %dma_start3A_122 = tpu.memref_slice %arg6[%dma_start3A_113, %dma_start3A_114, %dma_start3A_121] : memref<2x8x128xi32, #tpu.memory_space<vmem>> -> memref<1x1x128xi32, #tpu.memory_space<vmem>>
    %dma_start3A_123 = tpu.memref_squeeze %dma_start3A_122 : memref<1x1x128xi32, #tpu.memory_space<vmem>> -> memref<128xi32, #tpu.memory_space<vmem>>
    %dma_start3A_124 = arith.constant 0 : i32
    %dma_start3A_125 = arith.constant 0 : i32
    %dma_start3A_126 = tpu.memref_slice %arg2[%dma_start3A_124, %dma_start3A_125] : memref<174080x32xbf16, #tpu.memory_space<hbm>> -> memref<174080x32xbf16, #tpu.memory_space<hbm>>
    tpu.enqueue_indirect_dma source(%dma_start3A_126 : memref<174080x32xbf16, #tpu.memory_space<hbm>>) target(%dma_start3A_120 : memref<128x32xbf16, #tpu.memory_space<vmem>>) offsets(%dma_start3A_123 : memref<128xi32, #tpu.memory_space<vmem>>) semaphore(%arg12 : memref<!tpu.dma_semaphore, #tpu.memory_space<semaphore_mem>>)
    %dma_start3A_127 = arith.constant 0 : i32
    %dma_start3A_128 = arith.constant 4 : i32
    %dma_start3A_129 = arith.constant 0 : i32
    %dma_start3A_130 = arith.constant 4 : i32
    %dma_start3A_131 = arith.constant 0 : i32
    %dma_start3A_132 = arith.constant 0 : i32
    %dma_start3A_133 = tpu.memref_slice %arg8[%dma_start3A_129, %dma_start3A_130, %dma_start3A_131, %dma_start3A_132] : memref<2x8x128x32xbf16, #tpu.memory_space<vmem>> -> memref<1x1x128x32xbf16, #tpu.memory_space<vmem>>
    %dma_start3A_134 = tpu.memref_squeeze %dma_start3A_133 : memref<1x1x128x32xbf16, #tpu.memory_space<vmem>> -> memref<128x32xbf16, #tpu.memory_space<vmem>>
    %dma_start3A_135 = arith.constant 0 : i32
    %dma_start3A_136 = tpu.memref_slice %arg6[%dma_start3A_127, %dma_start3A_128, %dma_start3A_135] : memref<2x8x128xi32, #tpu.memory_space<vmem>> -> memref<1x1x128xi32, #tpu.memory_space<vmem>>
    %dma_start3A_137 = tpu.memref_squeeze %dma_start3A_136 : memref<1x1x128xi32, #tpu.memory_space<vmem>> -> memref<128xi32, #tpu.memory_space<vmem>>
    %dma_start3A_138 = arith.constant 0 : i32
    %dma_start3A_139 = arith.constant 0 : i32
    %dma_start3A_140 = tpu.memref_slice %arg2[%dma_start3A_138, %dma_start3A_139] : memref<174080x32xbf16, #tpu.memory_space<hbm>> -> memref<174080x32xbf16, #tpu.memory_space<hbm>>
    tpu.enqueue_indirect_dma source(%dma_start3A_140 : memref<174080x32xbf16, #tpu.memory_space<hbm>>) target(%dma_start3A_134 : memref<128x32xbf16, #tpu.memory_space<vmem>>) offsets(%dma_start3A_137 : memref<128xi32, #tpu.memory_space<vmem>>) semaphore(%arg12 : memref<!tpu.dma_semaphore, #tpu.memory_space<semaphore_mem>>)
    %dma_start3A_141 = arith.constant 0 : i32
    %dma_start3A_142 = arith.constant 5 : i32
    %dma_start3A_143 = arith.constant 0 : i32
    %dma_start3A_144 = arith.constant 5 : i32
    %dma_start3A_145 = arith.constant 0 : i32
    %dma_start3A_146 = arith.constant 0 : i32
    %dma_start3A_147 = tpu.memref_slice %arg8[%dma_start3A_143, %dma_start3A_144, %dma_start3A_145, %dma_start3A_146] : memref<2x8x128x32xbf16, #tpu.memory_space<vmem>> -> memref<1x1x128x32xbf16, #tpu.memory_space<vmem>>
    %dma_start3A_148 = tpu.memref_squeeze %dma_start3A_147 : memref<1x1x128x32xbf16, #tpu.memory_space<vmem>> -> memref<128x32xbf16, #tpu.memory_space<vmem>>
    %dma_start3A_149 = arith.constant 0 : i32
    %dma_start3A_150 = tpu.memref_slice %arg6[%dma_start3A_141, %dma_start3A_142, %dma_start3A_149] : memref<2x8x128xi32, #tpu.memory_space<vmem>> -> memref<1x1x128xi32, #tpu.memory_space<vmem>>
    %dma_start3A_151 = tpu.memref_squeeze %dma_start3A_150 : memref<1x1x128xi32, #tpu.memory_space<vmem>> -> memref<128xi32, #tpu.memory_space<vmem>>
    %dma_start3A_152 = arith.constant 0 : i32
    %dma_start3A_153 = arith.constant 0 : i32
    %dma_start3A_154 = tpu.memref_slice %arg2[%dma_start3A_152, %dma_start3A_153] : memref<174080x32xbf16, #tpu.memory_space<hbm>> -> memref<174080x32xbf16, #tpu.memory_space<hbm>>
    tpu.enqueue_indirect_dma source(%dma_start3A_154 : memref<174080x32xbf16, #tpu.memory_space<hbm>>) target(%dma_start3A_148 : memref<128x32xbf16, #tpu.memory_space<vmem>>) offsets(%dma_start3A_151 : memref<128xi32, #tpu.memory_space<vmem>>) semaphore(%arg12 : memref<!tpu.dma_semaphore, #tpu.memory_space<semaphore_mem>>)
    %dma_start3A_155 = arith.constant 0 : i32
    %dma_start3A_156 = arith.constant 6 : i32
    %dma_start3A_157 = arith.constant 0 : i32
    %dma_start3A_158 = arith.constant 6 : i32
    %dma_start3A_159 = arith.constant 0 : i32
    %dma_start3A_160 = arith.constant 0 : i32
    %dma_start3A_161 = tpu.memref_slice %arg8[%dma_start3A_157, %dma_start3A_158, %dma_start3A_159, %dma_start3A_160] : memref<2x8x128x32xbf16, #tpu.memory_space<vmem>> -> memref<1x1x128x32xbf16, #tpu.memory_space<vmem>>
    %dma_start3A_162 = tpu.memref_squeeze %dma_start3A_161 : memref<1x1x128x32xbf16, #tpu.memory_space<vmem>> -> memref<128x32xbf16, #tpu.memory_space<vmem>>
    %dma_start3A_163 = arith.constant 0 : i32
    %dma_start3A_164 = tpu.memref_slice %arg6[%dma_start3A_155, %dma_start3A_156, %dma_start3A_163] : memref<2x8x128xi32, #tpu.memory_space<vmem>> -> memref<1x1x128xi32, #tpu.memory_space<vmem>>
    %dma_start3A_165 = tpu.memref_squeeze %dma_start3A_164 : memref<1x1x128xi32, #tpu.memory_space<vmem>> -> memref<128xi32, #tpu.memory_space<vmem>>
    %dma_start3A_166 = arith.constant 0 : i32
    %dma_start3A_167 = arith.constant 0 : i32
    %dma_start3A_168 = tpu.memref_slice %arg2[%dma_start3A_166, %dma_start3A_167] : memref<174080x32xbf16, #tpu.memory_space<hbm>> -> memref<174080x32xbf16, #tpu.memory_space<hbm>>
    tpu.enqueue_indirect_dma source(%dma_start3A_168 : memref<174080x32xbf16, #tpu.memory_space<hbm>>) target(%dma_start3A_162 : memref<128x32xbf16, #tpu.memory_space<vmem>>) offsets(%dma_start3A_165 : memref<128xi32, #tpu.memory_space<vmem>>) semaphore(%arg12 : memref<!tpu.dma_semaphore, #tpu.memory_space<semaphore_mem>>)
    %dma_start3A_169 = arith.constant 0 : i32
    %dma_start3A_170 = arith.constant 7 : i32
    %dma_start3A_171 = arith.constant 0 : i32
    %dma_start3A_172 = arith.constant 7 : i32
    %dma_start3A_173 = arith.constant 0 : i32
    %dma_start3A_174 = arith.constant 0 : i32
    %dma_start3A_175 = tpu.memref_slice %arg8[%dma_start3A_171, %dma_start3A_172, %dma_start3A_173, %dma_start3A_174] : memref<2x8x128x32xbf16, #tpu.memory_space<vmem>> -> memref<1x1x128x32xbf16, #tpu.memory_space<vmem>>
    %dma_start3A_176 = tpu.memref_squeeze %dma_start3A_175 : memref<1x1x128x32xbf16, #tpu.memory_space<vmem>> -> memref<128x32xbf16, #tpu.memory_space<vmem>>
    %dma_start3A_177 = arith.constant 0 : i32
    %dma_start3A_178 = tpu.memref_slice %arg6[%dma_start3A_169, %dma_start3A_170, %dma_start3A_177] : memref<2x8x128xi32, #tpu.memory_space<vmem>> -> memref<1x1x128xi32, #tpu.memory_space<vmem>>
    %dma_start3A_179 = tpu.memref_squeeze %dma_start3A_178 : memref<1x1x128xi32, #tpu.memory_space<vmem>> -> memref<128xi32, #tpu.memory_space<vmem>>
    %dma_start3A_180 = arith.constant 0 : i32
    %dma_start3A_181 = arith.constant 0 : i32
    %dma_start3A_182 = tpu.memref_slice %arg2[%dma_start3A_180, %dma_start3A_181] : memref<174080x32xbf16, #tpu.memory_space<hbm>> -> memref<174080x32xbf16, #tpu.memory_space<hbm>>
    tpu.enqueue_indirect_dma source(%dma_start3A_182 : memref<174080x32xbf16, #tpu.memory_space<hbm>>) target(%dma_start3A_176 : memref<128x32xbf16, #tpu.memory_space<vmem>>) offsets(%dma_start3A_179 : memref<128xi32, #tpu.memory_space<vmem>>) semaphore(%arg12 : memref<!tpu.dma_semaphore, #tpu.memory_space<semaphore_mem>>)
    %dma_start3A_183 = arith.constant 1 : i32
    %dma_start3A_184 = arith.constant 1 : i32
    %dma_start3A_185 = arith.constant 0 : i32
    %dma_start3A_186 = arith.constant 0 : i32
    %dma_start3A_187 = tpu.memref_slice %arg6[%dma_start3A_184, %dma_start3A_185, %dma_start3A_186] : memref<2x8x128xi32, #tpu.memory_space<vmem>> -> memref<1x8x128xi32, #tpu.memory_space<vmem>>
    %dma_start3A_188 = tpu.memref_squeeze %dma_start3A_187 : memref<1x8x128xi32, #tpu.memory_space<vmem>> -> memref<8x128xi32, #tpu.memory_space<vmem>>
    %dma_start3A_189 = arith.constant 0 : i32
    %dma_start3A_190 = arith.constant 0 : i32
    %dma_start3A_191 = tpu.memref_slice %arg3[%add3A, %dma_start3A_183, %dma_start3A_189, %dma_start3A_190] : memref<32x128x8x128xi32, #tpu.memory_space<hbm>> -> memref<1x1x8x128xi32, #tpu.memory_space<hbm>>
    %dma_start3A_192 = tpu.memref_squeeze %dma_start3A_191 : memref<1x1x8x128xi32, #tpu.memory_space<hbm>> -> memref<8x128xi32, #tpu.memory_space<hbm>>
    %dma_start3A_193 = arith.constant 0 : i32
    %dma_start3A_194 = arith.constant 0 : i32
    %dma_start3A_195 = tpu.memref_slice %arg6[%dma_start3A_184, %dma_start3A_193, %dma_start3A_194] : memref<2x8x128xi32, #tpu.memory_space<vmem>> -> memref<1x8x128xi32, #tpu.memory_space<vmem>>
    %dma_start3A_196 = tpu.memref_squeeze %dma_start3A_195 : memref<1x8x128xi32, #tpu.memory_space<vmem>> -> memref<8x128xi32, #tpu.memory_space<vmem>>
    %dma_start3A_197 = arith.constant 0 : i32
    %dma_start3A_198 = arith.constant 0 : i32
    %dma_start3A_199 = tpu.memref_slice %arg3[%add3A, %dma_start3A_183, %dma_start3A_197, %dma_start3A_198] : memref<32x128x8x128xi32, #tpu.memory_space<hbm>> -> memref<1x1x8x128xi32, #tpu.memory_space<hbm>>
    %dma_start3A_200 = tpu.memref_squeeze %dma_start3A_199 : memref<1x1x8x128xi32, #tpu.memory_space<hbm>> -> memref<8x128xi32, #tpu.memory_space<hbm>>
    tpu.enqueue_dma source(%dma_start3A_200 : memref<8x128xi32, #tpu.memory_space<hbm>>) target(%dma_start3A_196 : memref<8x128xi32, #tpu.memory_space<vmem>>) target_semaphore(%arg11 : memref<!tpu.dma_semaphore, #tpu.memory_space<semaphore_mem>>)
    %dma_start3A_201 = arith.constant 1 : i32
    %dma_start3A_202 = arith.constant 1 : i32
    %dma_start3A_203 = arith.constant 0 : i32
    %dma_start3A_204 = arith.constant 0 : i32
    %dma_start3A_205 = tpu.memref_slice %arg7[%dma_start3A_202, %dma_start3A_203, %dma_start3A_204] : memref<2x8x128xf32, #tpu.memory_space<vmem>> -> memref<1x8x128xf32, #tpu.memory_space<vmem>>
    %dma_start3A_206 = tpu.memref_squeeze %dma_start3A_205 : memref<1x8x128xf32, #tpu.memory_space<vmem>> -> memref<8x128xf32, #tpu.memory_space<vmem>>
    %dma_start3A_207 = arith.constant 0 : i32
    %dma_start3A_208 = arith.constant 0 : i32
    %dma_start3A_209 = tpu.memref_slice %arg4[%add3A, %dma_start3A_201, %dma_start3A_207, %dma_start3A_208] : memref<32x128x8x128xf32, #tpu.memory_space<hbm>> -> memref<1x1x8x128xf32, #tpu.memory_space<hbm>>
    %dma_start3A_210 = tpu.memref_squeeze %dma_start3A_209 : memref<1x1x8x128xf32, #tpu.memory_space<hbm>> -> memref<8x128xf32, #tpu.memory_space<hbm>>
    %dma_start3A_211 = arith.constant 0 : i32
    %dma_start3A_212 = arith.constant 0 : i32
    %dma_start3A_213 = tpu.memref_slice %arg7[%dma_start3A_202, %dma_start3A_211, %dma_start3A_212] : memref<2x8x128xf32, #tpu.memory_space<vmem>> -> memref<1x8x128xf32, #tpu.memory_space<vmem>>
    %dma_start3A_214 = tpu.memref_squeeze %dma_start3A_213 : memref<1x8x128xf32, #tpu.memory_space<vmem>> -> memref<8x128xf32, #tpu.memory_space<vmem>>
    %dma_start3A_215 = arith.constant 0 : i32
    %dma_start3A_216 = arith.constant 0 : i32
    %dma_start3A_217 = tpu.memref_slice %arg4[%add3A, %dma_start3A_201, %dma_start3A_215, %dma_start3A_216] : memref<32x128x8x128xf32, #tpu.memory_space<hbm>> -> memref<1x1x8x128xf32, #tpu.memory_space<hbm>>
    %dma_start3A_218 = tpu.memref_squeeze %dma_start3A_217 : memref<1x1x8x128xf32, #tpu.memory_space<hbm>> -> memref<8x128xf32, #tpu.memory_space<hbm>>
    tpu.enqueue_dma source(%dma_start3A_218 : memref<8x128xf32, #tpu.memory_space<hbm>>) target(%dma_start3A_214 : memref<8x128xf32, #tpu.memory_space<vmem>>) target_semaphore(%arg11 : memref<!tpu.dma_semaphore, #tpu.memory_space<semaphore_mem>>)
    %scan3A = arith.constant 0 : i32
    %scan3A_219 = arith.constant 0 : i32
    %scan3A_220 = arith.constant 64 : i32
    %scan3A_221 = arith.addi %scan3A_219, %scan3A_220 : i32
    %scan3A_222 = arith.constant 1 : i32
    scf.for %scan3A_260 = %scan3A_219 to %scan3A_221 step %scan3A_222  : i32 {
      %mul3A_261 = arith.constant 2 : i32
      %mul3A_262 = arith.muli %mul3A_261, %scan3A_260 : i32
      %add3A_263 = arith.constant 1 : i32
      %add3A_264 = arith.addi %mul3A_262, %add3A_263 : i32
      %lt3A = arith.constant 128 : i32
      %lt3A_265 = arith.cmpi slt, %add3A_264, %lt3A : i32
      %convert_element_type3A = arith.extui %lt3A_265 : i1 to i32
      %cond3A = arith.constant 0 : i32
      %cond3A_266 = arith.cmpi ne, %convert_element_type3A, %cond3A : i32
      scf.if %cond3A_266 {
        %dma_wait3A_642 = arith.constant 0 : i32
        %dma_wait3A_643 = arith.constant 1 : i32
        %dma_wait3A_644 = arith.constant 0 : i32
        %dma_wait3A_645 = arith.constant 0 : i32
        %dma_wait3A_646 = tpu.memref_slice %arg6[%dma_wait3A_643, %dma_wait3A_644, %dma_wait3A_645] : memref<2x8x128xi32, #tpu.memory_space<vmem>> -> memref<1x8x128xi32, #tpu.memory_space<vmem>>
        %dma_wait3A_647 = tpu.memref_squeeze %dma_wait3A_646 : memref<1x8x128xi32, #tpu.memory_space<vmem>> -> memref<8x128xi32, #tpu.memory_space<vmem>>
        %dma_wait3A_648 = arith.constant 0 : i32
        %dma_wait3A_649 = arith.constant 0 : i32
        %dma_wait3A_650 = tpu.memref_slice %arg3[%add3A, %dma_wait3A_642, %dma_wait3A_648, %dma_wait3A_649] : memref<32x128x8x128xi32, #tpu.memory_space<hbm>> -> memref<1x1x8x128xi32, #tpu.memory_space<hbm>>
        %dma_wait3A_651 = tpu.memref_squeeze %dma_wait3A_650 : memref<1x1x8x128xi32, #tpu.memory_space<hbm>> -> memref<8x128xi32, #tpu.memory_space<hbm>>
        %dma_wait3A_652 = arith.constant 0 : i32
        %dma_wait3A_653 = arith.constant 0 : i32
        %dma_wait3A_654 = tpu.memref_slice %arg6[%dma_wait3A_643, %dma_wait3A_652, %dma_wait3A_653] : memref<2x8x128xi32, #tpu.memory_space<vmem>> -> memref<1x8x128xi32, #tpu.memory_space<vmem>>
        %dma_wait3A_655 = tpu.memref_squeeze %dma_wait3A_654 : memref<1x8x128xi32, #tpu.memory_space<vmem>> -> memref<8x128xi32, #tpu.memory_space<vmem>>
        %dma_wait3A_656 = arith.constant 0 : i32
        %dma_wait3A_657 = arith.constant 0 : i32
        %dma_wait3A_658 = tpu.memref_slice %arg3[%add3A, %dma_wait3A_642, %dma_wait3A_656, %dma_wait3A_657] : memref<32x128x8x128xi32, #tpu.memory_space<hbm>> -> memref<1x1x8x128xi32, #tpu.memory_space<hbm>>
        %dma_wait3A_659 = tpu.memref_squeeze %dma_wait3A_658 : memref<1x1x8x128xi32, #tpu.memory_space<hbm>> -> memref<8x128xi32, #tpu.memory_space<hbm>>
        tpu.wait_dma2 semaphore(%arg11 : memref<!tpu.dma_semaphore, #tpu.memory_space<semaphore_mem>>) src(%dma_wait3A_659 : memref<8x128xi32, #tpu.memory_space<hbm>>) dst(%dma_wait3A_655 : memref<8x128xi32, #tpu.memory_space<vmem>>)
        %dma_wait3A_660 = arith.constant 0 : i32
        %dma_wait3A_661 = arith.constant 1 : i32
        %dma_wait3A_662 = arith.constant 0 : i32
        %dma_wait3A_663 = arith.constant 0 : i32
        %dma_wait3A_664 = tpu.memref_slice %arg7[%dma_wait3A_661, %dma_wait3A_662, %dma_wait3A_663] : memref<2x8x128xf32, #tpu.memory_space<vmem>> -> memref<1x8x128xf32, #tpu.memory_space<vmem>>
        %dma_wait3A_665 = tpu.memref_squeeze %dma_wait3A_664 : memref<1x8x128xf32, #tpu.memory_space<vmem>> -> memref<8x128xf32, #tpu.memory_space<vmem>>
        %dma_wait3A_666 = arith.constant 0 : i32
        %dma_wait3A_667 = arith.constant 0 : i32
        %dma_wait3A_668 = tpu.memref_slice %arg4[%add3A, %dma_wait3A_660, %dma_wait3A_666, %dma_wait3A_667] : memref<32x128x8x128xf32, #tpu.memory_space<hbm>> -> memref<1x1x8x128xf32, #tpu.memory_space<hbm>>
        %dma_wait3A_669 = tpu.memref_squeeze %dma_wait3A_668 : memref<1x1x8x128xf32, #tpu.memory_space<hbm>> -> memref<8x128xf32, #tpu.memory_space<hbm>>
        %dma_wait3A_670 = arith.constant 0 : i32
        %dma_wait3A_671 = arith.constant 0 : i32
        %dma_wait3A_672 = tpu.memref_slice %arg7[%dma_wait3A_661, %dma_wait3A_670, %dma_wait3A_671] : memref<2x8x128xf32, #tpu.memory_space<vmem>> -> memref<1x8x128xf32, #tpu.memory_space<vmem>>
        %dma_wait3A_673 = tpu.memref_squeeze %dma_wait3A_672 : memref<1x8x128xf32, #tpu.memory_space<vmem>> -> memref<8x128xf32, #tpu.memory_space<vmem>>
        %dma_wait3A_674 = arith.constant 0 : i32
        %dma_wait3A_675 = arith.constant 0 : i32
        %dma_wait3A_676 = tpu.memref_slice %arg4[%add3A, %dma_wait3A_660, %dma_wait3A_674, %dma_wait3A_675] : memref<32x128x8x128xf32, #tpu.memory_space<hbm>> -> memref<1x1x8x128xf32, #tpu.memory_space<hbm>>
        %dma_wait3A_677 = tpu.memref_squeeze %dma_wait3A_676 : memref<1x1x8x128xf32, #tpu.memory_space<hbm>> -> memref<8x128xf32, #tpu.memory_space<hbm>>
        tpu.wait_dma2 semaphore(%arg11 : memref<!tpu.dma_semaphore, #tpu.memory_space<semaphore_mem>>) src(%dma_wait3A_677 : memref<8x128xf32, #tpu.memory_space<hbm>>) dst(%dma_wait3A_673 : memref<8x128xf32, #tpu.memory_space<vmem>>)
        %dma_start3A_678 = arith.constant 1 : i32
        %dma_start3A_679 = arith.constant 0 : i32
        %dma_start3A_680 = arith.constant 1 : i32
        %dma_start3A_681 = arith.constant 0 : i32
        %dma_start3A_682 = arith.constant 0 : i32
        %dma_start3A_683 = arith.constant 0 : i32
        %dma_start3A_684 = tpu.memref_slice %arg8[%dma_start3A_680, %dma_start3A_681, %dma_start3A_682, %dma_start3A_683] : memref<2x8x128x32xbf16, #tpu.memory_space<vmem>> -> memref<1x1x128x32xbf16, #tpu.memory_space<vmem>>
        %dma_start3A_685 = tpu.memref_squeeze %dma_start3A_684 : memref<1x1x128x32xbf16, #tpu.memory_space<vmem>> -> memref<128x32xbf16, #tpu.memory_space<vmem>>
        %dma_start3A_686 = arith.constant 0 : i32
        %dma_start3A_687 = tpu.memref_slice %arg6[%dma_start3A_678, %dma_start3A_679, %dma_start3A_686] : memref<2x8x128xi32, #tpu.memory_space<vmem>> -> memref<1x1x128xi32, #tpu.memory_space<vmem>>
        %dma_start3A_688 = tpu.memref_squeeze %dma_start3A_687 : memref<1x1x128xi32, #tpu.memory_space<vmem>> -> memref<128xi32, #tpu.memory_space<vmem>>
        %dma_start3A_689 = arith.constant 0 : i32
        %dma_start3A_690 = arith.constant 0 : i32
        %dma_start3A_691 = tpu.memref_slice %arg2[%dma_start3A_689, %dma_start3A_690] : memref<174080x32xbf16, #tpu.memory_space<hbm>> -> memref<174080x32xbf16, #tpu.memory_space<hbm>>
        tpu.enqueue_indirect_dma source(%dma_start3A_691 : memref<174080x32xbf16, #tpu.memory_space<hbm>>) target(%dma_start3A_685 : memref<128x32xbf16, #tpu.memory_space<vmem>>) offsets(%dma_start3A_688 : memref<128xi32, #tpu.memory_space<vmem>>) semaphore(%arg13 : memref<!tpu.dma_semaphore, #tpu.memory_space<semaphore_mem>>)
        %dma_start3A_692 = arith.constant 1 : i32
        %dma_start3A_693 = arith.constant 1 : i32
        %dma_start3A_694 = arith.constant 1 : i32
        %dma_start3A_695 = arith.constant 1 : i32
        %dma_start3A_696 = arith.constant 0 : i32
        %dma_start3A_697 = arith.constant 0 : i32
        %dma_start3A_698 = tpu.memref_slice %arg8[%dma_start3A_694, %dma_start3A_695, %dma_start3A_696, %dma_start3A_697] : memref<2x8x128x32xbf16, #tpu.memory_space<vmem>> -> memref<1x1x128x32xbf16, #tpu.memory_space<vmem>>
        %dma_start3A_699 = tpu.memref_squeeze %dma_start3A_698 : memref<1x1x128x32xbf16, #tpu.memory_space<vmem>> -> memref<128x32xbf16, #tpu.memory_space<vmem>>
        %dma_start3A_700 = arith.constant 0 : i32
        %dma_start3A_701 = tpu.memref_slice %arg6[%dma_start3A_692, %dma_start3A_693, %dma_start3A_700] : memref<2x8x128xi32, #tpu.memory_space<vmem>> -> memref<1x1x128xi32, #tpu.memory_space<vmem>>
        %dma_start3A_702 = tpu.memref_squeeze %dma_start3A_701 : memref<1x1x128xi32, #tpu.memory_space<vmem>> -> memref<128xi32, #tpu.memory_space<vmem>>
        %dma_start3A_703 = arith.constant 0 : i32
        %dma_start3A_704 = arith.constant 0 : i32
        %dma_start3A_705 = tpu.memref_slice %arg2[%dma_start3A_703, %dma_start3A_704] : memref<174080x32xbf16, #tpu.memory_space<hbm>> -> memref<174080x32xbf16, #tpu.memory_space<hbm>>
        tpu.enqueue_indirect_dma source(%dma_start3A_705 : memref<174080x32xbf16, #tpu.memory_space<hbm>>) target(%dma_start3A_699 : memref<128x32xbf16, #tpu.memory_space<vmem>>) offsets(%dma_start3A_702 : memref<128xi32, #tpu.memory_space<vmem>>) semaphore(%arg13 : memref<!tpu.dma_semaphore, #tpu.memory_space<semaphore_mem>>)
        %dma_start3A_706 = arith.constant 1 : i32
        %dma_start3A_707 = arith.constant 2 : i32
        %dma_start3A_708 = arith.constant 1 : i32
        %dma_start3A_709 = arith.constant 2 : i32
        %dma_start3A_710 = arith.constant 0 : i32
        %dma_start3A_711 = arith.constant 0 : i32
        %dma_start3A_712 = tpu.memref_slice %arg8[%dma_start3A_708, %dma_start3A_709, %dma_start3A_710, %dma_start3A_711] : memref<2x8x128x32xbf16, #tpu.memory_space<vmem>> -> memref<1x1x128x32xbf16, #tpu.memory_space<vmem>>
        %dma_start3A_713 = tpu.memref_squeeze %dma_start3A_712 : memref<1x1x128x32xbf16, #tpu.memory_space<vmem>> -> memref<128x32xbf16, #tpu.memory_space<vmem>>
        %dma_start3A_714 = arith.constant 0 : i32
        %dma_start3A_715 = tpu.memref_slice %arg6[%dma_start3A_706, %dma_start3A_707, %dma_start3A_714] : memref<2x8x128xi32, #tpu.memory_space<vmem>> -> memref<1x1x128xi32, #tpu.memory_space<vmem>>
        %dma_start3A_716 = tpu.memref_squeeze %dma_start3A_715 : memref<1x1x128xi32, #tpu.memory_space<vmem>> -> memref<128xi32, #tpu.memory_space<vmem>>
        %dma_start3A_717 = arith.constant 0 : i32
        %dma_start3A_718 = arith.constant 0 : i32
        %dma_start3A_719 = tpu.memref_slice %arg2[%dma_start3A_717, %dma_start3A_718] : memref<174080x32xbf16, #tpu.memory_space<hbm>> -> memref<174080x32xbf16, #tpu.memory_space<hbm>>
        tpu.enqueue_indirect_dma source(%dma_start3A_719 : memref<174080x32xbf16, #tpu.memory_space<hbm>>) target(%dma_start3A_713 : memref<128x32xbf16, #tpu.memory_space<vmem>>) offsets(%dma_start3A_716 : memref<128xi32, #tpu.memory_space<vmem>>) semaphore(%arg13 : memref<!tpu.dma_semaphore, #tpu.memory_space<semaphore_mem>>)
        %dma_start3A_720 = arith.constant 1 : i32
        %dma_start3A_721 = arith.constant 3 : i32
        %dma_start3A_722 = arith.constant 1 : i32
        %dma_start3A_723 = arith.constant 3 : i32
        %dma_start3A_724 = arith.constant 0 : i32
        %dma_start3A_725 = arith.constant 0 : i32
        %dma_start3A_726 = tpu.memref_slice %arg8[%dma_start3A_722, %dma_start3A_723, %dma_start3A_724, %dma_start3A_725] : memref<2x8x128x32xbf16, #tpu.memory_space<vmem>> -> memref<1x1x128x32xbf16, #tpu.memory_space<vmem>>
        %dma_start3A_727 = tpu.memref_squeeze %dma_start3A_726 : memref<1x1x128x32xbf16, #tpu.memory_space<vmem>> -> memref<128x32xbf16, #tpu.memory_space<vmem>>
        %dma_start3A_728 = arith.constant 0 : i32
        %dma_start3A_729 = tpu.memref_slice %arg6[%dma_start3A_720, %dma_start3A_721, %dma_start3A_728] : memref<2x8x128xi32, #tpu.memory_space<vmem>> -> memref<1x1x128xi32, #tpu.memory_space<vmem>>
        %dma_start3A_730 = tpu.memref_squeeze %dma_start3A_729 : memref<1x1x128xi32, #tpu.memory_space<vmem>> -> memref<128xi32, #tpu.memory_space<vmem>>
        %dma_start3A_731 = arith.constant 0 : i32
        %dma_start3A_732 = arith.constant 0 : i32
        %dma_start3A_733 = tpu.memref_slice %arg2[%dma_start3A_731, %dma_start3A_732] : memref<174080x32xbf16, #tpu.memory_space<hbm>> -> memref<174080x32xbf16, #tpu.memory_space<hbm>>
        tpu.enqueue_indirect_dma source(%dma_start3A_733 : memref<174080x32xbf16, #tpu.memory_space<hbm>>) target(%dma_start3A_727 : memref<128x32xbf16, #tpu.memory_space<vmem>>) offsets(%dma_start3A_730 : memref<128xi32, #tpu.memory_space<vmem>>) semaphore(%arg13 : memref<!tpu.dma_semaphore, #tpu.memory_space<semaphore_mem>>)
        %dma_start3A_734 = arith.constant 1 : i32
        %dma_start3A_735 = arith.constant 4 : i32
        %dma_start3A_736 = arith.constant 1 : i32
        %dma_start3A_737 = arith.constant 4 : i32
        %dma_start3A_738 = arith.constant 0 : i32
        %dma_start3A_739 = arith.constant 0 : i32
        %dma_start3A_740 = tpu.memref_slice %arg8[%dma_start3A_736, %dma_start3A_737, %dma_start3A_738, %dma_start3A_739] : memref<2x8x128x32xbf16, #tpu.memory_space<vmem>> -> memref<1x1x128x32xbf16, #tpu.memory_space<vmem>>
        %dma_start3A_741 = tpu.memref_squeeze %dma_start3A_740 : memref<1x1x128x32xbf16, #tpu.memory_space<vmem>> -> memref<128x32xbf16, #tpu.memory_space<vmem>>
        %dma_start3A_742 = arith.constant 0 : i32
        %dma_start3A_743 = tpu.memref_slice %arg6[%dma_start3A_734, %dma_start3A_735, %dma_start3A_742] : memref<2x8x128xi32, #tpu.memory_space<vmem>> -> memref<1x1x128xi32, #tpu.memory_space<vmem>>
        %dma_start3A_744 = tpu.memref_squeeze %dma_start3A_743 : memref<1x1x128xi32, #tpu.memory_space<vmem>> -> memref<128xi32, #tpu.memory_space<vmem>>
        %dma_start3A_745 = arith.constant 0 : i32
        %dma_start3A_746 = arith.constant 0 : i32
        %dma_start3A_747 = tpu.memref_slice %arg2[%dma_start3A_745, %dma_start3A_746] : memref<174080x32xbf16, #tpu.memory_space<hbm>> -> memref<174080x32xbf16, #tpu.memory_space<hbm>>
        tpu.enqueue_indirect_dma source(%dma_start3A_747 : memref<174080x32xbf16, #tpu.memory_space<hbm>>) target(%dma_start3A_741 : memref<128x32xbf16, #tpu.memory_space<vmem>>) offsets(%dma_start3A_744 : memref<128xi32, #tpu.memory_space<vmem>>) semaphore(%arg13 : memref<!tpu.dma_semaphore, #tpu.memory_space<semaphore_mem>>)
        %dma_start3A_748 = arith.constant 1 : i32
        %dma_start3A_749 = arith.constant 5 : i32
        %dma_start3A_750 = arith.constant 1 : i32
        %dma_start3A_751 = arith.constant 5 : i32
        %dma_start3A_752 = arith.constant 0 : i32
        %dma_start3A_753 = arith.constant 0 : i32
        %dma_start3A_754 = tpu.memref_slice %arg8[%dma_start3A_750, %dma_start3A_751, %dma_start3A_752, %dma_start3A_753] : memref<2x8x128x32xbf16, #tpu.memory_space<vmem>> -> memref<1x1x128x32xbf16, #tpu.memory_space<vmem>>
        %dma_start3A_755 = tpu.memref_squeeze %dma_start3A_754 : memref<1x1x128x32xbf16, #tpu.memory_space<vmem>> -> memref<128x32xbf16, #tpu.memory_space<vmem>>
        %dma_start3A_756 = arith.constant 0 : i32
        %dma_start3A_757 = tpu.memref_slice %arg6[%dma_start3A_748, %dma_start3A_749, %dma_start3A_756] : memref<2x8x128xi32, #tpu.memory_space<vmem>> -> memref<1x1x128xi32, #tpu.memory_space<vmem>>
        %dma_start3A_758 = tpu.memref_squeeze %dma_start3A_757 : memref<1x1x128xi32, #tpu.memory_space<vmem>> -> memref<128xi32, #tpu.memory_space<vmem>>
        %dma_start3A_759 = arith.constant 0 : i32
        %dma_start3A_760 = arith.constant 0 : i32
        %dma_start3A_761 = tpu.memref_slice %arg2[%dma_start3A_759, %dma_start3A_760] : memref<174080x32xbf16, #tpu.memory_space<hbm>> -> memref<174080x32xbf16, #tpu.memory_space<hbm>>
        tpu.enqueue_indirect_dma source(%dma_start3A_761 : memref<174080x32xbf16, #tpu.memory_space<hbm>>) target(%dma_start3A_755 : memref<128x32xbf16, #tpu.memory_space<vmem>>) offsets(%dma_start3A_758 : memref<128xi32, #tpu.memory_space<vmem>>) semaphore(%arg13 : memref<!tpu.dma_semaphore, #tpu.memory_space<semaphore_mem>>)
        %dma_start3A_762 = arith.constant 1 : i32
        %dma_start3A_763 = arith.constant 6 : i32
        %dma_start3A_764 = arith.constant 1 : i32
        %dma_start3A_765 = arith.constant 6 : i32
        %dma_start3A_766 = arith.constant 0 : i32
        %dma_start3A_767 = arith.constant 0 : i32
        %dma_start3A_768 = tpu.memref_slice %arg8[%dma_start3A_764, %dma_start3A_765, %dma_start3A_766, %dma_start3A_767] : memref<2x8x128x32xbf16, #tpu.memory_space<vmem>> -> memref<1x1x128x32xbf16, #tpu.memory_space<vmem>>
        %dma_start3A_769 = tpu.memref_squeeze %dma_start3A_768 : memref<1x1x128x32xbf16, #tpu.memory_space<vmem>> -> memref<128x32xbf16, #tpu.memory_space<vmem>>
        %dma_start3A_770 = arith.constant 0 : i32
        %dma_start3A_771 = tpu.memref_slice %arg6[%dma_start3A_762, %dma_start3A_763, %dma_start3A_770] : memref<2x8x128xi32, #tpu.memory_space<vmem>> -> memref<1x1x128xi32, #tpu.memory_space<vmem>>
        %dma_start3A_772 = tpu.memref_squeeze %dma_start3A_771 : memref<1x1x128xi32, #tpu.memory_space<vmem>> -> memref<128xi32, #tpu.memory_space<vmem>>
        %dma_start3A_773 = arith.constant 0 : i32
        %dma_start3A_774 = arith.constant 0 : i32
        %dma_start3A_775 = tpu.memref_slice %arg2[%dma_start3A_773, %dma_start3A_774] : memref<174080x32xbf16, #tpu.memory_space<hbm>> -> memref<174080x32xbf16, #tpu.memory_space<hbm>>
        tpu.enqueue_indirect_dma source(%dma_start3A_775 : memref<174080x32xbf16, #tpu.memory_space<hbm>>) target(%dma_start3A_769 : memref<128x32xbf16, #tpu.memory_space<vmem>>) offsets(%dma_start3A_772 : memref<128xi32, #tpu.memory_space<vmem>>) semaphore(%arg13 : memref<!tpu.dma_semaphore, #tpu.memory_space<semaphore_mem>>)
        %dma_start3A_776 = arith.constant 1 : i32
        %dma_start3A_777 = arith.constant 7 : i32
        %dma_start3A_778 = arith.constant 1 : i32
        %dma_start3A_779 = arith.constant 7 : i32
        %dma_start3A_780 = arith.constant 0 : i32
        %dma_start3A_781 = arith.constant 0 : i32
        %dma_start3A_782 = tpu.memref_slice %arg8[%dma_start3A_778, %dma_start3A_779, %dma_start3A_780, %dma_start3A_781] : memref<2x8x128x32xbf16, #tpu.memory_space<vmem>> -> memref<1x1x128x32xbf16, #tpu.memory_space<vmem>>
        %dma_start3A_783 = tpu.memref_squeeze %dma_start3A_782 : memref<1x1x128x32xbf16, #tpu.memory_space<vmem>> -> memref<128x32xbf16, #tpu.memory_space<vmem>>
        %dma_start3A_784 = arith.constant 0 : i32
        %dma_start3A_785 = tpu.memref_slice %arg6[%dma_start3A_776, %dma_start3A_777, %dma_start3A_784] : memref<2x8x128xi32, #tpu.memory_space<vmem>> -> memref<1x1x128xi32, #tpu.memory_space<vmem>>
        %dma_start3A_786 = tpu.memref_squeeze %dma_start3A_785 : memref<1x1x128xi32, #tpu.memory_space<vmem>> -> memref<128xi32, #tpu.memory_space<vmem>>
        %dma_start3A_787 = arith.constant 0 : i32
        %dma_start3A_788 = arith.constant 0 : i32
        %dma_start3A_789 = tpu.memref_slice %arg2[%dma_start3A_787, %dma_start3A_788] : memref<174080x32xbf16, #tpu.memory_space<hbm>> -> memref<174080x32xbf16, #tpu.memory_space<hbm>>
        tpu.enqueue_indirect_dma source(%dma_start3A_789 : memref<174080x32xbf16, #tpu.memory_space<hbm>>) target(%dma_start3A_783 : memref<128x32xbf16, #tpu.memory_space<vmem>>) offsets(%dma_start3A_786 : memref<128xi32, #tpu.memory_space<vmem>>) semaphore(%arg13 : memref<!tpu.dma_semaphore, #tpu.memory_space<semaphore_mem>>)
      } else {
      }
      %dma_wait3A_267 = arith.constant 0 : i32
      %dma_wait3A_268 = arith.constant 0 : i32
      %dma_wait3A_269 = arith.constant 0 : i32
      %dma_wait3A_270 = arith.constant 0 : i32
      %dma_wait3A_271 = arith.constant 0 : i32
      %dma_wait3A_272 = arith.constant 0 : i32
      %dma_wait3A_273 = tpu.memref_slice %arg8[%dma_wait3A_269, %dma_wait3A_270, %dma_wait3A_271, %dma_wait3A_272] : memref<2x8x128x32xbf16, #tpu.memory_space<vmem>> -> memref<1x1x128x32xbf16, #tpu.memory_space<vmem>>
      %dma_wait3A_274 = tpu.memref_squeeze %dma_wait3A_273 : memref<1x1x128x32xbf16, #tpu.memory_space<vmem>> -> memref<128x32xbf16, #tpu.memory_space<vmem>>
      %dma_wait3A_275 = arith.constant 0 : i32
      %dma_wait3A_276 = tpu.memref_slice %arg6[%dma_wait3A_267, %dma_wait3A_268, %dma_wait3A_275] : memref<2x8x128xi32, #tpu.memory_space<vmem>> -> memref<1x1x128xi32, #tpu.memory_space<vmem>>
      %dma_wait3A_277 = tpu.memref_squeeze %dma_wait3A_276 : memref<1x1x128xi32, #tpu.memory_space<vmem>> -> memref<128xi32, #tpu.memory_space<vmem>>
      %dma_wait3A_278 = arith.constant 0 : i32
      %dma_wait3A_279 = arith.constant 0 : i32
      %dma_wait3A_280 = tpu.memref_slice %arg2[%dma_wait3A_278, %dma_wait3A_279] : memref<174080x32xbf16, #tpu.memory_space<hbm>> -> memref<174080x32xbf16, #tpu.memory_space<hbm>>
      tpu.wait_indirect_dma semaphore(%arg12 : memref<!tpu.dma_semaphore, #tpu.memory_space<semaphore_mem>>) src(%dma_wait3A_280 : memref<174080x32xbf16, #tpu.memory_space<hbm>>) dst(%dma_wait3A_274 : memref<128x32xbf16, #tpu.memory_space<vmem>>)
      %dma_wait3A_281 = arith.constant 0 : i32
      %dma_wait3A_282 = arith.constant 1 : i32
      %dma_wait3A_283 = arith.constant 0 : i32
      %dma_wait3A_284 = arith.constant 1 : i32
      %dma_wait3A_285 = arith.constant 0 : i32
      %dma_wait3A_286 = arith.constant 0 : i32
      %dma_wait3A_287 = tpu.memref_slice %arg8[%dma_wait3A_283, %dma_wait3A_284, %dma_wait3A_285, %dma_wait3A_286] : memref<2x8x128x32xbf16, #tpu.memory_space<vmem>> -> memref<1x1x128x32xbf16, #tpu.memory_space<vmem>>
      %dma_wait3A_288 = tpu.memref_squeeze %dma_wait3A_287 : memref<1x1x128x32xbf16, #tpu.memory_space<vmem>> -> memref<128x32xbf16, #tpu.memory_space<vmem>>
      %dma_wait3A_289 = arith.constant 0 : i32
      %dma_wait3A_290 = tpu.memref_slice %arg6[%dma_wait3A_281, %dma_wait3A_282, %dma_wait3A_289] : memref<2x8x128xi32, #tpu.memory_space<vmem>> -> memref<1x1x128xi32, #tpu.memory_space<vmem>>
      %dma_wait3A_291 = tpu.memref_squeeze %dma_wait3A_290 : memref<1x1x128xi32, #tpu.memory_space<vmem>> -> memref<128xi32, #tpu.memory_space<vmem>>
      %dma_wait3A_292 = arith.constant 0 : i32
      %dma_wait3A_293 = arith.constant 0 : i32
      %dma_wait3A_294 = tpu.memref_slice %arg2[%dma_wait3A_292, %dma_wait3A_293] : memref<174080x32xbf16, #tpu.memory_space<hbm>> -> memref<174080x32xbf16, #tpu.memory_space<hbm>>
      tpu.wait_indirect_dma semaphore(%arg12 : memref<!tpu.dma_semaphore, #tpu.memory_space<semaphore_mem>>) src(%dma_wait3A_294 : memref<174080x32xbf16, #tpu.memory_space<hbm>>) dst(%dma_wait3A_288 : memref<128x32xbf16, #tpu.memory_space<vmem>>)
      %dma_wait3A_295 = arith.constant 0 : i32
      %dma_wait3A_296 = arith.constant 2 : i32
      %dma_wait3A_297 = arith.constant 0 : i32
      %dma_wait3A_298 = arith.constant 2 : i32
      %dma_wait3A_299 = arith.constant 0 : i32
      %dma_wait3A_300 = arith.constant 0 : i32
      %dma_wait3A_301 = tpu.memref_slice %arg8[%dma_wait3A_297, %dma_wait3A_298, %dma_wait3A_299, %dma_wait3A_300] : memref<2x8x128x32xbf16, #tpu.memory_space<vmem>> -> memref<1x1x128x32xbf16, #tpu.memory_space<vmem>>
      %dma_wait3A_302 = tpu.memref_squeeze %dma_wait3A_301 : memref<1x1x128x32xbf16, #tpu.memory_space<vmem>> -> memref<128x32xbf16, #tpu.memory_space<vmem>>
      %dma_wait3A_303 = arith.constant 0 : i32
      %dma_wait3A_304 = tpu.memref_slice %arg6[%dma_wait3A_295, %dma_wait3A_296, %dma_wait3A_303] : memref<2x8x128xi32, #tpu.memory_space<vmem>> -> memref<1x1x128xi32, #tpu.memory_space<vmem>>
      %dma_wait3A_305 = tpu.memref_squeeze %dma_wait3A_304 : memref<1x1x128xi32, #tpu.memory_space<vmem>> -> memref<128xi32, #tpu.memory_space<vmem>>
      %dma_wait3A_306 = arith.constant 0 : i32
      %dma_wait3A_307 = arith.constant 0 : i32
      %dma_wait3A_308 = tpu.memref_slice %arg2[%dma_wait3A_306, %dma_wait3A_307] : memref<174080x32xbf16, #tpu.memory_space<hbm>> -> memref<174080x32xbf16, #tpu.memory_space<hbm>>
      tpu.wait_indirect_dma semaphore(%arg12 : memref<!tpu.dma_semaphore, #tpu.memory_space<semaphore_mem>>) src(%dma_wait3A_308 : memref<174080x32xbf16, #tpu.memory_space<hbm>>) dst(%dma_wait3A_302 : memref<128x32xbf16, #tpu.memory_space<vmem>>)
      %dma_wait3A_309 = arith.constant 0 : i32
      %dma_wait3A_310 = arith.constant 3 : i32
      %dma_wait3A_311 = arith.constant 0 : i32
      %dma_wait3A_312 = arith.constant 3 : i32
      %dma_wait3A_313 = arith.constant 0 : i32
      %dma_wait3A_314 = arith.constant 0 : i32
      %dma_wait3A_315 = tpu.memref_slice %arg8[%dma_wait3A_311, %dma_wait3A_312, %dma_wait3A_313, %dma_wait3A_314] : memref<2x8x128x32xbf16, #tpu.memory_space<vmem>> -> memref<1x1x128x32xbf16, #tpu.memory_space<vmem>>
      %dma_wait3A_316 = tpu.memref_squeeze %dma_wait3A_315 : memref<1x1x128x32xbf16, #tpu.memory_space<vmem>> -> memref<128x32xbf16, #tpu.memory_space<vmem>>
      %dma_wait3A_317 = arith.constant 0 : i32
      %dma_wait3A_318 = tpu.memref_slice %arg6[%dma_wait3A_309, %dma_wait3A_310, %dma_wait3A_317] : memref<2x8x128xi32, #tpu.memory_space<vmem>> -> memref<1x1x128xi32, #tpu.memory_space<vmem>>
      %dma_wait3A_319 = tpu.memref_squeeze %dma_wait3A_318 : memref<1x1x128xi32, #tpu.memory_space<vmem>> -> memref<128xi32, #tpu.memory_space<vmem>>
      %dma_wait3A_320 = arith.constant 0 : i32
      %dma_wait3A_321 = arith.constant 0 : i32
      %dma_wait3A_322 = tpu.memref_slice %arg2[%dma_wait3A_320, %dma_wait3A_321] : memref<174080x32xbf16, #tpu.memory_space<hbm>> -> memref<174080x32xbf16, #tpu.memory_space<hbm>>
      tpu.wait_indirect_dma semaphore(%arg12 : memref<!tpu.dma_semaphore, #tpu.memory_space<semaphore_mem>>) src(%dma_wait3A_322 : memref<174080x32xbf16, #tpu.memory_space<hbm>>) dst(%dma_wait3A_316 : memref<128x32xbf16, #tpu.memory_space<vmem>>)
      %dma_wait3A_323 = arith.constant 0 : i32
      %dma_wait3A_324 = arith.constant 4 : i32
      %dma_wait3A_325 = arith.constant 0 : i32
      %dma_wait3A_326 = arith.constant 4 : i32
      %dma_wait3A_327 = arith.constant 0 : i32
      %dma_wait3A_328 = arith.constant 0 : i32
      %dma_wait3A_329 = tpu.memref_slice %arg8[%dma_wait3A_325, %dma_wait3A_326, %dma_wait3A_327, %dma_wait3A_328] : memref<2x8x128x32xbf16, #tpu.memory_space<vmem>> -> memref<1x1x128x32xbf16, #tpu.memory_space<vmem>>
      %dma_wait3A_330 = tpu.memref_squeeze %dma_wait3A_329 : memref<1x1x128x32xbf16, #tpu.memory_space<vmem>> -> memref<128x32xbf16, #tpu.memory_space<vmem>>
      %dma_wait3A_331 = arith.constant 0 : i32
      %dma_wait3A_332 = tpu.memref_slice %arg6[%dma_wait3A_323, %dma_wait3A_324, %dma_wait3A_331] : memref<2x8x128xi32, #tpu.memory_space<vmem>> -> memref<1x1x128xi32, #tpu.memory_space<vmem>>
      %dma_wait3A_333 = tpu.memref_squeeze %dma_wait3A_332 : memref<1x1x128xi32, #tpu.memory_space<vmem>> -> memref<128xi32, #tpu.memory_space<vmem>>
      %dma_wait3A_334 = arith.constant 0 : i32
      %dma_wait3A_335 = arith.constant 0 : i32
      %dma_wait3A_336 = tpu.memref_slice %arg2[%dma_wait3A_334, %dma_wait3A_335] : memref<174080x32xbf16, #tpu.memory_space<hbm>> -> memref<174080x32xbf16, #tpu.memory_space<hbm>>
      tpu.wait_indirect_dma semaphore(%arg12 : memref<!tpu.dma_semaphore, #tpu.memory_space<semaphore_mem>>) src(%dma_wait3A_336 : memref<174080x32xbf16, #tpu.memory_space<hbm>>) dst(%dma_wait3A_330 : memref<128x32xbf16, #tpu.memory_space<vmem>>)
      %dma_wait3A_337 = arith.constant 0 : i32
      %dma_wait3A_338 = arith.constant 5 : i32
      %dma_wait3A_339 = arith.constant 0 : i32
      %dma_wait3A_340 = arith.constant 5 : i32
      %dma_wait3A_341 = arith.constant 0 : i32
      %dma_wait3A_342 = arith.constant 0 : i32
      %dma_wait3A_343 = tpu.memref_slice %arg8[%dma_wait3A_339, %dma_wait3A_340, %dma_wait3A_341, %dma_wait3A_342] : memref<2x8x128x32xbf16, #tpu.memory_space<vmem>> -> memref<1x1x128x32xbf16, #tpu.memory_space<vmem>>
      %dma_wait3A_344 = tpu.memref_squeeze %dma_wait3A_343 : memref<1x1x128x32xbf16, #tpu.memory_space<vmem>> -> memref<128x32xbf16, #tpu.memory_space<vmem>>
      %dma_wait3A_345 = arith.constant 0 : i32
      %dma_wait3A_346 = tpu.memref_slice %arg6[%dma_wait3A_337, %dma_wait3A_338, %dma_wait3A_345] : memref<2x8x128xi32, #tpu.memory_space<vmem>> -> memref<1x1x128xi32, #tpu.memory_space<vmem>>
      %dma_wait3A_347 = tpu.memref_squeeze %dma_wait3A_346 : memref<1x1x128xi32, #tpu.memory_space<vmem>> -> memref<128xi32, #tpu.memory_space<vmem>>
      %dma_wait3A_348 = arith.constant 0 : i32
      %dma_wait3A_349 = arith.constant 0 : i32
      %dma_wait3A_350 = tpu.memref_slice %arg2[%dma_wait3A_348, %dma_wait3A_349] : memref<174080x32xbf16, #tpu.memory_space<hbm>> -> memref<174080x32xbf16, #tpu.memory_space<hbm>>
      tpu.wait_indirect_dma semaphore(%arg12 : memref<!tpu.dma_semaphore, #tpu.memory_space<semaphore_mem>>) src(%dma_wait3A_350 : memref<174080x32xbf16, #tpu.memory_space<hbm>>) dst(%dma_wait3A_344 : memref<128x32xbf16, #tpu.memory_space<vmem>>)
      %dma_wait3A_351 = arith.constant 0 : i32
      %dma_wait3A_352 = arith.constant 6 : i32
      %dma_wait3A_353 = arith.constant 0 : i32
      %dma_wait3A_354 = arith.constant 6 : i32
      %dma_wait3A_355 = arith.constant 0 : i32
      %dma_wait3A_356 = arith.constant 0 : i32
      %dma_wait3A_357 = tpu.memref_slice %arg8[%dma_wait3A_353, %dma_wait3A_354, %dma_wait3A_355, %dma_wait3A_356] : memref<2x8x128x32xbf16, #tpu.memory_space<vmem>> -> memref<1x1x128x32xbf16, #tpu.memory_space<vmem>>
      %dma_wait3A_358 = tpu.memref_squeeze %dma_wait3A_357 : memref<1x1x128x32xbf16, #tpu.memory_space<vmem>> -> memref<128x32xbf16, #tpu.memory_space<vmem>>
      %dma_wait3A_359 = arith.constant 0 : i32
      %dma_wait3A_360 = tpu.memref_slice %arg6[%dma_wait3A_351, %dma_wait3A_352, %dma_wait3A_359] : memref<2x8x128xi32, #tpu.memory_space<vmem>> -> memref<1x1x128xi32, #tpu.memory_space<vmem>>
      %dma_wait3A_361 = tpu.memref_squeeze %dma_wait3A_360 : memref<1x1x128xi32, #tpu.memory_space<vmem>> -> memref<128xi32, #tpu.memory_space<vmem>>
      %dma_wait3A_362 = arith.constant 0 : i32
      %dma_wait3A_363 = arith.constant 0 : i32
      %dma_wait3A_364 = tpu.memref_slice %arg2[%dma_wait3A_362, %dma_wait3A_363] : memref<174080x32xbf16, #tpu.memory_space<hbm>> -> memref<174080x32xbf16, #tpu.memory_space<hbm>>
      tpu.wait_indirect_dma semaphore(%arg12 : memref<!tpu.dma_semaphore, #tpu.memory_space<semaphore_mem>>) src(%dma_wait3A_364 : memref<174080x32xbf16, #tpu.memory_space<hbm>>) dst(%dma_wait3A_358 : memref<128x32xbf16, #tpu.memory_space<vmem>>)
      %dma_wait3A_365 = arith.constant 0 : i32
      %dma_wait3A_366 = arith.constant 7 : i32
      %dma_wait3A_367 = arith.constant 0 : i32
      %dma_wait3A_368 = arith.constant 7 : i32
      %dma_wait3A_369 = arith.constant 0 : i32
      %dma_wait3A_370 = arith.constant 0 : i32
      %dma_wait3A_371 = tpu.memref_slice %arg8[%dma_wait3A_367, %dma_wait3A_368, %dma_wait3A_369, %dma_wait3A_370] : memref<2x8x128x32xbf16, #tpu.memory_space<vmem>> -> memref<1x1x128x32xbf16, #tpu.memory_space<vmem>>
      %dma_wait3A_372 = tpu.memref_squeeze %dma_wait3A_371 : memref<1x1x128x32xbf16, #tpu.memory_space<vmem>> -> memref<128x32xbf16, #tpu.memory_space<vmem>>
      %dma_wait3A_373 = arith.constant 0 : i32
      %dma_wait3A_374 = tpu.memref_slice %arg6[%dma_wait3A_365, %dma_wait3A_366, %dma_wait3A_373] : memref<2x8x128xi32, #tpu.memory_space<vmem>> -> memref<1x1x128xi32, #tpu.memory_space<vmem>>
      %dma_wait3A_375 = tpu.memref_squeeze %dma_wait3A_374 : memref<1x1x128xi32, #tpu.memory_space<vmem>> -> memref<128xi32, #tpu.memory_space<vmem>>
      %dma_wait3A_376 = arith.constant 0 : i32
      %dma_wait3A_377 = arith.constant 0 : i32
      %dma_wait3A_378 = tpu.memref_slice %arg2[%dma_wait3A_376, %dma_wait3A_377] : memref<174080x32xbf16, #tpu.memory_space<hbm>> -> memref<174080x32xbf16, #tpu.memory_space<hbm>>
      tpu.wait_indirect_dma semaphore(%arg12 : memref<!tpu.dma_semaphore, #tpu.memory_space<semaphore_mem>>) src(%dma_wait3A_378 : memref<174080x32xbf16, #tpu.memory_space<hbm>>) dst(%dma_wait3A_372 : memref<128x32xbf16, #tpu.memory_space<vmem>>)
      %ge3A = arith.constant 2 : i32
      %ge3A_379 = arith.cmpi sge, %mul3A_262, %ge3A : i32
      %convert_element_type3A_380 = arith.extui %ge3A_379 : i1 to i32
      %cond3A_381 = arith.constant 0 : i32
      %cond3A_382 = arith.cmpi ne, %convert_element_type3A_380, %cond3A_381 : i32
      scf.if %cond3A_382 {
        %dma_wait3A_642 = arith.constant 0 : i32
        %dma_wait3A_643 = arith.constant 0 : i32
        %dma_wait3A_644 = arith.constant 0 : i32
        %dma_wait3A_645 = arith.constant 0 : i32
        %dma_wait3A_646 = tpu.memref_slice %arg9[%dma_wait3A_642, %dma_wait3A_644, %dma_wait3A_645] : memref<2x4x128xf32, #tpu.memory_space<vmem>> -> memref<1x4x128xf32, #tpu.memory_space<vmem>>
        %dma_wait3A_647 = tpu.memref_squeeze %dma_wait3A_646 : memref<1x4x128xf32, #tpu.memory_space<vmem>> -> memref<4x128xf32, #tpu.memory_space<vmem>>
        %dma_wait3A_648 = arith.constant 0 : i32
        %dma_wait3A_649 = arith.constant 0 : i32
        %dma_wait3A_650 = tpu.memref_slice %arg5[%add3A, %dma_wait3A_643, %dma_wait3A_648, %dma_wait3A_649] : memref<32x64x8x128xf32, #tpu.memory_space<hbm>> -> memref<1x1x4x128xf32, #tpu.memory_space<hbm>>
        %dma_wait3A_651 = tpu.memref_squeeze %dma_wait3A_650 : memref<1x1x4x128xf32, #tpu.memory_space<hbm>> -> memref<4x128xf32, #tpu.memory_space<hbm>>
        %dma_wait3A_652 = arith.constant 0 : i32
        %dma_wait3A_653 = arith.constant 0 : i32
        %dma_wait3A_654 = tpu.memref_slice %arg5[%add3A, %dma_wait3A_643, %dma_wait3A_652, %dma_wait3A_653] : memref<32x64x8x128xf32, #tpu.memory_space<hbm>> -> memref<1x1x4x128xf32, #tpu.memory_space<hbm>>
        %dma_wait3A_655 = tpu.memref_squeeze %dma_wait3A_654 : memref<1x1x4x128xf32, #tpu.memory_space<hbm>> -> memref<4x128xf32, #tpu.memory_space<hbm>>
        %dma_wait3A_656 = arith.constant 0 : i32
        %dma_wait3A_657 = arith.constant 0 : i32
        %dma_wait3A_658 = tpu.memref_slice %arg9[%dma_wait3A_642, %dma_wait3A_656, %dma_wait3A_657] : memref<2x4x128xf32, #tpu.memory_space<vmem>> -> memref<1x4x128xf32, #tpu.memory_space<vmem>>
        %dma_wait3A_659 = tpu.memref_squeeze %dma_wait3A_658 : memref<1x4x128xf32, #tpu.memory_space<vmem>> -> memref<4x128xf32, #tpu.memory_space<vmem>>
        tpu.wait_dma2 semaphore(%arg14 : memref<!tpu.dma_semaphore, #tpu.memory_space<semaphore_mem>>) src(%dma_wait3A_659 : memref<4x128xf32, #tpu.memory_space<vmem>>) dst(%dma_wait3A_655 : memref<4x128xf32, #tpu.memory_space<hbm>>)
      } else {
      }
      %scan3A_383 = arith.constant 0 : i32
      %scan3A_384 = arith.constant 0 : i32
      %scan3A_385 = arith.constant 16 : i32
      %scan3A_386 = arith.addi %scan3A_384, %scan3A_385 : i32
      %scan3A_387 = arith.constant 1 : i32
      scf.for %scan3A_642 = %scan3A_384 to %scan3A_386 step %scan3A_387  : i32 {
        %jit3A_643 = arith.constant 2 : i32
        %div3A_644 = arith.divsi %scan3A_642, %jit3A_643 : i32
        %sign3A_645 = arith.constant 0 : i32
        %sign3A_646 = arith.cmpi sgt, %scan3A_642, %sign3A_645 : i32
        %sign3A_647 = arith.extui %sign3A_646 : i1 to i32
        %sign3A_648 = arith.constant 0 : i32
        %sign3A_649 = arith.cmpi slt, %scan3A_642, %sign3A_648 : i32
        %sign3A_650 = arith.extui %sign3A_649 : i1 to i32
        %sign3A_651 = arith.subi %sign3A_647, %sign3A_650 : i32
        %sign3A_652 = arith.constant 0 : i32
        %sign3A_653 = arith.cmpi sgt, %jit3A_643, %sign3A_652 : i32
        %sign3A_654 = arith.extui %sign3A_653 : i1 to i32
        %sign3A_655 = arith.constant 0 : i32
        %sign3A_656 = arith.cmpi slt, %jit3A_643, %sign3A_655 : i32
        %sign3A_657 = arith.extui %sign3A_656 : i1 to i32
        %sign3A_658 = arith.subi %sign3A_654, %sign3A_657 : i32
        %ne3A_659 = arith.cmpi ne, %sign3A_651, %sign3A_658 : i32
        %rem3A_660 = arith.remsi %scan3A_642, %jit3A_643 : i32
        %ne3A_661 = arith.constant 0 : i32
        %ne3A_662 = arith.cmpi ne, %rem3A_660, %ne3A_661 : i32
        %and3A_663 = arith.andi %ne3A_659, %ne3A_662 : i1
        %sub3A_664 = arith.constant 1 : i32
        %sub3A_665 = arith.subi %div3A_644, %sub3A_664 : i32
        %select_n3A_666 = arith.select %and3A_663, %sub3A_665, %div3A_644 : i32
        %jit3A_667 = arith.constant 2 : i32
        %eq3A_668 = arith.constant 0 : i32
        %eq3A_669 = arith.cmpi eq, %jit3A_667, %eq3A_668 : i32
        %jit3A_670 = arith.constant 1 : i32
        %select_n3A_671 = arith.select %eq3A_669, %jit3A_670, %jit3A_667 : i32
        %rem3A_672 = arith.remsi %scan3A_642, %select_n3A_671 : i32
        %ne3A_673 = arith.constant 0 : i32
        %ne3A_674 = arith.cmpi ne, %rem3A_672, %ne3A_673 : i32
        %lt3A_675 = arith.constant 0 : i32
        %lt3A_676 = arith.cmpi slt, %rem3A_672, %lt3A_675 : i32
        %lt3A_677 = arith.constant 0 : i32
        %lt3A_678 = arith.cmpi slt, %select_n3A_671, %lt3A_677 : i32
        %ne3A_679 = arith.xori %lt3A_676, %lt3A_678 : i1
        %and3A_680 = arith.andi %ne3A_679, %ne3A_674 : i1
        %add3A_681 = arith.addi %rem3A_672, %select_n3A_671 : i32
        %select_n3A_682 = arith.select %and3A_680, %add3A_681, %rem3A_672 : i32
        %mul3A_683 = arith.constant 64 : i32
        %mul3A_684 = arith.muli %select_n3A_682, %mul3A_683 : i32
        %broadcast_in_dim3A = arith.constant 0.000000e+00 : f32
        %broadcast_in_dim3A_685 = vector.broadcast %broadcast_in_dim3A : f32 to vector<16xf32>
        %broadcast_in_dim3A_686 = arith.constant 0.000000e+00 : f32
        %broadcast_in_dim3A_687 = vector.broadcast %broadcast_in_dim3A_686 : f32 to vector<16xf32>
        %broadcast_in_dim3A_688 = arith.constant 0.000000e+00 : f32
        %broadcast_in_dim3A_689 = vector.broadcast %broadcast_in_dim3A_688 : f32 to vector<16xf32>
        %broadcast_in_dim3A_690 = arith.constant 0.000000e+00 : f32
        %broadcast_in_dim3A_691 = vector.broadcast %broadcast_in_dim3A_690 : f32 to vector<16xf32>
        %broadcast_in_dim3A_692 = arith.constant 0.000000e+00 : f32
        %broadcast_in_dim3A_693 = vector.broadcast %broadcast_in_dim3A_692 : f32 to vector<16xf32>
        %broadcast_in_dim3A_694 = arith.constant 0.000000e+00 : f32
        %broadcast_in_dim3A_695 = vector.broadcast %broadcast_in_dim3A_694 : f32 to vector<16xf32>
        %broadcast_in_dim3A_696 = arith.constant 0.000000e+00 : f32
        %broadcast_in_dim3A_697 = vector.broadcast %broadcast_in_dim3A_696 : f32 to vector<16xf32>
        %broadcast_in_dim3A_698 = arith.constant 0.000000e+00 : f32
        %broadcast_in_dim3A_699 = vector.broadcast %broadcast_in_dim3A_698 : f32 to vector<16xf32>
        %add3A_700 = arith.constant 0 : i32
        %add3A_701 = arith.addi %mul3A_684, %add3A_700 : i32
        %get3A = arith.constant 0 : i32
        %get3A_702 = arith.index_cast %get3A : i32 to index
        %get3A_703 = arith.index_cast %select_n3A_666 : i32 to index
        %get3A_704 = arith.index_cast %add3A_701 : i32 to index
        %get3A_705 = tpu.vector_load %arg7[%get3A_702, %get3A_703, %get3A_704] {strides = array<i32>} : memref<2x8x128xf32, #tpu.memory_space<vmem>>, vector<16xf32>,
        %add3A_706 = arith.constant 0 : i32
        %add3A_707 = arith.addi %mul3A_684, %add3A_706 : i32
        %add3A_708 = arith.constant 0 : i32
        %add3A_709 = arith.addi %add3A_707, %add3A_708 : i32
        %broadcast_in_dim3A_710 = arith.constant 0 : i32
        %broadcast_in_dim3A_711 = vector.broadcast %broadcast_in_dim3A_710 : i32 to vector<16x1xi32>
        %gather3A = vector.shape_cast %broadcast_in_dim3A_711 : vector<16x1xi32> to vector<16xi32>
        %gather3A_712 = tpu.dynamic_gather %get3A_705[%gather3A] in [0] : vector<16xf32>, vector<16xi32> -> vector<16xf32>
        %get3A_713 = arith.constant 0 : i32
        %get3A_714 = arith.index_cast %get3A_713 : i32 to index
        %get3A_715 = arith.index_cast %select_n3A_666 : i32 to index
        %get3A_716 = arith.index_cast %add3A_709 : i32 to index
        %get3A_717 = arith.constant 0 : index
        %get3A_718 = tpu.vector_load %arg8[%get3A_714, %get3A_715, %get3A_716, %get3A_717] {strides = array<i32>} : memref<2x8x128x32xbf16, #tpu.memory_space<vmem>>, vector<32xbf16>,
        %bitcast3A = vector.bitcast %get3A_718 : vector<32xbf16> to vector<16xi32>
        %shift_left3A = arith.constant 16 : i32
        %shift_left3A_719 = vector.broadcast %shift_left3A : i32 to vector<16xi32>
        %shift_left3A_720 = arith.shli %bitcast3A, %shift_left3A_719 : vector<16xi32>
        %bitcast3A_721 = vector.bitcast %shift_left3A_720 : vector<16xi32> to vector<16xf32>
        %and3A_722 = arith.constant -65536 : i32
        %and3A_723 = vector.broadcast %and3A_722 : i32 to vector<16xi32>
        %and3A_724 = arith.andi %bitcast3A, %and3A_723 : vector<16xi32>
        %bitcast3A_725 = vector.bitcast %and3A_724 : vector<16xi32> to vector<16xf32>
        %mul3A_726 = arith.mulf %gather3A_712, %bitcast3A_721 : vector<16xf32>
        %add3A_727 = arith.addf %broadcast_in_dim3A_685, %mul3A_726 : vector<16xf32>
        %mul3A_728 = arith.mulf %gather3A_712, %bitcast3A_725 : vector<16xf32>
        %add3A_729 = arith.addf %broadcast_in_dim3A_693, %mul3A_728 : vector<16xf32>
        %add3A_730 = arith.constant 0 : i32
        %add3A_731 = arith.addi %mul3A_684, %add3A_730 : i32
        %add3A_732 = arith.constant 1 : i32
        %add3A_733 = arith.addi %add3A_731, %add3A_732 : i32
        %broadcast_in_dim3A_734 = arith.constant 1 : i32
        %broadcast_in_dim3A_735 = vector.broadcast %broadcast_in_dim3A_734 : i32 to vector<16x1xi32>
        %gather3A_736 = vector.shape_cast %broadcast_in_dim3A_735 : vector<16x1xi32> to vector<16xi32>
        %gather3A_737 = tpu.dynamic_gather %get3A_705[%gather3A_736] in [0] : vector<16xf32>, vector<16xi32> -> vector<16xf32>
        %get3A_738 = arith.constant 0 : i32
        %get3A_739 = arith.index_cast %get3A_738 : i32 to index
        %get3A_740 = arith.index_cast %select_n3A_666 : i32 to index
        %get3A_741 = arith.index_cast %add3A_733 : i32 to index
        %get3A_742 = arith.constant 0 : index
        %get3A_743 = tpu.vector_load %arg8[%get3A_739, %get3A_740, %get3A_741, %get3A_742] {strides = array<i32>} : memref<2x8x128x32xbf16, #tpu.memory_space<vmem>>, vector<32xbf16>,
        %bitcast3A_744 = vector.bitcast %get3A_743 : vector<32xbf16> to vector<16xi32>
        %shift_left3A_745 = arith.constant 16 : i32
        %shift_left3A_746 = vector.broadcast %shift_left3A_745 : i32 to vector<16xi32>
        %shift_left3A_747 = arith.shli %bitcast3A_744, %shift_left3A_746 : vector<16xi32>
        %bitcast3A_748 = vector.bitcast %shift_left3A_747 : vector<16xi32> to vector<16xf32>
        %and3A_749 = arith.constant -65536 : i32
        %and3A_750 = vector.broadcast %and3A_749 : i32 to vector<16xi32>
        %and3A_751 = arith.andi %bitcast3A_744, %and3A_750 : vector<16xi32>
        %bitcast3A_752 = vector.bitcast %and3A_751 : vector<16xi32> to vector<16xf32>
        %mul3A_753 = arith.mulf %gather3A_737, %bitcast3A_748 : vector<16xf32>
        %add3A_754 = arith.addf %broadcast_in_dim3A_687, %mul3A_753 : vector<16xf32>
        %mul3A_755 = arith.mulf %gather3A_737, %bitcast3A_752 : vector<16xf32>
        %add3A_756 = arith.addf %broadcast_in_dim3A_695, %mul3A_755 : vector<16xf32>
        %add3A_757 = arith.constant 0 : i32
        %add3A_758 = arith.addi %mul3A_684, %add3A_757 : i32
        %add3A_759 = arith.constant 2 : i32
        %add3A_760 = arith.addi %add3A_758, %add3A_759 : i32
        %broadcast_in_dim3A_761 = arith.constant 2 : i32
        %broadcast_in_dim3A_762 = vector.broadcast %broadcast_in_dim3A_761 : i32 to vector<16x1xi32>
        %gather3A_763 = vector.shape_cast %broadcast_in_dim3A_762 : vector<16x1xi32> to vector<16xi32>
        %gather3A_764 = tpu.dynamic_gather %get3A_705[%gather3A_763] in [0] : vector<16xf32>, vector<16xi32> -> vector<16xf32>
        %get3A_765 = arith.constant 0 : i32
        %get3A_766 = arith.index_cast %get3A_765 : i32 to index
        %get3A_767 = arith.index_cast %select_n3A_666 : i32 to index
        %get3A_768 = arith.index_cast %add3A_760 : i32 to index
        %get3A_769 = arith.constant 0 : index
        %get3A_770 = tpu.vector_load %arg8[%get3A_766, %get3A_767, %get3A_768, %get3A_769] {strides = array<i32>} : memref<2x8x128x32xbf16, #tpu.memory_space<vmem>>, vector<32xbf16>,
        %bitcast3A_771 = vector.bitcast %get3A_770 : vector<32xbf16> to vector<16xi32>
        %shift_left3A_772 = arith.constant 16 : i32
        %shift_left3A_773 = vector.broadcast %shift_left3A_772 : i32 to vector<16xi32>
        %shift_left3A_774 = arith.shli %bitcast3A_771, %shift_left3A_773 : vector<16xi32>
        %bitcast3A_775 = vector.bitcast %shift_left3A_774 : vector<16xi32> to vector<16xf32>
        %and3A_776 = arith.constant -65536 : i32
        %and3A_777 = vector.broadcast %and3A_776 : i32 to vector<16xi32>
        %and3A_778 = arith.andi %bitcast3A_771, %and3A_777 : vector<16xi32>
        %bitcast3A_779 = vector.bitcast %and3A_778 : vector<16xi32> to vector<16xf32>
        %mul3A_780 = arith.mulf %gather3A_764, %bitcast3A_775 : vector<16xf32>
        %add3A_781 = arith.addf %broadcast_in_dim3A_689, %mul3A_780 : vector<16xf32>
        %mul3A_782 = arith.mulf %gather3A_764, %bitcast3A_779 : vector<16xf32>
        %add3A_783 = arith.addf %broadcast_in_dim3A_697, %mul3A_782 : vector<16xf32>
        %add3A_784 = arith.constant 0 : i32
        %add3A_785 = arith.addi %mul3A_684, %add3A_784 : i32
        %add3A_786 = arith.constant 3 : i32
        %add3A_787 = arith.addi %add3A_785, %add3A_786 : i32
        %broadcast_in_dim3A_788 = arith.constant 3 : i32
        %broadcast_in_dim3A_789 = vector.broadcast %broadcast_in_dim3A_788 : i32 to vector<16x1xi32>
        %gather3A_790 = vector.shape_cast %broadcast_in_dim3A_789 : vector<16x1xi32> to vector<16xi32>
        %gather3A_791 = tpu.dynamic_gather %get3A_705[%gather3A_790] in [0] : vector<16xf32>, vector<16xi32> -> vector<16xf32>
        %get3A_792 = arith.constant 0 : i32
        %get3A_793 = arith.index_cast %get3A_792 : i32 to index
        %get3A_794 = arith.index_cast %select_n3A_666 : i32 to index
        %get3A_795 = arith.index_cast %add3A_787 : i32 to index
        %get3A_796 = arith.constant 0 : index
        %get3A_797 = tpu.vector_load %arg8[%get3A_793, %get3A_794, %get3A_795, %get3A_796] {strides = array<i32>} : memref<2x8x128x32xbf16, #tpu.memory_space<vmem>>, vector<32xbf16>,
        %bitcast3A_798 = vector.bitcast %get3A_797 : vector<32xbf16> to vector<16xi32>
        %shift_left3A_799 = arith.constant 16 : i32
        %shift_left3A_800 = vector.broadcast %shift_left3A_799 : i32 to vector<16xi32>
        %shift_left3A_801 = arith.shli %bitcast3A_798, %shift_left3A_800 : vector<16xi32>
        %bitcast3A_802 = vector.bitcast %shift_left3A_801 : vector<16xi32> to vector<16xf32>
        %and3A_803 = arith.constant -65536 : i32
        %and3A_804 = vector.broadcast %and3A_803 : i32 to vector<16xi32>
        %and3A_805 = arith.andi %bitcast3A_798, %and3A_804 : vector<16xi32>
        %bitcast3A_806 = vector.bitcast %and3A_805 : vector<16xi32> to vector<16xf32>
        %mul3A_807 = arith.mulf %gather3A_791, %bitcast3A_802 : vector<16xf32>
        %add3A_808 = arith.addf %broadcast_in_dim3A_691, %mul3A_807 : vector<16xf32>
        %mul3A_809 = arith.mulf %gather3A_791, %bitcast3A_806 : vector<16xf32>
        %add3A_810 = arith.addf %broadcast_in_dim3A_699, %mul3A_809 : vector<16xf32>
        %add3A_811 = arith.constant 0 : i32
        %add3A_812 = arith.addi %mul3A_684, %add3A_811 : i32
        %add3A_813 = arith.constant 4 : i32
        %add3A_814 = arith.addi %add3A_812, %add3A_813 : i32
        %broadcast_in_dim3A_815 = arith.constant 4 : i32
        %broadcast_in_dim3A_816 = vector.broadcast %broadcast_in_dim3A_815 : i32 to vector<16x1xi32>
        %gather3A_817 = vector.shape_cast %broadcast_in_dim3A_816 : vector<16x1xi32> to vector<16xi32>
        %gather3A_818 = tpu.dynamic_gather %get3A_705[%gather3A_817] in [0] : vector<16xf32>, vector<16xi32> -> vector<16xf32>
        %get3A_819 = arith.constant 0 : i32
        %get3A_820 = arith.index_cast %get3A_819 : i32 to index
        %get3A_821 = arith.index_cast %select_n3A_666 : i32 to index
        %get3A_822 = arith.index_cast %add3A_814 : i32 to index
        %get3A_823 = arith.constant 0 : index
        %get3A_824 = tpu.vector_load %arg8[%get3A_820, %get3A_821, %get3A_822, %get3A_823] {strides = array<i32>} : memref<2x8x128x32xbf16, #tpu.memory_space<vmem>>, vector<32xbf16>,
        %bitcast3A_825 = vector.bitcast %get3A_824 : vector<32xbf16> to vector<16xi32>
        %shift_left3A_826 = arith.constant 16 : i32
        %shift_left3A_827 = vector.broadcast %shift_left3A_826 : i32 to vector<16xi32>
        %shift_left3A_828 = arith.shli %bitcast3A_825, %shift_left3A_827 : vector<16xi32>
        %bitcast3A_829 = vector.bitcast %shift_left3A_828 : vector<16xi32> to vector<16xf32>
        %and3A_830 = arith.constant -65536 : i32
        %and3A_831 = vector.broadcast %and3A_830 : i32 to vector<16xi32>
        %and3A_832 = arith.andi %bitcast3A_825, %and3A_831 : vector<16xi32>
        %bitcast3A_833 = vector.bitcast %and3A_832 : vector<16xi32> to vector<16xf32>
        %mul3A_834 = arith.mulf %gather3A_818, %bitcast3A_829 : vector<16xf32>
        %add3A_835 = arith.addf %add3A_727, %mul3A_834 : vector<16xf32>
        %mul3A_836 = arith.mulf %gather3A_818, %bitcast3A_833 : vector<16xf32>
        %add3A_837 = arith.addf %add3A_729, %mul3A_836 : vector<16xf32>
        %add3A_838 = arith.constant 0 : i32
        %add3A_839 = arith.addi %mul3A_684, %add3A_838 : i32
        %add3A_840 = arith.constant 5 : i32
        %add3A_841 = arith.addi %add3A_839, %add3A_840 : i32
        %broadcast_in_dim3A_842 = arith.constant 5 : i32
        %broadcast_in_dim3A_843 = vector.broadcast %broadcast_in_dim3A_842 : i32 to vector<16x1xi32>
        %gather3A_844 = vector.shape_cast %broadcast_in_dim3A_843 : vector<16x1xi32> to vector<16xi32>
        %gather3A_845 = tpu.dynamic_gather %get3A_705[%gather3A_844] in [0] : vector<16xf32>, vector<16xi32> -> vector<16xf32>
        %get3A_846 = arith.constant 0 : i32
        %get3A_847 = arith.index_cast %get3A_846 : i32 to index
        %get3A_848 = arith.index_cast %select_n3A_666 : i32 to index
        %get3A_849 = arith.index_cast %add3A_841 : i32 to index
        %get3A_850 = arith.constant 0 : index
        %get3A_851 = tpu.vector_load %arg8[%get3A_847, %get3A_848, %get3A_849, %get3A_850] {strides = array<i32>} : memref<2x8x128x32xbf16, #tpu.memory_space<vmem>>, vector<32xbf16>,
        %bitcast3A_852 = vector.bitcast %get3A_851 : vector<32xbf16> to vector<16xi32>
        %shift_left3A_853 = arith.constant 16 : i32
        %shift_left3A_854 = vector.broadcast %shift_left3A_853 : i32 to vector<16xi32>
        %shift_left3A_855 = arith.shli %bitcast3A_852, %shift_left3A_854 : vector<16xi32>
        %bitcast3A_856 = vector.bitcast %shift_left3A_855 : vector<16xi32> to vector<16xf32>
        %and3A_857 = arith.constant -65536 : i32
        %and3A_858 = vector.broadcast %and3A_857 : i32 to vector<16xi32>
        %and3A_859 = arith.andi %bitcast3A_852, %and3A_858 : vector<16xi32>
        %bitcast3A_860 = vector.bitcast %and3A_859 : vector<16xi32> to vector<16xf32>
        %mul3A_861 = arith.mulf %gather3A_845, %bitcast3A_856 : vector<16xf32>
        %add3A_862 = arith.addf %add3A_754, %mul3A_861 : vector<16xf32>
        %mul3A_863 = arith.mulf %gather3A_845, %bitcast3A_860 : vector<16xf32>
        %add3A_864 = arith.addf %add3A_756, %mul3A_863 : vector<16xf32>
        %add3A_865 = arith.constant 0 : i32
        %add3A_866 = arith.addi %mul3A_684, %add3A_865 : i32
        %add3A_867 = arith.constant 6 : i32
        %add3A_868 = arith.addi %add3A_866, %add3A_867 : i32
        %broadcast_in_dim3A_869 = arith.constant 6 : i32
        %broadcast_in_dim3A_870 = vector.broadcast %broadcast_in_dim3A_869 : i32 to vector<16x1xi32>
        %gather3A_871 = vector.shape_cast %broadcast_in_dim3A_870 : vector<16x1xi32> to vector<16xi32>
        %gather3A_872 = tpu.dynamic_gather %get3A_705[%gather3A_871] in [0] : vector<16xf32>, vector<16xi32> -> vector<16xf32>
        %get3A_873 = arith.constant 0 : i32
        %get3A_874 = arith.index_cast %get3A_873 : i32 to index
        %get3A_875 = arith.index_cast %select_n3A_666 : i32 to index
        %get3A_876 = arith.index_cast %add3A_868 : i32 to index
        %get3A_877 = arith.constant 0 : index
        %get3A_878 = tpu.vector_load %arg8[%get3A_874, %get3A_875, %get3A_876, %get3A_877] {strides = array<i32>} : memref<2x8x128x32xbf16, #tpu.memory_space<vmem>>, vector<32xbf16>,
        %bitcast3A_879 = vector.bitcast %get3A_878 : vector<32xbf16> to vector<16xi32>
        %shift_left3A_880 = arith.constant 16 : i32
        %shift_left3A_881 = vector.broadcast %shift_left3A_880 : i32 to vector<16xi32>
        %shift_left3A_882 = arith.shli %bitcast3A_879, %shift_left3A_881 : vector<16xi32>
        %bitcast3A_883 = vector.bitcast %shift_left3A_882 : vector<16xi32> to vector<16xf32>
        %and3A_884 = arith.constant -65536 : i32
        %and3A_885 = vector.broadcast %and3A_884 : i32 to vector<16xi32>
        %and3A_886 = arith.andi %bitcast3A_879, %and3A_885 : vector<16xi32>
        %bitcast3A_887 = vector.bitcast %and3A_886 : vector<16xi32> to vector<16xf32>
        %mul3A_888 = arith.mulf %gather3A_872, %bitcast3A_883 : vector<16xf32>
        %add3A_889 = arith.addf %add3A_781, %mul3A_888 : vector<16xf32>
        %mul3A_890 = arith.mulf %gather3A_872, %bitcast3A_887 : vector<16xf32>
        %add3A_891 = arith.addf %add3A_783, %mul3A_890 : vector<16xf32>
        %add3A_892 = arith.constant 0 : i32
        %add3A_893 = arith.addi %mul3A_684, %add3A_892 : i32
        %add3A_894 = arith.constant 7 : i32
        %add3A_895 = arith.addi %add3A_893, %add3A_894 : i32
        %broadcast_in_dim3A_896 = arith.constant 7 : i32
        %broadcast_in_dim3A_897 = vector.broadcast %broadcast_in_dim3A_896 : i32 to vector<16x1xi32>
        %gather3A_898 = vector.shape_cast %broadcast_in_dim3A_897 : vector<16x1xi32> to vector<16xi32>
        %gather3A_899 = tpu.dynamic_gather %get3A_705[%gather3A_898] in [0] : vector<16xf32>, vector<16xi32> -> vector<16xf32>
        %get3A_900 = arith.constant 0 : i32
        %get3A_901 = arith.index_cast %get3A_900 : i32 to index
        %get3A_902 = arith.index_cast %select_n3A_666 : i32 to index
        %get3A_903 = arith.index_cast %add3A_895 : i32 to index
        %get3A_904 = arith.constant 0 : index
        %get3A_905 = tpu.vector_load %arg8[%get3A_901, %get3A_902, %get3A_903, %get3A_904] {strides = array<i32>} : memref<2x8x128x32xbf16, #tpu.memory_space<vmem>>, vector<32xbf16>,
        %bitcast3A_906 = vector.bitcast %get3A_905 : vector<32xbf16> to vector<16xi32>
        %shift_left3A_907 = arith.constant 16 : i32
        %shift_left3A_908 = vector.broadcast %shift_left3A_907 : i32 to vector<16xi32>
        %shift_left3A_909 = arith.shli %bitcast3A_906, %shift_left3A_908 : vector<16xi32>
        %bitcast3A_910 = vector.bitcast %shift_left3A_909 : vector<16xi32> to vector<16xf32>
        %and3A_911 = arith.constant -65536 : i32
        %and3A_912 = vector.broadcast %and3A_911 : i32 to vector<16xi32>
        %and3A_913 = arith.andi %bitcast3A_906, %and3A_912 : vector<16xi32>
        %bitcast3A_914 = vector.bitcast %and3A_913 : vector<16xi32> to vector<16xf32>
        %mul3A_915 = arith.mulf %gather3A_899, %bitcast3A_910 : vector<16xf32>
        %add3A_916 = arith.addf %add3A_808, %mul3A_915 : vector<16xf32>
        %mul3A_917 = arith.mulf %gather3A_899, %bitcast3A_914 : vector<16xf32>
        %add3A_918 = arith.addf %add3A_810, %mul3A_917 : vector<16xf32>
        %add3A_919 = arith.constant 0 : i32
        %add3A_920 = arith.addi %mul3A_684, %add3A_919 : i32
        %add3A_921 = arith.constant 8 : i32
        %add3A_922 = arith.addi %add3A_920, %add3A_921 : i32
        %broadcast_in_dim3A_923 = arith.constant 8 : i32
        %broadcast_in_dim3A_924 = vector.broadcast %broadcast_in_dim3A_923 : i32 to vector<16x1xi32>
        %gather3A_925 = vector.shape_cast %broadcast_in_dim3A_924 : vector<16x1xi32> to vector<16xi32>
        %gather3A_926 = tpu.dynamic_gather %get3A_705[%gather3A_925] in [0] : vector<16xf32>, vector<16xi32> -> vector<16xf32>
        %get3A_927 = arith.constant 0 : i32
        %get3A_928 = arith.index_cast %get3A_927 : i32 to index
        %get3A_929 = arith.index_cast %select_n3A_666 : i32 to index
        %get3A_930 = arith.index_cast %add3A_922 : i32 to index
        %get3A_931 = arith.constant 0 : index
        %get3A_932 = tpu.vector_load %arg8[%get3A_928, %get3A_929, %get3A_930, %get3A_931] {strides = array<i32>} : memref<2x8x128x32xbf16, #tpu.memory_space<vmem>>, vector<32xbf16>,
        %bitcast3A_933 = vector.bitcast %get3A_932 : vector<32xbf16> to vector<16xi32>
        %shift_left3A_934 = arith.constant 16 : i32
        %shift_left3A_935 = vector.broadcast %shift_left3A_934 : i32 to vector<16xi32>
        %shift_left3A_936 = arith.shli %bitcast3A_933, %shift_left3A_935 : vector<16xi32>
        %bitcast3A_937 = vector.bitcast %shift_left3A_936 : vector<16xi32> to vector<16xf32>
        %and3A_938 = arith.constant -65536 : i32
        %and3A_939 = vector.broadcast %and3A_938 : i32 to vector<16xi32>
        %and3A_940 = arith.andi %bitcast3A_933, %and3A_939 : vector<16xi32>
        %bitcast3A_941 = vector.bitcast %and3A_940 : vector<16xi32> to vector<16xf32>
        %mul3A_942 = arith.mulf %gather3A_926, %bitcast3A_937 : vector<16xf32>
        %add3A_943 = arith.addf %add3A_835, %mul3A_942 : vector<16xf32>
        %mul3A_944 = arith.mulf %gather3A_926, %bitcast3A_941 : vector<16xf32>
        %add3A_945 = arith.addf %add3A_837, %mul3A_944 : vector<16xf32>
        %add3A_946 = arith.constant 0 : i32
        %add3A_947 = arith.addi %mul3A_684, %add3A_946 : i32
        %add3A_948 = arith.constant 9 : i32
        %add3A_949 = arith.addi %add3A_947, %add3A_948 : i32
        %broadcast_in_dim3A_950 = arith.constant 9 : i32
        %broadcast_in_dim3A_951 = vector.broadcast %broadcast_in_dim3A_950 : i32 to vector<16x1xi32>
        %gather3A_952 = vector.shape_cast %broadcast_in_dim3A_951 : vector<16x1xi32> to vector<16xi32>
        %gather3A_953 = tpu.dynamic_gather %get3A_705[%gather3A_952] in [0] : vector<16xf32>, vector<16xi32> -> vector<16xf32>
        %get3A_954 = arith.constant 0 : i32
        %get3A_955 = arith.index_cast %get3A_954 : i32 to index
        %get3A_956 = arith.index_cast %select_n3A_666 : i32 to index
        %get3A_957 = arith.index_cast %add3A_949 : i32 to index
        %get3A_958 = arith.constant 0 : index
        %get3A_959 = tpu.vector_load %arg8[%get3A_955, %get3A_956, %get3A_957, %get3A_958] {strides = array<i32>} : memref<2x8x128x32xbf16, #tpu.memory_space<vmem>>, vector<32xbf16>,
        %bitcast3A_960 = vector.bitcast %get3A_959 : vector<32xbf16> to vector<16xi32>
        %shift_left3A_961 = arith.constant 16 : i32
        %shift_left3A_962 = vector.broadcast %shift_left3A_961 : i32 to vector<16xi32>
        %shift_left3A_963 = arith.shli %bitcast3A_960, %shift_left3A_962 : vector<16xi32>
        %bitcast3A_964 = vector.bitcast %shift_left3A_963 : vector<16xi32> to vector<16xf32>
        %and3A_965 = arith.constant -65536 : i32
        %and3A_966 = vector.broadcast %and3A_965 : i32 to vector<16xi32>
        %and3A_967 = arith.andi %bitcast3A_960, %and3A_966 : vector<16xi32>
        %bitcast3A_968 = vector.bitcast %and3A_967 : vector<16xi32> to vector<16xf32>
        %mul3A_969 = arith.mulf %gather3A_953, %bitcast3A_964 : vector<16xf32>
        %add3A_970 = arith.addf %add3A_862, %mul3A_969 : vector<16xf32>
        %mul3A_971 = arith.mulf %gather3A_953, %bitcast3A_968 : vector<16xf32>
        %add3A_972 = arith.addf %add3A_864, %mul3A_971 : vector<16xf32>
        %add3A_973 = arith.constant 0 : i32
        %add3A_974 = arith.addi %mul3A_684, %add3A_973 : i32
        %add3A_975 = arith.constant 10 : i32
        %add3A_976 = arith.addi %add3A_974, %add3A_975 : i32
        %broadcast_in_dim3A_977 = arith.constant 10 : i32
        %broadcast_in_dim3A_978 = vector.broadcast %broadcast_in_dim3A_977 : i32 to vector<16x1xi32>
        %gather3A_979 = vector.shape_cast %broadcast_in_dim3A_978 : vector<16x1xi32> to vector<16xi32>
        %gather3A_980 = tpu.dynamic_gather %get3A_705[%gather3A_979] in [0] : vector<16xf32>, vector<16xi32> -> vector<16xf32>
        %get3A_981 = arith.constant 0 : i32
        %get3A_982 = arith.index_cast %get3A_981 : i32 to index
        %get3A_983 = arith.index_cast %select_n3A_666 : i32 to index
        %get3A_984 = arith.index_cast %add3A_976 : i32 to index
        %get3A_985 = arith.constant 0 : index
        %get3A_986 = tpu.vector_load %arg8[%get3A_982, %get3A_983, %get3A_984, %get3A_985] {strides = array<i32>} : memref<2x8x128x32xbf16, #tpu.memory_space<vmem>>, vector<32xbf16>,
        %bitcast3A_987 = vector.bitcast %get3A_986 : vector<32xbf16> to vector<16xi32>
        %shift_left3A_988 = arith.constant 16 : i32
        %shift_left3A_989 = vector.broadcast %shift_left3A_988 : i32 to vector<16xi32>
        %shift_left3A_990 = arith.shli %bitcast3A_987, %shift_left3A_989 : vector<16xi32>
        %bitcast3A_991 = vector.bitcast %shift_left3A_990 : vector<16xi32> to vector<16xf32>
        %and3A_992 = arith.constant -65536 : i32
        %and3A_993 = vector.broadcast %and3A_992 : i32 to vector<16xi32>
        %and3A_994 = arith.andi %bitcast3A_987, %and3A_993 : vector<16xi32>
        %bitcast3A_995 = vector.bitcast %and3A_994 : vector<16xi32> to vector<16xf32>
        %mul3A_996 = arith.mulf %gather3A_980, %bitcast3A_991 : vector<16xf32>
        %add3A_997 = arith.addf %add3A_889, %mul3A_996 : vector<16xf32>
        %mul3A_998 = arith.mulf %gather3A_980, %bitcast3A_995 : vector<16xf32>
        %add3A_999 = arith.addf %add3A_891, %mul3A_998 : vector<16xf32>
        %add3A_1000 = arith.constant 0 : i32
        %add3A_1001 = arith.addi %mul3A_684, %add3A_1000 : i32
        %add3A_1002 = arith.constant 11 : i32
        %add3A_1003 = arith.addi %add3A_1001, %add3A_1002 : i32
        %broadcast_in_dim3A_1004 = arith.constant 11 : i32
        %broadcast_in_dim3A_1005 = vector.broadcast %broadcast_in_dim3A_1004 : i32 to vector<16x1xi32>
        %gather3A_1006 = vector.shape_cast %broadcast_in_dim3A_1005 : vector<16x1xi32> to vector<16xi32>
        %gather3A_1007 = tpu.dynamic_gather %get3A_705[%gather3A_1006] in [0] : vector<16xf32>, vector<16xi32> -> vector<16xf32>
        %get3A_1008 = arith.constant 0 : i32
        %get3A_1009 = arith.index_cast %get3A_1008 : i32 to index
        %get3A_1010 = arith.index_cast %select_n3A_666 : i32 to index
        %get3A_1011 = arith.index_cast %add3A_1003 : i32 to index
        %get3A_1012 = arith.constant 0 : index
        %get3A_1013 = tpu.vector_load %arg8[%get3A_1009, %get3A_1010, %get3A_1011, %get3A_1012] {strides = array<i32>} : memref<2x8x128x32xbf16, #tpu.memory_space<vmem>>, vector<32xbf16>,
        %bitcast3A_1014 = vector.bitcast %get3A_1013 : vector<32xbf16> to vector<16xi32>
        %shift_left3A_1015 = arith.constant 16 : i32
        %shift_left3A_1016 = vector.broadcast %shift_left3A_1015 : i32 to vector<16xi32>
        %shift_left3A_1017 = arith.shli %bitcast3A_1014, %shift_left3A_1016 : vector<16xi32>
        %bitcast3A_1018 = vector.bitcast %shift_left3A_1017 : vector<16xi32> to vector<16xf32>
        %and3A_1019 = arith.constant -65536 : i32
        %and3A_1020 = vector.broadcast %and3A_1019 : i32 to vector<16xi32>
        %and3A_1021 = arith.andi %bitcast3A_1014, %and3A_1020 : vector<16xi32>
        %bitcast3A_1022 = vector.bitcast %and3A_1021 : vector<16xi32> to vector<16xf32>
        %mul3A_1023 = arith.mulf %gather3A_1007, %bitcast3A_1018 : vector<16xf32>
        %add3A_1024 = arith.addf %add3A_916, %mul3A_1023 : vector<16xf32>
        %mul3A_1025 = arith.mulf %gather3A_1007, %bitcast3A_1022 : vector<16xf32>
        %add3A_1026 = arith.addf %add3A_918, %mul3A_1025 : vector<16xf32>
        %add3A_1027 = arith.constant 0 : i32
        %add3A_1028 = arith.addi %mul3A_684, %add3A_1027 : i32
        %add3A_1029 = arith.constant 12 : i32
        %add3A_1030 = arith.addi %add3A_1028, %add3A_1029 : i32
        %broadcast_in_dim3A_1031 = arith.constant 12 : i32
        %broadcast_in_dim3A_1032 = vector.broadcast %broadcast_in_dim3A_1031 : i32 to vector<16x1xi32>
        %gather3A_1033 = vector.shape_cast %broadcast_in_dim3A_1032 : vector<16x1xi32> to vector<16xi32>
        %gather3A_1034 = tpu.dynamic_gather %get3A_705[%gather3A_1033] in [0] : vector<16xf32>, vector<16xi32> -> vector<16xf32>
        %get3A_1035 = arith.constant 0 : i32
        %get3A_1036 = arith.index_cast %get3A_1035 : i32 to index
        %get3A_1037 = arith.index_cast %select_n3A_666 : i32 to index
        %get3A_1038 = arith.index_cast %add3A_1030 : i32 to index
        %get3A_1039 = arith.constant 0 : index
        %get3A_1040 = tpu.vector_load %arg8[%get3A_1036, %get3A_1037, %get3A_1038, %get3A_1039] {strides = array<i32>} : memref<2x8x128x32xbf16, #tpu.memory_space<vmem>>, vector<32xbf16>,
        %bitcast3A_1041 = vector.bitcast %get3A_1040 : vector<32xbf16> to vector<16xi32>
        %shift_left3A_1042 = arith.constant 16 : i32
        %shift_left3A_1043 = vector.broadcast %shift_left3A_1042 : i32 to vector<16xi32>
        %shift_left3A_1044 = arith.shli %bitcast3A_1041, %shift_left3A_1043 : vector<16xi32>
        %bitcast3A_1045 = vector.bitcast %shift_left3A_1044 : vector<16xi32> to vector<16xf32>
        %and3A_1046 = arith.constant -65536 : i32
        %and3A_1047 = vector.broadcast %and3A_1046 : i32 to vector<16xi32>
        %and3A_1048 = arith.andi %bitcast3A_1041, %and3A_1047 : vector<16xi32>
        %bitcast3A_1049 = vector.bitcast %and3A_1048 : vector<16xi32> to vector<16xf32>
        %mul3A_1050 = arith.mulf %gather3A_1034, %bitcast3A_1045 : vector<16xf32>
        %add3A_1051 = arith.addf %add3A_943, %mul3A_1050 : vector<16xf32>
        %mul3A_1052 = arith.mulf %gather3A_1034, %bitcast3A_1049 : vector<16xf32>
        %add3A_1053 = arith.addf %add3A_945, %mul3A_1052 : vector<16xf32>
        %add3A_1054 = arith.constant 0 : i32
        %add3A_1055 = arith.addi %mul3A_684, %add3A_1054 : i32
        %add3A_1056 = arith.constant 13 : i32
        %add3A_1057 = arith.addi %add3A_1055, %add3A_1056 : i32
        %broadcast_in_dim3A_1058 = arith.constant 13 : i32
        %broadcast_in_dim3A_1059 = vector.broadcast %broadcast_in_dim3A_1058 : i32 to vector<16x1xi32>
        %gather3A_1060 = vector.shape_cast %broadcast_in_dim3A_1059 : vector<16x1xi32> to vector<16xi32>
        %gather3A_1061 = tpu.dynamic_gather %get3A_705[%gather3A_1060] in [0] : vector<16xf32>, vector<16xi32> -> vector<16xf32>
        %get3A_1062 = arith.constant 0 : i32
        %get3A_1063 = arith.index_cast %get3A_1062 : i32 to index
        %get3A_1064 = arith.index_cast %select_n3A_666 : i32 to index
        %get3A_1065 = arith.index_cast %add3A_1057 : i32 to index
        %get3A_1066 = arith.constant 0 : index
        %get3A_1067 = tpu.vector_load %arg8[%get3A_1063, %get3A_1064, %get3A_1065, %get3A_1066] {strides = array<i32>} : memref<2x8x128x32xbf16, #tpu.memory_space<vmem>>, vector<32xbf16>,
        %bitcast3A_1068 = vector.bitcast %get3A_1067 : vector<32xbf16> to vector<16xi32>
        %shift_left3A_1069 = arith.constant 16 : i32
        %shift_left3A_1070 = vector.broadcast %shift_left3A_1069 : i32 to vector<16xi32>
        %shift_left3A_1071 = arith.shli %bitcast3A_1068, %shift_left3A_1070 : vector<16xi32>
        %bitcast3A_1072 = vector.bitcast %shift_left3A_1071 : vector<16xi32> to vector<16xf32>
        %and3A_1073 = arith.constant -65536 : i32
        %and3A_1074 = vector.broadcast %and3A_1073 : i32 to vector<16xi32>
        %and3A_1075 = arith.andi %bitcast3A_1068, %and3A_1074 : vector<16xi32>
        %bitcast3A_1076 = vector.bitcast %and3A_1075 : vector<16xi32> to vector<16xf32>
        %mul3A_1077 = arith.mulf %gather3A_1061, %bitcast3A_1072 : vector<16xf32>
        %add3A_1078 = arith.addf %add3A_970, %mul3A_1077 : vector<16xf32>
        %mul3A_1079 = arith.mulf %gather3A_1061, %bitcast3A_1076 : vector<16xf32>
        %add3A_1080 = arith.addf %add3A_972, %mul3A_1079 : vector<16xf32>
        %add3A_1081 = arith.constant 0 : i32
        %add3A_1082 = arith.addi %mul3A_684, %add3A_1081 : i32
        %add3A_1083 = arith.constant 14 : i32
        %add3A_1084 = arith.addi %add3A_1082, %add3A_1083 : i32
        %broadcast_in_dim3A_1085 = arith.constant 14 : i32
        %broadcast_in_dim3A_1086 = vector.broadcast %broadcast_in_dim3A_1085 : i32 to vector<16x1xi32>
        %gather3A_1087 = vector.shape_cast %broadcast_in_dim3A_1086 : vector<16x1xi32> to vector<16xi32>
        %gather3A_1088 = tpu.dynamic_gather %get3A_705[%gather3A_1087] in [0] : vector<16xf32>, vector<16xi32> -> vector<16xf32>
        %get3A_1089 = arith.constant 0 : i32
        %get3A_1090 = arith.index_cast %get3A_1089 : i32 to index
        %get3A_1091 = arith.index_cast %select_n3A_666 : i32 to index
        %get3A_1092 = arith.index_cast %add3A_1084 : i32 to index
        %get3A_1093 = arith.constant 0 : index
        %get3A_1094 = tpu.vector_load %arg8[%get3A_1090, %get3A_1091, %get3A_1092, %get3A_1093] {strides = array<i32>} : memref<2x8x128x32xbf16, #tpu.memory_space<vmem>>, vector<32xbf16>,
        %bitcast3A_1095 = vector.bitcast %get3A_1094 : vector<32xbf16> to vector<16xi32>
        %shift_left3A_1096 = arith.constant 16 : i32
        %shift_left3A_1097 = vector.broadcast %shift_left3A_1096 : i32 to vector<16xi32>
        %shift_left3A_1098 = arith.shli %bitcast3A_1095, %shift_left3A_1097 : vector<16xi32>
        %bitcast3A_1099 = vector.bitcast %shift_left3A_1098 : vector<16xi32> to vector<16xf32>
        %and3A_1100 = arith.constant -65536 : i32
        %and3A_1101 = vector.broadcast %and3A_1100 : i32 to vector<16xi32>
        %and3A_1102 = arith.andi %bitcast3A_1095, %and3A_1101 : vector<16xi32>
        %bitcast3A_1103 = vector.bitcast %and3A_1102 : vector<16xi32> to vector<16xf32>
        %mul3A_1104 = arith.mulf %gather3A_1088, %bitcast3A_1099 : vector<16xf32>
        %add3A_1105 = arith.addf %add3A_997, %mul3A_1104 : vector<16xf32>
        %mul3A_1106 = arith.mulf %gather3A_1088, %bitcast3A_1103 : vector<16xf32>
        %add3A_1107 = arith.addf %add3A_999, %mul3A_1106 : vector<16xf32>
        %add3A_1108 = arith.constant 0 : i32
        %add3A_1109 = arith.addi %mul3A_684, %add3A_1108 : i32
        %add3A_1110 = arith.constant 15 : i32
        %add3A_1111 = arith.addi %add3A_1109, %add3A_1110 : i32
        %broadcast_in_dim3A_1112 = arith.constant 15 : i32
        %broadcast_in_dim3A_1113 = vector.broadcast %broadcast_in_dim3A_1112 : i32 to vector<16x1xi32>
        %gather3A_1114 = vector.shape_cast %broadcast_in_dim3A_1113 : vector<16x1xi32> to vector<16xi32>
        %gather3A_1115 = tpu.dynamic_gather %get3A_705[%gather3A_1114] in [0] : vector<16xf32>, vector<16xi32> -> vector<16xf32>
        %get3A_1116 = arith.constant 0 : i32
        %get3A_1117 = arith.index_cast %get3A_1116 : i32 to index
        %get3A_1118 = arith.index_cast %select_n3A_666 : i32 to index
        %get3A_1119 = arith.index_cast %add3A_1111 : i32 to index
        %get3A_1120 = arith.constant 0 : index
        %get3A_1121 = tpu.vector_load %arg8[%get3A_1117, %get3A_1118, %get3A_1119, %get3A_1120] {strides = array<i32>} : memref<2x8x128x32xbf16, #tpu.memory_space<vmem>>, vector<32xbf16>,
        %bitcast3A_1122 = vector.bitcast %get3A_1121 : vector<32xbf16> to vector<16xi32>
        %shift_left3A_1123 = arith.constant 16 : i32
        %shift_left3A_1124 = vector.broadcast %shift_left3A_1123 : i32 to vector<16xi32>
        %shift_left3A_1125 = arith.shli %bitcast3A_1122, %shift_left3A_1124 : vector<16xi32>
        %bitcast3A_1126 = vector.bitcast %shift_left3A_1125 : vector<16xi32> to vector<16xf32>
        %and3A_1127 = arith.constant -65536 : i32
        %and3A_1128 = vector.broadcast %and3A_1127 : i32 to vector<16xi32>
        %and3A_1129 = arith.andi %bitcast3A_1122, %and3A_1128 : vector<16xi32>
        %bitcast3A_1130 = vector.bitcast %and3A_1129 : vector<16xi32> to vector<16xf32>
        %mul3A_1131 = arith.mulf %gather3A_1115, %bitcast3A_1126 : vector<16xf32>
        %add3A_1132 = arith.addf %add3A_1024, %mul3A_1131 : vector<16xf32>
        %mul3A_1133 = arith.mulf %gather3A_1115, %bitcast3A_1130 : vector<16xf32>
        %add3A_1134 = arith.addf %add3A_1026, %mul3A_1133 : vector<16xf32>
        %add3A_1135 = arith.constant 16 : i32
        %add3A_1136 = arith.addi %mul3A_684, %add3A_1135 : i32
        %get3A_1137 = arith.constant 0 : i32
        %get3A_1138 = arith.index_cast %get3A_1137 : i32 to index
        %get3A_1139 = arith.index_cast %select_n3A_666 : i32 to index
        %get3A_1140 = arith.index_cast %add3A_1136 : i32 to index
        %get3A_1141 = tpu.vector_load %arg7[%get3A_1138, %get3A_1139, %get3A_1140] {strides = array<i32>} : memref<2x8x128xf32, #tpu.memory_space<vmem>>, vector<16xf32>,
        %add3A_1142 = arith.constant 16 : i32
        %add3A_1143 = arith.addi %mul3A_684, %add3A_1142 : i32
        %add3A_1144 = arith.constant 0 : i32
        %add3A_1145 = arith.addi %add3A_1143, %add3A_1144 : i32
        %broadcast_in_dim3A_1146 = arith.constant 0 : i32
        %broadcast_in_dim3A_1147 = vector.broadcast %broadcast_in_dim3A_1146 : i32 to vector<16x1xi32>
        %gather3A_1148 = vector.shape_cast %broadcast_in_dim3A_1147 : vector<16x1xi32> to vector<16xi32>
        %gather3A_1149 = tpu.dynamic_gather %get3A_1141[%gather3A_1148] in [0] : vector<16xf32>, vector<16xi32> -> vector<16xf32>
        %get3A_1150 = arith.constant 0 : i32
        %get3A_1151 = arith.index_cast %get3A_1150 : i32 to index
        %get3A_1152 = arith.index_cast %select_n3A_666 : i32 to index
        %get3A_1153 = arith.index_cast %add3A_1145 : i32 to index
        %get3A_1154 = arith.constant 0 : index
        %get3A_1155 = tpu.vector_load %arg8[%get3A_1151, %get3A_1152, %get3A_1153, %get3A_1154] {strides = array<i32>} : memref<2x8x128x32xbf16, #tpu.memory_space<vmem>>, vector<32xbf16>,
        %bitcast3A_1156 = vector.bitcast %get3A_1155 : vector<32xbf16> to vector<16xi32>
        %shift_left3A_1157 = arith.constant 16 : i32
        %shift_left3A_1158 = vector.broadcast %shift_left3A_1157 : i32 to vector<16xi32>
        %shift_left3A_1159 = arith.shli %bitcast3A_1156, %shift_left3A_1158 : vector<16xi32>
        %bitcast3A_1160 = vector.bitcast %shift_left3A_1159 : vector<16xi32> to vector<16xf32>
        %and3A_1161 = arith.constant -65536 : i32
        %and3A_1162 = vector.broadcast %and3A_1161 : i32 to vector<16xi32>
        %and3A_1163 = arith.andi %bitcast3A_1156, %and3A_1162 : vector<16xi32>
        %bitcast3A_1164 = vector.bitcast %and3A_1163 : vector<16xi32> to vector<16xf32>
        %mul3A_1165 = arith.mulf %gather3A_1149, %bitcast3A_1160 : vector<16xf32>
        %add3A_1166 = arith.addf %add3A_1051, %mul3A_1165 : vector<16xf32>
        %mul3A_1167 = arith.mulf %gather3A_1149, %bitcast3A_1164 : vector<16xf32>
        %add3A_1168 = arith.addf %add3A_1053, %mul3A_1167 : vector<16xf32>
        %add3A_1169 = arith.constant 16 : i32
        %add3A_1170 = arith.addi %mul3A_684, %add3A_1169 : i32
        %add3A_1171 = arith.constant 1 : i32
        %add3A_1172 = arith.addi %add3A_1170, %add3A_1171 : i32
        %broadcast_in_dim3A_1173 = arith.constant 1 : i32
        %broadcast_in_dim3A_1174 = vector.broadcast %broadcast_in_dim3A_1173 : i32 to vector<16x1xi32>
        %gather3A_1175 = vector.shape_cast %broadcast_in_dim3A_1174 : vector<16x1xi32> to vector<16xi32>
        %gather3A_1176 = tpu.dynamic_gather %get3A_1141[%gather3A_1175] in [0] : vector<16xf32>, vector<16xi32> -> vector<16xf32>
        %get3A_1177 = arith.constant 0 : i32
        %get3A_1178 = arith.index_cast %get3A_1177 : i32 to index
        %get3A_1179 = arith.index_cast %select_n3A_666 : i32 to index
        %get3A_1180 = arith.index_cast %add3A_1172 : i32 to index
        %get3A_1181 = arith.constant 0 : index
        %get3A_1182 = tpu.vector_load %arg8[%get3A_1178, %get3A_1179, %get3A_1180, %get3A_1181] {strides = array<i32>} : memref<2x8x128x32xbf16, #tpu.memory_space<vmem>>, vector<32xbf16>,
        %bitcast3A_1183 = vector.bitcast %get3A_1182 : vector<32xbf16> to vector<16xi32>
        %shift_left3A_1184 = arith.constant 16 : i32
        %shift_left3A_1185 = vector.broadcast %shift_left3A_1184 : i32 to vector<16xi32>
        %shift_left3A_1186 = arith.shli %bitcast3A_1183, %shift_left3A_1185 : vector<16xi32>
        %bitcast3A_1187 = vector.bitcast %shift_left3A_1186 : vector<16xi32> to vector<16xf32>
        %and3A_1188 = arith.constant -65536 : i32
        %and3A_1189 = vector.broadcast %and3A_1188 : i32 to vector<16xi32>
        %and3A_1190 = arith.andi %bitcast3A_1183, %and3A_1189 : vector<16xi32>
        %bitcast3A_1191 = vector.bitcast %and3A_1190 : vector<16xi32> to vector<16xf32>
        %mul3A_1192 = arith.mulf %gather3A_1176, %bitcast3A_1187 : vector<16xf32>
        %add3A_1193 = arith.addf %add3A_1078, %mul3A_1192 : vector<16xf32>
        %mul3A_1194 = arith.mulf %gather3A_1176, %bitcast3A_1191 : vector<16xf32>
        %add3A_1195 = arith.addf %add3A_1080, %mul3A_1194 : vector<16xf32>
        %add3A_1196 = arith.constant 16 : i32
        %add3A_1197 = arith.addi %mul3A_684, %add3A_1196 : i32
        %add3A_1198 = arith.constant 2 : i32
        %add3A_1199 = arith.addi %add3A_1197, %add3A_1198 : i32
        %broadcast_in_dim3A_1200 = arith.constant 2 : i32
        %broadcast_in_dim3A_1201 = vector.broadcast %broadcast_in_dim3A_1200 : i32 to vector<16x1xi32>
        %gather3A_1202 = vector.shape_cast %broadcast_in_dim3A_1201 : vector<16x1xi32> to vector<16xi32>
        %gather3A_1203 = tpu.dynamic_gather %get3A_1141[%gather3A_1202] in [0] : vector<16xf32>, vector<16xi32> -> vector<16xf32>
        %get3A_1204 = arith.constant 0 : i32
        %get3A_1205 = arith.index_cast %get3A_1204 : i32 to index
        %get3A_1206 = arith.index_cast %select_n3A_666 : i32 to index
        %get3A_1207 = arith.index_cast %add3A_1199 : i32 to index
        %get3A_1208 = arith.constant 0 : index
        %get3A_1209 = tpu.vector_load %arg8[%get3A_1205, %get3A_1206, %get3A_1207, %get3A_1208] {strides = array<i32>} : memref<2x8x128x32xbf16, #tpu.memory_space<vmem>>, vector<32xbf16>,
        %bitcast3A_1210 = vector.bitcast %get3A_1209 : vector<32xbf16> to vector<16xi32>
        %shift_left3A_1211 = arith.constant 16 : i32
        %shift_left3A_1212 = vector.broadcast %shift_left3A_1211 : i32 to vector<16xi32>
        %shift_left3A_1213 = arith.shli %bitcast3A_1210, %shift_left3A_1212 : vector<16xi32>
        %bitcast3A_1214 = vector.bitcast %shift_left3A_1213 : vector<16xi32> to vector<16xf32>
        %and3A_1215 = arith.constant -65536 : i32
        %and3A_1216 = vector.broadcast %and3A_1215 : i32 to vector<16xi32>
        %and3A_1217 = arith.andi %bitcast3A_1210, %and3A_1216 : vector<16xi32>
        %bitcast3A_1218 = vector.bitcast %and3A_1217 : vector<16xi32> to vector<16xf32>
        %mul3A_1219 = arith.mulf %gather3A_1203, %bitcast3A_1214 : vector<16xf32>
        %add3A_1220 = arith.addf %add3A_1105, %mul3A_1219 : vector<16xf32>
        %mul3A_1221 = arith.mulf %gather3A_1203, %bitcast3A_1218 : vector<16xf32>
        %add3A_1222 = arith.addf %add3A_1107, %mul3A_1221 : vector<16xf32>
        %add3A_1223 = arith.constant 16 : i32
        %add3A_1224 = arith.addi %mul3A_684, %add3A_1223 : i32
        %add3A_1225 = arith.constant 3 : i32
        %add3A_1226 = arith.addi %add3A_1224, %add3A_1225 : i32
        %broadcast_in_dim3A_1227 = arith.constant 3 : i32
        %broadcast_in_dim3A_1228 = vector.broadcast %broadcast_in_dim3A_1227 : i32 to vector<16x1xi32>
        %gather3A_1229 = vector.shape_cast %broadcast_in_dim3A_1228 : vector<16x1xi32> to vector<16xi32>
        %gather3A_1230 = tpu.dynamic_gather %get3A_1141[%gather3A_1229] in [0] : vector<16xf32>, vector<16xi32> -> vector<16xf32>
        %get3A_1231 = arith.constant 0 : i32
        %get3A_1232 = arith.index_cast %get3A_1231 : i32 to index
        %get3A_1233 = arith.index_cast %select_n3A_666 : i32 to index
        %get3A_1234 = arith.index_cast %add3A_1226 : i32 to index
        %get3A_1235 = arith.constant 0 : index
        %get3A_1236 = tpu.vector_load %arg8[%get3A_1232, %get3A_1233, %get3A_1234, %get3A_1235] {strides = array<i32>} : memref<2x8x128x32xbf16, #tpu.memory_space<vmem>>, vector<32xbf16>,
        %bitcast3A_1237 = vector.bitcast %get3A_1236 : vector<32xbf16> to vector<16xi32>
        %shift_left3A_1238 = arith.constant 16 : i32
        %shift_left3A_1239 = vector.broadcast %shift_left3A_1238 : i32 to vector<16xi32>
        %shift_left3A_1240 = arith.shli %bitcast3A_1237, %shift_left3A_1239 : vector<16xi32>
        %bitcast3A_1241 = vector.bitcast %shift_left3A_1240 : vector<16xi32> to vector<16xf32>
        %and3A_1242 = arith.constant -65536 : i32
        %and3A_1243 = vector.broadcast %and3A_1242 : i32 to vector<16xi32>
        %and3A_1244 = arith.andi %bitcast3A_1237, %and3A_1243 : vector<16xi32>
        %bitcast3A_1245 = vector.bitcast %and3A_1244 : vector<16xi32> to vector<16xf32>
        %mul3A_1246 = arith.mulf %gather3A_1230, %bitcast3A_1241 : vector<16xf32>
        %add3A_1247 = arith.addf %add3A_1132, %mul3A_1246 : vector<16xf32>
        %mul3A_1248 = arith.mulf %gather3A_1230, %bitcast3A_1245 : vector<16xf32>
        %add3A_1249 = arith.addf %add3A_1134, %mul3A_1248 : vector<16xf32>
        %add3A_1250 = arith.constant 16 : i32
        %add3A_1251 = arith.addi %mul3A_684, %add3A_1250 : i32
        %add3A_1252 = arith.constant 4 : i32
        %add3A_1253 = arith.addi %add3A_1251, %add3A_1252 : i32
        %broadcast_in_dim3A_1254 = arith.constant 4 : i32
        %broadcast_in_dim3A_1255 = vector.broadcast %broadcast_in_dim3A_1254 : i32 to vector<16x1xi32>
        %gather3A_1256 = vector.shape_cast %broadcast_in_dim3A_1255 : vector<16x1xi32> to vector<16xi32>
        %gather3A_1257 = tpu.dynamic_gather %get3A_1141[%gather3A_1256] in [0] : vector<16xf32>, vector<16xi32> -> vector<16xf32>
        %get3A_1258 = arith.constant 0 : i32
        %get3A_1259 = arith.index_cast %get3A_1258 : i32 to index
        %get3A_1260 = arith.index_cast %select_n3A_666 : i32 to index
        %get3A_1261 = arith.index_cast %add3A_1253 : i32 to index
        %get3A_1262 = arith.constant 0 : index
        %get3A_1263 = tpu.vector_load %arg8[%get3A_1259, %get3A_1260, %get3A_1261, %get3A_1262] {strides = array<i32>} : memref<2x8x128x32xbf16, #tpu.memory_space<vmem>>, vector<32xbf16>,
        %bitcast3A_1264 = vector.bitcast %get3A_1263 : vector<32xbf16> to vector<16xi32>
        %shift_left3A_1265 = arith.constant 16 : i32
        %shift_left3A_1266 = vector.broadcast %shift_left3A_1265 : i32 to vector<16xi32>
        %shift_left3A_1267 = arith.shli %bitcast3A_1264, %shift_left3A_1266 : vector<16xi32>
        %bitcast3A_1268 = vector.bitcast %shift_left3A_1267 : vector<16xi32> to vector<16xf32>
        %and3A_1269 = arith.constant -65536 : i32
        %and3A_1270 = vector.broadcast %and3A_1269 : i32 to vector<16xi32>
        %and3A_1271 = arith.andi %bitcast3A_1264, %and3A_1270 : vector<16xi32>
        %bitcast3A_1272 = vector.bitcast %and3A_1271 : vector<16xi32> to vector<16xf32>
        %mul3A_1273 = arith.mulf %gather3A_1257, %bitcast3A_1268 : vector<16xf32>
        %add3A_1274 = arith.addf %add3A_1166, %mul3A_1273 : vector<16xf32>
        %mul3A_1275 = arith.mulf %gather3A_1257, %bitcast3A_1272 : vector<16xf32>
        %add3A_1276 = arith.addf %add3A_1168, %mul3A_1275 : vector<16xf32>
        %add3A_1277 = arith.constant 16 : i32
        %add3A_1278 = arith.addi %mul3A_684, %add3A_1277 : i32
        %add3A_1279 = arith.constant 5 : i32
        %add3A_1280 = arith.addi %add3A_1278, %add3A_1279 : i32
        %broadcast_in_dim3A_1281 = arith.constant 5 : i32
        %broadcast_in_dim3A_1282 = vector.broadcast %broadcast_in_dim3A_1281 : i32 to vector<16x1xi32>
        %gather3A_1283 = vector.shape_cast %broadcast_in_dim3A_1282 : vector<16x1xi32> to vector<16xi32>
        %gather3A_1284 = tpu.dynamic_gather %get3A_1141[%gather3A_1283] in [0] : vector<16xf32>, vector<16xi32> -> vector<16xf32>
        %get3A_1285 = arith.constant 0 : i32
        %get3A_1286 = arith.index_cast %get3A_1285 : i32 to index
        %get3A_1287 = arith.index_cast %select_n3A_666 : i32 to index
        %get3A_1288 = arith.index_cast %add3A_1280 : i32 to index
        %get3A_1289 = arith.constant 0 : index
        %get3A_1290 = tpu.vector_load %arg8[%get3A_1286, %get3A_1287, %get3A_1288, %get3A_1289] {strides = array<i32>} : memref<2x8x128x32xbf16, #tpu.memory_space<vmem>>, vector<32xbf16>,
        %bitcast3A_1291 = vector.bitcast %get3A_1290 : vector<32xbf16> to vector<16xi32>
        %shift_left3A_1292 = arith.constant 16 : i32
        %shift_left3A_1293 = vector.broadcast %shift_left3A_1292 : i32 to vector<16xi32>
        %shift_left3A_1294 = arith.shli %bitcast3A_1291, %shift_left3A_1293 : vector<16xi32>
        %bitcast3A_1295 = vector.bitcast %shift_left3A_1294 : vector<16xi32> to vector<16xf32>
        %and3A_1296 = arith.constant -65536 : i32
        %and3A_1297 = vector.broadcast %and3A_1296 : i32 to vector<16xi32>
        %and3A_1298 = arith.andi %bitcast3A_1291, %and3A_1297 : vector<16xi32>
        %bitcast3A_1299 = vector.bitcast %and3A_1298 : vector<16xi32> to vector<16xf32>
        %mul3A_1300 = arith.mulf %gather3A_1284, %bitcast3A_1295 : vector<16xf32>
        %add3A_1301 = arith.addf %add3A_1193, %mul3A_1300 : vector<16xf32>
        %mul3A_1302 = arith.mulf %gather3A_1284, %bitcast3A_1299 : vector<16xf32>
        %add3A_1303 = arith.addf %add3A_1195, %mul3A_1302 : vector<16xf32>
        %add3A_1304 = arith.constant 16 : i32
        %add3A_1305 = arith.addi %mul3A_684, %add3A_1304 : i32
        %add3A_1306 = arith.constant 6 : i32
        %add3A_1307 = arith.addi %add3A_1305, %add3A_1306 : i32
        %broadcast_in_dim3A_1308 = arith.constant 6 : i32
        %broadcast_in_dim3A_1309 = vector.broadcast %broadcast_in_dim3A_1308 : i32 to vector<16x1xi32>
        %gather3A_1310 = vector.shape_cast %broadcast_in_dim3A_1309 : vector<16x1xi32> to vector<16xi32>
        %gather3A_1311 = tpu.dynamic_gather %get3A_1141[%gather3A_1310] in [0] : vector<16xf32>, vector<16xi32> -> vector<16xf32>
        %get3A_1312 = arith.constant 0 : i32
        %get3A_1313 = arith.index_cast %get3A_1312 : i32 to index
        %get3A_1314 = arith.index_cast %select_n3A_666 : i32 to index
        %get3A_1315 = arith.index_cast %add3A_1307 : i32 to index
        %get3A_1316 = arith.constant 0 : index
        %get3A_1317 = tpu.vector_load %arg8[%get3A_1313, %get3A_1314, %get3A_1315, %get3A_1316] {strides = array<i32>} : memref<2x8x128x32xbf16, #tpu.memory_space<vmem>>, vector<32xbf16>,
        %bitcast3A_1318 = vector.bitcast %get3A_1317 : vector<32xbf16> to vector<16xi32>
        %shift_left3A_1319 = arith.constant 16 : i32
        %shift_left3A_1320 = vector.broadcast %shift_left3A_1319 : i32 to vector<16xi32>
        %shift_left3A_1321 = arith.shli %bitcast3A_1318, %shift_left3A_1320 : vector<16xi32>
        %bitcast3A_1322 = vector.bitcast %shift_left3A_1321 : vector<16xi32> to vector<16xf32>
        %and3A_1323 = arith.constant -65536 : i32
        %and3A_1324 = vector.broadcast %and3A_1323 : i32 to vector<16xi32>
        %and3A_1325 = arith.andi %bitcast3A_1318, %and3A_1324 : vector<16xi32>
        %bitcast3A_1326 = vector.bitcast %and3A_1325 : vector<16xi32> to vector<16xf32>
        %mul3A_1327 = arith.mulf %gather3A_1311, %bitcast3A_1322 : vector<16xf32>
        %add3A_1328 = arith.addf %add3A_1220, %mul3A_1327 : vector<16xf32>
        %mul3A_1329 = arith.mulf %gather3A_1311, %bitcast3A_1326 : vector<16xf32>
        %add3A_1330 = arith.addf %add3A_1222, %mul3A_1329 : vector<16xf32>
        %add3A_1331 = arith.constant 16 : i32
        %add3A_1332 = arith.addi %mul3A_684, %add3A_1331 : i32
        %add3A_1333 = arith.constant 7 : i32
        %add3A_1334 = arith.addi %add3A_1332, %add3A_1333 : i32
        %broadcast_in_dim3A_1335 = arith.constant 7 : i32
        %broadcast_in_dim3A_1336 = vector.broadcast %broadcast_in_dim3A_1335 : i32 to vector<16x1xi32>
        %gather3A_1337 = vector.shape_cast %broadcast_in_dim3A_1336 : vector<16x1xi32> to vector<16xi32>
        %gather3A_1338 = tpu.dynamic_gather %get3A_1141[%gather3A_1337] in [0] : vector<16xf32>, vector<16xi32> -> vector<16xf32>
        %get3A_1339 = arith.constant 0 : i32
        %get3A_1340 = arith.index_cast %get3A_1339 : i32 to index
        %get3A_1341 = arith.index_cast %select_n3A_666 : i32 to index
        %get3A_1342 = arith.index_cast %add3A_1334 : i32 to index
        %get3A_1343 = arith.constant 0 : index
        %get3A_1344 = tpu.vector_load %arg8[%get3A_1340, %get3A_1341, %get3A_1342, %get3A_1343] {strides = array<i32>} : memref<2x8x128x32xbf16, #tpu.memory_space<vmem>>, vector<32xbf16>,
        %bitcast3A_1345 = vector.bitcast %get3A_1344 : vector<32xbf16> to vector<16xi32>
        %shift_left3A_1346 = arith.constant 16 : i32
        %shift_left3A_1347 = vector.broadcast %shift_left3A_1346 : i32 to vector<16xi32>
        %shift_left3A_1348 = arith.shli %bitcast3A_1345, %shift_left3A_1347 : vector<16xi32>
        %bitcast3A_1349 = vector.bitcast %shift_left3A_1348 : vector<16xi32> to vector<16xf32>
        %and3A_1350 = arith.constant -65536 : i32
        %and3A_1351 = vector.broadcast %and3A_1350 : i32 to vector<16xi32>
        %and3A_1352 = arith.andi %bitcast3A_1345, %and3A_1351 : vector<16xi32>
        %bitcast3A_1353 = vector.bitcast %and3A_1352 : vector<16xi32> to vector<16xf32>
        %mul3A_1354 = arith.mulf %gather3A_1338, %bitcast3A_1349 : vector<16xf32>
        %add3A_1355 = arith.addf %add3A_1247, %mul3A_1354 : vector<16xf32>
        %mul3A_1356 = arith.mulf %gather3A_1338, %bitcast3A_1353 : vector<16xf32>
        %add3A_1357 = arith.addf %add3A_1249, %mul3A_1356 : vector<16xf32>
        %add3A_1358 = arith.constant 16 : i32
        %add3A_1359 = arith.addi %mul3A_684, %add3A_1358 : i32
        %add3A_1360 = arith.constant 8 : i32
        %add3A_1361 = arith.addi %add3A_1359, %add3A_1360 : i32
        %broadcast_in_dim3A_1362 = arith.constant 8 : i32
        %broadcast_in_dim3A_1363 = vector.broadcast %broadcast_in_dim3A_1362 : i32 to vector<16x1xi32>
        %gather3A_1364 = vector.shape_cast %broadcast_in_dim3A_1363 : vector<16x1xi32> to vector<16xi32>
        %gather3A_1365 = tpu.dynamic_gather %get3A_1141[%gather3A_1364] in [0] : vector<16xf32>, vector<16xi32> -> vector<16xf32>
        %get3A_1366 = arith.constant 0 : i32
        %get3A_1367 = arith.index_cast %get3A_1366 : i32 to index
        %get3A_1368 = arith.index_cast %select_n3A_666 : i32 to index
        %get3A_1369 = arith.index_cast %add3A_1361 : i32 to index
        %get3A_1370 = arith.constant 0 : index
        %get3A_1371 = tpu.vector_load %arg8[%get3A_1367, %get3A_1368, %get3A_1369, %get3A_1370] {strides = array<i32>} : memref<2x8x128x32xbf16, #tpu.memory_space<vmem>>, vector<32xbf16>,
        %bitcast3A_1372 = vector.bitcast %get3A_1371 : vector<32xbf16> to vector<16xi32>
        %shift_left3A_1373 = arith.constant 16 : i32
        %shift_left3A_1374 = vector.broadcast %shift_left3A_1373 : i32 to vector<16xi32>
        %shift_left3A_1375 = arith.shli %bitcast3A_1372, %shift_left3A_1374 : vector<16xi32>
        %bitcast3A_1376 = vector.bitcast %shift_left3A_1375 : vector<16xi32> to vector<16xf32>
        %and3A_1377 = arith.constant -65536 : i32
        %and3A_1378 = vector.broadcast %and3A_1377 : i32 to vector<16xi32>
        %and3A_1379 = arith.andi %bitcast3A_1372, %and3A_1378 : vector<16xi32>
        %bitcast3A_1380 = vector.bitcast %and3A_1379 : vector<16xi32> to vector<16xf32>
        %mul3A_1381 = arith.mulf %gather3A_1365, %bitcast3A_1376 : vector<16xf32>
        %add3A_1382 = arith.addf %add3A_1274, %mul3A_1381 : vector<16xf32>
        %mul3A_1383 = arith.mulf %gather3A_1365, %bitcast3A_1380 : vector<16xf32>
        %add3A_1384 = arith.addf %add3A_1276, %mul3A_1383 : vector<16xf32>
        %add3A_1385 = arith.constant 16 : i32
        %add3A_1386 = arith.addi %mul3A_684, %add3A_1385 : i32
        %add3A_1387 = arith.constant 9 : i32
        %add3A_1388 = arith.addi %add3A_1386, %add3A_1387 : i32
        %broadcast_in_dim3A_1389 = arith.constant 9 : i32
        %broadcast_in_dim3A_1390 = vector.broadcast %broadcast_in_dim3A_1389 : i32 to vector<16x1xi32>
        %gather3A_1391 = vector.shape_cast %broadcast_in_dim3A_1390 : vector<16x1xi32> to vector<16xi32>
        %gather3A_1392 = tpu.dynamic_gather %get3A_1141[%gather3A_1391] in [0] : vector<16xf32>, vector<16xi32> -> vector<16xf32>
        %get3A_1393 = arith.constant 0 : i32
        %get3A_1394 = arith.index_cast %get3A_1393 : i32 to index
        %get3A_1395 = arith.index_cast %select_n3A_666 : i32 to index
        %get3A_1396 = arith.index_cast %add3A_1388 : i32 to index
        %get3A_1397 = arith.constant 0 : index
        %get3A_1398 = tpu.vector_load %arg8[%get3A_1394, %get3A_1395, %get3A_1396, %get3A_1397] {strides = array<i32>} : memref<2x8x128x32xbf16, #tpu.memory_space<vmem>>, vector<32xbf16>,
        %bitcast3A_1399 = vector.bitcast %get3A_1398 : vector<32xbf16> to vector<16xi32>
        %shift_left3A_1400 = arith.constant 16 : i32
        %shift_left3A_1401 = vector.broadcast %shift_left3A_1400 : i32 to vector<16xi32>
        %shift_left3A_1402 = arith.shli %bitcast3A_1399, %shift_left3A_1401 : vector<16xi32>
        %bitcast3A_1403 = vector.bitcast %shift_left3A_1402 : vector<16xi32> to vector<16xf32>
        %and3A_1404 = arith.constant -65536 : i32
        %and3A_1405 = vector.broadcast %and3A_1404 : i32 to vector<16xi32>
        %and3A_1406 = arith.andi %bitcast3A_1399, %and3A_1405 : vector<16xi32>
        %bitcast3A_1407 = vector.bitcast %and3A_1406 : vector<16xi32> to vector<16xf32>
        %mul3A_1408 = arith.mulf %gather3A_1392, %bitcast3A_1403 : vector<16xf32>
        %add3A_1409 = arith.addf %add3A_1301, %mul3A_1408 : vector<16xf32>
        %mul3A_1410 = arith.mulf %gather3A_1392, %bitcast3A_1407 : vector<16xf32>
        %add3A_1411 = arith.addf %add3A_1303, %mul3A_1410 : vector<16xf32>
        %add3A_1412 = arith.constant 16 : i32
        %add3A_1413 = arith.addi %mul3A_684, %add3A_1412 : i32
        %add3A_1414 = arith.constant 10 : i32
        %add3A_1415 = arith.addi %add3A_1413, %add3A_1414 : i32
        %broadcast_in_dim3A_1416 = arith.constant 10 : i32
        %broadcast_in_dim3A_1417 = vector.broadcast %broadcast_in_dim3A_1416 : i32 to vector<16x1xi32>
        %gather3A_1418 = vector.shape_cast %broadcast_in_dim3A_1417 : vector<16x1xi32> to vector<16xi32>
        %gather3A_1419 = tpu.dynamic_gather %get3A_1141[%gather3A_1418] in [0] : vector<16xf32>, vector<16xi32> -> vector<16xf32>
        %get3A_1420 = arith.constant 0 : i32
        %get3A_1421 = arith.index_cast %get3A_1420 : i32 to index
        %get3A_1422 = arith.index_cast %select_n3A_666 : i32 to index
        %get3A_1423 = arith.index_cast %add3A_1415 : i32 to index
        %get3A_1424 = arith.constant 0 : index
        %get3A_1425 = tpu.vector_load %arg8[%get3A_1421, %get3A_1422, %get3A_1423, %get3A_1424] {strides = array<i32>} : memref<2x8x128x32xbf16, #tpu.memory_space<vmem>>, vector<32xbf16>,
        %bitcast3A_1426 = vector.bitcast %get3A_1425 : vector<32xbf16> to vector<16xi32>
        %shift_left3A_1427 = arith.constant 16 : i32
        %shift_left3A_1428 = vector.broadcast %shift_left3A_1427 : i32 to vector<16xi32>
        %shift_left3A_1429 = arith.shli %bitcast3A_1426, %shift_left3A_1428 : vector<16xi32>
        %bitcast3A_1430 = vector.bitcast %shift_left3A_1429 : vector<16xi32> to vector<16xf32>
        %and3A_1431 = arith.constant -65536 : i32
        %and3A_1432 = vector.broadcast %and3A_1431 : i32 to vector<16xi32>
        %and3A_1433 = arith.andi %bitcast3A_1426, %and3A_1432 : vector<16xi32>
        %bitcast3A_1434 = vector.bitcast %and3A_1433 : vector<16xi32> to vector<16xf32>
        %mul3A_1435 = arith.mulf %gather3A_1419, %bitcast3A_1430 : vector<16xf32>
        %add3A_1436 = arith.addf %add3A_1328, %mul3A_1435 : vector<16xf32>
        %mul3A_1437 = arith.mulf %gather3A_1419, %bitcast3A_1434 : vector<16xf32>
        %add3A_1438 = arith.addf %add3A_1330, %mul3A_1437 : vector<16xf32>
        %add3A_1439 = arith.constant 16 : i32
        %add3A_1440 = arith.addi %mul3A_684, %add3A_1439 : i32
        %add3A_1441 = arith.constant 11 : i32
        %add3A_1442 = arith.addi %add3A_1440, %add3A_1441 : i32
        %broadcast_in_dim3A_1443 = arith.constant 11 : i32
        %broadcast_in_dim3A_1444 = vector.broadcast %broadcast_in_dim3A_1443 : i32 to vector<16x1xi32>
        %gather3A_1445 = vector.shape_cast %broadcast_in_dim3A_1444 : vector<16x1xi32> to vector<16xi32>
        %gather3A_1446 = tpu.dynamic_gather %get3A_1141[%gather3A_1445] in [0] : vector<16xf32>, vector<16xi32> -> vector<16xf32>
        %get3A_1447 = arith.constant 0 : i32
        %get3A_1448 = arith.index_cast %get3A_1447 : i32 to index
        %get3A_1449 = arith.index_cast %select_n3A_666 : i32 to index
        %get3A_1450 = arith.index_cast %add3A_1442 : i32 to index
        %get3A_1451 = arith.constant 0 : index
        %get3A_1452 = tpu.vector_load %arg8[%get3A_1448, %get3A_1449, %get3A_1450, %get3A_1451] {strides = array<i32>} : memref<2x8x128x32xbf16, #tpu.memory_space<vmem>>, vector<32xbf16>,
        %bitcast3A_1453 = vector.bitcast %get3A_1452 : vector<32xbf16> to vector<16xi32>
        %shift_left3A_1454 = arith.constant 16 : i32
        %shift_left3A_1455 = vector.broadcast %shift_left3A_1454 : i32 to vector<16xi32>
        %shift_left3A_1456 = arith.shli %bitcast3A_1453, %shift_left3A_1455 : vector<16xi32>
        %bitcast3A_1457 = vector.bitcast %shift_left3A_1456 : vector<16xi32> to vector<16xf32>
        %and3A_1458 = arith.constant -65536 : i32
        %and3A_1459 = vector.broadcast %and3A_1458 : i32 to vector<16xi32>
        %and3A_1460 = arith.andi %bitcast3A_1453, %and3A_1459 : vector<16xi32>
        %bitcast3A_1461 = vector.bitcast %and3A_1460 : vector<16xi32> to vector<16xf32>
        %mul3A_1462 = arith.mulf %gather3A_1446, %bitcast3A_1457 : vector<16xf32>
        %add3A_1463 = arith.addf %add3A_1355, %mul3A_1462 : vector<16xf32>
        %mul3A_1464 = arith.mulf %gather3A_1446, %bitcast3A_1461 : vector<16xf32>
        %add3A_1465 = arith.addf %add3A_1357, %mul3A_1464 : vector<16xf32>
        %add3A_1466 = arith.constant 16 : i32
        %add3A_1467 = arith.addi %mul3A_684, %add3A_1466 : i32
        %add3A_1468 = arith.constant 12 : i32
        %add3A_1469 = arith.addi %add3A_1467, %add3A_1468 : i32
        %broadcast_in_dim3A_1470 = arith.constant 12 : i32
        %broadcast_in_dim3A_1471 = vector.broadcast %broadcast_in_dim3A_1470 : i32 to vector<16x1xi32>
        %gather3A_1472 = vector.shape_cast %broadcast_in_dim3A_1471 : vector<16x1xi32> to vector<16xi32>
        %gather3A_1473 = tpu.dynamic_gather %get3A_1141[%gather3A_1472] in [0] : vector<16xf32>, vector<16xi32> -> vector<16xf32>
        %get3A_1474 = arith.constant 0 : i32
        %get3A_1475 = arith.index_cast %get3A_1474 : i32 to index
        %get3A_1476 = arith.index_cast %select_n3A_666 : i32 to index
        %get3A_1477 = arith.index_cast %add3A_1469 : i32 to index
        %get3A_1478 = arith.constant 0 : index
        %get3A_1479 = tpu.vector_load %arg8[%get3A_1475, %get3A_1476, %get3A_1477, %get3A_1478] {strides = array<i32>} : memref<2x8x128x32xbf16, #tpu.memory_space<vmem>>, vector<32xbf16>,
        %bitcast3A_1480 = vector.bitcast %get3A_1479 : vector<32xbf16> to vector<16xi32>
        %shift_left3A_1481 = arith.constant 16 : i32
        %shift_left3A_1482 = vector.broadcast %shift_left3A_1481 : i32 to vector<16xi32>
        %shift_left3A_1483 = arith.shli %bitcast3A_1480, %shift_left3A_1482 : vector<16xi32>
        %bitcast3A_1484 = vector.bitcast %shift_left3A_1483 : vector<16xi32> to vector<16xf32>
        %and3A_1485 = arith.constant -65536 : i32
        %and3A_1486 = vector.broadcast %and3A_1485 : i32 to vector<16xi32>
        %and3A_1487 = arith.andi %bitcast3A_1480, %and3A_1486 : vector<16xi32>
        %bitcast3A_1488 = vector.bitcast %and3A_1487 : vector<16xi32> to vector<16xf32>
        %mul3A_1489 = arith.mulf %gather3A_1473, %bitcast3A_1484 : vector<16xf32>
        %add3A_1490 = arith.addf %add3A_1382, %mul3A_1489 : vector<16xf32>
        %mul3A_1491 = arith.mulf %gather3A_1473, %bitcast3A_1488 : vector<16xf32>
        %add3A_1492 = arith.addf %add3A_1384, %mul3A_1491 : vector<16xf32>
        %add3A_1493 = arith.constant 16 : i32
        %add3A_1494 = arith.addi %mul3A_684, %add3A_1493 : i32
        %add3A_1495 = arith.constant 13 : i32
        %add3A_1496 = arith.addi %add3A_1494, %add3A_1495 : i32
        %broadcast_in_dim3A_1497 = arith.constant 13 : i32
        %broadcast_in_dim3A_1498 = vector.broadcast %broadcast_in_dim3A_1497 : i32 to vector<16x1xi32>
        %gather3A_1499 = vector.shape_cast %broadcast_in_dim3A_1498 : vector<16x1xi32> to vector<16xi32>
        %gather3A_1500 = tpu.dynamic_gather %get3A_1141[%gather3A_1499] in [0] : vector<16xf32>, vector<16xi32> -> vector<16xf32>
        %get3A_1501 = arith.constant 0 : i32
        %get3A_1502 = arith.index_cast %get3A_1501 : i32 to index
        %get3A_1503 = arith.index_cast %select_n3A_666 : i32 to index
        %get3A_1504 = arith.index_cast %add3A_1496 : i32 to index
        %get3A_1505 = arith.constant 0 : index
        %get3A_1506 = tpu.vector_load %arg8[%get3A_1502, %get3A_1503, %get3A_1504, %get3A_1505] {strides = array<i32>} : memref<2x8x128x32xbf16, #tpu.memory_space<vmem>>, vector<32xbf16>,
        %bitcast3A_1507 = vector.bitcast %get3A_1506 : vector<32xbf16> to vector<16xi32>
        %shift_left3A_1508 = arith.constant 16 : i32
        %shift_left3A_1509 = vector.broadcast %shift_left3A_1508 : i32 to vector<16xi32>
        %shift_left3A_1510 = arith.shli %bitcast3A_1507, %shift_left3A_1509 : vector<16xi32>
        %bitcast3A_1511 = vector.bitcast %shift_left3A_1510 : vector<16xi32> to vector<16xf32>
        %and3A_1512 = arith.constant -65536 : i32
        %and3A_1513 = vector.broadcast %and3A_1512 : i32 to vector<16xi32>
        %and3A_1514 = arith.andi %bitcast3A_1507, %and3A_1513 : vector<16xi32>
        %bitcast3A_1515 = vector.bitcast %and3A_1514 : vector<16xi32> to vector<16xf32>
        %mul3A_1516 = arith.mulf %gather3A_1500, %bitcast3A_1511 : vector<16xf32>
        %add3A_1517 = arith.addf %add3A_1409, %mul3A_1516 : vector<16xf32>
        %mul3A_1518 = arith.mulf %gather3A_1500, %bitcast3A_1515 : vector<16xf32>
        %add3A_1519 = arith.addf %add3A_1411, %mul3A_1518 : vector<16xf32>
        %add3A_1520 = arith.constant 16 : i32
        %add3A_1521 = arith.addi %mul3A_684, %add3A_1520 : i32
        %add3A_1522 = arith.constant 14 : i32
        %add3A_1523 = arith.addi %add3A_1521, %add3A_1522 : i32
        %broadcast_in_dim3A_1524 = arith.constant 14 : i32
        %broadcast_in_dim3A_1525 = vector.broadcast %broadcast_in_dim3A_1524 : i32 to vector<16x1xi32>
        %gather3A_1526 = vector.shape_cast %broadcast_in_dim3A_1525 : vector<16x1xi32> to vector<16xi32>
        %gather3A_1527 = tpu.dynamic_gather %get3A_1141[%gather3A_1526] in [0] : vector<16xf32>, vector<16xi32> -> vector<16xf32>
        %get3A_1528 = arith.constant 0 : i32
        %get3A_1529 = arith.index_cast %get3A_1528 : i32 to index
        %get3A_1530 = arith.index_cast %select_n3A_666 : i32 to index
        %get3A_1531 = arith.index_cast %add3A_1523 : i32 to index
        %get3A_1532 = arith.constant 0 : index
        %get3A_1533 = tpu.vector_load %arg8[%get3A_1529, %get3A_1530, %get3A_1531, %get3A_1532] {strides = array<i32>} : memref<2x8x128x32xbf16, #tpu.memory_space<vmem>>, vector<32xbf16>,
        %bitcast3A_1534 = vector.bitcast %get3A_1533 : vector<32xbf16> to vector<16xi32>
        %shift_left3A_1535 = arith.constant 16 : i32
        %shift_left3A_1536 = vector.broadcast %shift_left3A_1535 : i32 to vector<16xi32>
        %shift_left3A_1537 = arith.shli %bitcast3A_1534, %shift_left3A_1536 : vector<16xi32>
        %bitcast3A_1538 = vector.bitcast %shift_left3A_1537 : vector<16xi32> to vector<16xf32>
        %and3A_1539 = arith.constant -65536 : i32
        %and3A_1540 = vector.broadcast %and3A_1539 : i32 to vector<16xi32>
        %and3A_1541 = arith.andi %bitcast3A_1534, %and3A_1540 : vector<16xi32>
        %bitcast3A_1542 = vector.bitcast %and3A_1541 : vector<16xi32> to vector<16xf32>
        %mul3A_1543 = arith.mulf %gather3A_1527, %bitcast3A_1538 : vector<16xf32>
        %add3A_1544 = arith.addf %add3A_1436, %mul3A_1543 : vector<16xf32>
        %mul3A_1545 = arith.mulf %gather3A_1527, %bitcast3A_1542 : vector<16xf32>
        %add3A_1546 = arith.addf %add3A_1438, %mul3A_1545 : vector<16xf32>
        %add3A_1547 = arith.constant 16 : i32
        %add3A_1548 = arith.addi %mul3A_684, %add3A_1547 : i32
        %add3A_1549 = arith.constant 15 : i32
        %add3A_1550 = arith.addi %add3A_1548, %add3A_1549 : i32
        %broadcast_in_dim3A_1551 = arith.constant 15 : i32
        %broadcast_in_dim3A_1552 = vector.broadcast %broadcast_in_dim3A_1551 : i32 to vector<16x1xi32>
        %gather3A_1553 = vector.shape_cast %broadcast_in_dim3A_1552 : vector<16x1xi32> to vector<16xi32>
        %gather3A_1554 = tpu.dynamic_gather %get3A_1141[%gather3A_1553] in [0] : vector<16xf32>, vector<16xi32> -> vector<16xf32>
        %get3A_1555 = arith.constant 0 : i32
        %get3A_1556 = arith.index_cast %get3A_1555 : i32 to index
        %get3A_1557 = arith.index_cast %select_n3A_666 : i32 to index
        %get3A_1558 = arith.index_cast %add3A_1550 : i32 to index
        %get3A_1559 = arith.constant 0 : index
        %get3A_1560 = tpu.vector_load %arg8[%get3A_1556, %get3A_1557, %get3A_1558, %get3A_1559] {strides = array<i32>} : memref<2x8x128x32xbf16, #tpu.memory_space<vmem>>, vector<32xbf16>,
        %bitcast3A_1561 = vector.bitcast %get3A_1560 : vector<32xbf16> to vector<16xi32>
        %shift_left3A_1562 = arith.constant 16 : i32
        %shift_left3A_1563 = vector.broadcast %shift_left3A_1562 : i32 to vector<16xi32>
        %shift_left3A_1564 = arith.shli %bitcast3A_1561, %shift_left3A_1563 : vector<16xi32>
        %bitcast3A_1565 = vector.bitcast %shift_left3A_1564 : vector<16xi32> to vector<16xf32>
        %and3A_1566 = arith.constant -65536 : i32
        %and3A_1567 = vector.broadcast %and3A_1566 : i32 to vector<16xi32>
        %and3A_1568 = arith.andi %bitcast3A_1561, %and3A_1567 : vector<16xi32>
        %bitcast3A_1569 = vector.bitcast %and3A_1568 : vector<16xi32> to vector<16xf32>
        %mul3A_1570 = arith.mulf %gather3A_1554, %bitcast3A_1565 : vector<16xf32>
        %add3A_1571 = arith.addf %add3A_1463, %mul3A_1570 : vector<16xf32>
        %mul3A_1572 = arith.mulf %gather3A_1554, %bitcast3A_1569 : vector<16xf32>
        %add3A_1573 = arith.addf %add3A_1465, %mul3A_1572 : vector<16xf32>
        %add3A_1574 = arith.constant 32 : i32
        %add3A_1575 = arith.addi %mul3A_684, %add3A_1574 : i32
        %get3A_1576 = arith.constant 0 : i32
        %get3A_1577 = arith.index_cast %get3A_1576 : i32 to index
        %get3A_1578 = arith.index_cast %select_n3A_666 : i32 to index
        %get3A_1579 = arith.index_cast %add3A_1575 : i32 to index
        %get3A_1580 = tpu.vector_load %arg7[%get3A_1577, %get3A_1578, %get3A_1579] {strides = array<i32>} : memref<2x8x128xf32, #tpu.memory_space<vmem>>, vector<16xf32>,
        %add3A_1581 = arith.constant 32 : i32
        %add3A_1582 = arith.addi %mul3A_684, %add3A_1581 : i32
        %add3A_1583 = arith.constant 0 : i32
        %add3A_1584 = arith.addi %add3A_1582, %add3A_1583 : i32
        %broadcast_in_dim3A_1585 = arith.constant 0 : i32
        %broadcast_in_dim3A_1586 = vector.broadcast %broadcast_in_dim3A_1585 : i32 to vector<16x1xi32>
        %gather3A_1587 = vector.shape_cast %broadcast_in_dim3A_1586 : vector<16x1xi32> to vector<16xi32>
        %gather3A_1588 = tpu.dynamic_gather %get3A_1580[%gather3A_1587] in [0] : vector<16xf32>, vector<16xi32> -> vector<16xf32>
        %get3A_1589 = arith.constant 0 : i32
        %get3A_1590 = arith.index_cast %get3A_1589 : i32 to index
        %get3A_1591 = arith.index_cast %select_n3A_666 : i32 to index
        %get3A_1592 = arith.index_cast %add3A_1584 : i32 to index
        %get3A_1593 = arith.constant 0 : index
        %get3A_1594 = tpu.vector_load %arg8[%get3A_1590, %get3A_1591, %get3A_1592, %get3A_1593] {strides = array<i32>} : memref<2x8x128x32xbf16, #tpu.memory_space<vmem>>, vector<32xbf16>,
        %bitcast3A_1595 = vector.bitcast %get3A_1594 : vector<32xbf16> to vector<16xi32>
        %shift_left3A_1596 = arith.constant 16 : i32
        %shift_left3A_1597 = vector.broadcast %shift_left3A_1596 : i32 to vector<16xi32>
        %shift_left3A_1598 = arith.shli %bitcast3A_1595, %shift_left3A_1597 : vector<16xi32>
        %bitcast3A_1599 = vector.bitcast %shift_left3A_1598 : vector<16xi32> to vector<16xf32>
        %and3A_1600 = arith.constant -65536 : i32
        %and3A_1601 = vector.broadcast %and3A_1600 : i32 to vector<16xi32>
        %and3A_1602 = arith.andi %bitcast3A_1595, %and3A_1601 : vector<16xi32>
        %bitcast3A_1603 = vector.bitcast %and3A_1602 : vector<16xi32> to vector<16xf32>
        %mul3A_1604 = arith.mulf %gather3A_1588, %bitcast3A_1599 : vector<16xf32>
        %add3A_1605 = arith.addf %add3A_1490, %mul3A_1604 : vector<16xf32>
        %mul3A_1606 = arith.mulf %gather3A_1588, %bitcast3A_1603 : vector<16xf32>
        %add3A_1607 = arith.addf %add3A_1492, %mul3A_1606 : vector<16xf32>
        %add3A_1608 = arith.constant 32 : i32
        %add3A_1609 = arith.addi %mul3A_684, %add3A_1608 : i32
        %add3A_1610 = arith.constant 1 : i32
        %add3A_1611 = arith.addi %add3A_1609, %add3A_1610 : i32
        %broadcast_in_dim3A_1612 = arith.constant 1 : i32
        %broadcast_in_dim3A_1613 = vector.broadcast %broadcast_in_dim3A_1612 : i32 to vector<16x1xi32>
        %gather3A_1614 = vector.shape_cast %broadcast_in_dim3A_1613 : vector<16x1xi32> to vector<16xi32>
        %gather3A_1615 = tpu.dynamic_gather %get3A_1580[%gather3A_1614] in [0] : vector<16xf32>, vector<16xi32> -> vector<16xf32>
        %get3A_1616 = arith.constant 0 : i32
        %get3A_1617 = arith.index_cast %get3A_1616 : i32 to index
        %get3A_1618 = arith.index_cast %select_n3A_666 : i32 to index
        %get3A_1619 = arith.index_cast %add3A_1611 : i32 to index
        %get3A_1620 = arith.constant 0 : index
        %get3A_1621 = tpu.vector_load %arg8[%get3A_1617, %get3A_1618, %get3A_1619, %get3A_1620] {strides = array<i32>} : memref<2x8x128x32xbf16, #tpu.memory_space<vmem>>, vector<32xbf16>,
        %bitcast3A_1622 = vector.bitcast %get3A_1621 : vector<32xbf16> to vector<16xi32>
        %shift_left3A_1623 = arith.constant 16 : i32
        %shift_left3A_1624 = vector.broadcast %shift_left3A_1623 : i32 to vector<16xi32>
        %shift_left3A_1625 = arith.shli %bitcast3A_1622, %shift_left3A_1624 : vector<16xi32>
        %bitcast3A_1626 = vector.bitcast %shift_left3A_1625 : vector<16xi32> to vector<16xf32>
        %and3A_1627 = arith.constant -65536 : i32
        %and3A_1628 = vector.broadcast %and3A_1627 : i32 to vector<16xi32>
        %and3A_1629 = arith.andi %bitcast3A_1622, %and3A_1628 : vector<16xi32>
        %bitcast3A_1630 = vector.bitcast %and3A_1629 : vector<16xi32> to vector<16xf32>
        %mul3A_1631 = arith.mulf %gather3A_1615, %bitcast3A_1626 : vector<16xf32>
        %add3A_1632 = arith.addf %add3A_1517, %mul3A_1631 : vector<16xf32>
        %mul3A_1633 = arith.mulf %gather3A_1615, %bitcast3A_1630 : vector<16xf32>
        %add3A_1634 = arith.addf %add3A_1519, %mul3A_1633 : vector<16xf32>
        %add3A_1635 = arith.constant 32 : i32
        %add3A_1636 = arith.addi %mul3A_684, %add3A_1635 : i32
        %add3A_1637 = arith.constant 2 : i32
        %add3A_1638 = arith.addi %add3A_1636, %add3A_1637 : i32
        %broadcast_in_dim3A_1639 = arith.constant 2 : i32
        %broadcast_in_dim3A_1640 = vector.broadcast %broadcast_in_dim3A_1639 : i32 to vector<16x1xi32>
        %gather3A_1641 = vector.shape_cast %broadcast_in_dim3A_1640 : vector<16x1xi32> to vector<16xi32>
        %gather3A_1642 = tpu.dynamic_gather %get3A_1580[%gather3A_1641] in [0] : vector<16xf32>, vector<16xi32> -> vector<16xf32>
        %get3A_1643 = arith.constant 0 : i32
        %get3A_1644 = arith.index_cast %get3A_1643 : i32 to index
        %get3A_1645 = arith.index_cast %select_n3A_666 : i32 to index
        %get3A_1646 = arith.index_cast %add3A_1638 : i32 to index
        %get3A_1647 = arith.constant 0 : index
        %get3A_1648 = tpu.vector_load %arg8[%get3A_1644, %get3A_1645, %get3A_1646, %get3A_1647] {strides = array<i32>} : memref<2x8x128x32xbf16, #tpu.memory_space<vmem>>, vector<32xbf16>,
        %bitcast3A_1649 = vector.bitcast %get3A_1648 : vector<32xbf16> to vector<16xi32>
        %shift_left3A_1650 = arith.constant 16 : i32
        %shift_left3A_1651 = vector.broadcast %shift_left3A_1650 : i32 to vector<16xi32>
        %shift_left3A_1652 = arith.shli %bitcast3A_1649, %shift_left3A_1651 : vector<16xi32>
        %bitcast3A_1653 = vector.bitcast %shift_left3A_1652 : vector<16xi32> to vector<16xf32>
        %and3A_1654 = arith.constant -65536 : i32
        %and3A_1655 = vector.broadcast %and3A_1654 : i32 to vector<16xi32>
        %and3A_1656 = arith.andi %bitcast3A_1649, %and3A_1655 : vector<16xi32>
        %bitcast3A_1657 = vector.bitcast %and3A_1656 : vector<16xi32> to vector<16xf32>
        %mul3A_1658 = arith.mulf %gather3A_1642, %bitcast3A_1653 : vector<16xf32>
        %add3A_1659 = arith.addf %add3A_1544, %mul3A_1658 : vector<16xf32>
        %mul3A_1660 = arith.mulf %gather3A_1642, %bitcast3A_1657 : vector<16xf32>
        %add3A_1661 = arith.addf %add3A_1546, %mul3A_1660 : vector<16xf32>
        %add3A_1662 = arith.constant 32 : i32
        %add3A_1663 = arith.addi %mul3A_684, %add3A_1662 : i32
        %add3A_1664 = arith.constant 3 : i32
        %add3A_1665 = arith.addi %add3A_1663, %add3A_1664 : i32
        %broadcast_in_dim3A_1666 = arith.constant 3 : i32
        %broadcast_in_dim3A_1667 = vector.broadcast %broadcast_in_dim3A_1666 : i32 to vector<16x1xi32>
        %gather3A_1668 = vector.shape_cast %broadcast_in_dim3A_1667 : vector<16x1xi32> to vector<16xi32>
        %gather3A_1669 = tpu.dynamic_gather %get3A_1580[%gather3A_1668] in [0] : vector<16xf32>, vector<16xi32> -> vector<16xf32>
        %get3A_1670 = arith.constant 0 : i32
        %get3A_1671 = arith.index_cast %get3A_1670 : i32 to index
        %get3A_1672 = arith.index_cast %select_n3A_666 : i32 to index
        %get3A_1673 = arith.index_cast %add3A_1665 : i32 to index
        %get3A_1674 = arith.constant 0 : index
        %get3A_1675 = tpu.vector_load %arg8[%get3A_1671, %get3A_1672, %get3A_1673, %get3A_1674] {strides = array<i32>} : memref<2x8x128x32xbf16, #tpu.memory_space<vmem>>, vector<32xbf16>,
        %bitcast3A_1676 = vector.bitcast %get3A_1675 : vector<32xbf16> to vector<16xi32>
        %shift_left3A_1677 = arith.constant 16 : i32
        %shift_left3A_1678 = vector.broadcast %shift_left3A_1677 : i32 to vector<16xi32>
        %shift_left3A_1679 = arith.shli %bitcast3A_1676, %shift_left3A_1678 : vector<16xi32>
        %bitcast3A_1680 = vector.bitcast %shift_left3A_1679 : vector<16xi32> to vector<16xf32>
        %and3A_1681 = arith.constant -65536 : i32
        %and3A_1682 = vector.broadcast %and3A_1681 : i32 to vector<16xi32>
        %and3A_1683 = arith.andi %bitcast3A_1676, %and3A_1682 : vector<16xi32>
        %bitcast3A_1684 = vector.bitcast %and3A_1683 : vector<16xi32> to vector<16xf32>
        %mul3A_1685 = arith.mulf %gather3A_1669, %bitcast3A_1680 : vector<16xf32>
        %add3A_1686 = arith.addf %add3A_1571, %mul3A_1685 : vector<16xf32>
        %mul3A_1687 = arith.mulf %gather3A_1669, %bitcast3A_1684 : vector<16xf32>
        %add3A_1688 = arith.addf %add3A_1573, %mul3A_1687 : vector<16xf32>
        %add3A_1689 = arith.constant 32 : i32
        %add3A_1690 = arith.addi %mul3A_684, %add3A_1689 : i32
        %add3A_1691 = arith.constant 4 : i32
        %add3A_1692 = arith.addi %add3A_1690, %add3A_1691 : i32
        %broadcast_in_dim3A_1693 = arith.constant 4 : i32
        %broadcast_in_dim3A_1694 = vector.broadcast %broadcast_in_dim3A_1693 : i32 to vector<16x1xi32>
        %gather3A_1695 = vector.shape_cast %broadcast_in_dim3A_1694 : vector<16x1xi32> to vector<16xi32>
        %gather3A_1696 = tpu.dynamic_gather %get3A_1580[%gather3A_1695] in [0] : vector<16xf32>, vector<16xi32> -> vector<16xf32>
        %get3A_1697 = arith.constant 0 : i32
        %get3A_1698 = arith.index_cast %get3A_1697 : i32 to index
        %get3A_1699 = arith.index_cast %select_n3A_666 : i32 to index
        %get3A_1700 = arith.index_cast %add3A_1692 : i32 to index
        %get3A_1701 = arith.constant 0 : index
        %get3A_1702 = tpu.vector_load %arg8[%get3A_1698, %get3A_1699, %get3A_1700, %get3A_1701] {strides = array<i32>} : memref<2x8x128x32xbf16, #tpu.memory_space<vmem>>, vector<32xbf16>,
        %bitcast3A_1703 = vector.bitcast %get3A_1702 : vector<32xbf16> to vector<16xi32>
        %shift_left3A_1704 = arith.constant 16 : i32
        %shift_left3A_1705 = vector.broadcast %shift_left3A_1704 : i32 to vector<16xi32>
        %shift_left3A_1706 = arith.shli %bitcast3A_1703, %shift_left3A_1705 : vector<16xi32>
        %bitcast3A_1707 = vector.bitcast %shift_left3A_1706 : vector<16xi32> to vector<16xf32>
        %and3A_1708 = arith.constant -65536 : i32
        %and3A_1709 = vector.broadcast %and3A_1708 : i32 to vector<16xi32>
        %and3A_1710 = arith.andi %bitcast3A_1703, %and3A_1709 : vector<16xi32>
        %bitcast3A_1711 = vector.bitcast %and3A_1710 : vector<16xi32> to vector<16xf32>
        %mul3A_1712 = arith.mulf %gather3A_1696, %bitcast3A_1707 : vector<16xf32>
        %add3A_1713 = arith.addf %add3A_1605, %mul3A_1712 : vector<16xf32>
        %mul3A_1714 = arith.mulf %gather3A_1696, %bitcast3A_1711 : vector<16xf32>
        %add3A_1715 = arith.addf %add3A_1607, %mul3A_1714 : vector<16xf32>
        %add3A_1716 = arith.constant 32 : i32
        %add3A_1717 = arith.addi %mul3A_684, %add3A_1716 : i32
        %add3A_1718 = arith.constant 5 : i32
        %add3A_1719 = arith.addi %add3A_1717, %add3A_1718 : i32
        %broadcast_in_dim3A_1720 = arith.constant 5 : i32
        %broadcast_in_dim3A_1721 = vector.broadcast %broadcast_in_dim3A_1720 : i32 to vector<16x1xi32>
        %gather3A_1722 = vector.shape_cast %broadcast_in_dim3A_1721 : vector<16x1xi32> to vector<16xi32>
        %gather3A_1723 = tpu.dynamic_gather %get3A_1580[%gather3A_1722] in [0] : vector<16xf32>, vector<16xi32> -> vector<16xf32>
        %get3A_1724 = arith.constant 0 : i32
        %get3A_1725 = arith.index_cast %get3A_1724 : i32 to index
        %get3A_1726 = arith.index_cast %select_n3A_666 : i32 to index
        %get3A_1727 = arith.index_cast %add3A_1719 : i32 to index
        %get3A_1728 = arith.constant 0 : index
        %get3A_1729 = tpu.vector_load %arg8[%get3A_1725, %get3A_1726, %get3A_1727, %get3A_1728] {strides = array<i32>} : memref<2x8x128x32xbf16, #tpu.memory_space<vmem>>, vector<32xbf16>,
        %bitcast3A_1730 = vector.bitcast %get3A_1729 : vector<32xbf16> to vector<16xi32>
        %shift_left3A_1731 = arith.constant 16 : i32
        %shift_left3A_1732 = vector.broadcast %shift_left3A_1731 : i32 to vector<16xi32>
        %shift_left3A_1733 = arith.shli %bitcast3A_1730, %shift_left3A_1732 : vector<16xi32>
        %bitcast3A_1734 = vector.bitcast %shift_left3A_1733 : vector<16xi32> to vector<16xf32>
        %and3A_1735 = arith.constant -65536 : i32
        %and3A_1736 = vector.broadcast %and3A_1735 : i32 to vector<16xi32>
        %and3A_1737 = arith.andi %bitcast3A_1730, %and3A_1736 : vector<16xi32>
        %bitcast3A_1738 = vector.bitcast %and3A_1737 : vector<16xi32> to vector<16xf32>
        %mul3A_1739 = arith.mulf %gather3A_1723, %bitcast3A_1734 : vector<16xf32>
        %add3A_1740 = arith.addf %add3A_1632, %mul3A_1739 : vector<16xf32>
        %mul3A_1741 = arith.mulf %gather3A_1723, %bitcast3A_1738 : vector<16xf32>
        %add3A_1742 = arith.addf %add3A_1634, %mul3A_1741 : vector<16xf32>
        %add3A_1743 = arith.constant 32 : i32
        %add3A_1744 = arith.addi %mul3A_684, %add3A_1743 : i32
        %add3A_1745 = arith.constant 6 : i32
        %add3A_1746 = arith.addi %add3A_1744, %add3A_1745 : i32
        %broadcast_in_dim3A_1747 = arith.constant 6 : i32
        %broadcast_in_dim3A_1748 = vector.broadcast %broadcast_in_dim3A_1747 : i32 to vector<16x1xi32>
        %gather3A_1749 = vector.shape_cast %broadcast_in_dim3A_1748 : vector<16x1xi32> to vector<16xi32>
        %gather3A_1750 = tpu.dynamic_gather %get3A_1580[%gather3A_1749] in [0] : vector<16xf32>, vector<16xi32> -> vector<16xf32>
        %get3A_1751 = arith.constant 0 : i32
        %get3A_1752 = arith.index_cast %get3A_1751 : i32 to index
        %get3A_1753 = arith.index_cast %select_n3A_666 : i32 to index
        %get3A_1754 = arith.index_cast %add3A_1746 : i32 to index
        %get3A_1755 = arith.constant 0 : index
        %get3A_1756 = tpu.vector_load %arg8[%get3A_1752, %get3A_1753, %get3A_1754, %get3A_1755] {strides = array<i32>} : memref<2x8x128x32xbf16, #tpu.memory_space<vmem>>, vector<32xbf16>,
        %bitcast3A_1757 = vector.bitcast %get3A_1756 : vector<32xbf16> to vector<16xi32>
        %shift_left3A_1758 = arith.constant 16 : i32
        %shift_left3A_1759 = vector.broadcast %shift_left3A_1758 : i32 to vector<16xi32>
        %shift_left3A_1760 = arith.shli %bitcast3A_1757, %shift_left3A_1759 : vector<16xi32>
        %bitcast3A_1761 = vector.bitcast %shift_left3A_1760 : vector<16xi32> to vector<16xf32>
        %and3A_1762 = arith.constant -65536 : i32
        %and3A_1763 = vector.broadcast %and3A_1762 : i32 to vector<16xi32>
        %and3A_1764 = arith.andi %bitcast3A_1757, %and3A_1763 : vector<16xi32>
        %bitcast3A_1765 = vector.bitcast %and3A_1764 : vector<16xi32> to vector<16xf32>
        %mul3A_1766 = arith.mulf %gather3A_1750, %bitcast3A_1761 : vector<16xf32>
        %add3A_1767 = arith.addf %add3A_1659, %mul3A_1766 : vector<16xf32>
        %mul3A_1768 = arith.mulf %gather3A_1750, %bitcast3A_1765 : vector<16xf32>
        %add3A_1769 = arith.addf %add3A_1661, %mul3A_1768 : vector<16xf32>
        %add3A_1770 = arith.constant 32 : i32
        %add3A_1771 = arith.addi %mul3A_684, %add3A_1770 : i32
        %add3A_1772 = arith.constant 7 : i32
        %add3A_1773 = arith.addi %add3A_1771, %add3A_1772 : i32
        %broadcast_in_dim3A_1774 = arith.constant 7 : i32
        %broadcast_in_dim3A_1775 = vector.broadcast %broadcast_in_dim3A_1774 : i32 to vector<16x1xi32>
        %gather3A_1776 = vector.shape_cast %broadcast_in_dim3A_1775 : vector<16x1xi32> to vector<16xi32>
        %gather3A_1777 = tpu.dynamic_gather %get3A_1580[%gather3A_1776] in [0] : vector<16xf32>, vector<16xi32> -> vector<16xf32>
        %get3A_1778 = arith.constant 0 : i32
        %get3A_1779 = arith.index_cast %get3A_1778 : i32 to index
        %get3A_1780 = arith.index_cast %select_n3A_666 : i32 to index
        %get3A_1781 = arith.index_cast %add3A_1773 : i32 to index
        %get3A_1782 = arith.constant 0 : index
        %get3A_1783 = tpu.vector_load %arg8[%get3A_1779, %get3A_1780, %get3A_1781, %get3A_1782] {strides = array<i32>} : memref<2x8x128x32xbf16, #tpu.memory_space<vmem>>, vector<32xbf16>,
        %bitcast3A_1784 = vector.bitcast %get3A_1783 : vector<32xbf16> to vector<16xi32>
        %shift_left3A_1785 = arith.constant 16 : i32
        %shift_left3A_1786 = vector.broadcast %shift_left3A_1785 : i32 to vector<16xi32>
        %shift_left3A_1787 = arith.shli %bitcast3A_1784, %shift_left3A_1786 : vector<16xi32>
        %bitcast3A_1788 = vector.bitcast %shift_left3A_1787 : vector<16xi32> to vector<16xf32>
        %and3A_1789 = arith.constant -65536 : i32
        %and3A_1790 = vector.broadcast %and3A_1789 : i32 to vector<16xi32>
        %and3A_1791 = arith.andi %bitcast3A_1784, %and3A_1790 : vector<16xi32>
        %bitcast3A_1792 = vector.bitcast %and3A_1791 : vector<16xi32> to vector<16xf32>
        %mul3A_1793 = arith.mulf %gather3A_1777, %bitcast3A_1788 : vector<16xf32>
        %add3A_1794 = arith.addf %add3A_1686, %mul3A_1793 : vector<16xf32>
        %mul3A_1795 = arith.mulf %gather3A_1777, %bitcast3A_1792 : vector<16xf32>
        %add3A_1796 = arith.addf %add3A_1688, %mul3A_1795 : vector<16xf32>
        %add3A_1797 = arith.constant 32 : i32
        %add3A_1798 = arith.addi %mul3A_684, %add3A_1797 : i32
        %add3A_1799 = arith.constant 8 : i32
        %add3A_1800 = arith.addi %add3A_1798, %add3A_1799 : i32
        %broadcast_in_dim3A_1801 = arith.constant 8 : i32
        %broadcast_in_dim3A_1802 = vector.broadcast %broadcast_in_dim3A_1801 : i32 to vector<16x1xi32>
        %gather3A_1803 = vector.shape_cast %broadcast_in_dim3A_1802 : vector<16x1xi32> to vector<16xi32>
        %gather3A_1804 = tpu.dynamic_gather %get3A_1580[%gather3A_1803] in [0] : vector<16xf32>, vector<16xi32> -> vector<16xf32>
        %get3A_1805 = arith.constant 0 : i32
        %get3A_1806 = arith.index_cast %get3A_1805 : i32 to index
        %get3A_1807 = arith.index_cast %select_n3A_666 : i32 to index
        %get3A_1808 = arith.index_cast %add3A_1800 : i32 to index
        %get3A_1809 = arith.constant 0 : index
        %get3A_1810 = tpu.vector_load %arg8[%get3A_1806, %get3A_1807, %get3A_1808, %get3A_1809] {strides = array<i32>} : memref<2x8x128x32xbf16, #tpu.memory_space<vmem>>, vector<32xbf16>,
        %bitcast3A_1811 = vector.bitcast %get3A_1810 : vector<32xbf16> to vector<16xi32>
        %shift_left3A_1812 = arith.constant 16 : i32
        %shift_left3A_1813 = vector.broadcast %shift_left3A_1812 : i32 to vector<16xi32>
        %shift_left3A_1814 = arith.shli %bitcast3A_1811, %shift_left3A_1813 : vector<16xi32>
        %bitcast3A_1815 = vector.bitcast %shift_left3A_1814 : vector<16xi32> to vector<16xf32>
        %and3A_1816 = arith.constant -65536 : i32
        %and3A_1817 = vector.broadcast %and3A_1816 : i32 to vector<16xi32>
        %and3A_1818 = arith.andi %bitcast3A_1811, %and3A_1817 : vector<16xi32>
        %bitcast3A_1819 = vector.bitcast %and3A_1818 : vector<16xi32> to vector<16xf32>
        %mul3A_1820 = arith.mulf %gather3A_1804, %bitcast3A_1815 : vector<16xf32>
        %add3A_1821 = arith.addf %add3A_1713, %mul3A_1820 : vector<16xf32>
        %mul3A_1822 = arith.mulf %gather3A_1804, %bitcast3A_1819 : vector<16xf32>
        %add3A_1823 = arith.addf %add3A_1715, %mul3A_1822 : vector<16xf32>
        %add3A_1824 = arith.constant 32 : i32
        %add3A_1825 = arith.addi %mul3A_684, %add3A_1824 : i32
        %add3A_1826 = arith.constant 9 : i32
        %add3A_1827 = arith.addi %add3A_1825, %add3A_1826 : i32
        %broadcast_in_dim3A_1828 = arith.constant 9 : i32
        %broadcast_in_dim3A_1829 = vector.broadcast %broadcast_in_dim3A_1828 : i32 to vector<16x1xi32>
        %gather3A_1830 = vector.shape_cast %broadcast_in_dim3A_1829 : vector<16x1xi32> to vector<16xi32>
        %gather3A_1831 = tpu.dynamic_gather %get3A_1580[%gather3A_1830] in [0] : vector<16xf32>, vector<16xi32> -> vector<16xf32>
        %get3A_1832 = arith.constant 0 : i32
        %get3A_1833 = arith.index_cast %get3A_1832 : i32 to index
        %get3A_1834 = arith.index_cast %select_n3A_666 : i32 to index
        %get3A_1835 = arith.index_cast %add3A_1827 : i32 to index
        %get3A_1836 = arith.constant 0 : index
        %get3A_1837 = tpu.vector_load %arg8[%get3A_1833, %get3A_1834, %get3A_1835, %get3A_1836] {strides = array<i32>} : memref<2x8x128x32xbf16, #tpu.memory_space<vmem>>, vector<32xbf16>,
        %bitcast3A_1838 = vector.bitcast %get3A_1837 : vector<32xbf16> to vector<16xi32>
        %shift_left3A_1839 = arith.constant 16 : i32
        %shift_left3A_1840 = vector.broadcast %shift_left3A_1839 : i32 to vector<16xi32>
        %shift_left3A_1841 = arith.shli %bitcast3A_1838, %shift_left3A_1840 : vector<16xi32>
        %bitcast3A_1842 = vector.bitcast %shift_left3A_1841 : vector<16xi32> to vector<16xf32>
        %and3A_1843 = arith.constant -65536 : i32
        %and3A_1844 = vector.broadcast %and3A_1843 : i32 to vector<16xi32>
        %and3A_1845 = arith.andi %bitcast3A_1838, %and3A_1844 : vector<16xi32>
        %bitcast3A_1846 = vector.bitcast %and3A_1845 : vector<16xi32> to vector<16xf32>
        %mul3A_1847 = arith.mulf %gather3A_1831, %bitcast3A_1842 : vector<16xf32>
        %add3A_1848 = arith.addf %add3A_1740, %mul3A_1847 : vector<16xf32>
        %mul3A_1849 = arith.mulf %gather3A_1831, %bitcast3A_1846 : vector<16xf32>
        %add3A_1850 = arith.addf %add3A_1742, %mul3A_1849 : vector<16xf32>
        %add3A_1851 = arith.constant 32 : i32
        %add3A_1852 = arith.addi %mul3A_684, %add3A_1851 : i32
        %add3A_1853 = arith.constant 10 : i32
        %add3A_1854 = arith.addi %add3A_1852, %add3A_1853 : i32
        %broadcast_in_dim3A_1855 = arith.constant 10 : i32
        %broadcast_in_dim3A_1856 = vector.broadcast %broadcast_in_dim3A_1855 : i32 to vector<16x1xi32>
        %gather3A_1857 = vector.shape_cast %broadcast_in_dim3A_1856 : vector<16x1xi32> to vector<16xi32>
        %gather3A_1858 = tpu.dynamic_gather %get3A_1580[%gather3A_1857] in [0] : vector<16xf32>, vector<16xi32> -> vector<16xf32>
        %get3A_1859 = arith.constant 0 : i32
        %get3A_1860 = arith.index_cast %get3A_1859 : i32 to index
        %get3A_1861 = arith.index_cast %select_n3A_666 : i32 to index
        %get3A_1862 = arith.index_cast %add3A_1854 : i32 to index
        %get3A_1863 = arith.constant 0 : index
        %get3A_1864 = tpu.vector_load %arg8[%get3A_1860, %get3A_1861, %get3A_1862, %get3A_1863] {strides = array<i32>} : memref<2x8x128x32xbf16, #tpu.memory_space<vmem>>, vector<32xbf16>,
        %bitcast3A_1865 = vector.bitcast %get3A_1864 : vector<32xbf16> to vector<16xi32>
        %shift_left3A_1866 = arith.constant 16 : i32
        %shift_left3A_1867 = vector.broadcast %shift_left3A_1866 : i32 to vector<16xi32>
        %shift_left3A_1868 = arith.shli %bitcast3A_1865, %shift_left3A_1867 : vector<16xi32>
        %bitcast3A_1869 = vector.bitcast %shift_left3A_1868 : vector<16xi32> to vector<16xf32>
        %and3A_1870 = arith.constant -65536 : i32
        %and3A_1871 = vector.broadcast %and3A_1870 : i32 to vector<16xi32>
        %and3A_1872 = arith.andi %bitcast3A_1865, %and3A_1871 : vector<16xi32>
        %bitcast3A_1873 = vector.bitcast %and3A_1872 : vector<16xi32> to vector<16xf32>
        %mul3A_1874 = arith.mulf %gather3A_1858, %bitcast3A_1869 : vector<16xf32>
        %add3A_1875 = arith.addf %add3A_1767, %mul3A_1874 : vector<16xf32>
        %mul3A_1876 = arith.mulf %gather3A_1858, %bitcast3A_1873 : vector<16xf32>
        %add3A_1877 = arith.addf %add3A_1769, %mul3A_1876 : vector<16xf32>
        %add3A_1878 = arith.constant 32 : i32
        %add3A_1879 = arith.addi %mul3A_684, %add3A_1878 : i32
        %add3A_1880 = arith.constant 11 : i32
        %add3A_1881 = arith.addi %add3A_1879, %add3A_1880 : i32
        %broadcast_in_dim3A_1882 = arith.constant 11 : i32
        %broadcast_in_dim3A_1883 = vector.broadcast %broadcast_in_dim3A_1882 : i32 to vector<16x1xi32>
        %gather3A_1884 = vector.shape_cast %broadcast_in_dim3A_1883 : vector<16x1xi32> to vector<16xi32>
        %gather3A_1885 = tpu.dynamic_gather %get3A_1580[%gather3A_1884] in [0] : vector<16xf32>, vector<16xi32> -> vector<16xf32>
        %get3A_1886 = arith.constant 0 : i32
        %get3A_1887 = arith.index_cast %get3A_1886 : i32 to index
        %get3A_1888 = arith.index_cast %select_n3A_666 : i32 to index
        %get3A_1889 = arith.index_cast %add3A_1881 : i32 to index
        %get3A_1890 = arith.constant 0 : index
        %get3A_1891 = tpu.vector_load %arg8[%get3A_1887, %get3A_1888, %get3A_1889, %get3A_1890] {strides = array<i32>} : memref<2x8x128x32xbf16, #tpu.memory_space<vmem>>, vector<32xbf16>,
        %bitcast3A_1892 = vector.bitcast %get3A_1891 : vector<32xbf16> to vector<16xi32>
        %shift_left3A_1893 = arith.constant 16 : i32
        %shift_left3A_1894 = vector.broadcast %shift_left3A_1893 : i32 to vector<16xi32>
        %shift_left3A_1895 = arith.shli %bitcast3A_1892, %shift_left3A_1894 : vector<16xi32>
        %bitcast3A_1896 = vector.bitcast %shift_left3A_1895 : vector<16xi32> to vector<16xf32>
        %and3A_1897 = arith.constant -65536 : i32
        %and3A_1898 = vector.broadcast %and3A_1897 : i32 to vector<16xi32>
        %and3A_1899 = arith.andi %bitcast3A_1892, %and3A_1898 : vector<16xi32>
        %bitcast3A_1900 = vector.bitcast %and3A_1899 : vector<16xi32> to vector<16xf32>
        %mul3A_1901 = arith.mulf %gather3A_1885, %bitcast3A_1896 : vector<16xf32>
        %add3A_1902 = arith.addf %add3A_1794, %mul3A_1901 : vector<16xf32>
        %mul3A_1903 = arith.mulf %gather3A_1885, %bitcast3A_1900 : vector<16xf32>
        %add3A_1904 = arith.addf %add3A_1796, %mul3A_1903 : vector<16xf32>
        %add3A_1905 = arith.constant 32 : i32
        %add3A_1906 = arith.addi %mul3A_684, %add3A_1905 : i32
        %add3A_1907 = arith.constant 12 : i32
        %add3A_1908 = arith.addi %add3A_1906, %add3A_1907 : i32
        %broadcast_in_dim3A_1909 = arith.constant 12 : i32
        %broadcast_in_dim3A_1910 = vector.broadcast %broadcast_in_dim3A_1909 : i32 to vector<16x1xi32>
        %gather3A_1911 = vector.shape_cast %broadcast_in_dim3A_1910 : vector<16x1xi32> to vector<16xi32>
        %gather3A_1912 = tpu.dynamic_gather %get3A_1580[%gather3A_1911] in [0] : vector<16xf32>, vector<16xi32> -> vector<16xf32>
        %get3A_1913 = arith.constant 0 : i32
        %get3A_1914 = arith.index_cast %get3A_1913 : i32 to index
        %get3A_1915 = arith.index_cast %select_n3A_666 : i32 to index
        %get3A_1916 = arith.index_cast %add3A_1908 : i32 to index
        %get3A_1917 = arith.constant 0 : index
        %get3A_1918 = tpu.vector_load %arg8[%get3A_1914, %get3A_1915, %get3A_1916, %get3A_1917] {strides = array<i32>} : memref<2x8x128x32xbf16, #tpu.memory_space<vmem>>, vector<32xbf16>,
        %bitcast3A_1919 = vector.bitcast %get3A_1918 : vector<32xbf16> to vector<16xi32>
        %shift_left3A_1920 = arith.constant 16 : i32
        %shift_left3A_1921 = vector.broadcast %shift_left3A_1920 : i32 to vector<16xi32>
        %shift_left3A_1922 = arith.shli %bitcast3A_1919, %shift_left3A_1921 : vector<16xi32>
        %bitcast3A_1923 = vector.bitcast %shift_left3A_1922 : vector<16xi32> to vector<16xf32>
        %and3A_1924 = arith.constant -65536 : i32
        %and3A_1925 = vector.broadcast %and3A_1924 : i32 to vector<16xi32>
        %and3A_1926 = arith.andi %bitcast3A_1919, %and3A_1925 : vector<16xi32>
        %bitcast3A_1927 = vector.bitcast %and3A_1926 : vector<16xi32> to vector<16xf32>
        %mul3A_1928 = arith.mulf %gather3A_1912, %bitcast3A_1923 : vector<16xf32>
        %add3A_1929 = arith.addf %add3A_1821, %mul3A_1928 : vector<16xf32>
        %mul3A_1930 = arith.mulf %gather3A_1912, %bitcast3A_1927 : vector<16xf32>
        %add3A_1931 = arith.addf %add3A_1823, %mul3A_1930 : vector<16xf32>
        %add3A_1932 = arith.constant 32 : i32
        %add3A_1933 = arith.addi %mul3A_684, %add3A_1932 : i32
        %add3A_1934 = arith.constant 13 : i32
        %add3A_1935 = arith.addi %add3A_1933, %add3A_1934 : i32
        %broadcast_in_dim3A_1936 = arith.constant 13 : i32
        %broadcast_in_dim3A_1937 = vector.broadcast %broadcast_in_dim3A_1936 : i32 to vector<16x1xi32>
        %gather3A_1938 = vector.shape_cast %broadcast_in_dim3A_1937 : vector<16x1xi32> to vector<16xi32>
        %gather3A_1939 = tpu.dynamic_gather %get3A_1580[%gather3A_1938] in [0] : vector<16xf32>, vector<16xi32> -> vector<16xf32>
        %get3A_1940 = arith.constant 0 : i32
        %get3A_1941 = arith.index_cast %get3A_1940 : i32 to index
        %get3A_1942 = arith.index_cast %select_n3A_666 : i32 to index
        %get3A_1943 = arith.index_cast %add3A_1935 : i32 to index
        %get3A_1944 = arith.constant 0 : index
        %get3A_1945 = tpu.vector_load %arg8[%get3A_1941, %get3A_1942, %get3A_1943, %get3A_1944] {strides = array<i32>} : memref<2x8x128x32xbf16, #tpu.memory_space<vmem>>, vector<32xbf16>,
        %bitcast3A_1946 = vector.bitcast %get3A_1945 : vector<32xbf16> to vector<16xi32>
        %shift_left3A_1947 = arith.constant 16 : i32
        %shift_left3A_1948 = vector.broadcast %shift_left3A_1947 : i32 to vector<16xi32>
        %shift_left3A_1949 = arith.shli %bitcast3A_1946, %shift_left3A_1948 : vector<16xi32>
        %bitcast3A_1950 = vector.bitcast %shift_left3A_1949 : vector<16xi32> to vector<16xf32>
        %and3A_1951 = arith.constant -65536 : i32
        %and3A_1952 = vector.broadcast %and3A_1951 : i32 to vector<16xi32>
        %and3A_1953 = arith.andi %bitcast3A_1946, %and3A_1952 : vector<16xi32>
        %bitcast3A_1954 = vector.bitcast %and3A_1953 : vector<16xi32> to vector<16xf32>
        %mul3A_1955 = arith.mulf %gather3A_1939, %bitcast3A_1950 : vector<16xf32>
        %add3A_1956 = arith.addf %add3A_1848, %mul3A_1955 : vector<16xf32>
        %mul3A_1957 = arith.mulf %gather3A_1939, %bitcast3A_1954 : vector<16xf32>
        %add3A_1958 = arith.addf %add3A_1850, %mul3A_1957 : vector<16xf32>
        %add3A_1959 = arith.constant 32 : i32
        %add3A_1960 = arith.addi %mul3A_684, %add3A_1959 : i32
        %add3A_1961 = arith.constant 14 : i32
        %add3A_1962 = arith.addi %add3A_1960, %add3A_1961 : i32
        %broadcast_in_dim3A_1963 = arith.constant 14 : i32
        %broadcast_in_dim3A_1964 = vector.broadcast %broadcast_in_dim3A_1963 : i32 to vector<16x1xi32>
        %gather3A_1965 = vector.shape_cast %broadcast_in_dim3A_1964 : vector<16x1xi32> to vector<16xi32>
        %gather3A_1966 = tpu.dynamic_gather %get3A_1580[%gather3A_1965] in [0] : vector<16xf32>, vector<16xi32> -> vector<16xf32>
        %get3A_1967 = arith.constant 0 : i32
        %get3A_1968 = arith.index_cast %get3A_1967 : i32 to index
        %get3A_1969 = arith.index_cast %select_n3A_666 : i32 to index
        %get3A_1970 = arith.index_cast %add3A_1962 : i32 to index
        %get3A_1971 = arith.constant 0 : index
        %get3A_1972 = tpu.vector_load %arg8[%get3A_1968, %get3A_1969, %get3A_1970, %get3A_1971] {strides = array<i32>} : memref<2x8x128x32xbf16, #tpu.memory_space<vmem>>, vector<32xbf16>,
        %bitcast3A_1973 = vector.bitcast %get3A_1972 : vector<32xbf16> to vector<16xi32>
        %shift_left3A_1974 = arith.constant 16 : i32
        %shift_left3A_1975 = vector.broadcast %shift_left3A_1974 : i32 to vector<16xi32>
        %shift_left3A_1976 = arith.shli %bitcast3A_1973, %shift_left3A_1975 : vector<16xi32>
        %bitcast3A_1977 = vector.bitcast %shift_left3A_1976 : vector<16xi32> to vector<16xf32>
        %and3A_1978 = arith.constant -65536 : i32
        %and3A_1979 = vector.broadcast %and3A_1978 : i32 to vector<16xi32>
        %and3A_1980 = arith.andi %bitcast3A_1973, %and3A_1979 : vector<16xi32>
        %bitcast3A_1981 = vector.bitcast %and3A_1980 : vector<16xi32> to vector<16xf32>
        %mul3A_1982 = arith.mulf %gather3A_1966, %bitcast3A_1977 : vector<16xf32>
        %add3A_1983 = arith.addf %add3A_1875, %mul3A_1982 : vector<16xf32>
        %mul3A_1984 = arith.mulf %gather3A_1966, %bitcast3A_1981 : vector<16xf32>
        %add3A_1985 = arith.addf %add3A_1877, %mul3A_1984 : vector<16xf32>
        %add3A_1986 = arith.constant 32 : i32
        %add3A_1987 = arith.addi %mul3A_684, %add3A_1986 : i32
        %add3A_1988 = arith.constant 15 : i32
        %add3A_1989 = arith.addi %add3A_1987, %add3A_1988 : i32
        %broadcast_in_dim3A_1990 = arith.constant 15 : i32
        %broadcast_in_dim3A_1991 = vector.broadcast %broadcast_in_dim3A_1990 : i32 to vector<16x1xi32>
        %gather3A_1992 = vector.shape_cast %broadcast_in_dim3A_1991 : vector<16x1xi32> to vector<16xi32>
        %gather3A_1993 = tpu.dynamic_gather %get3A_1580[%gather3A_1992] in [0] : vector<16xf32>, vector<16xi32> -> vector<16xf32>
        %get3A_1994 = arith.constant 0 : i32
        %get3A_1995 = arith.index_cast %get3A_1994 : i32 to index
        %get3A_1996 = arith.index_cast %select_n3A_666 : i32 to index
        %get3A_1997 = arith.index_cast %add3A_1989 : i32 to index
        %get3A_1998 = arith.constant 0 : index
        %get3A_1999 = tpu.vector_load %arg8[%get3A_1995, %get3A_1996, %get3A_1997, %get3A_1998] {strides = array<i32>} : memref<2x8x128x32xbf16, #tpu.memory_space<vmem>>, vector<32xbf16>,
        %bitcast3A_2000 = vector.bitcast %get3A_1999 : vector<32xbf16> to vector<16xi32>
        %shift_left3A_2001 = arith.constant 16 : i32
        %shift_left3A_2002 = vector.broadcast %shift_left3A_2001 : i32 to vector<16xi32>
        %shift_left3A_2003 = arith.shli %bitcast3A_2000, %shift_left3A_2002 : vector<16xi32>
        %bitcast3A_2004 = vector.bitcast %shift_left3A_2003 : vector<16xi32> to vector<16xf32>
        %and3A_2005 = arith.constant -65536 : i32
        %and3A_2006 = vector.broadcast %and3A_2005 : i32 to vector<16xi32>
        %and3A_2007 = arith.andi %bitcast3A_2000, %and3A_2006 : vector<16xi32>
        %bitcast3A_2008 = vector.bitcast %and3A_2007 : vector<16xi32> to vector<16xf32>
        %mul3A_2009 = arith.mulf %gather3A_1993, %bitcast3A_2004 : vector<16xf32>
        %add3A_2010 = arith.addf %add3A_1902, %mul3A_2009 : vector<16xf32>
        %mul3A_2011 = arith.mulf %gather3A_1993, %bitcast3A_2008 : vector<16xf32>
        %add3A_2012 = arith.addf %add3A_1904, %mul3A_2011 : vector<16xf32>
        %add3A_2013 = arith.constant 48 : i32
        %add3A_2014 = arith.addi %mul3A_684, %add3A_2013 : i32
        %get3A_2015 = arith.constant 0 : i32
        %get3A_2016 = arith.index_cast %get3A_2015 : i32 to index
        %get3A_2017 = arith.index_cast %select_n3A_666 : i32 to index
        %get3A_2018 = arith.index_cast %add3A_2014 : i32 to index
        %get3A_2019 = tpu.vector_load %arg7[%get3A_2016, %get3A_2017, %get3A_2018] {strides = array<i32>} : memref<2x8x128xf32, #tpu.memory_space<vmem>>, vector<16xf32>,
        %add3A_2020 = arith.constant 48 : i32
        %add3A_2021 = arith.addi %mul3A_684, %add3A_2020 : i32
        %add3A_2022 = arith.constant 0 : i32
        %add3A_2023 = arith.addi %add3A_2021, %add3A_2022 : i32
        %broadcast_in_dim3A_2024 = arith.constant 0 : i32
        %broadcast_in_dim3A_2025 = vector.broadcast %broadcast_in_dim3A_2024 : i32 to vector<16x1xi32>
        %gather3A_2026 = vector.shape_cast %broadcast_in_dim3A_2025 : vector<16x1xi32> to vector<16xi32>
        %gather3A_2027 = tpu.dynamic_gather %get3A_2019[%gather3A_2026] in [0] : vector<16xf32>, vector<16xi32> -> vector<16xf32>
        %get3A_2028 = arith.constant 0 : i32
        %get3A_2029 = arith.index_cast %get3A_2028 : i32 to index
        %get3A_2030 = arith.index_cast %select_n3A_666 : i32 to index
        %get3A_2031 = arith.index_cast %add3A_2023 : i32 to index
        %get3A_2032 = arith.constant 0 : index
        %get3A_2033 = tpu.vector_load %arg8[%get3A_2029, %get3A_2030, %get3A_2031, %get3A_2032] {strides = array<i32>} : memref<2x8x128x32xbf16, #tpu.memory_space<vmem>>, vector<32xbf16>,
        %bitcast3A_2034 = vector.bitcast %get3A_2033 : vector<32xbf16> to vector<16xi32>
        %shift_left3A_2035 = arith.constant 16 : i32
        %shift_left3A_2036 = vector.broadcast %shift_left3A_2035 : i32 to vector<16xi32>
        %shift_left3A_2037 = arith.shli %bitcast3A_2034, %shift_left3A_2036 : vector<16xi32>
        %bitcast3A_2038 = vector.bitcast %shift_left3A_2037 : vector<16xi32> to vector<16xf32>
        %and3A_2039 = arith.constant -65536 : i32
        %and3A_2040 = vector.broadcast %and3A_2039 : i32 to vector<16xi32>
        %and3A_2041 = arith.andi %bitcast3A_2034, %and3A_2040 : vector<16xi32>
        %bitcast3A_2042 = vector.bitcast %and3A_2041 : vector<16xi32> to vector<16xf32>
        %mul3A_2043 = arith.mulf %gather3A_2027, %bitcast3A_2038 : vector<16xf32>
        %add3A_2044 = arith.addf %add3A_1929, %mul3A_2043 : vector<16xf32>
        %mul3A_2045 = arith.mulf %gather3A_2027, %bitcast3A_2042 : vector<16xf32>
        %add3A_2046 = arith.addf %add3A_1931, %mul3A_2045 : vector<16xf32>
        %add3A_2047 = arith.constant 48 : i32
        %add3A_2048 = arith.addi %mul3A_684, %add3A_2047 : i32
        %add3A_2049 = arith.constant 1 : i32
        %add3A_2050 = arith.addi %add3A_2048, %add3A_2049 : i32
        %broadcast_in_dim3A_2051 = arith.constant 1 : i32
        %broadcast_in_dim3A_2052 = vector.broadcast %broadcast_in_dim3A_2051 : i32 to vector<16x1xi32>
        %gather3A_2053 = vector.shape_cast %broadcast_in_dim3A_2052 : vector<16x1xi32> to vector<16xi32>
        %gather3A_2054 = tpu.dynamic_gather %get3A_2019[%gather3A_2053] in [0] : vector<16xf32>, vector<16xi32> -> vector<16xf32>
        %get3A_2055 = arith.constant 0 : i32
        %get3A_2056 = arith.index_cast %get3A_2055 : i32 to index
        %get3A_2057 = arith.index_cast %select_n3A_666 : i32 to index
        %get3A_2058 = arith.index_cast %add3A_2050 : i32 to index
        %get3A_2059 = arith.constant 0 : index
        %get3A_2060 = tpu.vector_load %arg8[%get3A_2056, %get3A_2057, %get3A_2058, %get3A_2059] {strides = array<i32>} : memref<2x8x128x32xbf16, #tpu.memory_space<vmem>>, vector<32xbf16>,
        %bitcast3A_2061 = vector.bitcast %get3A_2060 : vector<32xbf16> to vector<16xi32>
        %shift_left3A_2062 = arith.constant 16 : i32
        %shift_left3A_2063 = vector.broadcast %shift_left3A_2062 : i32 to vector<16xi32>
        %shift_left3A_2064 = arith.shli %bitcast3A_2061, %shift_left3A_2063 : vector<16xi32>
        %bitcast3A_2065 = vector.bitcast %shift_left3A_2064 : vector<16xi32> to vector<16xf32>
        %and3A_2066 = arith.constant -65536 : i32
        %and3A_2067 = vector.broadcast %and3A_2066 : i32 to vector<16xi32>
        %and3A_2068 = arith.andi %bitcast3A_2061, %and3A_2067 : vector<16xi32>
        %bitcast3A_2069 = vector.bitcast %and3A_2068 : vector<16xi32> to vector<16xf32>
        %mul3A_2070 = arith.mulf %gather3A_2054, %bitcast3A_2065 : vector<16xf32>
        %add3A_2071 = arith.addf %add3A_1956, %mul3A_2070 : vector<16xf32>
        %mul3A_2072 = arith.mulf %gather3A_2054, %bitcast3A_2069 : vector<16xf32>
        %add3A_2073 = arith.addf %add3A_1958, %mul3A_2072 : vector<16xf32>
        %add3A_2074 = arith.constant 48 : i32
        %add3A_2075 = arith.addi %mul3A_684, %add3A_2074 : i32
        %add3A_2076 = arith.constant 2 : i32
        %add3A_2077 = arith.addi %add3A_2075, %add3A_2076 : i32
        %broadcast_in_dim3A_2078 = arith.constant 2 : i32
        %broadcast_in_dim3A_2079 = vector.broadcast %broadcast_in_dim3A_2078 : i32 to vector<16x1xi32>
        %gather3A_2080 = vector.shape_cast %broadcast_in_dim3A_2079 : vector<16x1xi32> to vector<16xi32>
        %gather3A_2081 = tpu.dynamic_gather %get3A_2019[%gather3A_2080] in [0] : vector<16xf32>, vector<16xi32> -> vector<16xf32>
        %get3A_2082 = arith.constant 0 : i32
        %get3A_2083 = arith.index_cast %get3A_2082 : i32 to index
        %get3A_2084 = arith.index_cast %select_n3A_666 : i32 to index
        %get3A_2085 = arith.index_cast %add3A_2077 : i32 to index
        %get3A_2086 = arith.constant 0 : index
        %get3A_2087 = tpu.vector_load %arg8[%get3A_2083, %get3A_2084, %get3A_2085, %get3A_2086] {strides = array<i32>} : memref<2x8x128x32xbf16, #tpu.memory_space<vmem>>, vector<32xbf16>,
        %bitcast3A_2088 = vector.bitcast %get3A_2087 : vector<32xbf16> to vector<16xi32>
        %shift_left3A_2089 = arith.constant 16 : i32
        %shift_left3A_2090 = vector.broadcast %shift_left3A_2089 : i32 to vector<16xi32>
        %shift_left3A_2091 = arith.shli %bitcast3A_2088, %shift_left3A_2090 : vector<16xi32>
        %bitcast3A_2092 = vector.bitcast %shift_left3A_2091 : vector<16xi32> to vector<16xf32>
        %and3A_2093 = arith.constant -65536 : i32
        %and3A_2094 = vector.broadcast %and3A_2093 : i32 to vector<16xi32>
        %and3A_2095 = arith.andi %bitcast3A_2088, %and3A_2094 : vector<16xi32>
        %bitcast3A_2096 = vector.bitcast %and3A_2095 : vector<16xi32> to vector<16xf32>
        %mul3A_2097 = arith.mulf %gather3A_2081, %bitcast3A_2092 : vector<16xf32>
        %add3A_2098 = arith.addf %add3A_1983, %mul3A_2097 : vector<16xf32>
        %mul3A_2099 = arith.mulf %gather3A_2081, %bitcast3A_2096 : vector<16xf32>
        %add3A_2100 = arith.addf %add3A_1985, %mul3A_2099 : vector<16xf32>
        %add3A_2101 = arith.constant 48 : i32
        %add3A_2102 = arith.addi %mul3A_684, %add3A_2101 : i32
        %add3A_2103 = arith.constant 3 : i32
        %add3A_2104 = arith.addi %add3A_2102, %add3A_2103 : i32
        %broadcast_in_dim3A_2105 = arith.constant 3 : i32
        %broadcast_in_dim3A_2106 = vector.broadcast %broadcast_in_dim3A_2105 : i32 to vector<16x1xi32>
        %gather3A_2107 = vector.shape_cast %broadcast_in_dim3A_2106 : vector<16x1xi32> to vector<16xi32>
        %gather3A_2108 = tpu.dynamic_gather %get3A_2019[%gather3A_2107] in [0] : vector<16xf32>, vector<16xi32> -> vector<16xf32>
        %get3A_2109 = arith.constant 0 : i32
        %get3A_2110 = arith.index_cast %get3A_2109 : i32 to index
        %get3A_2111 = arith.index_cast %select_n3A_666 : i32 to index
        %get3A_2112 = arith.index_cast %add3A_2104 : i32 to index
        %get3A_2113 = arith.constant 0 : index
        %get3A_2114 = tpu.vector_load %arg8[%get3A_2110, %get3A_2111, %get3A_2112, %get3A_2113] {strides = array<i32>} : memref<2x8x128x32xbf16, #tpu.memory_space<vmem>>, vector<32xbf16>,
        %bitcast3A_2115 = vector.bitcast %get3A_2114 : vector<32xbf16> to vector<16xi32>
        %shift_left3A_2116 = arith.constant 16 : i32
        %shift_left3A_2117 = vector.broadcast %shift_left3A_2116 : i32 to vector<16xi32>
        %shift_left3A_2118 = arith.shli %bitcast3A_2115, %shift_left3A_2117 : vector<16xi32>
        %bitcast3A_2119 = vector.bitcast %shift_left3A_2118 : vector<16xi32> to vector<16xf32>
        %and3A_2120 = arith.constant -65536 : i32
        %and3A_2121 = vector.broadcast %and3A_2120 : i32 to vector<16xi32>
        %and3A_2122 = arith.andi %bitcast3A_2115, %and3A_2121 : vector<16xi32>
        %bitcast3A_2123 = vector.bitcast %and3A_2122 : vector<16xi32> to vector<16xf32>
        %mul3A_2124 = arith.mulf %gather3A_2108, %bitcast3A_2119 : vector<16xf32>
        %add3A_2125 = arith.addf %add3A_2010, %mul3A_2124 : vector<16xf32>
        %mul3A_2126 = arith.mulf %gather3A_2108, %bitcast3A_2123 : vector<16xf32>
        %add3A_2127 = arith.addf %add3A_2012, %mul3A_2126 : vector<16xf32>
        %add3A_2128 = arith.constant 48 : i32
        %add3A_2129 = arith.addi %mul3A_684, %add3A_2128 : i32
        %add3A_2130 = arith.constant 4 : i32
        %add3A_2131 = arith.addi %add3A_2129, %add3A_2130 : i32
        %broadcast_in_dim3A_2132 = arith.constant 4 : i32
        %broadcast_in_dim3A_2133 = vector.broadcast %broadcast_in_dim3A_2132 : i32 to vector<16x1xi32>
        %gather3A_2134 = vector.shape_cast %broadcast_in_dim3A_2133 : vector<16x1xi32> to vector<16xi32>
        %gather3A_2135 = tpu.dynamic_gather %get3A_2019[%gather3A_2134] in [0] : vector<16xf32>, vector<16xi32> -> vector<16xf32>
        %get3A_2136 = arith.constant 0 : i32
        %get3A_2137 = arith.index_cast %get3A_2136 : i32 to index
        %get3A_2138 = arith.index_cast %select_n3A_666 : i32 to index
        %get3A_2139 = arith.index_cast %add3A_2131 : i32 to index
        %get3A_2140 = arith.constant 0 : index
        %get3A_2141 = tpu.vector_load %arg8[%get3A_2137, %get3A_2138, %get3A_2139, %get3A_2140] {strides = array<i32>} : memref<2x8x128x32xbf16, #tpu.memory_space<vmem>>, vector<32xbf16>,
        %bitcast3A_2142 = vector.bitcast %get3A_2141 : vector<32xbf16> to vector<16xi32>
        %shift_left3A_2143 = arith.constant 16 : i32
        %shift_left3A_2144 = vector.broadcast %shift_left3A_2143 : i32 to vector<16xi32>
        %shift_left3A_2145 = arith.shli %bitcast3A_2142, %shift_left3A_2144 : vector<16xi32>
        %bitcast3A_2146 = vector.bitcast %shift_left3A_2145 : vector<16xi32> to vector<16xf32>
        %and3A_2147 = arith.constant -65536 : i32
        %and3A_2148 = vector.broadcast %and3A_2147 : i32 to vector<16xi32>
        %and3A_2149 = arith.andi %bitcast3A_2142, %and3A_2148 : vector<16xi32>
        %bitcast3A_2150 = vector.bitcast %and3A_2149 : vector<16xi32> to vector<16xf32>
        %mul3A_2151 = arith.mulf %gather3A_2135, %bitcast3A_2146 : vector<16xf32>
        %add3A_2152 = arith.addf %add3A_2044, %mul3A_2151 : vector<16xf32>
        %mul3A_2153 = arith.mulf %gather3A_2135, %bitcast3A_2150 : vector<16xf32>
        %add3A_2154 = arith.addf %add3A_2046, %mul3A_2153 : vector<16xf32>
        %add3A_2155 = arith.constant 48 : i32
        %add3A_2156 = arith.addi %mul3A_684, %add3A_2155 : i32
        %add3A_2157 = arith.constant 5 : i32
        %add3A_2158 = arith.addi %add3A_2156, %add3A_2157 : i32
        %broadcast_in_dim3A_2159 = arith.constant 5 : i32
        %broadcast_in_dim3A_2160 = vector.broadcast %broadcast_in_dim3A_2159 : i32 to vector<16x1xi32>
        %gather3A_2161 = vector.shape_cast %broadcast_in_dim3A_2160 : vector<16x1xi32> to vector<16xi32>
        %gather3A_2162 = tpu.dynamic_gather %get3A_2019[%gather3A_2161] in [0] : vector<16xf32>, vector<16xi32> -> vector<16xf32>
        %get3A_2163 = arith.constant 0 : i32
        %get3A_2164 = arith.index_cast %get3A_2163 : i32 to index
        %get3A_2165 = arith.index_cast %select_n3A_666 : i32 to index
        %get3A_2166 = arith.index_cast %add3A_2158 : i32 to index
        %get3A_2167 = arith.constant 0 : index
        %get3A_2168 = tpu.vector_load %arg8[%get3A_2164, %get3A_2165, %get3A_2166, %get3A_2167] {strides = array<i32>} : memref<2x8x128x32xbf16, #tpu.memory_space<vmem>>, vector<32xbf16>,
        %bitcast3A_2169 = vector.bitcast %get3A_2168 : vector<32xbf16> to vector<16xi32>
        %shift_left3A_2170 = arith.constant 16 : i32
        %shift_left3A_2171 = vector.broadcast %shift_left3A_2170 : i32 to vector<16xi32>
        %shift_left3A_2172 = arith.shli %bitcast3A_2169, %shift_left3A_2171 : vector<16xi32>
        %bitcast3A_2173 = vector.bitcast %shift_left3A_2172 : vector<16xi32> to vector<16xf32>
        %and3A_2174 = arith.constant -65536 : i32
        %and3A_2175 = vector.broadcast %and3A_2174 : i32 to vector<16xi32>
        %and3A_2176 = arith.andi %bitcast3A_2169, %and3A_2175 : vector<16xi32>
        %bitcast3A_2177 = vector.bitcast %and3A_2176 : vector<16xi32> to vector<16xf32>
        %mul3A_2178 = arith.mulf %gather3A_2162, %bitcast3A_2173 : vector<16xf32>
        %add3A_2179 = arith.addf %add3A_2071, %mul3A_2178 : vector<16xf32>
        %mul3A_2180 = arith.mulf %gather3A_2162, %bitcast3A_2177 : vector<16xf32>
        %add3A_2181 = arith.addf %add3A_2073, %mul3A_2180 : vector<16xf32>
        %add3A_2182 = arith.constant 48 : i32
        %add3A_2183 = arith.addi %mul3A_684, %add3A_2182 : i32
        %add3A_2184 = arith.constant 6 : i32
        %add3A_2185 = arith.addi %add3A_2183, %add3A_2184 : i32
        %broadcast_in_dim3A_2186 = arith.constant 6 : i32
        %broadcast_in_dim3A_2187 = vector.broadcast %broadcast_in_dim3A_2186 : i32 to vector<16x1xi32>
        %gather3A_2188 = vector.shape_cast %broadcast_in_dim3A_2187 : vector<16x1xi32> to vector<16xi32>
        %gather3A_2189 = tpu.dynamic_gather %get3A_2019[%gather3A_2188] in [0] : vector<16xf32>, vector<16xi32> -> vector<16xf32>
        %get3A_2190 = arith.constant 0 : i32
        %get3A_2191 = arith.index_cast %get3A_2190 : i32 to index
        %get3A_2192 = arith.index_cast %select_n3A_666 : i32 to index
        %get3A_2193 = arith.index_cast %add3A_2185 : i32 to index
        %get3A_2194 = arith.constant 0 : index
        %get3A_2195 = tpu.vector_load %arg8[%get3A_2191, %get3A_2192, %get3A_2193, %get3A_2194] {strides = array<i32>} : memref<2x8x128x32xbf16, #tpu.memory_space<vmem>>, vector<32xbf16>,
        %bitcast3A_2196 = vector.bitcast %get3A_2195 : vector<32xbf16> to vector<16xi32>
        %shift_left3A_2197 = arith.constant 16 : i32
        %shift_left3A_2198 = vector.broadcast %shift_left3A_2197 : i32 to vector<16xi32>
        %shift_left3A_2199 = arith.shli %bitcast3A_2196, %shift_left3A_2198 : vector<16xi32>
        %bitcast3A_2200 = vector.bitcast %shift_left3A_2199 : vector<16xi32> to vector<16xf32>
        %and3A_2201 = arith.constant -65536 : i32
        %and3A_2202 = vector.broadcast %and3A_2201 : i32 to vector<16xi32>
        %and3A_2203 = arith.andi %bitcast3A_2196, %and3A_2202 : vector<16xi32>
        %bitcast3A_2204 = vector.bitcast %and3A_2203 : vector<16xi32> to vector<16xf32>
        %mul3A_2205 = arith.mulf %gather3A_2189, %bitcast3A_2200 : vector<16xf32>
        %add3A_2206 = arith.addf %add3A_2098, %mul3A_2205 : vector<16xf32>
        %mul3A_2207 = arith.mulf %gather3A_2189, %bitcast3A_2204 : vector<16xf32>
        %add3A_2208 = arith.addf %add3A_2100, %mul3A_2207 : vector<16xf32>
        %add3A_2209 = arith.constant 48 : i32
        %add3A_2210 = arith.addi %mul3A_684, %add3A_2209 : i32
        %add3A_2211 = arith.constant 7 : i32
        %add3A_2212 = arith.addi %add3A_2210, %add3A_2211 : i32
        %broadcast_in_dim3A_2213 = arith.constant 7 : i32
        %broadcast_in_dim3A_2214 = vector.broadcast %broadcast_in_dim3A_2213 : i32 to vector<16x1xi32>
        %gather3A_2215 = vector.shape_cast %broadcast_in_dim3A_2214 : vector<16x1xi32> to vector<16xi32>
        %gather3A_2216 = tpu.dynamic_gather %get3A_2019[%gather3A_2215] in [0] : vector<16xf32>, vector<16xi32> -> vector<16xf32>
        %get3A_2217 = arith.constant 0 : i32
        %get3A_2218 = arith.index_cast %get3A_2217 : i32 to index
        %get3A_2219 = arith.index_cast %select_n3A_666 : i32 to index
        %get3A_2220 = arith.index_cast %add3A_2212 : i32 to index
        %get3A_2221 = arith.constant 0 : index
        %get3A_2222 = tpu.vector_load %arg8[%get3A_2218, %get3A_2219, %get3A_2220, %get3A_2221] {strides = array<i32>} : memref<2x8x128x32xbf16, #tpu.memory_space<vmem>>, vector<32xbf16>,
        %bitcast3A_2223 = vector.bitcast %get3A_2222 : vector<32xbf16> to vector<16xi32>
        %shift_left3A_2224 = arith.constant 16 : i32
        %shift_left3A_2225 = vector.broadcast %shift_left3A_2224 : i32 to vector<16xi32>
        %shift_left3A_2226 = arith.shli %bitcast3A_2223, %shift_left3A_2225 : vector<16xi32>
        %bitcast3A_2227 = vector.bitcast %shift_left3A_2226 : vector<16xi32> to vector<16xf32>
        %and3A_2228 = arith.constant -65536 : i32
        %and3A_2229 = vector.broadcast %and3A_2228 : i32 to vector<16xi32>
        %and3A_2230 = arith.andi %bitcast3A_2223, %and3A_2229 : vector<16xi32>
        %bitcast3A_2231 = vector.bitcast %and3A_2230 : vector<16xi32> to vector<16xf32>
        %mul3A_2232 = arith.mulf %gather3A_2216, %bitcast3A_2227 : vector<16xf32>
        %add3A_2233 = arith.addf %add3A_2125, %mul3A_2232 : vector<16xf32>
        %mul3A_2234 = arith.mulf %gather3A_2216, %bitcast3A_2231 : vector<16xf32>
        %add3A_2235 = arith.addf %add3A_2127, %mul3A_2234 : vector<16xf32>
        %add3A_2236 = arith.constant 48 : i32
        %add3A_2237 = arith.addi %mul3A_684, %add3A_2236 : i32
        %add3A_2238 = arith.constant 8 : i32
        %add3A_2239 = arith.addi %add3A_2237, %add3A_2238 : i32
        %broadcast_in_dim3A_2240 = arith.constant 8 : i32
        %broadcast_in_dim3A_2241 = vector.broadcast %broadcast_in_dim3A_2240 : i32 to vector<16x1xi32>
        %gather3A_2242 = vector.shape_cast %broadcast_in_dim3A_2241 : vector<16x1xi32> to vector<16xi32>
        %gather3A_2243 = tpu.dynamic_gather %get3A_2019[%gather3A_2242] in [0] : vector<16xf32>, vector<16xi32> -> vector<16xf32>
        %get3A_2244 = arith.constant 0 : i32
        %get3A_2245 = arith.index_cast %get3A_2244 : i32 to index
        %get3A_2246 = arith.index_cast %select_n3A_666 : i32 to index
        %get3A_2247 = arith.index_cast %add3A_2239 : i32 to index
        %get3A_2248 = arith.constant 0 : index
        %get3A_2249 = tpu.vector_load %arg8[%get3A_2245, %get3A_2246, %get3A_2247, %get3A_2248] {strides = array<i32>} : memref<2x8x128x32xbf16, #tpu.memory_space<vmem>>, vector<32xbf16>,
        %bitcast3A_2250 = vector.bitcast %get3A_2249 : vector<32xbf16> to vector<16xi32>
        %shift_left3A_2251 = arith.constant 16 : i32
        %shift_left3A_2252 = vector.broadcast %shift_left3A_2251 : i32 to vector<16xi32>
        %shift_left3A_2253 = arith.shli %bitcast3A_2250, %shift_left3A_2252 : vector<16xi32>
        %bitcast3A_2254 = vector.bitcast %shift_left3A_2253 : vector<16xi32> to vector<16xf32>
        %and3A_2255 = arith.constant -65536 : i32
        %and3A_2256 = vector.broadcast %and3A_2255 : i32 to vector<16xi32>
        %and3A_2257 = arith.andi %bitcast3A_2250, %and3A_2256 : vector<16xi32>
        %bitcast3A_2258 = vector.bitcast %and3A_2257 : vector<16xi32> to vector<16xf32>
        %mul3A_2259 = arith.mulf %gather3A_2243, %bitcast3A_2254 : vector<16xf32>
        %add3A_2260 = arith.addf %add3A_2152, %mul3A_2259 : vector<16xf32>
        %mul3A_2261 = arith.mulf %gather3A_2243, %bitcast3A_2258 : vector<16xf32>
        %add3A_2262 = arith.addf %add3A_2154, %mul3A_2261 : vector<16xf32>
        %add3A_2263 = arith.constant 48 : i32
        %add3A_2264 = arith.addi %mul3A_684, %add3A_2263 : i32
        %add3A_2265 = arith.constant 9 : i32
        %add3A_2266 = arith.addi %add3A_2264, %add3A_2265 : i32
        %broadcast_in_dim3A_2267 = arith.constant 9 : i32
        %broadcast_in_dim3A_2268 = vector.broadcast %broadcast_in_dim3A_2267 : i32 to vector<16x1xi32>
        %gather3A_2269 = vector.shape_cast %broadcast_in_dim3A_2268 : vector<16x1xi32> to vector<16xi32>
        %gather3A_2270 = tpu.dynamic_gather %get3A_2019[%gather3A_2269] in [0] : vector<16xf32>, vector<16xi32> -> vector<16xf32>
        %get3A_2271 = arith.constant 0 : i32
        %get3A_2272 = arith.index_cast %get3A_2271 : i32 to index
        %get3A_2273 = arith.index_cast %select_n3A_666 : i32 to index
        %get3A_2274 = arith.index_cast %add3A_2266 : i32 to index
        %get3A_2275 = arith.constant 0 : index
        %get3A_2276 = tpu.vector_load %arg8[%get3A_2272, %get3A_2273, %get3A_2274, %get3A_2275] {strides = array<i32>} : memref<2x8x128x32xbf16, #tpu.memory_space<vmem>>, vector<32xbf16>,
        %bitcast3A_2277 = vector.bitcast %get3A_2276 : vector<32xbf16> to vector<16xi32>
        %shift_left3A_2278 = arith.constant 16 : i32
        %shift_left3A_2279 = vector.broadcast %shift_left3A_2278 : i32 to vector<16xi32>
        %shift_left3A_2280 = arith.shli %bitcast3A_2277, %shift_left3A_2279 : vector<16xi32>
        %bitcast3A_2281 = vector.bitcast %shift_left3A_2280 : vector<16xi32> to vector<16xf32>
        %and3A_2282 = arith.constant -65536 : i32
        %and3A_2283 = vector.broadcast %and3A_2282 : i32 to vector<16xi32>
        %and3A_2284 = arith.andi %bitcast3A_2277, %and3A_2283 : vector<16xi32>
        %bitcast3A_2285 = vector.bitcast %and3A_2284 : vector<16xi32> to vector<16xf32>
        %mul3A_2286 = arith.mulf %gather3A_2270, %bitcast3A_2281 : vector<16xf32>
        %add3A_2287 = arith.addf %add3A_2179, %mul3A_2286 : vector<16xf32>
        %mul3A_2288 = arith.mulf %gather3A_2270, %bitcast3A_2285 : vector<16xf32>
        %add3A_2289 = arith.addf %add3A_2181, %mul3A_2288 : vector<16xf32>
        %add3A_2290 = arith.constant 48 : i32
        %add3A_2291 = arith.addi %mul3A_684, %add3A_2290 : i32
        %add3A_2292 = arith.constant 10 : i32
        %add3A_2293 = arith.addi %add3A_2291, %add3A_2292 : i32
        %broadcast_in_dim3A_2294 = arith.constant 10 : i32
        %broadcast_in_dim3A_2295 = vector.broadcast %broadcast_in_dim3A_2294 : i32 to vector<16x1xi32>
        %gather3A_2296 = vector.shape_cast %broadcast_in_dim3A_2295 : vector<16x1xi32> to vector<16xi32>
        %gather3A_2297 = tpu.dynamic_gather %get3A_2019[%gather3A_2296] in [0] : vector<16xf32>, vector<16xi32> -> vector<16xf32>
        %get3A_2298 = arith.constant 0 : i32
        %get3A_2299 = arith.index_cast %get3A_2298 : i32 to index
        %get3A_2300 = arith.index_cast %select_n3A_666 : i32 to index
        %get3A_2301 = arith.index_cast %add3A_2293 : i32 to index
        %get3A_2302 = arith.constant 0 : index
        %get3A_2303 = tpu.vector_load %arg8[%get3A_2299, %get3A_2300, %get3A_2301, %get3A_2302] {strides = array<i32>} : memref<2x8x128x32xbf16, #tpu.memory_space<vmem>>, vector<32xbf16>,
        %bitcast3A_2304 = vector.bitcast %get3A_2303 : vector<32xbf16> to vector<16xi32>
        %shift_left3A_2305 = arith.constant 16 : i32
        %shift_left3A_2306 = vector.broadcast %shift_left3A_2305 : i32 to vector<16xi32>
        %shift_left3A_2307 = arith.shli %bitcast3A_2304, %shift_left3A_2306 : vector<16xi32>
        %bitcast3A_2308 = vector.bitcast %shift_left3A_2307 : vector<16xi32> to vector<16xf32>
        %and3A_2309 = arith.constant -65536 : i32
        %and3A_2310 = vector.broadcast %and3A_2309 : i32 to vector<16xi32>
        %and3A_2311 = arith.andi %bitcast3A_2304, %and3A_2310 : vector<16xi32>
        %bitcast3A_2312 = vector.bitcast %and3A_2311 : vector<16xi32> to vector<16xf32>
        %mul3A_2313 = arith.mulf %gather3A_2297, %bitcast3A_2308 : vector<16xf32>
        %add3A_2314 = arith.addf %add3A_2206, %mul3A_2313 : vector<16xf32>
        %mul3A_2315 = arith.mulf %gather3A_2297, %bitcast3A_2312 : vector<16xf32>
        %add3A_2316 = arith.addf %add3A_2208, %mul3A_2315 : vector<16xf32>
        %add3A_2317 = arith.constant 48 : i32
        %add3A_2318 = arith.addi %mul3A_684, %add3A_2317 : i32
        %add3A_2319 = arith.constant 11 : i32
        %add3A_2320 = arith.addi %add3A_2318, %add3A_2319 : i32
        %broadcast_in_dim3A_2321 = arith.constant 11 : i32
        %broadcast_in_dim3A_2322 = vector.broadcast %broadcast_in_dim3A_2321 : i32 to vector<16x1xi32>
        %gather3A_2323 = vector.shape_cast %broadcast_in_dim3A_2322 : vector<16x1xi32> to vector<16xi32>
        %gather3A_2324 = tpu.dynamic_gather %get3A_2019[%gather3A_2323] in [0] : vector<16xf32>, vector<16xi32> -> vector<16xf32>
        %get3A_2325 = arith.constant 0 : i32
        %get3A_2326 = arith.index_cast %get3A_2325 : i32 to index
        %get3A_2327 = arith.index_cast %select_n3A_666 : i32 to index
        %get3A_2328 = arith.index_cast %add3A_2320 : i32 to index
        %get3A_2329 = arith.constant 0 : index
        %get3A_2330 = tpu.vector_load %arg8[%get3A_2326, %get3A_2327, %get3A_2328, %get3A_2329] {strides = array<i32>} : memref<2x8x128x32xbf16, #tpu.memory_space<vmem>>, vector<32xbf16>,
        %bitcast3A_2331 = vector.bitcast %get3A_2330 : vector<32xbf16> to vector<16xi32>
        %shift_left3A_2332 = arith.constant 16 : i32
        %shift_left3A_2333 = vector.broadcast %shift_left3A_2332 : i32 to vector<16xi32>
        %shift_left3A_2334 = arith.shli %bitcast3A_2331, %shift_left3A_2333 : vector<16xi32>
        %bitcast3A_2335 = vector.bitcast %shift_left3A_2334 : vector<16xi32> to vector<16xf32>
        %and3A_2336 = arith.constant -65536 : i32
        %and3A_2337 = vector.broadcast %and3A_2336 : i32 to vector<16xi32>
        %and3A_2338 = arith.andi %bitcast3A_2331, %and3A_2337 : vector<16xi32>
        %bitcast3A_2339 = vector.bitcast %and3A_2338 : vector<16xi32> to vector<16xf32>
        %mul3A_2340 = arith.mulf %gather3A_2324, %bitcast3A_2335 : vector<16xf32>
        %add3A_2341 = arith.addf %add3A_2233, %mul3A_2340 : vector<16xf32>
        %mul3A_2342 = arith.mulf %gather3A_2324, %bitcast3A_2339 : vector<16xf32>
        %add3A_2343 = arith.addf %add3A_2235, %mul3A_2342 : vector<16xf32>
        %add3A_2344 = arith.constant 48 : i32
        %add3A_2345 = arith.addi %mul3A_684, %add3A_2344 : i32
        %add3A_2346 = arith.constant 12 : i32
        %add3A_2347 = arith.addi %add3A_2345, %add3A_2346 : i32
        %broadcast_in_dim3A_2348 = arith.constant 12 : i32
        %broadcast_in_dim3A_2349 = vector.broadcast %broadcast_in_dim3A_2348 : i32 to vector<16x1xi32>
        %gather3A_2350 = vector.shape_cast %broadcast_in_dim3A_2349 : vector<16x1xi32> to vector<16xi32>
        %gather3A_2351 = tpu.dynamic_gather %get3A_2019[%gather3A_2350] in [0] : vector<16xf32>, vector<16xi32> -> vector<16xf32>
        %get3A_2352 = arith.constant 0 : i32
        %get3A_2353 = arith.index_cast %get3A_2352 : i32 to index
        %get3A_2354 = arith.index_cast %select_n3A_666 : i32 to index
        %get3A_2355 = arith.index_cast %add3A_2347 : i32 to index
        %get3A_2356 = arith.constant 0 : index
        %get3A_2357 = tpu.vector_load %arg8[%get3A_2353, %get3A_2354, %get3A_2355, %get3A_2356] {strides = array<i32>} : memref<2x8x128x32xbf16, #tpu.memory_space<vmem>>, vector<32xbf16>,
        %bitcast3A_2358 = vector.bitcast %get3A_2357 : vector<32xbf16> to vector<16xi32>
        %shift_left3A_2359 = arith.constant 16 : i32
        %shift_left3A_2360 = vector.broadcast %shift_left3A_2359 : i32 to vector<16xi32>
        %shift_left3A_2361 = arith.shli %bitcast3A_2358, %shift_left3A_2360 : vector<16xi32>
        %bitcast3A_2362 = vector.bitcast %shift_left3A_2361 : vector<16xi32> to vector<16xf32>
        %and3A_2363 = arith.constant -65536 : i32
        %and3A_2364 = vector.broadcast %and3A_2363 : i32 to vector<16xi32>
        %and3A_2365 = arith.andi %bitcast3A_2358, %and3A_2364 : vector<16xi32>
        %bitcast3A_2366 = vector.bitcast %and3A_2365 : vector<16xi32> to vector<16xf32>
        %mul3A_2367 = arith.mulf %gather3A_2351, %bitcast3A_2362 : vector<16xf32>
        %add3A_2368 = arith.addf %add3A_2260, %mul3A_2367 : vector<16xf32>
        %mul3A_2369 = arith.mulf %gather3A_2351, %bitcast3A_2366 : vector<16xf32>
        %add3A_2370 = arith.addf %add3A_2262, %mul3A_2369 : vector<16xf32>
        %add3A_2371 = arith.constant 48 : i32
        %add3A_2372 = arith.addi %mul3A_684, %add3A_2371 : i32
        %add3A_2373 = arith.constant 13 : i32
        %add3A_2374 = arith.addi %add3A_2372, %add3A_2373 : i32
        %broadcast_in_dim3A_2375 = arith.constant 13 : i32
        %broadcast_in_dim3A_2376 = vector.broadcast %broadcast_in_dim3A_2375 : i32 to vector<16x1xi32>
        %gather3A_2377 = vector.shape_cast %broadcast_in_dim3A_2376 : vector<16x1xi32> to vector<16xi32>
        %gather3A_2378 = tpu.dynamic_gather %get3A_2019[%gather3A_2377] in [0] : vector<16xf32>, vector<16xi32> -> vector<16xf32>
        %get3A_2379 = arith.constant 0 : i32
        %get3A_2380 = arith.index_cast %get3A_2379 : i32 to index
        %get3A_2381 = arith.index_cast %select_n3A_666 : i32 to index
        %get3A_2382 = arith.index_cast %add3A_2374 : i32 to index
        %get3A_2383 = arith.constant 0 : index
        %get3A_2384 = tpu.vector_load %arg8[%get3A_2380, %get3A_2381, %get3A_2382, %get3A_2383] {strides = array<i32>} : memref<2x8x128x32xbf16, #tpu.memory_space<vmem>>, vector<32xbf16>,
        %bitcast3A_2385 = vector.bitcast %get3A_2384 : vector<32xbf16> to vector<16xi32>
        %shift_left3A_2386 = arith.constant 16 : i32
        %shift_left3A_2387 = vector.broadcast %shift_left3A_2386 : i32 to vector<16xi32>
        %shift_left3A_2388 = arith.shli %bitcast3A_2385, %shift_left3A_2387 : vector<16xi32>
        %bitcast3A_2389 = vector.bitcast %shift_left3A_2388 : vector<16xi32> to vector<16xf32>
        %and3A_2390 = arith.constant -65536 : i32
        %and3A_2391 = vector.broadcast %and3A_2390 : i32 to vector<16xi32>
        %and3A_2392 = arith.andi %bitcast3A_2385, %and3A_2391 : vector<16xi32>
        %bitcast3A_2393 = vector.bitcast %and3A_2392 : vector<16xi32> to vector<16xf32>
        %mul3A_2394 = arith.mulf %gather3A_2378, %bitcast3A_2389 : vector<16xf32>
        %add3A_2395 = arith.addf %add3A_2287, %mul3A_2394 : vector<16xf32>
        %mul3A_2396 = arith.mulf %gather3A_2378, %bitcast3A_2393 : vector<16xf32>
        %add3A_2397 = arith.addf %add3A_2289, %mul3A_2396 : vector<16xf32>
        %add3A_2398 = arith.constant 48 : i32
        %add3A_2399 = arith.addi %mul3A_684, %add3A_2398 : i32
        %add3A_2400 = arith.constant 14 : i32
        %add3A_2401 = arith.addi %add3A_2399, %add3A_2400 : i32
        %broadcast_in_dim3A_2402 = arith.constant 14 : i32
        %broadcast_in_dim3A_2403 = vector.broadcast %broadcast_in_dim3A_2402 : i32 to vector<16x1xi32>
        %gather3A_2404 = vector.shape_cast %broadcast_in_dim3A_2403 : vector<16x1xi32> to vector<16xi32>
        %gather3A_2405 = tpu.dynamic_gather %get3A_2019[%gather3A_2404] in [0] : vector<16xf32>, vector<16xi32> -> vector<16xf32>
        %get3A_2406 = arith.constant 0 : i32
        %get3A_2407 = arith.index_cast %get3A_2406 : i32 to index
        %get3A_2408 = arith.index_cast %select_n3A_666 : i32 to index
        %get3A_2409 = arith.index_cast %add3A_2401 : i32 to index
        %get3A_2410 = arith.constant 0 : index
        %get3A_2411 = tpu.vector_load %arg8[%get3A_2407, %get3A_2408, %get3A_2409, %get3A_2410] {strides = array<i32>} : memref<2x8x128x32xbf16, #tpu.memory_space<vmem>>, vector<32xbf16>,
        %bitcast3A_2412 = vector.bitcast %get3A_2411 : vector<32xbf16> to vector<16xi32>
        %shift_left3A_2413 = arith.constant 16 : i32
        %shift_left3A_2414 = vector.broadcast %shift_left3A_2413 : i32 to vector<16xi32>
        %shift_left3A_2415 = arith.shli %bitcast3A_2412, %shift_left3A_2414 : vector<16xi32>
        %bitcast3A_2416 = vector.bitcast %shift_left3A_2415 : vector<16xi32> to vector<16xf32>
        %and3A_2417 = arith.constant -65536 : i32
        %and3A_2418 = vector.broadcast %and3A_2417 : i32 to vector<16xi32>
        %and3A_2419 = arith.andi %bitcast3A_2412, %and3A_2418 : vector<16xi32>
        %bitcast3A_2420 = vector.bitcast %and3A_2419 : vector<16xi32> to vector<16xf32>
        %mul3A_2421 = arith.mulf %gather3A_2405, %bitcast3A_2416 : vector<16xf32>
        %add3A_2422 = arith.addf %add3A_2314, %mul3A_2421 : vector<16xf32>
        %mul3A_2423 = arith.mulf %gather3A_2405, %bitcast3A_2420 : vector<16xf32>
        %add3A_2424 = arith.addf %add3A_2316, %mul3A_2423 : vector<16xf32>
        %add3A_2425 = arith.constant 48 : i32
        %add3A_2426 = arith.addi %mul3A_684, %add3A_2425 : i32
        %add3A_2427 = arith.constant 15 : i32
        %add3A_2428 = arith.addi %add3A_2426, %add3A_2427 : i32
        %broadcast_in_dim3A_2429 = arith.constant 15 : i32
        %broadcast_in_dim3A_2430 = vector.broadcast %broadcast_in_dim3A_2429 : i32 to vector<16x1xi32>
        %gather3A_2431 = vector.shape_cast %broadcast_in_dim3A_2430 : vector<16x1xi32> to vector<16xi32>
        %gather3A_2432 = tpu.dynamic_gather %get3A_2019[%gather3A_2431] in [0] : vector<16xf32>, vector<16xi32> -> vector<16xf32>
        %get3A_2433 = arith.constant 0 : i32
        %get3A_2434 = arith.index_cast %get3A_2433 : i32 to index
        %get3A_2435 = arith.index_cast %select_n3A_666 : i32 to index
        %get3A_2436 = arith.index_cast %add3A_2428 : i32 to index
        %get3A_2437 = arith.constant 0 : index
        %get3A_2438 = tpu.vector_load %arg8[%get3A_2434, %get3A_2435, %get3A_2436, %get3A_2437] {strides = array<i32>} : memref<2x8x128x32xbf16, #tpu.memory_space<vmem>>, vector<32xbf16>,
        %bitcast3A_2439 = vector.bitcast %get3A_2438 : vector<32xbf16> to vector<16xi32>
        %shift_left3A_2440 = arith.constant 16 : i32
        %shift_left3A_2441 = vector.broadcast %shift_left3A_2440 : i32 to vector<16xi32>
        %shift_left3A_2442 = arith.shli %bitcast3A_2439, %shift_left3A_2441 : vector<16xi32>
        %bitcast3A_2443 = vector.bitcast %shift_left3A_2442 : vector<16xi32> to vector<16xf32>
        %and3A_2444 = arith.constant -65536 : i32
        %and3A_2445 = vector.broadcast %and3A_2444 : i32 to vector<16xi32>
        %and3A_2446 = arith.andi %bitcast3A_2439, %and3A_2445 : vector<16xi32>
        %bitcast3A_2447 = vector.bitcast %and3A_2446 : vector<16xi32> to vector<16xf32>
        %mul3A_2448 = arith.mulf %gather3A_2432, %bitcast3A_2443 : vector<16xf32>
        %add3A_2449 = arith.addf %add3A_2341, %mul3A_2448 : vector<16xf32>
        %mul3A_2450 = arith.mulf %gather3A_2432, %bitcast3A_2447 : vector<16xf32>
        %add3A_2451 = arith.addf %add3A_2343, %mul3A_2450 : vector<16xf32>
        %add3A_2452 = arith.addf %add3A_2368, %add3A_2395 : vector<16xf32>
        %add3A_2453 = arith.addf %add3A_2422, %add3A_2449 : vector<16xf32>
        %add3A_2454 = arith.addf %add3A_2452, %add3A_2453 : vector<16xf32>
        %add3A_2455 = arith.addf %add3A_2370, %add3A_2397 : vector<16xf32>
        %add3A_2456 = arith.addf %add3A_2424, %add3A_2451 : vector<16xf32>
        %add3A_2457 = arith.addf %add3A_2455, %add3A_2456 : vector<16xf32>
        %jit3A_2458 = arith.constant 4 : i32
        %div3A_2459 = arith.divsi %scan3A_642, %jit3A_2458 : i32
        %sign3A_2460 = arith.constant 0 : i32
        %sign3A_2461 = arith.cmpi sgt, %scan3A_642, %sign3A_2460 : i32
        %sign3A_2462 = arith.extui %sign3A_2461 : i1 to i32
        %sign3A_2463 = arith.constant 0 : i32
        %sign3A_2464 = arith.cmpi slt, %scan3A_642, %sign3A_2463 : i32
        %sign3A_2465 = arith.extui %sign3A_2464 : i1 to i32
        %sign3A_2466 = arith.subi %sign3A_2462, %sign3A_2465 : i32
        %sign3A_2467 = arith.constant 0 : i32
        %sign3A_2468 = arith.cmpi sgt, %jit3A_2458, %sign3A_2467 : i32
        %sign3A_2469 = arith.extui %sign3A_2468 : i1 to i32
        %sign3A_2470 = arith.constant 0 : i32
        %sign3A_2471 = arith.cmpi slt, %jit3A_2458, %sign3A_2470 : i32
        %sign3A_2472 = arith.extui %sign3A_2471 : i1 to i32
        %sign3A_2473 = arith.subi %sign3A_2469, %sign3A_2472 : i32
        %ne3A_2474 = arith.cmpi ne, %sign3A_2466, %sign3A_2473 : i32
        %rem3A_2475 = arith.remsi %scan3A_642, %jit3A_2458 : i32
        %ne3A_2476 = arith.constant 0 : i32
        %ne3A_2477 = arith.cmpi ne, %rem3A_2475, %ne3A_2476 : i32
        %and3A_2478 = arith.andi %ne3A_2474, %ne3A_2477 : i1
        %sub3A_2479 = arith.constant 1 : i32
        %sub3A_2480 = arith.subi %div3A_2459, %sub3A_2479 : i32
        %select_n3A_2481 = arith.select %and3A_2478, %sub3A_2480, %div3A_2459 : i32
        %jit3A_2482 = arith.constant 4 : i32
        %eq3A_2483 = arith.constant 0 : i32
        %eq3A_2484 = arith.cmpi eq, %jit3A_2482, %eq3A_2483 : i32
        %jit3A_2485 = arith.constant 1 : i32
        %select_n3A_2486 = arith.select %eq3A_2484, %jit3A_2485, %jit3A_2482 : i32
        %rem3A_2487 = arith.remsi %scan3A_642, %select_n3A_2486 : i32
        %ne3A_2488 = arith.constant 0 : i32
        %ne3A_2489 = arith.cmpi ne, %rem3A_2487, %ne3A_2488 : i32
        %lt3A_2490 = arith.constant 0 : i32
        %lt3A_2491 = arith.cmpi slt, %rem3A_2487, %lt3A_2490 : i32
        %lt3A_2492 = arith.constant 0 : i32
        %lt3A_2493 = arith.cmpi slt, %select_n3A_2486, %lt3A_2492 : i32
        %ne3A_2494 = arith.xori %lt3A_2491, %lt3A_2493 : i1
        %and3A_2495 = arith.andi %ne3A_2494, %ne3A_2489 : i1
        %add3A_2496 = arith.addi %rem3A_2487, %select_n3A_2486 : i32
        %select_n3A_2497 = arith.select %and3A_2495, %add3A_2496, %rem3A_2487 : i32
        %mul3A_2498 = arith.constant 32 : i32
        %mul3A_2499 = arith.muli %select_n3A_2497, %mul3A_2498 : i32
        %swap3A = arith.constant 0 : i32
        %swap3A_2500 = arith.index_cast %swap3A : i32 to index
        %swap3A_2501 = arith.index_cast %select_n3A_2481 : i32 to index
        %swap3A_2502 = arith.index_cast %mul3A_2499 : i32 to index
        %swap3A_2503 = tpu.vector_load %arg9[%swap3A_2500, %swap3A_2501, %swap3A_2502] {strides = array<i32>} : memref<2x4x128xf32, #tpu.memory_space<vmem>>, vector<16xf32>,
        tpu.vector_store %arg9[%swap3A_2500, %swap3A_2501, %swap3A_2502], %add3A_2454 {strides = array<i32>} : memref<2x4x128xf32, #tpu.memory_space<vmem>>, vector<16xf32>,
        %jit3A_2504 = arith.constant 4 : i32
        %div3A_2505 = arith.divsi %scan3A_642, %jit3A_2504 : i32
        %sign3A_2506 = arith.constant 0 : i32
        %sign3A_2507 = arith.cmpi sgt, %scan3A_642, %sign3A_2506 : i32
        %sign3A_2508 = arith.extui %sign3A_2507 : i1 to i32
        %sign3A_2509 = arith.constant 0 : i32
        %sign3A_2510 = arith.cmpi slt, %scan3A_642, %sign3A_2509 : i32
        %sign3A_2511 = arith.extui %sign3A_2510 : i1 to i32
        %sign3A_2512 = arith.subi %sign3A_2508, %sign3A_2511 : i32
        %sign3A_2513 = arith.constant 0 : i32
        %sign3A_2514 = arith.cmpi sgt, %jit3A_2504, %sign3A_2513 : i32
        %sign3A_2515 = arith.extui %sign3A_2514 : i1 to i32
        %sign3A_2516 = arith.constant 0 : i32
        %sign3A_2517 = arith.cmpi slt, %jit3A_2504, %sign3A_2516 : i32
        %sign3A_2518 = arith.extui %sign3A_2517 : i1 to i32
        %sign3A_2519 = arith.subi %sign3A_2515, %sign3A_2518 : i32
        %ne3A_2520 = arith.cmpi ne, %sign3A_2512, %sign3A_2519 : i32
        %rem3A_2521 = arith.remsi %scan3A_642, %jit3A_2504 : i32
        %ne3A_2522 = arith.constant 0 : i32
        %ne3A_2523 = arith.cmpi ne, %rem3A_2521, %ne3A_2522 : i32
        %and3A_2524 = arith.andi %ne3A_2520, %ne3A_2523 : i1
        %sub3A_2525 = arith.constant 1 : i32
        %sub3A_2526 = arith.subi %div3A_2505, %sub3A_2525 : i32
        %select_n3A_2527 = arith.select %and3A_2524, %sub3A_2526, %div3A_2505 : i32
        %jit3A_2528 = arith.constant 4 : i32
        %eq3A_2529 = arith.constant 0 : i32
        %eq3A_2530 = arith.cmpi eq, %jit3A_2528, %eq3A_2529 : i32
        %jit3A_2531 = arith.constant 1 : i32
        %select_n3A_2532 = arith.select %eq3A_2530, %jit3A_2531, %jit3A_2528 : i32
        %rem3A_2533 = arith.remsi %scan3A_642, %select_n3A_2532 : i32
        %ne3A_2534 = arith.constant 0 : i32
        %ne3A_2535 = arith.cmpi ne, %rem3A_2533, %ne3A_2534 : i32
        %lt3A_2536 = arith.constant 0 : i32
        %lt3A_2537 = arith.cmpi slt, %rem3A_2533, %lt3A_2536 : i32
        %lt3A_2538 = arith.constant 0 : i32
        %lt3A_2539 = arith.cmpi slt, %select_n3A_2532, %lt3A_2538 : i32
        %ne3A_2540 = arith.xori %lt3A_2537, %lt3A_2539 : i1
        %and3A_2541 = arith.andi %ne3A_2540, %ne3A_2535 : i1
        %add3A_2542 = arith.addi %rem3A_2533, %select_n3A_2532 : i32
        %select_n3A_2543 = arith.select %and3A_2541, %add3A_2542, %rem3A_2533 : i32
        %mul3A_2544 = arith.constant 32 : i32
        %mul3A_2545 = arith.muli %select_n3A_2543, %mul3A_2544 : i32
        %add3A_2546 = arith.constant 16 : i32
        %add3A_2547 = arith.addi %mul3A_2545, %add3A_2546 : i32
        %swap3A_2548 = arith.constant 0 : i32
        %swap3A_2549 = arith.index_cast %swap3A_2548 : i32 to index
        %swap3A_2550 = arith.index_cast %select_n3A_2527 : i32 to index
        %swap3A_2551 = arith.index_cast %add3A_2547 : i32 to index
        %swap3A_2552 = tpu.vector_load %arg9[%swap3A_2549, %swap3A_2550, %swap3A_2551] {strides = array<i32>} : memref<2x4x128xf32, #tpu.memory_space<vmem>>, vector<16xf32>,
        tpu.vector_store %arg9[%swap3A_2549, %swap3A_2550, %swap3A_2551], %add3A_2457 {strides = array<i32>} : memref<2x4x128xf32, #tpu.memory_space<vmem>>, vector<16xf32>,
      }
      %scan3A_388 = arith.constant 16 : i32
      %jit3A = arith.constant 2 : i32
      %div3A = arith.divsi %mul3A_262, %jit3A : i32
      %sign3A = arith.constant 0 : i32
      %sign3A_389 = arith.cmpi sgt, %mul3A_262, %sign3A : i32
      %sign3A_390 = arith.extui %sign3A_389 : i1 to i32
      %sign3A_391 = arith.constant 0 : i32
      %sign3A_392 = arith.cmpi slt, %mul3A_262, %sign3A_391 : i32
      %sign3A_393 = arith.extui %sign3A_392 : i1 to i32
      %sign3A_394 = arith.subi %sign3A_390, %sign3A_393 : i32
      %sign3A_395 = arith.constant 0 : i32
      %sign3A_396 = arith.cmpi sgt, %jit3A, %sign3A_395 : i32
      %sign3A_397 = arith.extui %sign3A_396 : i1 to i32
      %sign3A_398 = arith.constant 0 : i32
      %sign3A_399 = arith.cmpi slt, %jit3A, %sign3A_398 : i32
      %sign3A_400 = arith.extui %sign3A_399 : i1 to i32
      %sign3A_401 = arith.subi %sign3A_397, %sign3A_400 : i32
      %ne3A = arith.cmpi ne, %sign3A_394, %sign3A_401 : i32
      %rem3A = arith.remsi %mul3A_262, %jit3A : i32
      %ne3A_402 = arith.constant 0 : i32
      %ne3A_403 = arith.cmpi ne, %rem3A, %ne3A_402 : i32
      %and3A = arith.andi %ne3A, %ne3A_403 : i1
      %sub3A = arith.constant 1 : i32
      %sub3A_404 = arith.subi %div3A, %sub3A : i32
      %select_n3A = arith.select %and3A, %sub3A_404, %div3A : i32
      %jit3A_405 = arith.constant 2 : i32
      %eq3A = arith.constant 0 : i32
      %eq3A_406 = arith.cmpi eq, %jit3A_405, %eq3A : i32
      %jit3A_407 = arith.constant 1 : i32
      %select_n3A_408 = arith.select %eq3A_406, %jit3A_407, %jit3A_405 : i32
      %rem3A_409 = arith.remsi %mul3A_262, %select_n3A_408 : i32
      %ne3A_410 = arith.constant 0 : i32
      %ne3A_411 = arith.cmpi ne, %rem3A_409, %ne3A_410 : i32
      %lt3A_412 = arith.constant 0 : i32
      %lt3A_413 = arith.cmpi slt, %rem3A_409, %lt3A_412 : i32
      %lt3A_414 = arith.constant 0 : i32
      %lt3A_415 = arith.cmpi slt, %select_n3A_408, %lt3A_414 : i32
      %ne3A_416 = arith.xori %lt3A_413, %lt3A_415 : i1
      %and3A_417 = arith.andi %ne3A_416, %ne3A_411 : i1
      %add3A_418 = arith.addi %rem3A_409, %select_n3A_408 : i32
      %select_n3A_419 = arith.select %and3A_417, %add3A_418, %rem3A_409 : i32
      %mul3A_420 = arith.constant 4 : i32
      %mul3A_421 = arith.muli %select_n3A_419, %mul3A_420 : i32
      %dma_start3A_422 = arith.constant 0 : i32
      %dma_start3A_423 = arith.constant 0 : i32
      %dma_start3A_424 = arith.constant 0 : i32
      %dma_start3A_425 = tpu.memref_slice %arg9[%dma_start3A_422, %dma_start3A_423, %dma_start3A_424] : memref<2x4x128xf32, #tpu.memory_space<vmem>> -> memref<1x4x128xf32, #tpu.memory_space<vmem>>
      %dma_start3A_426 = tpu.memref_squeeze %dma_start3A_425 : memref<1x4x128xf32, #tpu.memory_space<vmem>> -> memref<4x128xf32, #tpu.memory_space<vmem>>
      %dma_start3A_427 = arith.constant 0 : i32
      %dma_start3A_428 = tpu.memref_slice %arg5[%add3A, %select_n3A, %mul3A_421, %dma_start3A_427] : memref<32x64x8x128xf32, #tpu.memory_space<hbm>> -> memref<1x1x4x128xf32, #tpu.memory_space<hbm>>
      %dma_start3A_429 = tpu.memref_squeeze %dma_start3A_428 : memref<1x1x4x128xf32, #tpu.memory_space<hbm>> -> memref<4x128xf32, #tpu.memory_space<hbm>>
      %dma_start3A_430 = arith.constant 0 : i32
      %dma_start3A_431 = tpu.memref_slice %arg5[%add3A, %select_n3A, %mul3A_421, %dma_start3A_430] : memref<32x64x8x128xf32, #tpu.memory_space<hbm>> -> memref<1x1x4x128xf32, #tpu.memory_space<hbm>>
      %dma_start3A_432 = tpu.memref_squeeze %dma_start3A_431 : memref<1x1x4x128xf32, #tpu.memory_space<hbm>> -> memref<4x128xf32, #tpu.memory_space<hbm>>
      %dma_start3A_433 = arith.constant 0 : i32
      %dma_start3A_434 = arith.constant 0 : i32
      %dma_start3A_435 = tpu.memref_slice %arg9[%dma_start3A_422, %dma_start3A_433, %dma_start3A_434] : memref<2x4x128xf32, #tpu.memory_space<vmem>> -> memref<1x4x128xf32, #tpu.memory_space<vmem>>
      %dma_start3A_436 = tpu.memref_squeeze %dma_start3A_435 : memref<1x4x128xf32, #tpu.memory_space<vmem>> -> memref<4x128xf32, #tpu.memory_space<vmem>>
      tpu.enqueue_dma source(%dma_start3A_436 : memref<4x128xf32, #tpu.memory_space<vmem>>) target(%dma_start3A_432 : memref<4x128xf32, #tpu.memory_space<hbm>>) target_semaphore(%arg14 : memref<!tpu.dma_semaphore, #tpu.memory_space<semaphore_mem>>)
      %add3A_437 = arith.constant 2 : i32
      %add3A_438 = arith.addi %mul3A_262, %add3A_437 : i32
      %lt3A_439 = arith.constant 128 : i32
      %lt3A_440 = arith.cmpi slt, %add3A_438, %lt3A_439 : i32
      %convert_element_type3A_441 = arith.extui %lt3A_440 : i1 to i32
      %cond3A_442 = arith.constant 0 : i32
      %cond3A_443 = arith.cmpi ne, %convert_element_type3A_441, %cond3A_442 : i32
      scf.if %cond3A_443 {
        %add3A_642 = arith.constant 2 : i32
        %add3A_643 = arith.addi %mul3A_262, %add3A_642 : i32
        %dma_start3A_644 = arith.constant 0 : i32
        %dma_start3A_645 = arith.constant 0 : i32
        %dma_start3A_646 = arith.constant 0 : i32
        %dma_start3A_647 = tpu.memref_slice %arg6[%dma_start3A_644, %dma_start3A_645, %dma_start3A_646] : memref<2x8x128xi32, #tpu.memory_space<vmem>> -> memref<1x8x128xi32, #tpu.memory_space<vmem>>
        %dma_start3A_648 = tpu.memref_squeeze %dma_start3A_647 : memref<1x8x128xi32, #tpu.memory_space<vmem>> -> memref<8x128xi32, #tpu.memory_space<vmem>>
        %dma_start3A_649 = arith.constant 0 : i32
        %dma_start3A_650 = arith.constant 0 : i32
        %dma_start3A_651 = tpu.memref_slice %arg3[%add3A, %add3A_643, %dma_start3A_649, %dma_start3A_650] : memref<32x128x8x128xi32, #tpu.memory_space<hbm>> -> memref<1x1x8x128xi32, #tpu.memory_space<hbm>>
        %dma_start3A_652 = tpu.memref_squeeze %dma_start3A_651 : memref<1x1x8x128xi32, #tpu.memory_space<hbm>> -> memref<8x128xi32, #tpu.memory_space<hbm>>
        %dma_start3A_653 = arith.constant 0 : i32
        %dma_start3A_654 = arith.constant 0 : i32
        %dma_start3A_655 = tpu.memref_slice %arg6[%dma_start3A_644, %dma_start3A_653, %dma_start3A_654] : memref<2x8x128xi32, #tpu.memory_space<vmem>> -> memref<1x8x128xi32, #tpu.memory_space<vmem>>
        %dma_start3A_656 = tpu.memref_squeeze %dma_start3A_655 : memref<1x8x128xi32, #tpu.memory_space<vmem>> -> memref<8x128xi32, #tpu.memory_space<vmem>>
        %dma_start3A_657 = arith.constant 0 : i32
        %dma_start3A_658 = arith.constant 0 : i32
        %dma_start3A_659 = tpu.memref_slice %arg3[%add3A, %add3A_643, %dma_start3A_657, %dma_start3A_658] : memref<32x128x8x128xi32, #tpu.memory_space<hbm>> -> memref<1x1x8x128xi32, #tpu.memory_space<hbm>>
        %dma_start3A_660 = tpu.memref_squeeze %dma_start3A_659 : memref<1x1x8x128xi32, #tpu.memory_space<hbm>> -> memref<8x128xi32, #tpu.memory_space<hbm>>
        tpu.enqueue_dma source(%dma_start3A_660 : memref<8x128xi32, #tpu.memory_space<hbm>>) target(%dma_start3A_656 : memref<8x128xi32, #tpu.memory_space<vmem>>) target_semaphore(%arg10 : memref<!tpu.dma_semaphore, #tpu.memory_space<semaphore_mem>>)
        %dma_start3A_661 = arith.constant 0 : i32
        %dma_start3A_662 = arith.constant 0 : i32
        %dma_start3A_663 = arith.constant 0 : i32
        %dma_start3A_664 = tpu.memref_slice %arg7[%dma_start3A_661, %dma_start3A_662, %dma_start3A_663] : memref<2x8x128xf32, #tpu.memory_space<vmem>> -> memref<1x8x128xf32, #tpu.memory_space<vmem>>
        %dma_start3A_665 = tpu.memref_squeeze %dma_start3A_664 : memref<1x8x128xf32, #tpu.memory_space<vmem>> -> memref<8x128xf32, #tpu.memory_space<vmem>>
        %dma_start3A_666 = arith.constant 0 : i32
        %dma_start3A_667 = arith.constant 0 : i32
        %dma_start3A_668 = tpu.memref_slice %arg4[%add3A, %add3A_643, %dma_start3A_666, %dma_start3A_667] : memref<32x128x8x128xf32, #tpu.memory_space<hbm>> -> memref<1x1x8x128xf32, #tpu.memory_space<hbm>>
        %dma_start3A_669 = tpu.memref_squeeze %dma_start3A_668 : memref<1x1x8x128xf32, #tpu.memory_space<hbm>> -> memref<8x128xf32, #tpu.memory_space<hbm>>
        %dma_start3A_670 = arith.constant 0 : i32
        %dma_start3A_671 = arith.constant 0 : i32
        %dma_start3A_672 = tpu.memref_slice %arg7[%dma_start3A_661, %dma_start3A_670, %dma_start3A_671] : memref<2x8x128xf32, #tpu.memory_space<vmem>> -> memref<1x8x128xf32, #tpu.memory_space<vmem>>
        %dma_start3A_673 = tpu.memref_squeeze %dma_start3A_672 : memref<1x8x128xf32, #tpu.memory_space<vmem>> -> memref<8x128xf32, #tpu.memory_space<vmem>>
        %dma_start3A_674 = arith.constant 0 : i32
        %dma_start3A_675 = arith.constant 0 : i32
        %dma_start3A_676 = tpu.memref_slice %arg4[%add3A, %add3A_643, %dma_start3A_674, %dma_start3A_675] : memref<32x128x8x128xf32, #tpu.memory_space<hbm>> -> memref<1x1x8x128xf32, #tpu.memory_space<hbm>>
        %dma_start3A_677 = tpu.memref_squeeze %dma_start3A_676 : memref<1x1x8x128xf32, #tpu.memory_space<hbm>> -> memref<8x128xf32, #tpu.memory_space<hbm>>
        tpu.enqueue_dma source(%dma_start3A_677 : memref<8x128xf32, #tpu.memory_space<hbm>>) target(%dma_start3A_673 : memref<8x128xf32, #tpu.memory_space<vmem>>) target_semaphore(%arg10 : memref<!tpu.dma_semaphore, #tpu.memory_space<semaphore_mem>>)
      } else {
      }
      %mul3A_444 = arith.constant 2 : i32
      %mul3A_445 = arith.muli %mul3A_444, %scan3A_260 : i32
      %add3A_446 = arith.constant 1 : i32
      %add3A_447 = arith.addi %mul3A_445, %add3A_446 : i32
      %add3A_448 = arith.constant 1 : i32
      %add3A_449 = arith.addi %add3A_447, %add3A_448 : i32
      %lt3A_450 = arith.constant 128 : i32
      %lt3A_451 = arith.cmpi slt, %add3A_449, %lt3A_450 : i32
      %convert_element_type3A_452 = arith.extui %lt3A_451 : i1 to i32
      %cond3A_453 = arith.constant 0 : i32
      %cond3A_454 = arith.cmpi ne, %convert_element_type3A_452, %cond3A_453 : i32
      scf.if %cond3A_454 {
        %dma_wait3A_642 = arith.constant 0 : i32
        %dma_wait3A_643 = arith.constant 0 : i32
        %dma_wait3A_644 = arith.constant 0 : i32
        %dma_wait3A_645 = arith.constant 0 : i32
        %dma_wait3A_646 = tpu.memref_slice %arg6[%dma_wait3A_643, %dma_wait3A_644, %dma_wait3A_645] : memref<2x8x128xi32, #tpu.memory_space<vmem>> -> memref<1x8x128xi32, #tpu.memory_space<vmem>>
        %dma_wait3A_647 = tpu.memref_squeeze %dma_wait3A_646 : memref<1x8x128xi32, #tpu.memory_space<vmem>> -> memref<8x128xi32, #tpu.memory_space<vmem>>
        %dma_wait3A_648 = arith.constant 0 : i32
        %dma_wait3A_649 = arith.constant 0 : i32
        %dma_wait3A_650 = tpu.memref_slice %arg3[%add3A, %dma_wait3A_642, %dma_wait3A_648, %dma_wait3A_649] : memref<32x128x8x128xi32, #tpu.memory_space<hbm>> -> memref<1x1x8x128xi32, #tpu.memory_space<hbm>>
        %dma_wait3A_651 = tpu.memref_squeeze %dma_wait3A_650 : memref<1x1x8x128xi32, #tpu.memory_space<hbm>> -> memref<8x128xi32, #tpu.memory_space<hbm>>
        %dma_wait3A_652 = arith.constant 0 : i32
        %dma_wait3A_653 = arith.constant 0 : i32
        %dma_wait3A_654 = tpu.memref_slice %arg6[%dma_wait3A_643, %dma_wait3A_652, %dma_wait3A_653] : memref<2x8x128xi32, #tpu.memory_space<vmem>> -> memref<1x8x128xi32, #tpu.memory_space<vmem>>
        %dma_wait3A_655 = tpu.memref_squeeze %dma_wait3A_654 : memref<1x8x128xi32, #tpu.memory_space<vmem>> -> memref<8x128xi32, #tpu.memory_space<vmem>>
        %dma_wait3A_656 = arith.constant 0 : i32
        %dma_wait3A_657 = arith.constant 0 : i32
        %dma_wait3A_658 = tpu.memref_slice %arg3[%add3A, %dma_wait3A_642, %dma_wait3A_656, %dma_wait3A_657] : memref<32x128x8x128xi32, #tpu.memory_space<hbm>> -> memref<1x1x8x128xi32, #tpu.memory_space<hbm>>
        %dma_wait3A_659 = tpu.memref_squeeze %dma_wait3A_658 : memref<1x1x8x128xi32, #tpu.memory_space<hbm>> -> memref<8x128xi32, #tpu.memory_space<hbm>>
        tpu.wait_dma2 semaphore(%arg10 : memref<!tpu.dma_semaphore, #tpu.memory_space<semaphore_mem>>) src(%dma_wait3A_659 : memref<8x128xi32, #tpu.memory_space<hbm>>) dst(%dma_wait3A_655 : memref<8x128xi32, #tpu.memory_space<vmem>>)
        %dma_wait3A_660 = arith.constant 0 : i32
        %dma_wait3A_661 = arith.constant 0 : i32
        %dma_wait3A_662 = arith.constant 0 : i32
        %dma_wait3A_663 = arith.constant 0 : i32
        %dma_wait3A_664 = tpu.memref_slice %arg7[%dma_wait3A_661, %dma_wait3A_662, %dma_wait3A_663] : memref<2x8x128xf32, #tpu.memory_space<vmem>> -> memref<1x8x128xf32, #tpu.memory_space<vmem>>
        %dma_wait3A_665 = tpu.memref_squeeze %dma_wait3A_664 : memref<1x8x128xf32, #tpu.memory_space<vmem>> -> memref<8x128xf32, #tpu.memory_space<vmem>>
        %dma_wait3A_666 = arith.constant 0 : i32
        %dma_wait3A_667 = arith.constant 0 : i32
        %dma_wait3A_668 = tpu.memref_slice %arg4[%add3A, %dma_wait3A_660, %dma_wait3A_666, %dma_wait3A_667] : memref<32x128x8x128xf32, #tpu.memory_space<hbm>> -> memref<1x1x8x128xf32, #tpu.memory_space<hbm>>
        %dma_wait3A_669 = tpu.memref_squeeze %dma_wait3A_668 : memref<1x1x8x128xf32, #tpu.memory_space<hbm>> -> memref<8x128xf32, #tpu.memory_space<hbm>>
        %dma_wait3A_670 = arith.constant 0 : i32
        %dma_wait3A_671 = arith.constant 0 : i32
        %dma_wait3A_672 = tpu.memref_slice %arg7[%dma_wait3A_661, %dma_wait3A_670, %dma_wait3A_671] : memref<2x8x128xf32, #tpu.memory_space<vmem>> -> memref<1x8x128xf32, #tpu.memory_space<vmem>>
        %dma_wait3A_673 = tpu.memref_squeeze %dma_wait3A_672 : memref<1x8x128xf32, #tpu.memory_space<vmem>> -> memref<8x128xf32, #tpu.memory_space<vmem>>
        %dma_wait3A_674 = arith.constant 0 : i32
        %dma_wait3A_675 = arith.constant 0 : i32
        %dma_wait3A_676 = tpu.memref_slice %arg4[%add3A, %dma_wait3A_660, %dma_wait3A_674, %dma_wait3A_675] : memref<32x128x8x128xf32, #tpu.memory_space<hbm>> -> memref<1x1x8x128xf32, #tpu.memory_space<hbm>>
        %dma_wait3A_677 = tpu.memref_squeeze %dma_wait3A_676 : memref<1x1x8x128xf32, #tpu.memory_space<hbm>> -> memref<8x128xf32, #tpu.memory_space<hbm>>
        tpu.wait_dma2 semaphore(%arg10 : memref<!tpu.dma_semaphore, #tpu.memory_space<semaphore_mem>>) src(%dma_wait3A_677 : memref<8x128xf32, #tpu.memory_space<hbm>>) dst(%dma_wait3A_673 : memref<8x128xf32, #tpu.memory_space<vmem>>)
        %dma_start3A_678 = arith.constant 0 : i32
        %dma_start3A_679 = arith.constant 0 : i32
        %dma_start3A_680 = arith.constant 0 : i32
        %dma_start3A_681 = arith.constant 0 : i32
        %dma_start3A_682 = arith.constant 0 : i32
        %dma_start3A_683 = arith.constant 0 : i32
        %dma_start3A_684 = tpu.memref_slice %arg8[%dma_start3A_680, %dma_start3A_681, %dma_start3A_682, %dma_start3A_683] : memref<2x8x128x32xbf16, #tpu.memory_space<vmem>> -> memref<1x1x128x32xbf16, #tpu.memory_space<vmem>>
        %dma_start3A_685 = tpu.memref_squeeze %dma_start3A_684 : memref<1x1x128x32xbf16, #tpu.memory_space<vmem>> -> memref<128x32xbf16, #tpu.memory_space<vmem>>
        %dma_start3A_686 = arith.constant 0 : i32
        %dma_start3A_687 = tpu.memref_slice %arg6[%dma_start3A_678, %dma_start3A_679, %dma_start3A_686] : memref<2x8x128xi32, #tpu.memory_space<vmem>> -> memref<1x1x128xi32, #tpu.memory_space<vmem>>
        %dma_start3A_688 = tpu.memref_squeeze %dma_start3A_687 : memref<1x1x128xi32, #tpu.memory_space<vmem>> -> memref<128xi32, #tpu.memory_space<vmem>>
        %dma_start3A_689 = arith.constant 0 : i32
        %dma_start3A_690 = arith.constant 0 : i32
        %dma_start3A_691 = tpu.memref_slice %arg2[%dma_start3A_689, %dma_start3A_690] : memref<174080x32xbf16, #tpu.memory_space<hbm>> -> memref<174080x32xbf16, #tpu.memory_space<hbm>>
        tpu.enqueue_indirect_dma source(%dma_start3A_691 : memref<174080x32xbf16, #tpu.memory_space<hbm>>) target(%dma_start3A_685 : memref<128x32xbf16, #tpu.memory_space<vmem>>) offsets(%dma_start3A_688 : memref<128xi32, #tpu.memory_space<vmem>>) semaphore(%arg12 : memref<!tpu.dma_semaphore, #tpu.memory_space<semaphore_mem>>)
        %dma_start3A_692 = arith.constant 0 : i32
        %dma_start3A_693 = arith.constant 1 : i32
        %dma_start3A_694 = arith.constant 0 : i32
        %dma_start3A_695 = arith.constant 1 : i32
        %dma_start3A_696 = arith.constant 0 : i32
        %dma_start3A_697 = arith.constant 0 : i32
        %dma_start3A_698 = tpu.memref_slice %arg8[%dma_start3A_694, %dma_start3A_695, %dma_start3A_696, %dma_start3A_697] : memref<2x8x128x32xbf16, #tpu.memory_space<vmem>> -> memref<1x1x128x32xbf16, #tpu.memory_space<vmem>>
        %dma_start3A_699 = tpu.memref_squeeze %dma_start3A_698 : memref<1x1x128x32xbf16, #tpu.memory_space<vmem>> -> memref<128x32xbf16, #tpu.memory_space<vmem>>
        %dma_start3A_700 = arith.constant 0 : i32
        %dma_start3A_701 = tpu.memref_slice %arg6[%dma_start3A_692, %dma_start3A_693, %dma_start3A_700] : memref<2x8x128xi32, #tpu.memory_space<vmem>> -> memref<1x1x128xi32, #tpu.memory_space<vmem>>
        %dma_start3A_702 = tpu.memref_squeeze %dma_start3A_701 : memref<1x1x128xi32, #tpu.memory_space<vmem>> -> memref<128xi32, #tpu.memory_space<vmem>>
        %dma_start3A_703 = arith.constant 0 : i32
        %dma_start3A_704 = arith.constant 0 : i32
        %dma_start3A_705 = tpu.memref_slice %arg2[%dma_start3A_703, %dma_start3A_704] : memref<174080x32xbf16, #tpu.memory_space<hbm>> -> memref<174080x32xbf16, #tpu.memory_space<hbm>>
        tpu.enqueue_indirect_dma source(%dma_start3A_705 : memref<174080x32xbf16, #tpu.memory_space<hbm>>) target(%dma_start3A_699 : memref<128x32xbf16, #tpu.memory_space<vmem>>) offsets(%dma_start3A_702 : memref<128xi32, #tpu.memory_space<vmem>>) semaphore(%arg12 : memref<!tpu.dma_semaphore, #tpu.memory_space<semaphore_mem>>)
        %dma_start3A_706 = arith.constant 0 : i32
        %dma_start3A_707 = arith.constant 2 : i32
        %dma_start3A_708 = arith.constant 0 : i32
        %dma_start3A_709 = arith.constant 2 : i32
        %dma_start3A_710 = arith.constant 0 : i32
        %dma_start3A_711 = arith.constant 0 : i32
        %dma_start3A_712 = tpu.memref_slice %arg8[%dma_start3A_708, %dma_start3A_709, %dma_start3A_710, %dma_start3A_711] : memref<2x8x128x32xbf16, #tpu.memory_space<vmem>> -> memref<1x1x128x32xbf16, #tpu.memory_space<vmem>>
        %dma_start3A_713 = tpu.memref_squeeze %dma_start3A_712 : memref<1x1x128x32xbf16, #tpu.memory_space<vmem>> -> memref<128x32xbf16, #tpu.memory_space<vmem>>
        %dma_start3A_714 = arith.constant 0 : i32
        %dma_start3A_715 = tpu.memref_slice %arg6[%dma_start3A_706, %dma_start3A_707, %dma_start3A_714] : memref<2x8x128xi32, #tpu.memory_space<vmem>> -> memref<1x1x128xi32, #tpu.memory_space<vmem>>
        %dma_start3A_716 = tpu.memref_squeeze %dma_start3A_715 : memref<1x1x128xi32, #tpu.memory_space<vmem>> -> memref<128xi32, #tpu.memory_space<vmem>>
        %dma_start3A_717 = arith.constant 0 : i32
        %dma_start3A_718 = arith.constant 0 : i32
        %dma_start3A_719 = tpu.memref_slice %arg2[%dma_start3A_717, %dma_start3A_718] : memref<174080x32xbf16, #tpu.memory_space<hbm>> -> memref<174080x32xbf16, #tpu.memory_space<hbm>>
        tpu.enqueue_indirect_dma source(%dma_start3A_719 : memref<174080x32xbf16, #tpu.memory_space<hbm>>) target(%dma_start3A_713 : memref<128x32xbf16, #tpu.memory_space<vmem>>) offsets(%dma_start3A_716 : memref<128xi32, #tpu.memory_space<vmem>>) semaphore(%arg12 : memref<!tpu.dma_semaphore, #tpu.memory_space<semaphore_mem>>)
        %dma_start3A_720 = arith.constant 0 : i32
        %dma_start3A_721 = arith.constant 3 : i32
        %dma_start3A_722 = arith.constant 0 : i32
        %dma_start3A_723 = arith.constant 3 : i32
        %dma_start3A_724 = arith.constant 0 : i32
        %dma_start3A_725 = arith.constant 0 : i32
        %dma_start3A_726 = tpu.memref_slice %arg8[%dma_start3A_722, %dma_start3A_723, %dma_start3A_724, %dma_start3A_725] : memref<2x8x128x32xbf16, #tpu.memory_space<vmem>> -> memref<1x1x128x32xbf16, #tpu.memory_space<vmem>>
        %dma_start3A_727 = tpu.memref_squeeze %dma_start3A_726 : memref<1x1x128x32xbf16, #tpu.memory_space<vmem>> -> memref<128x32xbf16, #tpu.memory_space<vmem>>
        %dma_start3A_728 = arith.constant 0 : i32
        %dma_start3A_729 = tpu.memref_slice %arg6[%dma_start3A_720, %dma_start3A_721, %dma_start3A_728] : memref<2x8x128xi32, #tpu.memory_space<vmem>> -> memref<1x1x128xi32, #tpu.memory_space<vmem>>
        %dma_start3A_730 = tpu.memref_squeeze %dma_start3A_729 : memref<1x1x128xi32, #tpu.memory_space<vmem>> -> memref<128xi32, #tpu.memory_space<vmem>>
        %dma_start3A_731 = arith.constant 0 : i32
        %dma_start3A_732 = arith.constant 0 : i32
        %dma_start3A_733 = tpu.memref_slice %arg2[%dma_start3A_731, %dma_start3A_732] : memref<174080x32xbf16, #tpu.memory_space<hbm>> -> memref<174080x32xbf16, #tpu.memory_space<hbm>>
        tpu.enqueue_indirect_dma source(%dma_start3A_733 : memref<174080x32xbf16, #tpu.memory_space<hbm>>) target(%dma_start3A_727 : memref<128x32xbf16, #tpu.memory_space<vmem>>) offsets(%dma_start3A_730 : memref<128xi32, #tpu.memory_space<vmem>>) semaphore(%arg12 : memref<!tpu.dma_semaphore, #tpu.memory_space<semaphore_mem>>)
        %dma_start3A_734 = arith.constant 0 : i32
        %dma_start3A_735 = arith.constant 4 : i32
        %dma_start3A_736 = arith.constant 0 : i32
        %dma_start3A_737 = arith.constant 4 : i32
        %dma_start3A_738 = arith.constant 0 : i32
        %dma_start3A_739 = arith.constant 0 : i32
        %dma_start3A_740 = tpu.memref_slice %arg8[%dma_start3A_736, %dma_start3A_737, %dma_start3A_738, %dma_start3A_739] : memref<2x8x128x32xbf16, #tpu.memory_space<vmem>> -> memref<1x1x128x32xbf16, #tpu.memory_space<vmem>>
        %dma_start3A_741 = tpu.memref_squeeze %dma_start3A_740 : memref<1x1x128x32xbf16, #tpu.memory_space<vmem>> -> memref<128x32xbf16, #tpu.memory_space<vmem>>
        %dma_start3A_742 = arith.constant 0 : i32
        %dma_start3A_743 = tpu.memref_slice %arg6[%dma_start3A_734, %dma_start3A_735, %dma_start3A_742] : memref<2x8x128xi32, #tpu.memory_space<vmem>> -> memref<1x1x128xi32, #tpu.memory_space<vmem>>
        %dma_start3A_744 = tpu.memref_squeeze %dma_start3A_743 : memref<1x1x128xi32, #tpu.memory_space<vmem>> -> memref<128xi32, #tpu.memory_space<vmem>>
        %dma_start3A_745 = arith.constant 0 : i32
        %dma_start3A_746 = arith.constant 0 : i32
        %dma_start3A_747 = tpu.memref_slice %arg2[%dma_start3A_745, %dma_start3A_746] : memref<174080x32xbf16, #tpu.memory_space<hbm>> -> memref<174080x32xbf16, #tpu.memory_space<hbm>>
        tpu.enqueue_indirect_dma source(%dma_start3A_747 : memref<174080x32xbf16, #tpu.memory_space<hbm>>) target(%dma_start3A_741 : memref<128x32xbf16, #tpu.memory_space<vmem>>) offsets(%dma_start3A_744 : memref<128xi32, #tpu.memory_space<vmem>>) semaphore(%arg12 : memref<!tpu.dma_semaphore, #tpu.memory_space<semaphore_mem>>)
        %dma_start3A_748 = arith.constant 0 : i32
        %dma_start3A_749 = arith.constant 5 : i32
        %dma_start3A_750 = arith.constant 0 : i32
        %dma_start3A_751 = arith.constant 5 : i32
        %dma_start3A_752 = arith.constant 0 : i32
        %dma_start3A_753 = arith.constant 0 : i32
        %dma_start3A_754 = tpu.memref_slice %arg8[%dma_start3A_750, %dma_start3A_751, %dma_start3A_752, %dma_start3A_753] : memref<2x8x128x32xbf16, #tpu.memory_space<vmem>> -> memref<1x1x128x32xbf16, #tpu.memory_space<vmem>>
        %dma_start3A_755 = tpu.memref_squeeze %dma_start3A_754 : memref<1x1x128x32xbf16, #tpu.memory_space<vmem>> -> memref<128x32xbf16, #tpu.memory_space<vmem>>
        %dma_start3A_756 = arith.constant 0 : i32
        %dma_start3A_757 = tpu.memref_slice %arg6[%dma_start3A_748, %dma_start3A_749, %dma_start3A_756] : memref<2x8x128xi32, #tpu.memory_space<vmem>> -> memref<1x1x128xi32, #tpu.memory_space<vmem>>
        %dma_start3A_758 = tpu.memref_squeeze %dma_start3A_757 : memref<1x1x128xi32, #tpu.memory_space<vmem>> -> memref<128xi32, #tpu.memory_space<vmem>>
        %dma_start3A_759 = arith.constant 0 : i32
        %dma_start3A_760 = arith.constant 0 : i32
        %dma_start3A_761 = tpu.memref_slice %arg2[%dma_start3A_759, %dma_start3A_760] : memref<174080x32xbf16, #tpu.memory_space<hbm>> -> memref<174080x32xbf16, #tpu.memory_space<hbm>>
        tpu.enqueue_indirect_dma source(%dma_start3A_761 : memref<174080x32xbf16, #tpu.memory_space<hbm>>) target(%dma_start3A_755 : memref<128x32xbf16, #tpu.memory_space<vmem>>) offsets(%dma_start3A_758 : memref<128xi32, #tpu.memory_space<vmem>>) semaphore(%arg12 : memref<!tpu.dma_semaphore, #tpu.memory_space<semaphore_mem>>)
        %dma_start3A_762 = arith.constant 0 : i32
        %dma_start3A_763 = arith.constant 6 : i32
        %dma_start3A_764 = arith.constant 0 : i32
        %dma_start3A_765 = arith.constant 6 : i32
        %dma_start3A_766 = arith.constant 0 : i32
        %dma_start3A_767 = arith.constant 0 : i32
        %dma_start3A_768 = tpu.memref_slice %arg8[%dma_start3A_764, %dma_start3A_765, %dma_start3A_766, %dma_start3A_767] : memref<2x8x128x32xbf16, #tpu.memory_space<vmem>> -> memref<1x1x128x32xbf16, #tpu.memory_space<vmem>>
        %dma_start3A_769 = tpu.memref_squeeze %dma_start3A_768 : memref<1x1x128x32xbf16, #tpu.memory_space<vmem>> -> memref<128x32xbf16, #tpu.memory_space<vmem>>
        %dma_start3A_770 = arith.constant 0 : i32
        %dma_start3A_771 = tpu.memref_slice %arg6[%dma_start3A_762, %dma_start3A_763, %dma_start3A_770] : memref<2x8x128xi32, #tpu.memory_space<vmem>> -> memref<1x1x128xi32, #tpu.memory_space<vmem>>
        %dma_start3A_772 = tpu.memref_squeeze %dma_start3A_771 : memref<1x1x128xi32, #tpu.memory_space<vmem>> -> memref<128xi32, #tpu.memory_space<vmem>>
        %dma_start3A_773 = arith.constant 0 : i32
        %dma_start3A_774 = arith.constant 0 : i32
        %dma_start3A_775 = tpu.memref_slice %arg2[%dma_start3A_773, %dma_start3A_774] : memref<174080x32xbf16, #tpu.memory_space<hbm>> -> memref<174080x32xbf16, #tpu.memory_space<hbm>>
        tpu.enqueue_indirect_dma source(%dma_start3A_775 : memref<174080x32xbf16, #tpu.memory_space<hbm>>) target(%dma_start3A_769 : memref<128x32xbf16, #tpu.memory_space<vmem>>) offsets(%dma_start3A_772 : memref<128xi32, #tpu.memory_space<vmem>>) semaphore(%arg12 : memref<!tpu.dma_semaphore, #tpu.memory_space<semaphore_mem>>)
        %dma_start3A_776 = arith.constant 0 : i32
        %dma_start3A_777 = arith.constant 7 : i32
        %dma_start3A_778 = arith.constant 0 : i32
        %dma_start3A_779 = arith.constant 7 : i32
        %dma_start3A_780 = arith.constant 0 : i32
        %dma_start3A_781 = arith.constant 0 : i32
        %dma_start3A_782 = tpu.memref_slice %arg8[%dma_start3A_778, %dma_start3A_779, %dma_start3A_780, %dma_start3A_781] : memref<2x8x128x32xbf16, #tpu.memory_space<vmem>> -> memref<1x1x128x32xbf16, #tpu.memory_space<vmem>>
        %dma_start3A_783 = tpu.memref_squeeze %dma_start3A_782 : memref<1x1x128x32xbf16, #tpu.memory_space<vmem>> -> memref<128x32xbf16, #tpu.memory_space<vmem>>
        %dma_start3A_784 = arith.constant 0 : i32
        %dma_start3A_785 = tpu.memref_slice %arg6[%dma_start3A_776, %dma_start3A_777, %dma_start3A_784] : memref<2x8x128xi32, #tpu.memory_space<vmem>> -> memref<1x1x128xi32, #tpu.memory_space<vmem>>
        %dma_start3A_786 = tpu.memref_squeeze %dma_start3A_785 : memref<1x1x128xi32, #tpu.memory_space<vmem>> -> memref<128xi32, #tpu.memory_space<vmem>>
        %dma_start3A_787 = arith.constant 0 : i32
        %dma_start3A_788 = arith.constant 0 : i32
        %dma_start3A_789 = tpu.memref_slice %arg2[%dma_start3A_787, %dma_start3A_788] : memref<174080x32xbf16, #tpu.memory_space<hbm>> -> memref<174080x32xbf16, #tpu.memory_space<hbm>>
        tpu.enqueue_indirect_dma source(%dma_start3A_789 : memref<174080x32xbf16, #tpu.memory_space<hbm>>) target(%dma_start3A_783 : memref<128x32xbf16, #tpu.memory_space<vmem>>) offsets(%dma_start3A_786 : memref<128xi32, #tpu.memory_space<vmem>>) semaphore(%arg12 : memref<!tpu.dma_semaphore, #tpu.memory_space<semaphore_mem>>)
      } else {
      }
      %dma_wait3A_455 = arith.constant 1 : i32
      %dma_wait3A_456 = arith.constant 0 : i32
      %dma_wait3A_457 = arith.constant 1 : i32
      %dma_wait3A_458 = arith.constant 0 : i32
      %dma_wait3A_459 = arith.constant 0 : i32
      %dma_wait3A_460 = arith.constant 0 : i32
      %dma_wait3A_461 = tpu.memref_slice %arg8[%dma_wait3A_457, %dma_wait3A_458, %dma_wait3A_459, %dma_wait3A_460] : memref<2x8x128x32xbf16, #tpu.memory_space<vmem>> -> memref<1x1x128x32xbf16, #tpu.memory_space<vmem>>
      %dma_wait3A_462 = tpu.memref_squeeze %dma_wait3A_461 : memref<1x1x128x32xbf16, #tpu.memory_space<vmem>> -> memref<128x32xbf16, #tpu.memory_space<vmem>>
      %dma_wait3A_463 = arith.constant 0 : i32
      %dma_wait3A_464 = tpu.memref_slice %arg6[%dma_wait3A_455, %dma_wait3A_456, %dma_wait3A_463] : memref<2x8x128xi32, #tpu.memory_space<vmem>> -> memref<1x1x128xi32, #tpu.memory_space<vmem>>
      %dma_wait3A_465 = tpu.memref_squeeze %dma_wait3A_464 : memref<1x1x128xi32, #tpu.memory_space<vmem>> -> memref<128xi32, #tpu.memory_space<vmem>>
      %dma_wait3A_466 = arith.constant 0 : i32
      %dma_wait3A_467 = arith.constant 0 : i32
      %dma_wait3A_468 = tpu.memref_slice %arg2[%dma_wait3A_466, %dma_wait3A_467] : memref<174080x32xbf16, #tpu.memory_space<hbm>> -> memref<174080x32xbf16, #tpu.memory_space<hbm>>
      tpu.wait_indirect_dma semaphore(%arg13 : memref<!tpu.dma_semaphore, #tpu.memory_space<semaphore_mem>>) src(%dma_wait3A_468 : memref<174080x32xbf16, #tpu.memory_space<hbm>>) dst(%dma_wait3A_462 : memref<128x32xbf16, #tpu.memory_space<vmem>>)
      %dma_wait3A_469 = arith.constant 1 : i32
      %dma_wait3A_470 = arith.constant 1 : i32
      %dma_wait3A_471 = arith.constant 1 : i32
      %dma_wait3A_472 = arith.constant 1 : i32
      %dma_wait3A_473 = arith.constant 0 : i32
      %dma_wait3A_474 = arith.constant 0 : i32
      %dma_wait3A_475 = tpu.memref_slice %arg8[%dma_wait3A_471, %dma_wait3A_472, %dma_wait3A_473, %dma_wait3A_474] : memref<2x8x128x32xbf16, #tpu.memory_space<vmem>> -> memref<1x1x128x32xbf16, #tpu.memory_space<vmem>>
      %dma_wait3A_476 = tpu.memref_squeeze %dma_wait3A_475 : memref<1x1x128x32xbf16, #tpu.memory_space<vmem>> -> memref<128x32xbf16, #tpu.memory_space<vmem>>
      %dma_wait3A_477 = arith.constant 0 : i32
      %dma_wait3A_478 = tpu.memref_slice %arg6[%dma_wait3A_469, %dma_wait3A_470, %dma_wait3A_477] : memref<2x8x128xi32, #tpu.memory_space<vmem>> -> memref<1x1x128xi32, #tpu.memory_space<vmem>>
      %dma_wait3A_479 = tpu.memref_squeeze %dma_wait3A_478 : memref<1x1x128xi32, #tpu.memory_space<vmem>> -> memref<128xi32, #tpu.memory_space<vmem>>
      %dma_wait3A_480 = arith.constant 0 : i32
      %dma_wait3A_481 = arith.constant 0 : i32
      %dma_wait3A_482 = tpu.memref_slice %arg2[%dma_wait3A_480, %dma_wait3A_481] : memref<174080x32xbf16, #tpu.memory_space<hbm>> -> memref<174080x32xbf16, #tpu.memory_space<hbm>>
      tpu.wait_indirect_dma semaphore(%arg13 : memref<!tpu.dma_semaphore, #tpu.memory_space<semaphore_mem>>) src(%dma_wait3A_482 : memref<174080x32xbf16, #tpu.memory_space<hbm>>) dst(%dma_wait3A_476 : memref<128x32xbf16, #tpu.memory_space<vmem>>)
      %dma_wait3A_483 = arith.constant 1 : i32
      %dma_wait3A_484 = arith.constant 2 : i32
      %dma_wait3A_485 = arith.constant 1 : i32
      %dma_wait3A_486 = arith.constant 2 : i32
      %dma_wait3A_487 = arith.constant 0 : i32
      %dma_wait3A_488 = arith.constant 0 : i32
      %dma_wait3A_489 = tpu.memref_slice %arg8[%dma_wait3A_485, %dma_wait3A_486, %dma_wait3A_487, %dma_wait3A_488] : memref<2x8x128x32xbf16, #tpu.memory_space<vmem>> -> memref<1x1x128x32xbf16, #tpu.memory_space<vmem>>
      %dma_wait3A_490 = tpu.memref_squeeze %dma_wait3A_489 : memref<1x1x128x32xbf16, #tpu.memory_space<vmem>> -> memref<128x32xbf16, #tpu.memory_space<vmem>>
      %dma_wait3A_491 = arith.constant 0 : i32
      %dma_wait3A_492 = tpu.memref_slice %arg6[%dma_wait3A_483, %dma_wait3A_484, %dma_wait3A_491] : memref<2x8x128xi32, #tpu.memory_space<vmem>> -> memref<1x1x128xi32, #tpu.memory_space<vmem>>
      %dma_wait3A_493 = tpu.memref_squeeze %dma_wait3A_492 : memref<1x1x128xi32, #tpu.memory_space<vmem>> -> memref<128xi32, #tpu.memory_space<vmem>>
      %dma_wait3A_494 = arith.constant 0 : i32
      %dma_wait3A_495 = arith.constant 0 : i32
      %dma_wait3A_496 = tpu.memref_slice %arg2[%dma_wait3A_494, %dma_wait3A_495] : memref<174080x32xbf16, #tpu.memory_space<hbm>> -> memref<174080x32xbf16, #tpu.memory_space<hbm>>
      tpu.wait_indirect_dma semaphore(%arg13 : memref<!tpu.dma_semaphore, #tpu.memory_space<semaphore_mem>>) src(%dma_wait3A_496 : memref<174080x32xbf16, #tpu.memory_space<hbm>>) dst(%dma_wait3A_490 : memref<128x32xbf16, #tpu.memory_space<vmem>>)
      %dma_wait3A_497 = arith.constant 1 : i32
      %dma_wait3A_498 = arith.constant 3 : i32
      %dma_wait3A_499 = arith.constant 1 : i32
      %dma_wait3A_500 = arith.constant 3 : i32
      %dma_wait3A_501 = arith.constant 0 : i32
      %dma_wait3A_502 = arith.constant 0 : i32
      %dma_wait3A_503 = tpu.memref_slice %arg8[%dma_wait3A_499, %dma_wait3A_500, %dma_wait3A_501, %dma_wait3A_502] : memref<2x8x128x32xbf16, #tpu.memory_space<vmem>> -> memref<1x1x128x32xbf16, #tpu.memory_space<vmem>>
      %dma_wait3A_504 = tpu.memref_squeeze %dma_wait3A_503 : memref<1x1x128x32xbf16, #tpu.memory_space<vmem>> -> memref<128x32xbf16, #tpu.memory_space<vmem>>
      %dma_wait3A_505 = arith.constant 0 : i32
      %dma_wait3A_506 = tpu.memref_slice %arg6[%dma_wait3A_497, %dma_wait3A_498, %dma_wait3A_505] : memref<2x8x128xi32, #tpu.memory_space<vmem>> -> memref<1x1x128xi32, #tpu.memory_space<vmem>>
      %dma_wait3A_507 = tpu.memref_squeeze %dma_wait3A_506 : memref<1x1x128xi32, #tpu.memory_space<vmem>> -> memref<128xi32, #tpu.memory_space<vmem>>
      %dma_wait3A_508 = arith.constant 0 : i32
      %dma_wait3A_509 = arith.constant 0 : i32
      %dma_wait3A_510 = tpu.memref_slice %arg2[%dma_wait3A_508, %dma_wait3A_509] : memref<174080x32xbf16, #tpu.memory_space<hbm>> -> memref<174080x32xbf16, #tpu.memory_space<hbm>>
      tpu.wait_indirect_dma semaphore(%arg13 : memref<!tpu.dma_semaphore, #tpu.memory_space<semaphore_mem>>) src(%dma_wait3A_510 : memref<174080x32xbf16, #tpu.memory_space<hbm>>) dst(%dma_wait3A_504 : memref<128x32xbf16, #tpu.memory_space<vmem>>)
      %dma_wait3A_511 = arith.constant 1 : i32
      %dma_wait3A_512 = arith.constant 4 : i32
      %dma_wait3A_513 = arith.constant 1 : i32
      %dma_wait3A_514 = arith.constant 4 : i32
      %dma_wait3A_515 = arith.constant 0 : i32
      %dma_wait3A_516 = arith.constant 0 : i32
      %dma_wait3A_517 = tpu.memref_slice %arg8[%dma_wait3A_513, %dma_wait3A_514, %dma_wait3A_515, %dma_wait3A_516] : memref<2x8x128x32xbf16, #tpu.memory_space<vmem>> -> memref<1x1x128x32xbf16, #tpu.memory_space<vmem>>
      %dma_wait3A_518 = tpu.memref_squeeze %dma_wait3A_517 : memref<1x1x128x32xbf16, #tpu.memory_space<vmem>> -> memref<128x32xbf16, #tpu.memory_space<vmem>>
      %dma_wait3A_519 = arith.constant 0 : i32
      %dma_wait3A_520 = tpu.memref_slice %arg6[%dma_wait3A_511, %dma_wait3A_512, %dma_wait3A_519] : memref<2x8x128xi32, #tpu.memory_space<vmem>> -> memref<1x1x128xi32, #tpu.memory_space<vmem>>
      %dma_wait3A_521 = tpu.memref_squeeze %dma_wait3A_520 : memref<1x1x128xi32, #tpu.memory_space<vmem>> -> memref<128xi32, #tpu.memory_space<vmem>>
      %dma_wait3A_522 = arith.constant 0 : i32
      %dma_wait3A_523 = arith.constant 0 : i32
      %dma_wait3A_524 = tpu.memref_slice %arg2[%dma_wait3A_522, %dma_wait3A_523] : memref<174080x32xbf16, #tpu.memory_space<hbm>> -> memref<174080x32xbf16, #tpu.memory_space<hbm>>
      tpu.wait_indirect_dma semaphore(%arg13 : memref<!tpu.dma_semaphore, #tpu.memory_space<semaphore_mem>>) src(%dma_wait3A_524 : memref<174080x32xbf16, #tpu.memory_space<hbm>>) dst(%dma_wait3A_518 : memref<128x32xbf16, #tpu.memory_space<vmem>>)
      %dma_wait3A_525 = arith.constant 1 : i32
      %dma_wait3A_526 = arith.constant 5 : i32
      %dma_wait3A_527 = arith.constant 1 : i32
      %dma_wait3A_528 = arith.constant 5 : i32
      %dma_wait3A_529 = arith.constant 0 : i32
      %dma_wait3A_530 = arith.constant 0 : i32
      %dma_wait3A_531 = tpu.memref_slice %arg8[%dma_wait3A_527, %dma_wait3A_528, %dma_wait3A_529, %dma_wait3A_530] : memref<2x8x128x32xbf16, #tpu.memory_space<vmem>> -> memref<1x1x128x32xbf16, #tpu.memory_space<vmem>>
      %dma_wait3A_532 = tpu.memref_squeeze %dma_wait3A_531 : memref<1x1x128x32xbf16, #tpu.memory_space<vmem>> -> memref<128x32xbf16, #tpu.memory_space<vmem>>
      %dma_wait3A_533 = arith.constant 0 : i32
      %dma_wait3A_534 = tpu.memref_slice %arg6[%dma_wait3A_525, %dma_wait3A_526, %dma_wait3A_533] : memref<2x8x128xi32, #tpu.memory_space<vmem>> -> memref<1x1x128xi32, #tpu.memory_space<vmem>>
      %dma_wait3A_535 = tpu.memref_squeeze %dma_wait3A_534 : memref<1x1x128xi32, #tpu.memory_space<vmem>> -> memref<128xi32, #tpu.memory_space<vmem>>
      %dma_wait3A_536 = arith.constant 0 : i32
      %dma_wait3A_537 = arith.constant 0 : i32
      %dma_wait3A_538 = tpu.memref_slice %arg2[%dma_wait3A_536, %dma_wait3A_537] : memref<174080x32xbf16, #tpu.memory_space<hbm>> -> memref<174080x32xbf16, #tpu.memory_space<hbm>>
      tpu.wait_indirect_dma semaphore(%arg13 : memref<!tpu.dma_semaphore, #tpu.memory_space<semaphore_mem>>) src(%dma_wait3A_538 : memref<174080x32xbf16, #tpu.memory_space<hbm>>) dst(%dma_wait3A_532 : memref<128x32xbf16, #tpu.memory_space<vmem>>)
      %dma_wait3A_539 = arith.constant 1 : i32
      %dma_wait3A_540 = arith.constant 6 : i32
      %dma_wait3A_541 = arith.constant 1 : i32
      %dma_wait3A_542 = arith.constant 6 : i32
      %dma_wait3A_543 = arith.constant 0 : i32
      %dma_wait3A_544 = arith.constant 0 : i32
      %dma_wait3A_545 = tpu.memref_slice %arg8[%dma_wait3A_541, %dma_wait3A_542, %dma_wait3A_543, %dma_wait3A_544] : memref<2x8x128x32xbf16, #tpu.memory_space<vmem>> -> memref<1x1x128x32xbf16, #tpu.memory_space<vmem>>
      %dma_wait3A_546 = tpu.memref_squeeze %dma_wait3A_545 : memref<1x1x128x32xbf16, #tpu.memory_space<vmem>> -> memref<128x32xbf16, #tpu.memory_space<vmem>>
      %dma_wait3A_547 = arith.constant 0 : i32
      %dma_wait3A_548 = tpu.memref_slice %arg6[%dma_wait3A_539, %dma_wait3A_540, %dma_wait3A_547] : memref<2x8x128xi32, #tpu.memory_space<vmem>> -> memref<1x1x128xi32, #tpu.memory_space<vmem>>
      %dma_wait3A_549 = tpu.memref_squeeze %dma_wait3A_548 : memref<1x1x128xi32, #tpu.memory_space<vmem>> -> memref<128xi32, #tpu.memory_space<vmem>>
      %dma_wait3A_550 = arith.constant 0 : i32
      %dma_wait3A_551 = arith.constant 0 : i32
      %dma_wait3A_552 = tpu.memref_slice %arg2[%dma_wait3A_550, %dma_wait3A_551] : memref<174080x32xbf16, #tpu.memory_space<hbm>> -> memref<174080x32xbf16, #tpu.memory_space<hbm>>
      tpu.wait_indirect_dma semaphore(%arg13 : memref<!tpu.dma_semaphore, #tpu.memory_space<semaphore_mem>>) src(%dma_wait3A_552 : memref<174080x32xbf16, #tpu.memory_space<hbm>>) dst(%dma_wait3A_546 : memref<128x32xbf16, #tpu.memory_space<vmem>>)
      %dma_wait3A_553 = arith.constant 1 : i32
      %dma_wait3A_554 = arith.constant 7 : i32
      %dma_wait3A_555 = arith.constant 1 : i32
      %dma_wait3A_556 = arith.constant 7 : i32
      %dma_wait3A_557 = arith.constant 0 : i32
      %dma_wait3A_558 = arith.constant 0 : i32
      %dma_wait3A_559 = tpu.memref_slice %arg8[%dma_wait3A_555, %dma_wait3A_556, %dma_wait3A_557, %dma_wait3A_558] : memref<2x8x128x32xbf16, #tpu.memory_space<vmem>> -> memref<1x1x128x32xbf16, #tpu.memory_space<vmem>>
      %dma_wait3A_560 = tpu.memref_squeeze %dma_wait3A_559 : memref<1x1x128x32xbf16, #tpu.memory_space<vmem>> -> memref<128x32xbf16, #tpu.memory_space<vmem>>
      %dma_wait3A_561 = arith.constant 0 : i32
      %dma_wait3A_562 = tpu.memref_slice %arg6[%dma_wait3A_553, %dma_wait3A_554, %dma_wait3A_561] : memref<2x8x128xi32, #tpu.memory_space<vmem>> -> memref<1x1x128xi32, #tpu.memory_space<vmem>>
      %dma_wait3A_563 = tpu.memref_squeeze %dma_wait3A_562 : memref<1x1x128xi32, #tpu.memory_space<vmem>> -> memref<128xi32, #tpu.memory_space<vmem>>
      %dma_wait3A_564 = arith.constant 0 : i32
      %dma_wait3A_565 = arith.constant 0 : i32
      %dma_wait3A_566 = tpu.memref_slice %arg2[%dma_wait3A_564, %dma_wait3A_565] : memref<174080x32xbf16, #tpu.memory_space<hbm>> -> memref<174080x32xbf16, #tpu.memory_space<hbm>>
      tpu.wait_indirect_dma semaphore(%arg13 : memref<!tpu.dma_semaphore, #tpu.memory_space<semaphore_mem>>) src(%dma_wait3A_566 : memref<174080x32xbf16, #tpu.memory_space<hbm>>) dst(%dma_wait3A_560 : memref<128x32xbf16, #tpu.memory_space<vmem>>)
      %ge3A_567 = arith.constant 2 : i32
      %ge3A_568 = arith.cmpi sge, %add3A_447, %ge3A_567 : i32
      %convert_element_type3A_569 = arith.extui %ge3A_568 : i1 to i32
      %cond3A_570 = arith.constant 0 : i32
      %cond3A_571 = arith.cmpi ne, %convert_element_type3A_569, %cond3A_570 : i32
      scf.if %cond3A_571 {
        %dma_wait3A_642 = arith.constant 1 : i32
        %dma_wait3A_643 = arith.constant 0 : i32
        %dma_wait3A_644 = arith.constant 0 : i32
        %dma_wait3A_645 = arith.constant 0 : i32
        %dma_wait3A_646 = tpu.memref_slice %arg9[%dma_wait3A_642, %dma_wait3A_644, %dma_wait3A_645] : memref<2x4x128xf32, #tpu.memory_space<vmem>> -> memref<1x4x128xf32, #tpu.memory_space<vmem>>
        %dma_wait3A_647 = tpu.memref_squeeze %dma_wait3A_646 : memref<1x4x128xf32, #tpu.memory_space<vmem>> -> memref<4x128xf32, #tpu.memory_space<vmem>>
        %dma_wait3A_648 = arith.constant 0 : i32
        %dma_wait3A_649 = arith.constant 0 : i32
        %dma_wait3A_650 = tpu.memref_slice %arg5[%add3A, %dma_wait3A_643, %dma_wait3A_648, %dma_wait3A_649] : memref<32x64x8x128xf32, #tpu.memory_space<hbm>> -> memref<1x1x4x128xf32, #tpu.memory_space<hbm>>
        %dma_wait3A_651 = tpu.memref_squeeze %dma_wait3A_650 : memref<1x1x4x128xf32, #tpu.memory_space<hbm>> -> memref<4x128xf32, #tpu.memory_space<hbm>>
        %dma_wait3A_652 = arith.constant 0 : i32
        %dma_wait3A_653 = arith.constant 0 : i32
        %dma_wait3A_654 = tpu.memref_slice %arg5[%add3A, %dma_wait3A_643, %dma_wait3A_652, %dma_wait3A_653] : memref<32x64x8x128xf32, #tpu.memory_space<hbm>> -> memref<1x1x4x128xf32, #tpu.memory_space<hbm>>
        %dma_wait3A_655 = tpu.memref_squeeze %dma_wait3A_654 : memref<1x1x4x128xf32, #tpu.memory_space<hbm>> -> memref<4x128xf32, #tpu.memory_space<hbm>>
        %dma_wait3A_656 = arith.constant 0 : i32
        %dma_wait3A_657 = arith.constant 0 : i32
        %dma_wait3A_658 = tpu.memref_slice %arg9[%dma_wait3A_642, %dma_wait3A_656, %dma_wait3A_657] : memref<2x4x128xf32, #tpu.memory_space<vmem>> -> memref<1x4x128xf32, #tpu.memory_space<vmem>>
        %dma_wait3A_659 = tpu.memref_squeeze %dma_wait3A_658 : memref<1x4x128xf32, #tpu.memory_space<vmem>> -> memref<4x128xf32, #tpu.memory_space<vmem>>
        tpu.wait_dma2 semaphore(%arg15 : memref<!tpu.dma_semaphore, #tpu.memory_space<semaphore_mem>>) src(%dma_wait3A_659 : memref<4x128xf32, #tpu.memory_space<vmem>>) dst(%dma_wait3A_655 : memref<4x128xf32, #tpu.memory_space<hbm>>)
      } else {
      }
      %scan3A_572 = arith.constant 0 : i32
      %scan3A_573 = arith.constant 0 : i32
      %scan3A_574 = arith.constant 16 : i32
      %scan3A_575 = arith.addi %scan3A_573, %scan3A_574 : i32
      %scan3A_576 = arith.constant 1 : i32
      scf.for %scan3A_642 = %scan3A_573 to %scan3A_575 step %scan3A_576  : i32 {
        %jit3A_643 = arith.constant 2 : i32
        %div3A_644 = arith.divsi %scan3A_642, %jit3A_643 : i32
        %sign3A_645 = arith.constant 0 : i32
        %sign3A_646 = arith.cmpi sgt, %scan3A_642, %sign3A_645 : i32
        %sign3A_647 = arith.extui %sign3A_646 : i1 to i32
        %sign3A_648 = arith.constant 0 : i32
        %sign3A_649 = arith.cmpi slt, %scan3A_642, %sign3A_648 : i32
        %sign3A_650 = arith.extui %sign3A_649 : i1 to i32
        %sign3A_651 = arith.subi %sign3A_647, %sign3A_650 : i32
        %sign3A_652 = arith.constant 0 : i32
        %sign3A_653 = arith.cmpi sgt, %jit3A_643, %sign3A_652 : i32
        %sign3A_654 = arith.extui %sign3A_653 : i1 to i32
        %sign3A_655 = arith.constant 0 : i32
        %sign3A_656 = arith.cmpi slt, %jit3A_643, %sign3A_655 : i32
        %sign3A_657 = arith.extui %sign3A_656 : i1 to i32
        %sign3A_658 = arith.subi %sign3A_654, %sign3A_657 : i32
        %ne3A_659 = arith.cmpi ne, %sign3A_651, %sign3A_658 : i32
        %rem3A_660 = arith.remsi %scan3A_642, %jit3A_643 : i32
        %ne3A_661 = arith.constant 0 : i32
        %ne3A_662 = arith.cmpi ne, %rem3A_660, %ne3A_661 : i32
        %and3A_663 = arith.andi %ne3A_659, %ne3A_662 : i1
        %sub3A_664 = arith.constant 1 : i32
        %sub3A_665 = arith.subi %div3A_644, %sub3A_664 : i32
        %select_n3A_666 = arith.select %and3A_663, %sub3A_665, %div3A_644 : i32
        %jit3A_667 = arith.constant 2 : i32
        %eq3A_668 = arith.constant 0 : i32
        %eq3A_669 = arith.cmpi eq, %jit3A_667, %eq3A_668 : i32
        %jit3A_670 = arith.constant 1 : i32
        %select_n3A_671 = arith.select %eq3A_669, %jit3A_670, %jit3A_667 : i32
        %rem3A_672 = arith.remsi %scan3A_642, %select_n3A_671 : i32
        %ne3A_673 = arith.constant 0 : i32
        %ne3A_674 = arith.cmpi ne, %rem3A_672, %ne3A_673 : i32
        %lt3A_675 = arith.constant 0 : i32
        %lt3A_676 = arith.cmpi slt, %rem3A_672, %lt3A_675 : i32
        %lt3A_677 = arith.constant 0 : i32
        %lt3A_678 = arith.cmpi slt, %select_n3A_671, %lt3A_677 : i32
        %ne3A_679 = arith.xori %lt3A_676, %lt3A_678 : i1
        %and3A_680 = arith.andi %ne3A_679, %ne3A_674 : i1
        %add3A_681 = arith.addi %rem3A_672, %select_n3A_671 : i32
        %select_n3A_682 = arith.select %and3A_680, %add3A_681, %rem3A_672 : i32
        %mul3A_683 = arith.constant 64 : i32
        %mul3A_684 = arith.muli %select_n3A_682, %mul3A_683 : i32
        %broadcast_in_dim3A = arith.constant 0.000000e+00 : f32
        %broadcast_in_dim3A_685 = vector.broadcast %broadcast_in_dim3A : f32 to vector<16xf32>
        %broadcast_in_dim3A_686 = arith.constant 0.000000e+00 : f32
        %broadcast_in_dim3A_687 = vector.broadcast %broadcast_in_dim3A_686 : f32 to vector<16xf32>
        %broadcast_in_dim3A_688 = arith.constant 0.000000e+00 : f32
        %broadcast_in_dim3A_689 = vector.broadcast %broadcast_in_dim3A_688 : f32 to vector<16xf32>
        %broadcast_in_dim3A_690 = arith.constant 0.000000e+00 : f32
        %broadcast_in_dim3A_691 = vector.broadcast %broadcast_in_dim3A_690 : f32 to vector<16xf32>
        %broadcast_in_dim3A_692 = arith.constant 0.000000e+00 : f32
        %broadcast_in_dim3A_693 = vector.broadcast %broadcast_in_dim3A_692 : f32 to vector<16xf32>
        %broadcast_in_dim3A_694 = arith.constant 0.000000e+00 : f32
        %broadcast_in_dim3A_695 = vector.broadcast %broadcast_in_dim3A_694 : f32 to vector<16xf32>
        %broadcast_in_dim3A_696 = arith.constant 0.000000e+00 : f32
        %broadcast_in_dim3A_697 = vector.broadcast %broadcast_in_dim3A_696 : f32 to vector<16xf32>
        %broadcast_in_dim3A_698 = arith.constant 0.000000e+00 : f32
        %broadcast_in_dim3A_699 = vector.broadcast %broadcast_in_dim3A_698 : f32 to vector<16xf32>
        %add3A_700 = arith.constant 0 : i32
        %add3A_701 = arith.addi %mul3A_684, %add3A_700 : i32
        %get3A = arith.constant 1 : i32
        %get3A_702 = arith.index_cast %get3A : i32 to index
        %get3A_703 = arith.index_cast %select_n3A_666 : i32 to index
        %get3A_704 = arith.index_cast %add3A_701 : i32 to index
        %get3A_705 = tpu.vector_load %arg7[%get3A_702, %get3A_703, %get3A_704] {strides = array<i32>} : memref<2x8x128xf32, #tpu.memory_space<vmem>>, vector<16xf32>,
        %add3A_706 = arith.constant 0 : i32
        %add3A_707 = arith.addi %mul3A_684, %add3A_706 : i32
        %add3A_708 = arith.constant 0 : i32
        %add3A_709 = arith.addi %add3A_707, %add3A_708 : i32
        %broadcast_in_dim3A_710 = arith.constant 0 : i32
        %broadcast_in_dim3A_711 = vector.broadcast %broadcast_in_dim3A_710 : i32 to vector<16x1xi32>
        %gather3A = vector.shape_cast %broadcast_in_dim3A_711 : vector<16x1xi32> to vector<16xi32>
        %gather3A_712 = tpu.dynamic_gather %get3A_705[%gather3A] in [0] : vector<16xf32>, vector<16xi32> -> vector<16xf32>
        %get3A_713 = arith.constant 1 : i32
        %get3A_714 = arith.index_cast %get3A_713 : i32 to index
        %get3A_715 = arith.index_cast %select_n3A_666 : i32 to index
        %get3A_716 = arith.index_cast %add3A_709 : i32 to index
        %get3A_717 = arith.constant 0 : index
        %get3A_718 = tpu.vector_load %arg8[%get3A_714, %get3A_715, %get3A_716, %get3A_717] {strides = array<i32>} : memref<2x8x128x32xbf16, #tpu.memory_space<vmem>>, vector<32xbf16>,
        %bitcast3A = vector.bitcast %get3A_718 : vector<32xbf16> to vector<16xi32>
        %shift_left3A = arith.constant 16 : i32
        %shift_left3A_719 = vector.broadcast %shift_left3A : i32 to vector<16xi32>
        %shift_left3A_720 = arith.shli %bitcast3A, %shift_left3A_719 : vector<16xi32>
        %bitcast3A_721 = vector.bitcast %shift_left3A_720 : vector<16xi32> to vector<16xf32>
        %and3A_722 = arith.constant -65536 : i32
        %and3A_723 = vector.broadcast %and3A_722 : i32 to vector<16xi32>
        %and3A_724 = arith.andi %bitcast3A, %and3A_723 : vector<16xi32>
        %bitcast3A_725 = vector.bitcast %and3A_724 : vector<16xi32> to vector<16xf32>
        %mul3A_726 = arith.mulf %gather3A_712, %bitcast3A_721 : vector<16xf32>
        %add3A_727 = arith.addf %broadcast_in_dim3A_685, %mul3A_726 : vector<16xf32>
        %mul3A_728 = arith.mulf %gather3A_712, %bitcast3A_725 : vector<16xf32>
        %add3A_729 = arith.addf %broadcast_in_dim3A_693, %mul3A_728 : vector<16xf32>
        %add3A_730 = arith.constant 0 : i32
        %add3A_731 = arith.addi %mul3A_684, %add3A_730 : i32
        %add3A_732 = arith.constant 1 : i32
        %add3A_733 = arith.addi %add3A_731, %add3A_732 : i32
        %broadcast_in_dim3A_734 = arith.constant 1 : i32
        %broadcast_in_dim3A_735 = vector.broadcast %broadcast_in_dim3A_734 : i32 to vector<16x1xi32>
        %gather3A_736 = vector.shape_cast %broadcast_in_dim3A_735 : vector<16x1xi32> to vector<16xi32>
        %gather3A_737 = tpu.dynamic_gather %get3A_705[%gather3A_736] in [0] : vector<16xf32>, vector<16xi32> -> vector<16xf32>
        %get3A_738 = arith.constant 1 : i32
        %get3A_739 = arith.index_cast %get3A_738 : i32 to index
        %get3A_740 = arith.index_cast %select_n3A_666 : i32 to index
        %get3A_741 = arith.index_cast %add3A_733 : i32 to index
        %get3A_742 = arith.constant 0 : index
        %get3A_743 = tpu.vector_load %arg8[%get3A_739, %get3A_740, %get3A_741, %get3A_742] {strides = array<i32>} : memref<2x8x128x32xbf16, #tpu.memory_space<vmem>>, vector<32xbf16>,
        %bitcast3A_744 = vector.bitcast %get3A_743 : vector<32xbf16> to vector<16xi32>
        %shift_left3A_745 = arith.constant 16 : i32
        %shift_left3A_746 = vector.broadcast %shift_left3A_745 : i32 to vector<16xi32>
        %shift_left3A_747 = arith.shli %bitcast3A_744, %shift_left3A_746 : vector<16xi32>
        %bitcast3A_748 = vector.bitcast %shift_left3A_747 : vector<16xi32> to vector<16xf32>
        %and3A_749 = arith.constant -65536 : i32
        %and3A_750 = vector.broadcast %and3A_749 : i32 to vector<16xi32>
        %and3A_751 = arith.andi %bitcast3A_744, %and3A_750 : vector<16xi32>
        %bitcast3A_752 = vector.bitcast %and3A_751 : vector<16xi32> to vector<16xf32>
        %mul3A_753 = arith.mulf %gather3A_737, %bitcast3A_748 : vector<16xf32>
        %add3A_754 = arith.addf %broadcast_in_dim3A_687, %mul3A_753 : vector<16xf32>
        %mul3A_755 = arith.mulf %gather3A_737, %bitcast3A_752 : vector<16xf32>
        %add3A_756 = arith.addf %broadcast_in_dim3A_695, %mul3A_755 : vector<16xf32>
        %add3A_757 = arith.constant 0 : i32
        %add3A_758 = arith.addi %mul3A_684, %add3A_757 : i32
        %add3A_759 = arith.constant 2 : i32
        %add3A_760 = arith.addi %add3A_758, %add3A_759 : i32
        %broadcast_in_dim3A_761 = arith.constant 2 : i32
        %broadcast_in_dim3A_762 = vector.broadcast %broadcast_in_dim3A_761 : i32 to vector<16x1xi32>
        %gather3A_763 = vector.shape_cast %broadcast_in_dim3A_762 : vector<16x1xi32> to vector<16xi32>
        %gather3A_764 = tpu.dynamic_gather %get3A_705[%gather3A_763] in [0] : vector<16xf32>, vector<16xi32> -> vector<16xf32>
        %get3A_765 = arith.constant 1 : i32
        %get3A_766 = arith.index_cast %get3A_765 : i32 to index
        %get3A_767 = arith.index_cast %select_n3A_666 : i32 to index
        %get3A_768 = arith.index_cast %add3A_760 : i32 to index
        %get3A_769 = arith.constant 0 : index
        %get3A_770 = tpu.vector_load %arg8[%get3A_766, %get3A_767, %get3A_768, %get3A_769] {strides = array<i32>} : memref<2x8x128x32xbf16, #tpu.memory_space<vmem>>, vector<32xbf16>,
        %bitcast3A_771 = vector.bitcast %get3A_770 : vector<32xbf16> to vector<16xi32>
        %shift_left3A_772 = arith.constant 16 : i32
        %shift_left3A_773 = vector.broadcast %shift_left3A_772 : i32 to vector<16xi32>
        %shift_left3A_774 = arith.shli %bitcast3A_771, %shift_left3A_773 : vector<16xi32>
        %bitcast3A_775 = vector.bitcast %shift_left3A_774 : vector<16xi32> to vector<16xf32>
        %and3A_776 = arith.constant -65536 : i32
        %and3A_777 = vector.broadcast %and3A_776 : i32 to vector<16xi32>
        %and3A_778 = arith.andi %bitcast3A_771, %and3A_777 : vector<16xi32>
        %bitcast3A_779 = vector.bitcast %and3A_778 : vector<16xi32> to vector<16xf32>
        %mul3A_780 = arith.mulf %gather3A_764, %bitcast3A_775 : vector<16xf32>
        %add3A_781 = arith.addf %broadcast_in_dim3A_689, %mul3A_780 : vector<16xf32>
        %mul3A_782 = arith.mulf %gather3A_764, %bitcast3A_779 : vector<16xf32>
        %add3A_783 = arith.addf %broadcast_in_dim3A_697, %mul3A_782 : vector<16xf32>
        %add3A_784 = arith.constant 0 : i32
        %add3A_785 = arith.addi %mul3A_684, %add3A_784 : i32
        %add3A_786 = arith.constant 3 : i32
        %add3A_787 = arith.addi %add3A_785, %add3A_786 : i32
        %broadcast_in_dim3A_788 = arith.constant 3 : i32
        %broadcast_in_dim3A_789 = vector.broadcast %broadcast_in_dim3A_788 : i32 to vector<16x1xi32>
        %gather3A_790 = vector.shape_cast %broadcast_in_dim3A_789 : vector<16x1xi32> to vector<16xi32>
        %gather3A_791 = tpu.dynamic_gather %get3A_705[%gather3A_790] in [0] : vector<16xf32>, vector<16xi32> -> vector<16xf32>
        %get3A_792 = arith.constant 1 : i32
        %get3A_793 = arith.index_cast %get3A_792 : i32 to index
        %get3A_794 = arith.index_cast %select_n3A_666 : i32 to index
        %get3A_795 = arith.index_cast %add3A_787 : i32 to index
        %get3A_796 = arith.constant 0 : index
        %get3A_797 = tpu.vector_load %arg8[%get3A_793, %get3A_794, %get3A_795, %get3A_796] {strides = array<i32>} : memref<2x8x128x32xbf16, #tpu.memory_space<vmem>>, vector<32xbf16>,
        %bitcast3A_798 = vector.bitcast %get3A_797 : vector<32xbf16> to vector<16xi32>
        %shift_left3A_799 = arith.constant 16 : i32
        %shift_left3A_800 = vector.broadcast %shift_left3A_799 : i32 to vector<16xi32>
        %shift_left3A_801 = arith.shli %bitcast3A_798, %shift_left3A_800 : vector<16xi32>
        %bitcast3A_802 = vector.bitcast %shift_left3A_801 : vector<16xi32> to vector<16xf32>
        %and3A_803 = arith.constant -65536 : i32
        %and3A_804 = vector.broadcast %and3A_803 : i32 to vector<16xi32>
        %and3A_805 = arith.andi %bitcast3A_798, %and3A_804 : vector<16xi32>
        %bitcast3A_806 = vector.bitcast %and3A_805 : vector<16xi32> to vector<16xf32>
        %mul3A_807 = arith.mulf %gather3A_791, %bitcast3A_802 : vector<16xf32>
        %add3A_808 = arith.addf %broadcast_in_dim3A_691, %mul3A_807 : vector<16xf32>
        %mul3A_809 = arith.mulf %gather3A_791, %bitcast3A_806 : vector<16xf32>
        %add3A_810 = arith.addf %broadcast_in_dim3A_699, %mul3A_809 : vector<16xf32>
        %add3A_811 = arith.constant 0 : i32
        %add3A_812 = arith.addi %mul3A_684, %add3A_811 : i32
        %add3A_813 = arith.constant 4 : i32
        %add3A_814 = arith.addi %add3A_812, %add3A_813 : i32
        %broadcast_in_dim3A_815 = arith.constant 4 : i32
        %broadcast_in_dim3A_816 = vector.broadcast %broadcast_in_dim3A_815 : i32 to vector<16x1xi32>
        %gather3A_817 = vector.shape_cast %broadcast_in_dim3A_816 : vector<16x1xi32> to vector<16xi32>
        %gather3A_818 = tpu.dynamic_gather %get3A_705[%gather3A_817] in [0] : vector<16xf32>, vector<16xi32> -> vector<16xf32>
        %get3A_819 = arith.constant 1 : i32
        %get3A_820 = arith.index_cast %get3A_819 : i32 to index
        %get3A_821 = arith.index_cast %select_n3A_666 : i32 to index
        %get3A_822 = arith.index_cast %add3A_814 : i32 to index
        %get3A_823 = arith.constant 0 : index
        %get3A_824 = tpu.vector_load %arg8[%get3A_820, %get3A_821, %get3A_822, %get3A_823] {strides = array<i32>} : memref<2x8x128x32xbf16, #tpu.memory_space<vmem>>, vector<32xbf16>,
        %bitcast3A_825 = vector.bitcast %get3A_824 : vector<32xbf16> to vector<16xi32>
        %shift_left3A_826 = arith.constant 16 : i32
        %shift_left3A_827 = vector.broadcast %shift_left3A_826 : i32 to vector<16xi32>
        %shift_left3A_828 = arith.shli %bitcast3A_825, %shift_left3A_827 : vector<16xi32>
        %bitcast3A_829 = vector.bitcast %shift_left3A_828 : vector<16xi32> to vector<16xf32>
        %and3A_830 = arith.constant -65536 : i32
        %and3A_831 = vector.broadcast %and3A_830 : i32 to vector<16xi32>
        %and3A_832 = arith.andi %bitcast3A_825, %and3A_831 : vector<16xi32>
        %bitcast3A_833 = vector.bitcast %and3A_832 : vector<16xi32> to vector<16xf32>
        %mul3A_834 = arith.mulf %gather3A_818, %bitcast3A_829 : vector<16xf32>
        %add3A_835 = arith.addf %add3A_727, %mul3A_834 : vector<16xf32>
        %mul3A_836 = arith.mulf %gather3A_818, %bitcast3A_833 : vector<16xf32>
        %add3A_837 = arith.addf %add3A_729, %mul3A_836 : vector<16xf32>
        %add3A_838 = arith.constant 0 : i32
        %add3A_839 = arith.addi %mul3A_684, %add3A_838 : i32
        %add3A_840 = arith.constant 5 : i32
        %add3A_841 = arith.addi %add3A_839, %add3A_840 : i32
        %broadcast_in_dim3A_842 = arith.constant 5 : i32
        %broadcast_in_dim3A_843 = vector.broadcast %broadcast_in_dim3A_842 : i32 to vector<16x1xi32>
        %gather3A_844 = vector.shape_cast %broadcast_in_dim3A_843 : vector<16x1xi32> to vector<16xi32>
        %gather3A_845 = tpu.dynamic_gather %get3A_705[%gather3A_844] in [0] : vector<16xf32>, vector<16xi32> -> vector<16xf32>
        %get3A_846 = arith.constant 1 : i32
        %get3A_847 = arith.index_cast %get3A_846 : i32 to index
        %get3A_848 = arith.index_cast %select_n3A_666 : i32 to index
        %get3A_849 = arith.index_cast %add3A_841 : i32 to index
        %get3A_850 = arith.constant 0 : index
        %get3A_851 = tpu.vector_load %arg8[%get3A_847, %get3A_848, %get3A_849, %get3A_850] {strides = array<i32>} : memref<2x8x128x32xbf16, #tpu.memory_space<vmem>>, vector<32xbf16>,
        %bitcast3A_852 = vector.bitcast %get3A_851 : vector<32xbf16> to vector<16xi32>
        %shift_left3A_853 = arith.constant 16 : i32
        %shift_left3A_854 = vector.broadcast %shift_left3A_853 : i32 to vector<16xi32>
        %shift_left3A_855 = arith.shli %bitcast3A_852, %shift_left3A_854 : vector<16xi32>
        %bitcast3A_856 = vector.bitcast %shift_left3A_855 : vector<16xi32> to vector<16xf32>
        %and3A_857 = arith.constant -65536 : i32
        %and3A_858 = vector.broadcast %and3A_857 : i32 to vector<16xi32>
        %and3A_859 = arith.andi %bitcast3A_852, %and3A_858 : vector<16xi32>
        %bitcast3A_860 = vector.bitcast %and3A_859 : vector<16xi32> to vector<16xf32>
        %mul3A_861 = arith.mulf %gather3A_845, %bitcast3A_856 : vector<16xf32>
        %add3A_862 = arith.addf %add3A_754, %mul3A_861 : vector<16xf32>
        %mul3A_863 = arith.mulf %gather3A_845, %bitcast3A_860 : vector<16xf32>
        %add3A_864 = arith.addf %add3A_756, %mul3A_863 : vector<16xf32>
        %add3A_865 = arith.constant 0 : i32
        %add3A_866 = arith.addi %mul3A_684, %add3A_865 : i32
        %add3A_867 = arith.constant 6 : i32
        %add3A_868 = arith.addi %add3A_866, %add3A_867 : i32
        %broadcast_in_dim3A_869 = arith.constant 6 : i32
        %broadcast_in_dim3A_870 = vector.broadcast %broadcast_in_dim3A_869 : i32 to vector<16x1xi32>
        %gather3A_871 = vector.shape_cast %broadcast_in_dim3A_870 : vector<16x1xi32> to vector<16xi32>
        %gather3A_872 = tpu.dynamic_gather %get3A_705[%gather3A_871] in [0] : vector<16xf32>, vector<16xi32> -> vector<16xf32>
        %get3A_873 = arith.constant 1 : i32
        %get3A_874 = arith.index_cast %get3A_873 : i32 to index
        %get3A_875 = arith.index_cast %select_n3A_666 : i32 to index
        %get3A_876 = arith.index_cast %add3A_868 : i32 to index
        %get3A_877 = arith.constant 0 : index
        %get3A_878 = tpu.vector_load %arg8[%get3A_874, %get3A_875, %get3A_876, %get3A_877] {strides = array<i32>} : memref<2x8x128x32xbf16, #tpu.memory_space<vmem>>, vector<32xbf16>,
        %bitcast3A_879 = vector.bitcast %get3A_878 : vector<32xbf16> to vector<16xi32>
        %shift_left3A_880 = arith.constant 16 : i32
        %shift_left3A_881 = vector.broadcast %shift_left3A_880 : i32 to vector<16xi32>
        %shift_left3A_882 = arith.shli %bitcast3A_879, %shift_left3A_881 : vector<16xi32>
        %bitcast3A_883 = vector.bitcast %shift_left3A_882 : vector<16xi32> to vector<16xf32>
        %and3A_884 = arith.constant -65536 : i32
        %and3A_885 = vector.broadcast %and3A_884 : i32 to vector<16xi32>
        %and3A_886 = arith.andi %bitcast3A_879, %and3A_885 : vector<16xi32>
        %bitcast3A_887 = vector.bitcast %and3A_886 : vector<16xi32> to vector<16xf32>
        %mul3A_888 = arith.mulf %gather3A_872, %bitcast3A_883 : vector<16xf32>
        %add3A_889 = arith.addf %add3A_781, %mul3A_888 : vector<16xf32>
        %mul3A_890 = arith.mulf %gather3A_872, %bitcast3A_887 : vector<16xf32>
        %add3A_891 = arith.addf %add3A_783, %mul3A_890 : vector<16xf32>
        %add3A_892 = arith.constant 0 : i32
        %add3A_893 = arith.addi %mul3A_684, %add3A_892 : i32
        %add3A_894 = arith.constant 7 : i32
        %add3A_895 = arith.addi %add3A_893, %add3A_894 : i32
        %broadcast_in_dim3A_896 = arith.constant 7 : i32
        %broadcast_in_dim3A_897 = vector.broadcast %broadcast_in_dim3A_896 : i32 to vector<16x1xi32>
        %gather3A_898 = vector.shape_cast %broadcast_in_dim3A_897 : vector<16x1xi32> to vector<16xi32>
        %gather3A_899 = tpu.dynamic_gather %get3A_705[%gather3A_898] in [0] : vector<16xf32>, vector<16xi32> -> vector<16xf32>
        %get3A_900 = arith.constant 1 : i32
        %get3A_901 = arith.index_cast %get3A_900 : i32 to index
        %get3A_902 = arith.index_cast %select_n3A_666 : i32 to index
        %get3A_903 = arith.index_cast %add3A_895 : i32 to index
        %get3A_904 = arith.constant 0 : index
        %get3A_905 = tpu.vector_load %arg8[%get3A_901, %get3A_902, %get3A_903, %get3A_904] {strides = array<i32>} : memref<2x8x128x32xbf16, #tpu.memory_space<vmem>>, vector<32xbf16>,
        %bitcast3A_906 = vector.bitcast %get3A_905 : vector<32xbf16> to vector<16xi32>
        %shift_left3A_907 = arith.constant 16 : i32
        %shift_left3A_908 = vector.broadcast %shift_left3A_907 : i32 to vector<16xi32>
        %shift_left3A_909 = arith.shli %bitcast3A_906, %shift_left3A_908 : vector<16xi32>
        %bitcast3A_910 = vector.bitcast %shift_left3A_909 : vector<16xi32> to vector<16xf32>
        %and3A_911 = arith.constant -65536 : i32
        %and3A_912 = vector.broadcast %and3A_911 : i32 to vector<16xi32>
        %and3A_913 = arith.andi %bitcast3A_906, %and3A_912 : vector<16xi32>
        %bitcast3A_914 = vector.bitcast %and3A_913 : vector<16xi32> to vector<16xf32>
        %mul3A_915 = arith.mulf %gather3A_899, %bitcast3A_910 : vector<16xf32>
        %add3A_916 = arith.addf %add3A_808, %mul3A_915 : vector<16xf32>
        %mul3A_917 = arith.mulf %gather3A_899, %bitcast3A_914 : vector<16xf32>
        %add3A_918 = arith.addf %add3A_810, %mul3A_917 : vector<16xf32>
        %add3A_919 = arith.constant 0 : i32
        %add3A_920 = arith.addi %mul3A_684, %add3A_919 : i32
        %add3A_921 = arith.constant 8 : i32
        %add3A_922 = arith.addi %add3A_920, %add3A_921 : i32
        %broadcast_in_dim3A_923 = arith.constant 8 : i32
        %broadcast_in_dim3A_924 = vector.broadcast %broadcast_in_dim3A_923 : i32 to vector<16x1xi32>
        %gather3A_925 = vector.shape_cast %broadcast_in_dim3A_924 : vector<16x1xi32> to vector<16xi32>
        %gather3A_926 = tpu.dynamic_gather %get3A_705[%gather3A_925] in [0] : vector<16xf32>, vector<16xi32> -> vector<16xf32>
        %get3A_927 = arith.constant 1 : i32
        %get3A_928 = arith.index_cast %get3A_927 : i32 to index
        %get3A_929 = arith.index_cast %select_n3A_666 : i32 to index
        %get3A_930 = arith.index_cast %add3A_922 : i32 to index
        %get3A_931 = arith.constant 0 : index
        %get3A_932 = tpu.vector_load %arg8[%get3A_928, %get3A_929, %get3A_930, %get3A_931] {strides = array<i32>} : memref<2x8x128x32xbf16, #tpu.memory_space<vmem>>, vector<32xbf16>,
        %bitcast3A_933 = vector.bitcast %get3A_932 : vector<32xbf16> to vector<16xi32>
        %shift_left3A_934 = arith.constant 16 : i32
        %shift_left3A_935 = vector.broadcast %shift_left3A_934 : i32 to vector<16xi32>
        %shift_left3A_936 = arith.shli %bitcast3A_933, %shift_left3A_935 : vector<16xi32>
        %bitcast3A_937 = vector.bitcast %shift_left3A_936 : vector<16xi32> to vector<16xf32>
        %and3A_938 = arith.constant -65536 : i32
        %and3A_939 = vector.broadcast %and3A_938 : i32 to vector<16xi32>
        %and3A_940 = arith.andi %bitcast3A_933, %and3A_939 : vector<16xi32>
        %bitcast3A_941 = vector.bitcast %and3A_940 : vector<16xi32> to vector<16xf32>
        %mul3A_942 = arith.mulf %gather3A_926, %bitcast3A_937 : vector<16xf32>
        %add3A_943 = arith.addf %add3A_835, %mul3A_942 : vector<16xf32>
        %mul3A_944 = arith.mulf %gather3A_926, %bitcast3A_941 : vector<16xf32>
        %add3A_945 = arith.addf %add3A_837, %mul3A_944 : vector<16xf32>
        %add3A_946 = arith.constant 0 : i32
        %add3A_947 = arith.addi %mul3A_684, %add3A_946 : i32
        %add3A_948 = arith.constant 9 : i32
        %add3A_949 = arith.addi %add3A_947, %add3A_948 : i32
        %broadcast_in_dim3A_950 = arith.constant 9 : i32
        %broadcast_in_dim3A_951 = vector.broadcast %broadcast_in_dim3A_950 : i32 to vector<16x1xi32>
        %gather3A_952 = vector.shape_cast %broadcast_in_dim3A_951 : vector<16x1xi32> to vector<16xi32>
        %gather3A_953 = tpu.dynamic_gather %get3A_705[%gather3A_952] in [0] : vector<16xf32>, vector<16xi32> -> vector<16xf32>
        %get3A_954 = arith.constant 1 : i32
        %get3A_955 = arith.index_cast %get3A_954 : i32 to index
        %get3A_956 = arith.index_cast %select_n3A_666 : i32 to index
        %get3A_957 = arith.index_cast %add3A_949 : i32 to index
        %get3A_958 = arith.constant 0 : index
        %get3A_959 = tpu.vector_load %arg8[%get3A_955, %get3A_956, %get3A_957, %get3A_958] {strides = array<i32>} : memref<2x8x128x32xbf16, #tpu.memory_space<vmem>>, vector<32xbf16>,
        %bitcast3A_960 = vector.bitcast %get3A_959 : vector<32xbf16> to vector<16xi32>
        %shift_left3A_961 = arith.constant 16 : i32
        %shift_left3A_962 = vector.broadcast %shift_left3A_961 : i32 to vector<16xi32>
        %shift_left3A_963 = arith.shli %bitcast3A_960, %shift_left3A_962 : vector<16xi32>
        %bitcast3A_964 = vector.bitcast %shift_left3A_963 : vector<16xi32> to vector<16xf32>
        %and3A_965 = arith.constant -65536 : i32
        %and3A_966 = vector.broadcast %and3A_965 : i32 to vector<16xi32>
        %and3A_967 = arith.andi %bitcast3A_960, %and3A_966 : vector<16xi32>
        %bitcast3A_968 = vector.bitcast %and3A_967 : vector<16xi32> to vector<16xf32>
        %mul3A_969 = arith.mulf %gather3A_953, %bitcast3A_964 : vector<16xf32>
        %add3A_970 = arith.addf %add3A_862, %mul3A_969 : vector<16xf32>
        %mul3A_971 = arith.mulf %gather3A_953, %bitcast3A_968 : vector<16xf32>
        %add3A_972 = arith.addf %add3A_864, %mul3A_971 : vector<16xf32>
        %add3A_973 = arith.constant 0 : i32
        %add3A_974 = arith.addi %mul3A_684, %add3A_973 : i32
        %add3A_975 = arith.constant 10 : i32
        %add3A_976 = arith.addi %add3A_974, %add3A_975 : i32
        %broadcast_in_dim3A_977 = arith.constant 10 : i32
        %broadcast_in_dim3A_978 = vector.broadcast %broadcast_in_dim3A_977 : i32 to vector<16x1xi32>
        %gather3A_979 = vector.shape_cast %broadcast_in_dim3A_978 : vector<16x1xi32> to vector<16xi32>
        %gather3A_980 = tpu.dynamic_gather %get3A_705[%gather3A_979] in [0] : vector<16xf32>, vector<16xi32> -> vector<16xf32>
        %get3A_981 = arith.constant 1 : i32
        %get3A_982 = arith.index_cast %get3A_981 : i32 to index
        %get3A_983 = arith.index_cast %select_n3A_666 : i32 to index
        %get3A_984 = arith.index_cast %add3A_976 : i32 to index
        %get3A_985 = arith.constant 0 : index
        %get3A_986 = tpu.vector_load %arg8[%get3A_982, %get3A_983, %get3A_984, %get3A_985] {strides = array<i32>} : memref<2x8x128x32xbf16, #tpu.memory_space<vmem>>, vector<32xbf16>,
        %bitcast3A_987 = vector.bitcast %get3A_986 : vector<32xbf16> to vector<16xi32>
        %shift_left3A_988 = arith.constant 16 : i32
        %shift_left3A_989 = vector.broadcast %shift_left3A_988 : i32 to vector<16xi32>
        %shift_left3A_990 = arith.shli %bitcast3A_987, %shift_left3A_989 : vector<16xi32>
        %bitcast3A_991 = vector.bitcast %shift_left3A_990 : vector<16xi32> to vector<16xf32>
        %and3A_992 = arith.constant -65536 : i32
        %and3A_993 = vector.broadcast %and3A_992 : i32 to vector<16xi32>
        %and3A_994 = arith.andi %bitcast3A_987, %and3A_993 : vector<16xi32>
        %bitcast3A_995 = vector.bitcast %and3A_994 : vector<16xi32> to vector<16xf32>
        %mul3A_996 = arith.mulf %gather3A_980, %bitcast3A_991 : vector<16xf32>
        %add3A_997 = arith.addf %add3A_889, %mul3A_996 : vector<16xf32>
        %mul3A_998 = arith.mulf %gather3A_980, %bitcast3A_995 : vector<16xf32>
        %add3A_999 = arith.addf %add3A_891, %mul3A_998 : vector<16xf32>
        %add3A_1000 = arith.constant 0 : i32
        %add3A_1001 = arith.addi %mul3A_684, %add3A_1000 : i32
        %add3A_1002 = arith.constant 11 : i32
        %add3A_1003 = arith.addi %add3A_1001, %add3A_1002 : i32
        %broadcast_in_dim3A_1004 = arith.constant 11 : i32
        %broadcast_in_dim3A_1005 = vector.broadcast %broadcast_in_dim3A_1004 : i32 to vector<16x1xi32>
        %gather3A_1006 = vector.shape_cast %broadcast_in_dim3A_1005 : vector<16x1xi32> to vector<16xi32>
        %gather3A_1007 = tpu.dynamic_gather %get3A_705[%gather3A_1006] in [0] : vector<16xf32>, vector<16xi32> -> vector<16xf32>
        %get3A_1008 = arith.constant 1 : i32
        %get3A_1009 = arith.index_cast %get3A_1008 : i32 to index
        %get3A_1010 = arith.index_cast %select_n3A_666 : i32 to index
        %get3A_1011 = arith.index_cast %add3A_1003 : i32 to index
        %get3A_1012 = arith.constant 0 : index
        %get3A_1013 = tpu.vector_load %arg8[%get3A_1009, %get3A_1010, %get3A_1011, %get3A_1012] {strides = array<i32>} : memref<2x8x128x32xbf16, #tpu.memory_space<vmem>>, vector<32xbf16>,
        %bitcast3A_1014 = vector.bitcast %get3A_1013 : vector<32xbf16> to vector<16xi32>
        %shift_left3A_1015 = arith.constant 16 : i32
        %shift_left3A_1016 = vector.broadcast %shift_left3A_1015 : i32 to vector<16xi32>
        %shift_left3A_1017 = arith.shli %bitcast3A_1014, %shift_left3A_1016 : vector<16xi32>
        %bitcast3A_1018 = vector.bitcast %shift_left3A_1017 : vector<16xi32> to vector<16xf32>
        %and3A_1019 = arith.constant -65536 : i32
        %and3A_1020 = vector.broadcast %and3A_1019 : i32 to vector<16xi32>
        %and3A_1021 = arith.andi %bitcast3A_1014, %and3A_1020 : vector<16xi32>
        %bitcast3A_1022 = vector.bitcast %and3A_1021 : vector<16xi32> to vector<16xf32>
        %mul3A_1023 = arith.mulf %gather3A_1007, %bitcast3A_1018 : vector<16xf32>
        %add3A_1024 = arith.addf %add3A_916, %mul3A_1023 : vector<16xf32>
        %mul3A_1025 = arith.mulf %gather3A_1007, %bitcast3A_1022 : vector<16xf32>
        %add3A_1026 = arith.addf %add3A_918, %mul3A_1025 : vector<16xf32>
        %add3A_1027 = arith.constant 0 : i32
        %add3A_1028 = arith.addi %mul3A_684, %add3A_1027 : i32
        %add3A_1029 = arith.constant 12 : i32
        %add3A_1030 = arith.addi %add3A_1028, %add3A_1029 : i32
        %broadcast_in_dim3A_1031 = arith.constant 12 : i32
        %broadcast_in_dim3A_1032 = vector.broadcast %broadcast_in_dim3A_1031 : i32 to vector<16x1xi32>
        %gather3A_1033 = vector.shape_cast %broadcast_in_dim3A_1032 : vector<16x1xi32> to vector<16xi32>
        %gather3A_1034 = tpu.dynamic_gather %get3A_705[%gather3A_1033] in [0] : vector<16xf32>, vector<16xi32> -> vector<16xf32>
        %get3A_1035 = arith.constant 1 : i32
        %get3A_1036 = arith.index_cast %get3A_1035 : i32 to index
        %get3A_1037 = arith.index_cast %select_n3A_666 : i32 to index
        %get3A_1038 = arith.index_cast %add3A_1030 : i32 to index
        %get3A_1039 = arith.constant 0 : index
        %get3A_1040 = tpu.vector_load %arg8[%get3A_1036, %get3A_1037, %get3A_1038, %get3A_1039] {strides = array<i32>} : memref<2x8x128x32xbf16, #tpu.memory_space<vmem>>, vector<32xbf16>,
        %bitcast3A_1041 = vector.bitcast %get3A_1040 : vector<32xbf16> to vector<16xi32>
        %shift_left3A_1042 = arith.constant 16 : i32
        %shift_left3A_1043 = vector.broadcast %shift_left3A_1042 : i32 to vector<16xi32>
        %shift_left3A_1044 = arith.shli %bitcast3A_1041, %shift_left3A_1043 : vector<16xi32>
        %bitcast3A_1045 = vector.bitcast %shift_left3A_1044 : vector<16xi32> to vector<16xf32>
        %and3A_1046 = arith.constant -65536 : i32
        %and3A_1047 = vector.broadcast %and3A_1046 : i32 to vector<16xi32>
        %and3A_1048 = arith.andi %bitcast3A_1041, %and3A_1047 : vector<16xi32>
        %bitcast3A_1049 = vector.bitcast %and3A_1048 : vector<16xi32> to vector<16xf32>
        %mul3A_1050 = arith.mulf %gather3A_1034, %bitcast3A_1045 : vector<16xf32>
        %add3A_1051 = arith.addf %add3A_943, %mul3A_1050 : vector<16xf32>
        %mul3A_1052 = arith.mulf %gather3A_1034, %bitcast3A_1049 : vector<16xf32>
        %add3A_1053 = arith.addf %add3A_945, %mul3A_1052 : vector<16xf32>
        %add3A_1054 = arith.constant 0 : i32
        %add3A_1055 = arith.addi %mul3A_684, %add3A_1054 : i32
        %add3A_1056 = arith.constant 13 : i32
        %add3A_1057 = arith.addi %add3A_1055, %add3A_1056 : i32
        %broadcast_in_dim3A_1058 = arith.constant 13 : i32
        %broadcast_in_dim3A_1059 = vector.broadcast %broadcast_in_dim3A_1058 : i32 to vector<16x1xi32>
        %gather3A_1060 = vector.shape_cast %broadcast_in_dim3A_1059 : vector<16x1xi32> to vector<16xi32>
        %gather3A_1061 = tpu.dynamic_gather %get3A_705[%gather3A_1060] in [0] : vector<16xf32>, vector<16xi32> -> vector<16xf32>
        %get3A_1062 = arith.constant 1 : i32
        %get3A_1063 = arith.index_cast %get3A_1062 : i32 to index
        %get3A_1064 = arith.index_cast %select_n3A_666 : i32 to index
        %get3A_1065 = arith.index_cast %add3A_1057 : i32 to index
        %get3A_1066 = arith.constant 0 : index
        %get3A_1067 = tpu.vector_load %arg8[%get3A_1063, %get3A_1064, %get3A_1065, %get3A_1066] {strides = array<i32>} : memref<2x8x128x32xbf16, #tpu.memory_space<vmem>>, vector<32xbf16>,
        %bitcast3A_1068 = vector.bitcast %get3A_1067 : vector<32xbf16> to vector<16xi32>
        %shift_left3A_1069 = arith.constant 16 : i32
        %shift_left3A_1070 = vector.broadcast %shift_left3A_1069 : i32 to vector<16xi32>
        %shift_left3A_1071 = arith.shli %bitcast3A_1068, %shift_left3A_1070 : vector<16xi32>
        %bitcast3A_1072 = vector.bitcast %shift_left3A_1071 : vector<16xi32> to vector<16xf32>
        %and3A_1073 = arith.constant -65536 : i32
        %and3A_1074 = vector.broadcast %and3A_1073 : i32 to vector<16xi32>
        %and3A_1075 = arith.andi %bitcast3A_1068, %and3A_1074 : vector<16xi32>
        %bitcast3A_1076 = vector.bitcast %and3A_1075 : vector<16xi32> to vector<16xf32>
        %mul3A_1077 = arith.mulf %gather3A_1061, %bitcast3A_1072 : vector<16xf32>
        %add3A_1078 = arith.addf %add3A_970, %mul3A_1077 : vector<16xf32>
        %mul3A_1079 = arith.mulf %gather3A_1061, %bitcast3A_1076 : vector<16xf32>
        %add3A_1080 = arith.addf %add3A_972, %mul3A_1079 : vector<16xf32>
        %add3A_1081 = arith.constant 0 : i32
        %add3A_1082 = arith.addi %mul3A_684, %add3A_1081 : i32
        %add3A_1083 = arith.constant 14 : i32
        %add3A_1084 = arith.addi %add3A_1082, %add3A_1083 : i32
        %broadcast_in_dim3A_1085 = arith.constant 14 : i32
        %broadcast_in_dim3A_1086 = vector.broadcast %broadcast_in_dim3A_1085 : i32 to vector<16x1xi32>
        %gather3A_1087 = vector.shape_cast %broadcast_in_dim3A_1086 : vector<16x1xi32> to vector<16xi32>
        %gather3A_1088 = tpu.dynamic_gather %get3A_705[%gather3A_1087] in [0] : vector<16xf32>, vector<16xi32> -> vector<16xf32>
        %get3A_1089 = arith.constant 1 : i32
        %get3A_1090 = arith.index_cast %get3A_1089 : i32 to index
        %get3A_1091 = arith.index_cast %select_n3A_666 : i32 to index
        %get3A_1092 = arith.index_cast %add3A_1084 : i32 to index
        %get3A_1093 = arith.constant 0 : index
        %get3A_1094 = tpu.vector_load %arg8[%get3A_1090, %get3A_1091, %get3A_1092, %get3A_1093] {strides = array<i32>} : memref<2x8x128x32xbf16, #tpu.memory_space<vmem>>, vector<32xbf16>,
        %bitcast3A_1095 = vector.bitcast %get3A_1094 : vector<32xbf16> to vector<16xi32>
        %shift_left3A_1096 = arith.constant 16 : i32
        %shift_left3A_1097 = vector.broadcast %shift_left3A_1096 : i32 to vector<16xi32>
        %shift_left3A_1098 = arith.shli %bitcast3A_1095, %shift_left3A_1097 : vector<16xi32>
        %bitcast3A_1099 = vector.bitcast %shift_left3A_1098 : vector<16xi32> to vector<16xf32>
        %and3A_1100 = arith.constant -65536 : i32
        %and3A_1101 = vector.broadcast %and3A_1100 : i32 to vector<16xi32>
        %and3A_1102 = arith.andi %bitcast3A_1095, %and3A_1101 : vector<16xi32>
        %bitcast3A_1103 = vector.bitcast %and3A_1102 : vector<16xi32> to vector<16xf32>
        %mul3A_1104 = arith.mulf %gather3A_1088, %bitcast3A_1099 : vector<16xf32>
        %add3A_1105 = arith.addf %add3A_997, %mul3A_1104 : vector<16xf32>
        %mul3A_1106 = arith.mulf %gather3A_1088, %bitcast3A_1103 : vector<16xf32>
        %add3A_1107 = arith.addf %add3A_999, %mul3A_1106 : vector<16xf32>
        %add3A_1108 = arith.constant 0 : i32
        %add3A_1109 = arith.addi %mul3A_684, %add3A_1108 : i32
        %add3A_1110 = arith.constant 15 : i32
        %add3A_1111 = arith.addi %add3A_1109, %add3A_1110 : i32
        %broadcast_in_dim3A_1112 = arith.constant 15 : i32
        %broadcast_in_dim3A_1113 = vector.broadcast %broadcast_in_dim3A_1112 : i32 to vector<16x1xi32>
        %gather3A_1114 = vector.shape_cast %broadcast_in_dim3A_1113 : vector<16x1xi32> to vector<16xi32>
        %gather3A_1115 = tpu.dynamic_gather %get3A_705[%gather3A_1114] in [0] : vector<16xf32>, vector<16xi32> -> vector<16xf32>
        %get3A_1116 = arith.constant 1 : i32
        %get3A_1117 = arith.index_cast %get3A_1116 : i32 to index
        %get3A_1118 = arith.index_cast %select_n3A_666 : i32 to index
        %get3A_1119 = arith.index_cast %add3A_1111 : i32 to index
        %get3A_1120 = arith.constant 0 : index
        %get3A_1121 = tpu.vector_load %arg8[%get3A_1117, %get3A_1118, %get3A_1119, %get3A_1120] {strides = array<i32>} : memref<2x8x128x32xbf16, #tpu.memory_space<vmem>>, vector<32xbf16>,
        %bitcast3A_1122 = vector.bitcast %get3A_1121 : vector<32xbf16> to vector<16xi32>
        %shift_left3A_1123 = arith.constant 16 : i32
        %shift_left3A_1124 = vector.broadcast %shift_left3A_1123 : i32 to vector<16xi32>
        %shift_left3A_1125 = arith.shli %bitcast3A_1122, %shift_left3A_1124 : vector<16xi32>
        %bitcast3A_1126 = vector.bitcast %shift_left3A_1125 : vector<16xi32> to vector<16xf32>
        %and3A_1127 = arith.constant -65536 : i32
        %and3A_1128 = vector.broadcast %and3A_1127 : i32 to vector<16xi32>
        %and3A_1129 = arith.andi %bitcast3A_1122, %and3A_1128 : vector<16xi32>
        %bitcast3A_1130 = vector.bitcast %and3A_1129 : vector<16xi32> to vector<16xf32>
        %mul3A_1131 = arith.mulf %gather3A_1115, %bitcast3A_1126 : vector<16xf32>
        %add3A_1132 = arith.addf %add3A_1024, %mul3A_1131 : vector<16xf32>
        %mul3A_1133 = arith.mulf %gather3A_1115, %bitcast3A_1130 : vector<16xf32>
        %add3A_1134 = arith.addf %add3A_1026, %mul3A_1133 : vector<16xf32>
        %add3A_1135 = arith.constant 16 : i32
        %add3A_1136 = arith.addi %mul3A_684, %add3A_1135 : i32
        %get3A_1137 = arith.constant 1 : i32
        %get3A_1138 = arith.index_cast %get3A_1137 : i32 to index
        %get3A_1139 = arith.index_cast %select_n3A_666 : i32 to index
        %get3A_1140 = arith.index_cast %add3A_1136 : i32 to index
        %get3A_1141 = tpu.vector_load %arg7[%get3A_1138, %get3A_1139, %get3A_1140] {strides = array<i32>} : memref<2x8x128xf32, #tpu.memory_space<vmem>>, vector<16xf32>,
        %add3A_1142 = arith.constant 16 : i32
        %add3A_1143 = arith.addi %mul3A_684, %add3A_1142 : i32
        %add3A_1144 = arith.constant 0 : i32
        %add3A_1145 = arith.addi %add3A_1143, %add3A_1144 : i32
        %broadcast_in_dim3A_1146 = arith.constant 0 : i32
        %broadcast_in_dim3A_1147 = vector.broadcast %broadcast_in_dim3A_1146 : i32 to vector<16x1xi32>
        %gather3A_1148 = vector.shape_cast %broadcast_in_dim3A_1147 : vector<16x1xi32> to vector<16xi32>
        %gather3A_1149 = tpu.dynamic_gather %get3A_1141[%gather3A_1148] in [0] : vector<16xf32>, vector<16xi32> -> vector<16xf32>
        %get3A_1150 = arith.constant 1 : i32
        %get3A_1151 = arith.index_cast %get3A_1150 : i32 to index
        %get3A_1152 = arith.index_cast %select_n3A_666 : i32 to index
        %get3A_1153 = arith.index_cast %add3A_1145 : i32 to index
        %get3A_1154 = arith.constant 0 : index
        %get3A_1155 = tpu.vector_load %arg8[%get3A_1151, %get3A_1152, %get3A_1153, %get3A_1154] {strides = array<i32>} : memref<2x8x128x32xbf16, #tpu.memory_space<vmem>>, vector<32xbf16>,
        %bitcast3A_1156 = vector.bitcast %get3A_1155 : vector<32xbf16> to vector<16xi32>
        %shift_left3A_1157 = arith.constant 16 : i32
        %shift_left3A_1158 = vector.broadcast %shift_left3A_1157 : i32 to vector<16xi32>
        %shift_left3A_1159 = arith.shli %bitcast3A_1156, %shift_left3A_1158 : vector<16xi32>
        %bitcast3A_1160 = vector.bitcast %shift_left3A_1159 : vector<16xi32> to vector<16xf32>
        %and3A_1161 = arith.constant -65536 : i32
        %and3A_1162 = vector.broadcast %and3A_1161 : i32 to vector<16xi32>
        %and3A_1163 = arith.andi %bitcast3A_1156, %and3A_1162 : vector<16xi32>
        %bitcast3A_1164 = vector.bitcast %and3A_1163 : vector<16xi32> to vector<16xf32>
        %mul3A_1165 = arith.mulf %gather3A_1149, %bitcast3A_1160 : vector<16xf32>
        %add3A_1166 = arith.addf %add3A_1051, %mul3A_1165 : vector<16xf32>
        %mul3A_1167 = arith.mulf %gather3A_1149, %bitcast3A_1164 : vector<16xf32>
        %add3A_1168 = arith.addf %add3A_1053, %mul3A_1167 : vector<16xf32>
        %add3A_1169 = arith.constant 16 : i32
        %add3A_1170 = arith.addi %mul3A_684, %add3A_1169 : i32
        %add3A_1171 = arith.constant 1 : i32
        %add3A_1172 = arith.addi %add3A_1170, %add3A_1171 : i32
        %broadcast_in_dim3A_1173 = arith.constant 1 : i32
        %broadcast_in_dim3A_1174 = vector.broadcast %broadcast_in_dim3A_1173 : i32 to vector<16x1xi32>
        %gather3A_1175 = vector.shape_cast %broadcast_in_dim3A_1174 : vector<16x1xi32> to vector<16xi32>
        %gather3A_1176 = tpu.dynamic_gather %get3A_1141[%gather3A_1175] in [0] : vector<16xf32>, vector<16xi32> -> vector<16xf32>
        %get3A_1177 = arith.constant 1 : i32
        %get3A_1178 = arith.index_cast %get3A_1177 : i32 to index
        %get3A_1179 = arith.index_cast %select_n3A_666 : i32 to index
        %get3A_1180 = arith.index_cast %add3A_1172 : i32 to index
        %get3A_1181 = arith.constant 0 : index
        %get3A_1182 = tpu.vector_load %arg8[%get3A_1178, %get3A_1179, %get3A_1180, %get3A_1181] {strides = array<i32>} : memref<2x8x128x32xbf16, #tpu.memory_space<vmem>>, vector<32xbf16>,
        %bitcast3A_1183 = vector.bitcast %get3A_1182 : vector<32xbf16> to vector<16xi32>
        %shift_left3A_1184 = arith.constant 16 : i32
        %shift_left3A_1185 = vector.broadcast %shift_left3A_1184 : i32 to vector<16xi32>
        %shift_left3A_1186 = arith.shli %bitcast3A_1183, %shift_left3A_1185 : vector<16xi32>
        %bitcast3A_1187 = vector.bitcast %shift_left3A_1186 : vector<16xi32> to vector<16xf32>
        %and3A_1188 = arith.constant -65536 : i32
        %and3A_1189 = vector.broadcast %and3A_1188 : i32 to vector<16xi32>
        %and3A_1190 = arith.andi %bitcast3A_1183, %and3A_1189 : vector<16xi32>
        %bitcast3A_1191 = vector.bitcast %and3A_1190 : vector<16xi32> to vector<16xf32>
        %mul3A_1192 = arith.mulf %gather3A_1176, %bitcast3A_1187 : vector<16xf32>
        %add3A_1193 = arith.addf %add3A_1078, %mul3A_1192 : vector<16xf32>
        %mul3A_1194 = arith.mulf %gather3A_1176, %bitcast3A_1191 : vector<16xf32>
        %add3A_1195 = arith.addf %add3A_1080, %mul3A_1194 : vector<16xf32>
        %add3A_1196 = arith.constant 16 : i32
        %add3A_1197 = arith.addi %mul3A_684, %add3A_1196 : i32
        %add3A_1198 = arith.constant 2 : i32
        %add3A_1199 = arith.addi %add3A_1197, %add3A_1198 : i32
        %broadcast_in_dim3A_1200 = arith.constant 2 : i32
        %broadcast_in_dim3A_1201 = vector.broadcast %broadcast_in_dim3A_1200 : i32 to vector<16x1xi32>
        %gather3A_1202 = vector.shape_cast %broadcast_in_dim3A_1201 : vector<16x1xi32> to vector<16xi32>
        %gather3A_1203 = tpu.dynamic_gather %get3A_1141[%gather3A_1202] in [0] : vector<16xf32>, vector<16xi32> -> vector<16xf32>
        %get3A_1204 = arith.constant 1 : i32
        %get3A_1205 = arith.index_cast %get3A_1204 : i32 to index
        %get3A_1206 = arith.index_cast %select_n3A_666 : i32 to index
        %get3A_1207 = arith.index_cast %add3A_1199 : i32 to index
        %get3A_1208 = arith.constant 0 : index
        %get3A_1209 = tpu.vector_load %arg8[%get3A_1205, %get3A_1206, %get3A_1207, %get3A_1208] {strides = array<i32>} : memref<2x8x128x32xbf16, #tpu.memory_space<vmem>>, vector<32xbf16>,
        %bitcast3A_1210 = vector.bitcast %get3A_1209 : vector<32xbf16> to vector<16xi32>
        %shift_left3A_1211 = arith.constant 16 : i32
        %shift_left3A_1212 = vector.broadcast %shift_left3A_1211 : i32 to vector<16xi32>
        %shift_left3A_1213 = arith.shli %bitcast3A_1210, %shift_left3A_1212 : vector<16xi32>
        %bitcast3A_1214 = vector.bitcast %shift_left3A_1213 : vector<16xi32> to vector<16xf32>
        %and3A_1215 = arith.constant -65536 : i32
        %and3A_1216 = vector.broadcast %and3A_1215 : i32 to vector<16xi32>
        %and3A_1217 = arith.andi %bitcast3A_1210, %and3A_1216 : vector<16xi32>
        %bitcast3A_1218 = vector.bitcast %and3A_1217 : vector<16xi32> to vector<16xf32>
        %mul3A_1219 = arith.mulf %gather3A_1203, %bitcast3A_1214 : vector<16xf32>
        %add3A_1220 = arith.addf %add3A_1105, %mul3A_1219 : vector<16xf32>
        %mul3A_1221 = arith.mulf %gather3A_1203, %bitcast3A_1218 : vector<16xf32>
        %add3A_1222 = arith.addf %add3A_1107, %mul3A_1221 : vector<16xf32>
        %add3A_1223 = arith.constant 16 : i32
        %add3A_1224 = arith.addi %mul3A_684, %add3A_1223 : i32
        %add3A_1225 = arith.constant 3 : i32
        %add3A_1226 = arith.addi %add3A_1224, %add3A_1225 : i32
        %broadcast_in_dim3A_1227 = arith.constant 3 : i32
        %broadcast_in_dim3A_1228 = vector.broadcast %broadcast_in_dim3A_1227 : i32 to vector<16x1xi32>
        %gather3A_1229 = vector.shape_cast %broadcast_in_dim3A_1228 : vector<16x1xi32> to vector<16xi32>
        %gather3A_1230 = tpu.dynamic_gather %get3A_1141[%gather3A_1229] in [0] : vector<16xf32>, vector<16xi32> -> vector<16xf32>
        %get3A_1231 = arith.constant 1 : i32
        %get3A_1232 = arith.index_cast %get3A_1231 : i32 to index
        %get3A_1233 = arith.index_cast %select_n3A_666 : i32 to index
        %get3A_1234 = arith.index_cast %add3A_1226 : i32 to index
        %get3A_1235 = arith.constant 0 : index
        %get3A_1236 = tpu.vector_load %arg8[%get3A_1232, %get3A_1233, %get3A_1234, %get3A_1235] {strides = array<i32>} : memref<2x8x128x32xbf16, #tpu.memory_space<vmem>>, vector<32xbf16>,
        %bitcast3A_1237 = vector.bitcast %get3A_1236 : vector<32xbf16> to vector<16xi32>
        %shift_left3A_1238 = arith.constant 16 : i32
        %shift_left3A_1239 = vector.broadcast %shift_left3A_1238 : i32 to vector<16xi32>
        %shift_left3A_1240 = arith.shli %bitcast3A_1237, %shift_left3A_1239 : vector<16xi32>
        %bitcast3A_1241 = vector.bitcast %shift_left3A_1240 : vector<16xi32> to vector<16xf32>
        %and3A_1242 = arith.constant -65536 : i32
        %and3A_1243 = vector.broadcast %and3A_1242 : i32 to vector<16xi32>
        %and3A_1244 = arith.andi %bitcast3A_1237, %and3A_1243 : vector<16xi32>
        %bitcast3A_1245 = vector.bitcast %and3A_1244 : vector<16xi32> to vector<16xf32>
        %mul3A_1246 = arith.mulf %gather3A_1230, %bitcast3A_1241 : vector<16xf32>
        %add3A_1247 = arith.addf %add3A_1132, %mul3A_1246 : vector<16xf32>
        %mul3A_1248 = arith.mulf %gather3A_1230, %bitcast3A_1245 : vector<16xf32>
        %add3A_1249 = arith.addf %add3A_1134, %mul3A_1248 : vector<16xf32>
        %add3A_1250 = arith.constant 16 : i32
        %add3A_1251 = arith.addi %mul3A_684, %add3A_1250 : i32
        %add3A_1252 = arith.constant 4 : i32
        %add3A_1253 = arith.addi %add3A_1251, %add3A_1252 : i32
        %broadcast_in_dim3A_1254 = arith.constant 4 : i32
        %broadcast_in_dim3A_1255 = vector.broadcast %broadcast_in_dim3A_1254 : i32 to vector<16x1xi32>
        %gather3A_1256 = vector.shape_cast %broadcast_in_dim3A_1255 : vector<16x1xi32> to vector<16xi32>
        %gather3A_1257 = tpu.dynamic_gather %get3A_1141[%gather3A_1256] in [0] : vector<16xf32>, vector<16xi32> -> vector<16xf32>
        %get3A_1258 = arith.constant 1 : i32
        %get3A_1259 = arith.index_cast %get3A_1258 : i32 to index
        %get3A_1260 = arith.index_cast %select_n3A_666 : i32 to index
        %get3A_1261 = arith.index_cast %add3A_1253 : i32 to index
        %get3A_1262 = arith.constant 0 : index
        %get3A_1263 = tpu.vector_load %arg8[%get3A_1259, %get3A_1260, %get3A_1261, %get3A_1262] {strides = array<i32>} : memref<2x8x128x32xbf16, #tpu.memory_space<vmem>>, vector<32xbf16>,
        %bitcast3A_1264 = vector.bitcast %get3A_1263 : vector<32xbf16> to vector<16xi32>
        %shift_left3A_1265 = arith.constant 16 : i32
        %shift_left3A_1266 = vector.broadcast %shift_left3A_1265 : i32 to vector<16xi32>
        %shift_left3A_1267 = arith.shli %bitcast3A_1264, %shift_left3A_1266 : vector<16xi32>
        %bitcast3A_1268 = vector.bitcast %shift_left3A_1267 : vector<16xi32> to vector<16xf32>
        %and3A_1269 = arith.constant -65536 : i32
        %and3A_1270 = vector.broadcast %and3A_1269 : i32 to vector<16xi32>
        %and3A_1271 = arith.andi %bitcast3A_1264, %and3A_1270 : vector<16xi32>
        %bitcast3A_1272 = vector.bitcast %and3A_1271 : vector<16xi32> to vector<16xf32>
        %mul3A_1273 = arith.mulf %gather3A_1257, %bitcast3A_1268 : vector<16xf32>
        %add3A_1274 = arith.addf %add3A_1166, %mul3A_1273 : vector<16xf32>
        %mul3A_1275 = arith.mulf %gather3A_1257, %bitcast3A_1272 : vector<16xf32>
        %add3A_1276 = arith.addf %add3A_1168, %mul3A_1275 : vector<16xf32>
        %add3A_1277 = arith.constant 16 : i32
        %add3A_1278 = arith.addi %mul3A_684, %add3A_1277 : i32
        %add3A_1279 = arith.constant 5 : i32
        %add3A_1280 = arith.addi %add3A_1278, %add3A_1279 : i32
        %broadcast_in_dim3A_1281 = arith.constant 5 : i32
        %broadcast_in_dim3A_1282 = vector.broadcast %broadcast_in_dim3A_1281 : i32 to vector<16x1xi32>
        %gather3A_1283 = vector.shape_cast %broadcast_in_dim3A_1282 : vector<16x1xi32> to vector<16xi32>
        %gather3A_1284 = tpu.dynamic_gather %get3A_1141[%gather3A_1283] in [0] : vector<16xf32>, vector<16xi32> -> vector<16xf32>
        %get3A_1285 = arith.constant 1 : i32
        %get3A_1286 = arith.index_cast %get3A_1285 : i32 to index
        %get3A_1287 = arith.index_cast %select_n3A_666 : i32 to index
        %get3A_1288 = arith.index_cast %add3A_1280 : i32 to index
        %get3A_1289 = arith.constant 0 : index
        %get3A_1290 = tpu.vector_load %arg8[%get3A_1286, %get3A_1287, %get3A_1288, %get3A_1289] {strides = array<i32>} : memref<2x8x128x32xbf16, #tpu.memory_space<vmem>>, vector<32xbf16>,
        %bitcast3A_1291 = vector.bitcast %get3A_1290 : vector<32xbf16> to vector<16xi32>
        %shift_left3A_1292 = arith.constant 16 : i32
        %shift_left3A_1293 = vector.broadcast %shift_left3A_1292 : i32 to vector<16xi32>
        %shift_left3A_1294 = arith.shli %bitcast3A_1291, %shift_left3A_1293 : vector<16xi32>
        %bitcast3A_1295 = vector.bitcast %shift_left3A_1294 : vector<16xi32> to vector<16xf32>
        %and3A_1296 = arith.constant -65536 : i32
        %and3A_1297 = vector.broadcast %and3A_1296 : i32 to vector<16xi32>
        %and3A_1298 = arith.andi %bitcast3A_1291, %and3A_1297 : vector<16xi32>
        %bitcast3A_1299 = vector.bitcast %and3A_1298 : vector<16xi32> to vector<16xf32>
        %mul3A_1300 = arith.mulf %gather3A_1284, %bitcast3A_1295 : vector<16xf32>
        %add3A_1301 = arith.addf %add3A_1193, %mul3A_1300 : vector<16xf32>
        %mul3A_1302 = arith.mulf %gather3A_1284, %bitcast3A_1299 : vector<16xf32>
        %add3A_1303 = arith.addf %add3A_1195, %mul3A_1302 : vector<16xf32>
        %add3A_1304 = arith.constant 16 : i32
        %add3A_1305 = arith.addi %mul3A_684, %add3A_1304 : i32
        %add3A_1306 = arith.constant 6 : i32
        %add3A_1307 = arith.addi %add3A_1305, %add3A_1306 : i32
        %broadcast_in_dim3A_1308 = arith.constant 6 : i32
        %broadcast_in_dim3A_1309 = vector.broadcast %broadcast_in_dim3A_1308 : i32 to vector<16x1xi32>
        %gather3A_1310 = vector.shape_cast %broadcast_in_dim3A_1309 : vector<16x1xi32> to vector<16xi32>
        %gather3A_1311 = tpu.dynamic_gather %get3A_1141[%gather3A_1310] in [0] : vector<16xf32>, vector<16xi32> -> vector<16xf32>
        %get3A_1312 = arith.constant 1 : i32
        %get3A_1313 = arith.index_cast %get3A_1312 : i32 to index
        %get3A_1314 = arith.index_cast %select_n3A_666 : i32 to index
        %get3A_1315 = arith.index_cast %add3A_1307 : i32 to index
        %get3A_1316 = arith.constant 0 : index
        %get3A_1317 = tpu.vector_load %arg8[%get3A_1313, %get3A_1314, %get3A_1315, %get3A_1316] {strides = array<i32>} : memref<2x8x128x32xbf16, #tpu.memory_space<vmem>>, vector<32xbf16>,
        %bitcast3A_1318 = vector.bitcast %get3A_1317 : vector<32xbf16> to vector<16xi32>
        %shift_left3A_1319 = arith.constant 16 : i32
        %shift_left3A_1320 = vector.broadcast %shift_left3A_1319 : i32 to vector<16xi32>
        %shift_left3A_1321 = arith.shli %bitcast3A_1318, %shift_left3A_1320 : vector<16xi32>
        %bitcast3A_1322 = vector.bitcast %shift_left3A_1321 : vector<16xi32> to vector<16xf32>
        %and3A_1323 = arith.constant -65536 : i32
        %and3A_1324 = vector.broadcast %and3A_1323 : i32 to vector<16xi32>
        %and3A_1325 = arith.andi %bitcast3A_1318, %and3A_1324 : vector<16xi32>
        %bitcast3A_1326 = vector.bitcast %and3A_1325 : vector<16xi32> to vector<16xf32>
        %mul3A_1327 = arith.mulf %gather3A_1311, %bitcast3A_1322 : vector<16xf32>
        %add3A_1328 = arith.addf %add3A_1220, %mul3A_1327 : vector<16xf32>
        %mul3A_1329 = arith.mulf %gather3A_1311, %bitcast3A_1326 : vector<16xf32>
        %add3A_1330 = arith.addf %add3A_1222, %mul3A_1329 : vector<16xf32>
        %add3A_1331 = arith.constant 16 : i32
        %add3A_1332 = arith.addi %mul3A_684, %add3A_1331 : i32
        %add3A_1333 = arith.constant 7 : i32
        %add3A_1334 = arith.addi %add3A_1332, %add3A_1333 : i32
        %broadcast_in_dim3A_1335 = arith.constant 7 : i32
        %broadcast_in_dim3A_1336 = vector.broadcast %broadcast_in_dim3A_1335 : i32 to vector<16x1xi32>
        %gather3A_1337 = vector.shape_cast %broadcast_in_dim3A_1336 : vector<16x1xi32> to vector<16xi32>
        %gather3A_1338 = tpu.dynamic_gather %get3A_1141[%gather3A_1337] in [0] : vector<16xf32>, vector<16xi32> -> vector<16xf32>
        %get3A_1339 = arith.constant 1 : i32
        %get3A_1340 = arith.index_cast %get3A_1339 : i32 to index
        %get3A_1341 = arith.index_cast %select_n3A_666 : i32 to index
        %get3A_1342 = arith.index_cast %add3A_1334 : i32 to index
        %get3A_1343 = arith.constant 0 : index
        %get3A_1344 = tpu.vector_load %arg8[%get3A_1340, %get3A_1341, %get3A_1342, %get3A_1343] {strides = array<i32>} : memref<2x8x128x32xbf16, #tpu.memory_space<vmem>>, vector<32xbf16>,
        %bitcast3A_1345 = vector.bitcast %get3A_1344 : vector<32xbf16> to vector<16xi32>
        %shift_left3A_1346 = arith.constant 16 : i32
        %shift_left3A_1347 = vector.broadcast %shift_left3A_1346 : i32 to vector<16xi32>
        %shift_left3A_1348 = arith.shli %bitcast3A_1345, %shift_left3A_1347 : vector<16xi32>
        %bitcast3A_1349 = vector.bitcast %shift_left3A_1348 : vector<16xi32> to vector<16xf32>
        %and3A_1350 = arith.constant -65536 : i32
        %and3A_1351 = vector.broadcast %and3A_1350 : i32 to vector<16xi32>
        %and3A_1352 = arith.andi %bitcast3A_1345, %and3A_1351 : vector<16xi32>
        %bitcast3A_1353 = vector.bitcast %and3A_1352 : vector<16xi32> to vector<16xf32>
        %mul3A_1354 = arith.mulf %gather3A_1338, %bitcast3A_1349 : vector<16xf32>
        %add3A_1355 = arith.addf %add3A_1247, %mul3A_1354 : vector<16xf32>
        %mul3A_1356 = arith.mulf %gather3A_1338, %bitcast3A_1353 : vector<16xf32>
        %add3A_1357 = arith.addf %add3A_1249, %mul3A_1356 : vector<16xf32>
        %add3A_1358 = arith.constant 16 : i32
        %add3A_1359 = arith.addi %mul3A_684, %add3A_1358 : i32
        %add3A_1360 = arith.constant 8 : i32
        %add3A_1361 = arith.addi %add3A_1359, %add3A_1360 : i32
        %broadcast_in_dim3A_1362 = arith.constant 8 : i32
        %broadcast_in_dim3A_1363 = vector.broadcast %broadcast_in_dim3A_1362 : i32 to vector<16x1xi32>
        %gather3A_1364 = vector.shape_cast %broadcast_in_dim3A_1363 : vector<16x1xi32> to vector<16xi32>
        %gather3A_1365 = tpu.dynamic_gather %get3A_1141[%gather3A_1364] in [0] : vector<16xf32>, vector<16xi32> -> vector<16xf32>
        %get3A_1366 = arith.constant 1 : i32
        %get3A_1367 = arith.index_cast %get3A_1366 : i32 to index
        %get3A_1368 = arith.index_cast %select_n3A_666 : i32 to index
        %get3A_1369 = arith.index_cast %add3A_1361 : i32 to index
        %get3A_1370 = arith.constant 0 : index
        %get3A_1371 = tpu.vector_load %arg8[%get3A_1367, %get3A_1368, %get3A_1369, %get3A_1370] {strides = array<i32>} : memref<2x8x128x32xbf16, #tpu.memory_space<vmem>>, vector<32xbf16>,
        %bitcast3A_1372 = vector.bitcast %get3A_1371 : vector<32xbf16> to vector<16xi32>
        %shift_left3A_1373 = arith.constant 16 : i32
        %shift_left3A_1374 = vector.broadcast %shift_left3A_1373 : i32 to vector<16xi32>
        %shift_left3A_1375 = arith.shli %bitcast3A_1372, %shift_left3A_1374 : vector<16xi32>
        %bitcast3A_1376 = vector.bitcast %shift_left3A_1375 : vector<16xi32> to vector<16xf32>
        %and3A_1377 = arith.constant -65536 : i32
        %and3A_1378 = vector.broadcast %and3A_1377 : i32 to vector<16xi32>
        %and3A_1379 = arith.andi %bitcast3A_1372, %and3A_1378 : vector<16xi32>
        %bitcast3A_1380 = vector.bitcast %and3A_1379 : vector<16xi32> to vector<16xf32>
        %mul3A_1381 = arith.mulf %gather3A_1365, %bitcast3A_1376 : vector<16xf32>
        %add3A_1382 = arith.addf %add3A_1274, %mul3A_1381 : vector<16xf32>
        %mul3A_1383 = arith.mulf %gather3A_1365, %bitcast3A_1380 : vector<16xf32>
        %add3A_1384 = arith.addf %add3A_1276, %mul3A_1383 : vector<16xf32>
        %add3A_1385 = arith.constant 16 : i32
        %add3A_1386 = arith.addi %mul3A_684, %add3A_1385 : i32
        %add3A_1387 = arith.constant 9 : i32
        %add3A_1388 = arith.addi %add3A_1386, %add3A_1387 : i32
        %broadcast_in_dim3A_1389 = arith.constant 9 : i32
        %broadcast_in_dim3A_1390 = vector.broadcast %broadcast_in_dim3A_1389 : i32 to vector<16x1xi32>
        %gather3A_1391 = vector.shape_cast %broadcast_in_dim3A_1390 : vector<16x1xi32> to vector<16xi32>
        %gather3A_1392 = tpu.dynamic_gather %get3A_1141[%gather3A_1391] in [0] : vector<16xf32>, vector<16xi32> -> vector<16xf32>
        %get3A_1393 = arith.constant 1 : i32
        %get3A_1394 = arith.index_cast %get3A_1393 : i32 to index
        %get3A_1395 = arith.index_cast %select_n3A_666 : i32 to index
        %get3A_1396 = arith.index_cast %add3A_1388 : i32 to index
        %get3A_1397 = arith.constant 0 : index
        %get3A_1398 = tpu.vector_load %arg8[%get3A_1394, %get3A_1395, %get3A_1396, %get3A_1397] {strides = array<i32>} : memref<2x8x128x32xbf16, #tpu.memory_space<vmem>>, vector<32xbf16>,
        %bitcast3A_1399 = vector.bitcast %get3A_1398 : vector<32xbf16> to vector<16xi32>
        %shift_left3A_1400 = arith.constant 16 : i32
        %shift_left3A_1401 = vector.broadcast %shift_left3A_1400 : i32 to vector<16xi32>
        %shift_left3A_1402 = arith.shli %bitcast3A_1399, %shift_left3A_1401 : vector<16xi32>
        %bitcast3A_1403 = vector.bitcast %shift_left3A_1402 : vector<16xi32> to vector<16xf32>
        %and3A_1404 = arith.constant -65536 : i32
        %and3A_1405 = vector.broadcast %and3A_1404 : i32 to vector<16xi32>
        %and3A_1406 = arith.andi %bitcast3A_1399, %and3A_1405 : vector<16xi32>
        %bitcast3A_1407 = vector.bitcast %and3A_1406 : vector<16xi32> to vector<16xf32>
        %mul3A_1408 = arith.mulf %gather3A_1392, %bitcast3A_1403 : vector<16xf32>
        %add3A_1409 = arith.addf %add3A_1301, %mul3A_1408 : vector<16xf32>
        %mul3A_1410 = arith.mulf %gather3A_1392, %bitcast3A_1407 : vector<16xf32>
        %add3A_1411 = arith.addf %add3A_1303, %mul3A_1410 : vector<16xf32>
        %add3A_1412 = arith.constant 16 : i32
        %add3A_1413 = arith.addi %mul3A_684, %add3A_1412 : i32
        %add3A_1414 = arith.constant 10 : i32
        %add3A_1415 = arith.addi %add3A_1413, %add3A_1414 : i32
        %broadcast_in_dim3A_1416 = arith.constant 10 : i32
        %broadcast_in_dim3A_1417 = vector.broadcast %broadcast_in_dim3A_1416 : i32 to vector<16x1xi32>
        %gather3A_1418 = vector.shape_cast %broadcast_in_dim3A_1417 : vector<16x1xi32> to vector<16xi32>
        %gather3A_1419 = tpu.dynamic_gather %get3A_1141[%gather3A_1418] in [0] : vector<16xf32>, vector<16xi32> -> vector<16xf32>
        %get3A_1420 = arith.constant 1 : i32
        %get3A_1421 = arith.index_cast %get3A_1420 : i32 to index
        %get3A_1422 = arith.index_cast %select_n3A_666 : i32 to index
        %get3A_1423 = arith.index_cast %add3A_1415 : i32 to index
        %get3A_1424 = arith.constant 0 : index
        %get3A_1425 = tpu.vector_load %arg8[%get3A_1421, %get3A_1422, %get3A_1423, %get3A_1424] {strides = array<i32>} : memref<2x8x128x32xbf16, #tpu.memory_space<vmem>>, vector<32xbf16>,
        %bitcast3A_1426 = vector.bitcast %get3A_1425 : vector<32xbf16> to vector<16xi32>
        %shift_left3A_1427 = arith.constant 16 : i32
        %shift_left3A_1428 = vector.broadcast %shift_left3A_1427 : i32 to vector<16xi32>
        %shift_left3A_1429 = arith.shli %bitcast3A_1426, %shift_left3A_1428 : vector<16xi32>
        %bitcast3A_1430 = vector.bitcast %shift_left3A_1429 : vector<16xi32> to vector<16xf32>
        %and3A_1431 = arith.constant -65536 : i32
        %and3A_1432 = vector.broadcast %and3A_1431 : i32 to vector<16xi32>
        %and3A_1433 = arith.andi %bitcast3A_1426, %and3A_1432 : vector<16xi32>
        %bitcast3A_1434 = vector.bitcast %and3A_1433 : vector<16xi32> to vector<16xf32>
        %mul3A_1435 = arith.mulf %gather3A_1419, %bitcast3A_1430 : vector<16xf32>
        %add3A_1436 = arith.addf %add3A_1328, %mul3A_1435 : vector<16xf32>
        %mul3A_1437 = arith.mulf %gather3A_1419, %bitcast3A_1434 : vector<16xf32>
        %add3A_1438 = arith.addf %add3A_1330, %mul3A_1437 : vector<16xf32>
        %add3A_1439 = arith.constant 16 : i32
        %add3A_1440 = arith.addi %mul3A_684, %add3A_1439 : i32
        %add3A_1441 = arith.constant 11 : i32
        %add3A_1442 = arith.addi %add3A_1440, %add3A_1441 : i32
        %broadcast_in_dim3A_1443 = arith.constant 11 : i32
        %broadcast_in_dim3A_1444 = vector.broadcast %broadcast_in_dim3A_1443 : i32 to vector<16x1xi32>
        %gather3A_1445 = vector.shape_cast %broadcast_in_dim3A_1444 : vector<16x1xi32> to vector<16xi32>
        %gather3A_1446 = tpu.dynamic_gather %get3A_1141[%gather3A_1445] in [0] : vector<16xf32>, vector<16xi32> -> vector<16xf32>
        %get3A_1447 = arith.constant 1 : i32
        %get3A_1448 = arith.index_cast %get3A_1447 : i32 to index
        %get3A_1449 = arith.index_cast %select_n3A_666 : i32 to index
        %get3A_1450 = arith.index_cast %add3A_1442 : i32 to index
        %get3A_1451 = arith.constant 0 : index
        %get3A_1452 = tpu.vector_load %arg8[%get3A_1448, %get3A_1449, %get3A_1450, %get3A_1451] {strides = array<i32>} : memref<2x8x128x32xbf16, #tpu.memory_space<vmem>>, vector<32xbf16>,
        %bitcast3A_1453 = vector.bitcast %get3A_1452 : vector<32xbf16> to vector<16xi32>
        %shift_left3A_1454 = arith.constant 16 : i32
        %shift_left3A_1455 = vector.broadcast %shift_left3A_1454 : i32 to vector<16xi32>
        %shift_left3A_1456 = arith.shli %bitcast3A_1453, %shift_left3A_1455 : vector<16xi32>
        %bitcast3A_1457 = vector.bitcast %shift_left3A_1456 : vector<16xi32> to vector<16xf32>
        %and3A_1458 = arith.constant -65536 : i32
        %and3A_1459 = vector.broadcast %and3A_1458 : i32 to vector<16xi32>
        %and3A_1460 = arith.andi %bitcast3A_1453, %and3A_1459 : vector<16xi32>
        %bitcast3A_1461 = vector.bitcast %and3A_1460 : vector<16xi32> to vector<16xf32>
        %mul3A_1462 = arith.mulf %gather3A_1446, %bitcast3A_1457 : vector<16xf32>
        %add3A_1463 = arith.addf %add3A_1355, %mul3A_1462 : vector<16xf32>
        %mul3A_1464 = arith.mulf %gather3A_1446, %bitcast3A_1461 : vector<16xf32>
        %add3A_1465 = arith.addf %add3A_1357, %mul3A_1464 : vector<16xf32>
        %add3A_1466 = arith.constant 16 : i32
        %add3A_1467 = arith.addi %mul3A_684, %add3A_1466 : i32
        %add3A_1468 = arith.constant 12 : i32
        %add3A_1469 = arith.addi %add3A_1467, %add3A_1468 : i32
        %broadcast_in_dim3A_1470 = arith.constant 12 : i32
        %broadcast_in_dim3A_1471 = vector.broadcast %broadcast_in_dim3A_1470 : i32 to vector<16x1xi32>
        %gather3A_1472 = vector.shape_cast %broadcast_in_dim3A_1471 : vector<16x1xi32> to vector<16xi32>
        %gather3A_1473 = tpu.dynamic_gather %get3A_1141[%gather3A_1472] in [0] : vector<16xf32>, vector<16xi32> -> vector<16xf32>
        %get3A_1474 = arith.constant 1 : i32
        %get3A_1475 = arith.index_cast %get3A_1474 : i32 to index
        %get3A_1476 = arith.index_cast %select_n3A_666 : i32 to index
        %get3A_1477 = arith.index_cast %add3A_1469 : i32 to index
        %get3A_1478 = arith.constant 0 : index
        %get3A_1479 = tpu.vector_load %arg8[%get3A_1475, %get3A_1476, %get3A_1477, %get3A_1478] {strides = array<i32>} : memref<2x8x128x32xbf16, #tpu.memory_space<vmem>>, vector<32xbf16>,
        %bitcast3A_1480 = vector.bitcast %get3A_1479 : vector<32xbf16> to vector<16xi32>
        %shift_left3A_1481 = arith.constant 16 : i32
        %shift_left3A_1482 = vector.broadcast %shift_left3A_1481 : i32 to vector<16xi32>
        %shift_left3A_1483 = arith.shli %bitcast3A_1480, %shift_left3A_1482 : vector<16xi32>
        %bitcast3A_1484 = vector.bitcast %shift_left3A_1483 : vector<16xi32> to vector<16xf32>
        %and3A_1485 = arith.constant -65536 : i32
        %and3A_1486 = vector.broadcast %and3A_1485 : i32 to vector<16xi32>
        %and3A_1487 = arith.andi %bitcast3A_1480, %and3A_1486 : vector<16xi32>
        %bitcast3A_1488 = vector.bitcast %and3A_1487 : vector<16xi32> to vector<16xf32>
        %mul3A_1489 = arith.mulf %gather3A_1473, %bitcast3A_1484 : vector<16xf32>
        %add3A_1490 = arith.addf %add3A_1382, %mul3A_1489 : vector<16xf32>
        %mul3A_1491 = arith.mulf %gather3A_1473, %bitcast3A_1488 : vector<16xf32>
        %add3A_1492 = arith.addf %add3A_1384, %mul3A_1491 : vector<16xf32>
        %add3A_1493 = arith.constant 16 : i32
        %add3A_1494 = arith.addi %mul3A_684, %add3A_1493 : i32
        %add3A_1495 = arith.constant 13 : i32
        %add3A_1496 = arith.addi %add3A_1494, %add3A_1495 : i32
        %broadcast_in_dim3A_1497 = arith.constant 13 : i32
        %broadcast_in_dim3A_1498 = vector.broadcast %broadcast_in_dim3A_1497 : i32 to vector<16x1xi32>
        %gather3A_1499 = vector.shape_cast %broadcast_in_dim3A_1498 : vector<16x1xi32> to vector<16xi32>
        %gather3A_1500 = tpu.dynamic_gather %get3A_1141[%gather3A_1499] in [0] : vector<16xf32>, vector<16xi32> -> vector<16xf32>
        %get3A_1501 = arith.constant 1 : i32
        %get3A_1502 = arith.index_cast %get3A_1501 : i32 to index
        %get3A_1503 = arith.index_cast %select_n3A_666 : i32 to index
        %get3A_1504 = arith.index_cast %add3A_1496 : i32 to index
        %get3A_1505 = arith.constant 0 : index
        %get3A_1506 = tpu.vector_load %arg8[%get3A_1502, %get3A_1503, %get3A_1504, %get3A_1505] {strides = array<i32>} : memref<2x8x128x32xbf16, #tpu.memory_space<vmem>>, vector<32xbf16>,
        %bitcast3A_1507 = vector.bitcast %get3A_1506 : vector<32xbf16> to vector<16xi32>
        %shift_left3A_1508 = arith.constant 16 : i32
        %shift_left3A_1509 = vector.broadcast %shift_left3A_1508 : i32 to vector<16xi32>
        %shift_left3A_1510 = arith.shli %bitcast3A_1507, %shift_left3A_1509 : vector<16xi32>
        %bitcast3A_1511 = vector.bitcast %shift_left3A_1510 : vector<16xi32> to vector<16xf32>
        %and3A_1512 = arith.constant -65536 : i32
        %and3A_1513 = vector.broadcast %and3A_1512 : i32 to vector<16xi32>
        %and3A_1514 = arith.andi %bitcast3A_1507, %and3A_1513 : vector<16xi32>
        %bitcast3A_1515 = vector.bitcast %and3A_1514 : vector<16xi32> to vector<16xf32>
        %mul3A_1516 = arith.mulf %gather3A_1500, %bitcast3A_1511 : vector<16xf32>
        %add3A_1517 = arith.addf %add3A_1409, %mul3A_1516 : vector<16xf32>
        %mul3A_1518 = arith.mulf %gather3A_1500, %bitcast3A_1515 : vector<16xf32>
        %add3A_1519 = arith.addf %add3A_1411, %mul3A_1518 : vector<16xf32>
        %add3A_1520 = arith.constant 16 : i32
        %add3A_1521 = arith.addi %mul3A_684, %add3A_1520 : i32
        %add3A_1522 = arith.constant 14 : i32
        %add3A_1523 = arith.addi %add3A_1521, %add3A_1522 : i32
        %broadcast_in_dim3A_1524 = arith.constant 14 : i32
        %broadcast_in_dim3A_1525 = vector.broadcast %broadcast_in_dim3A_1524 : i32 to vector<16x1xi32>
        %gather3A_1526 = vector.shape_cast %broadcast_in_dim3A_1525 : vector<16x1xi32> to vector<16xi32>
        %gather3A_1527 = tpu.dynamic_gather %get3A_1141[%gather3A_1526] in [0] : vector<16xf32>, vector<16xi32> -> vector<16xf32>
        %get3A_1528 = arith.constant 1 : i32
        %get3A_1529 = arith.index_cast %get3A_1528 : i32 to index
        %get3A_1530 = arith.index_cast %select_n3A_666 : i32 to index
        %get3A_1531 = arith.index_cast %add3A_1523 : i32 to index
        %get3A_1532 = arith.constant 0 : index
        %get3A_1533 = tpu.vector_load %arg8[%get3A_1529, %get3A_1530, %get3A_1531, %get3A_1532] {strides = array<i32>} : memref<2x8x128x32xbf16, #tpu.memory_space<vmem>>, vector<32xbf16>,
        %bitcast3A_1534 = vector.bitcast %get3A_1533 : vector<32xbf16> to vector<16xi32>
        %shift_left3A_1535 = arith.constant 16 : i32
        %shift_left3A_1536 = vector.broadcast %shift_left3A_1535 : i32 to vector<16xi32>
        %shift_left3A_1537 = arith.shli %bitcast3A_1534, %shift_left3A_1536 : vector<16xi32>
        %bitcast3A_1538 = vector.bitcast %shift_left3A_1537 : vector<16xi32> to vector<16xf32>
        %and3A_1539 = arith.constant -65536 : i32
        %and3A_1540 = vector.broadcast %and3A_1539 : i32 to vector<16xi32>
        %and3A_1541 = arith.andi %bitcast3A_1534, %and3A_1540 : vector<16xi32>
        %bitcast3A_1542 = vector.bitcast %and3A_1541 : vector<16xi32> to vector<16xf32>
        %mul3A_1543 = arith.mulf %gather3A_1527, %bitcast3A_1538 : vector<16xf32>
        %add3A_1544 = arith.addf %add3A_1436, %mul3A_1543 : vector<16xf32>
        %mul3A_1545 = arith.mulf %gather3A_1527, %bitcast3A_1542 : vector<16xf32>
        %add3A_1546 = arith.addf %add3A_1438, %mul3A_1545 : vector<16xf32>
        %add3A_1547 = arith.constant 16 : i32
        %add3A_1548 = arith.addi %mul3A_684, %add3A_1547 : i32
        %add3A_1549 = arith.constant 15 : i32
        %add3A_1550 = arith.addi %add3A_1548, %add3A_1549 : i32
        %broadcast_in_dim3A_1551 = arith.constant 15 : i32
        %broadcast_in_dim3A_1552 = vector.broadcast %broadcast_in_dim3A_1551 : i32 to vector<16x1xi32>
        %gather3A_1553 = vector.shape_cast %broadcast_in_dim3A_1552 : vector<16x1xi32> to vector<16xi32>
        %gather3A_1554 = tpu.dynamic_gather %get3A_1141[%gather3A_1553] in [0] : vector<16xf32>, vector<16xi32> -> vector<16xf32>
        %get3A_1555 = arith.constant 1 : i32
        %get3A_1556 = arith.index_cast %get3A_1555 : i32 to index
        %get3A_1557 = arith.index_cast %select_n3A_666 : i32 to index
        %get3A_1558 = arith.index_cast %add3A_1550 : i32 to index
        %get3A_1559 = arith.constant 0 : index
        %get3A_1560 = tpu.vector_load %arg8[%get3A_1556, %get3A_1557, %get3A_1558, %get3A_1559] {strides = array<i32>} : memref<2x8x128x32xbf16, #tpu.memory_space<vmem>>, vector<32xbf16>,
        %bitcast3A_1561 = vector.bitcast %get3A_1560 : vector<32xbf16> to vector<16xi32>
        %shift_left3A_1562 = arith.constant 16 : i32
        %shift_left3A_1563 = vector.broadcast %shift_left3A_1562 : i32 to vector<16xi32>
        %shift_left3A_1564 = arith.shli %bitcast3A_1561, %shift_left3A_1563 : vector<16xi32>
        %bitcast3A_1565 = vector.bitcast %shift_left3A_1564 : vector<16xi32> to vector<16xf32>
        %and3A_1566 = arith.constant -65536 : i32
        %and3A_1567 = vector.broadcast %and3A_1566 : i32 to vector<16xi32>
        %and3A_1568 = arith.andi %bitcast3A_1561, %and3A_1567 : vector<16xi32>
        %bitcast3A_1569 = vector.bitcast %and3A_1568 : vector<16xi32> to vector<16xf32>
        %mul3A_1570 = arith.mulf %gather3A_1554, %bitcast3A_1565 : vector<16xf32>
        %add3A_1571 = arith.addf %add3A_1463, %mul3A_1570 : vector<16xf32>
        %mul3A_1572 = arith.mulf %gather3A_1554, %bitcast3A_1569 : vector<16xf32>
        %add3A_1573 = arith.addf %add3A_1465, %mul3A_1572 : vector<16xf32>
        %add3A_1574 = arith.constant 32 : i32
        %add3A_1575 = arith.addi %mul3A_684, %add3A_1574 : i32
        %get3A_1576 = arith.constant 1 : i32
        %get3A_1577 = arith.index_cast %get3A_1576 : i32 to index
        %get3A_1578 = arith.index_cast %select_n3A_666 : i32 to index
        %get3A_1579 = arith.index_cast %add3A_1575 : i32 to index
        %get3A_1580 = tpu.vector_load %arg7[%get3A_1577, %get3A_1578, %get3A_1579] {strides = array<i32>} : memref<2x8x128xf32, #tpu.memory_space<vmem>>, vector<16xf32>,
        %add3A_1581 = arith.constant 32 : i32
        %add3A_1582 = arith.addi %mul3A_684, %add3A_1581 : i32
        %add3A_1583 = arith.constant 0 : i32
        %add3A_1584 = arith.addi %add3A_1582, %add3A_1583 : i32
        %broadcast_in_dim3A_1585 = arith.constant 0 : i32
        %broadcast_in_dim3A_1586 = vector.broadcast %broadcast_in_dim3A_1585 : i32 to vector<16x1xi32>
        %gather3A_1587 = vector.shape_cast %broadcast_in_dim3A_1586 : vector<16x1xi32> to vector<16xi32>
        %gather3A_1588 = tpu.dynamic_gather %get3A_1580[%gather3A_1587] in [0] : vector<16xf32>, vector<16xi32> -> vector<16xf32>
        %get3A_1589 = arith.constant 1 : i32
        %get3A_1590 = arith.index_cast %get3A_1589 : i32 to index
        %get3A_1591 = arith.index_cast %select_n3A_666 : i32 to index
        %get3A_1592 = arith.index_cast %add3A_1584 : i32 to index
        %get3A_1593 = arith.constant 0 : index
        %get3A_1594 = tpu.vector_load %arg8[%get3A_1590, %get3A_1591, %get3A_1592, %get3A_1593] {strides = array<i32>} : memref<2x8x128x32xbf16, #tpu.memory_space<vmem>>, vector<32xbf16>,
        %bitcast3A_1595 = vector.bitcast %get3A_1594 : vector<32xbf16> to vector<16xi32>
        %shift_left3A_1596 = arith.constant 16 : i32
        %shift_left3A_1597 = vector.broadcast %shift_left3A_1596 : i32 to vector<16xi32>
        %shift_left3A_1598 = arith.shli %bitcast3A_1595, %shift_left3A_1597 : vector<16xi32>
        %bitcast3A_1599 = vector.bitcast %shift_left3A_1598 : vector<16xi32> to vector<16xf32>
        %and3A_1600 = arith.constant -65536 : i32
        %and3A_1601 = vector.broadcast %and3A_1600 : i32 to vector<16xi32>
        %and3A_1602 = arith.andi %bitcast3A_1595, %and3A_1601 : vector<16xi32>
        %bitcast3A_1603 = vector.bitcast %and3A_1602 : vector<16xi32> to vector<16xf32>
        %mul3A_1604 = arith.mulf %gather3A_1588, %bitcast3A_1599 : vector<16xf32>
        %add3A_1605 = arith.addf %add3A_1490, %mul3A_1604 : vector<16xf32>
        %mul3A_1606 = arith.mulf %gather3A_1588, %bitcast3A_1603 : vector<16xf32>
        %add3A_1607 = arith.addf %add3A_1492, %mul3A_1606 : vector<16xf32>
        %add3A_1608 = arith.constant 32 : i32
        %add3A_1609 = arith.addi %mul3A_684, %add3A_1608 : i32
        %add3A_1610 = arith.constant 1 : i32
        %add3A_1611 = arith.addi %add3A_1609, %add3A_1610 : i32
        %broadcast_in_dim3A_1612 = arith.constant 1 : i32
        %broadcast_in_dim3A_1613 = vector.broadcast %broadcast_in_dim3A_1612 : i32 to vector<16x1xi32>
        %gather3A_1614 = vector.shape_cast %broadcast_in_dim3A_1613 : vector<16x1xi32> to vector<16xi32>
        %gather3A_1615 = tpu.dynamic_gather %get3A_1580[%gather3A_1614] in [0] : vector<16xf32>, vector<16xi32> -> vector<16xf32>
        %get3A_1616 = arith.constant 1 : i32
        %get3A_1617 = arith.index_cast %get3A_1616 : i32 to index
        %get3A_1618 = arith.index_cast %select_n3A_666 : i32 to index
        %get3A_1619 = arith.index_cast %add3A_1611 : i32 to index
        %get3A_1620 = arith.constant 0 : index
        %get3A_1621 = tpu.vector_load %arg8[%get3A_1617, %get3A_1618, %get3A_1619, %get3A_1620] {strides = array<i32>} : memref<2x8x128x32xbf16, #tpu.memory_space<vmem>>, vector<32xbf16>,
        %bitcast3A_1622 = vector.bitcast %get3A_1621 : vector<32xbf16> to vector<16xi32>
        %shift_left3A_1623 = arith.constant 16 : i32
        %shift_left3A_1624 = vector.broadcast %shift_left3A_1623 : i32 to vector<16xi32>
        %shift_left3A_1625 = arith.shli %bitcast3A_1622, %shift_left3A_1624 : vector<16xi32>
        %bitcast3A_1626 = vector.bitcast %shift_left3A_1625 : vector<16xi32> to vector<16xf32>
        %and3A_1627 = arith.constant -65536 : i32
        %and3A_1628 = vector.broadcast %and3A_1627 : i32 to vector<16xi32>
        %and3A_1629 = arith.andi %bitcast3A_1622, %and3A_1628 : vector<16xi32>
        %bitcast3A_1630 = vector.bitcast %and3A_1629 : vector<16xi32> to vector<16xf32>
        %mul3A_1631 = arith.mulf %gather3A_1615, %bitcast3A_1626 : vector<16xf32>
        %add3A_1632 = arith.addf %add3A_1517, %mul3A_1631 : vector<16xf32>
        %mul3A_1633 = arith.mulf %gather3A_1615, %bitcast3A_1630 : vector<16xf32>
        %add3A_1634 = arith.addf %add3A_1519, %mul3A_1633 : vector<16xf32>
        %add3A_1635 = arith.constant 32 : i32
        %add3A_1636 = arith.addi %mul3A_684, %add3A_1635 : i32
        %add3A_1637 = arith.constant 2 : i32
        %add3A_1638 = arith.addi %add3A_1636, %add3A_1637 : i32
        %broadcast_in_dim3A_1639 = arith.constant 2 : i32
        %broadcast_in_dim3A_1640 = vector.broadcast %broadcast_in_dim3A_1639 : i32 to vector<16x1xi32>
        %gather3A_1641 = vector.shape_cast %broadcast_in_dim3A_1640 : vector<16x1xi32> to vector<16xi32>
        %gather3A_1642 = tpu.dynamic_gather %get3A_1580[%gather3A_1641] in [0] : vector<16xf32>, vector<16xi32> -> vector<16xf32>
        %get3A_1643 = arith.constant 1 : i32
        %get3A_1644 = arith.index_cast %get3A_1643 : i32 to index
        %get3A_1645 = arith.index_cast %select_n3A_666 : i32 to index
        %get3A_1646 = arith.index_cast %add3A_1638 : i32 to index
        %get3A_1647 = arith.constant 0 : index
        %get3A_1648 = tpu.vector_load %arg8[%get3A_1644, %get3A_1645, %get3A_1646, %get3A_1647] {strides = array<i32>} : memref<2x8x128x32xbf16, #tpu.memory_space<vmem>>, vector<32xbf16>,
        %bitcast3A_1649 = vector.bitcast %get3A_1648 : vector<32xbf16> to vector<16xi32>
        %shift_left3A_1650 = arith.constant 16 : i32
        %shift_left3A_1651 = vector.broadcast %shift_left3A_1650 : i32 to vector<16xi32>
        %shift_left3A_1652 = arith.shli %bitcast3A_1649, %shift_left3A_1651 : vector<16xi32>
        %bitcast3A_1653 = vector.bitcast %shift_left3A_1652 : vector<16xi32> to vector<16xf32>
        %and3A_1654 = arith.constant -65536 : i32
        %and3A_1655 = vector.broadcast %and3A_1654 : i32 to vector<16xi32>
        %and3A_1656 = arith.andi %bitcast3A_1649, %and3A_1655 : vector<16xi32>
        %bitcast3A_1657 = vector.bitcast %and3A_1656 : vector<16xi32> to vector<16xf32>
        %mul3A_1658 = arith.mulf %gather3A_1642, %bitcast3A_1653 : vector<16xf32>
        %add3A_1659 = arith.addf %add3A_1544, %mul3A_1658 : vector<16xf32>
        %mul3A_1660 = arith.mulf %gather3A_1642, %bitcast3A_1657 : vector<16xf32>
        %add3A_1661 = arith.addf %add3A_1546, %mul3A_1660 : vector<16xf32>
        %add3A_1662 = arith.constant 32 : i32
        %add3A_1663 = arith.addi %mul3A_684, %add3A_1662 : i32
        %add3A_1664 = arith.constant 3 : i32
        %add3A_1665 = arith.addi %add3A_1663, %add3A_1664 : i32
        %broadcast_in_dim3A_1666 = arith.constant 3 : i32
        %broadcast_in_dim3A_1667 = vector.broadcast %broadcast_in_dim3A_1666 : i32 to vector<16x1xi32>
        %gather3A_1668 = vector.shape_cast %broadcast_in_dim3A_1667 : vector<16x1xi32> to vector<16xi32>
        %gather3A_1669 = tpu.dynamic_gather %get3A_1580[%gather3A_1668] in [0] : vector<16xf32>, vector<16xi32> -> vector<16xf32>
        %get3A_1670 = arith.constant 1 : i32
        %get3A_1671 = arith.index_cast %get3A_1670 : i32 to index
        %get3A_1672 = arith.index_cast %select_n3A_666 : i32 to index
        %get3A_1673 = arith.index_cast %add3A_1665 : i32 to index
        %get3A_1674 = arith.constant 0 : index
        %get3A_1675 = tpu.vector_load %arg8[%get3A_1671, %get3A_1672, %get3A_1673, %get3A_1674] {strides = array<i32>} : memref<2x8x128x32xbf16, #tpu.memory_space<vmem>>, vector<32xbf16>,
        %bitcast3A_1676 = vector.bitcast %get3A_1675 : vector<32xbf16> to vector<16xi32>
        %shift_left3A_1677 = arith.constant 16 : i32
        %shift_left3A_1678 = vector.broadcast %shift_left3A_1677 : i32 to vector<16xi32>
        %shift_left3A_1679 = arith.shli %bitcast3A_1676, %shift_left3A_1678 : vector<16xi32>
        %bitcast3A_1680 = vector.bitcast %shift_left3A_1679 : vector<16xi32> to vector<16xf32>
        %and3A_1681 = arith.constant -65536 : i32
        %and3A_1682 = vector.broadcast %and3A_1681 : i32 to vector<16xi32>
        %and3A_1683 = arith.andi %bitcast3A_1676, %and3A_1682 : vector<16xi32>
        %bitcast3A_1684 = vector.bitcast %and3A_1683 : vector<16xi32> to vector<16xf32>
        %mul3A_1685 = arith.mulf %gather3A_1669, %bitcast3A_1680 : vector<16xf32>
        %add3A_1686 = arith.addf %add3A_1571, %mul3A_1685 : vector<16xf32>
        %mul3A_1687 = arith.mulf %gather3A_1669, %bitcast3A_1684 : vector<16xf32>
        %add3A_1688 = arith.addf %add3A_1573, %mul3A_1687 : vector<16xf32>
        %add3A_1689 = arith.constant 32 : i32
        %add3A_1690 = arith.addi %mul3A_684, %add3A_1689 : i32
        %add3A_1691 = arith.constant 4 : i32
        %add3A_1692 = arith.addi %add3A_1690, %add3A_1691 : i32
        %broadcast_in_dim3A_1693 = arith.constant 4 : i32
        %broadcast_in_dim3A_1694 = vector.broadcast %broadcast_in_dim3A_1693 : i32 to vector<16x1xi32>
        %gather3A_1695 = vector.shape_cast %broadcast_in_dim3A_1694 : vector<16x1xi32> to vector<16xi32>
        %gather3A_1696 = tpu.dynamic_gather %get3A_1580[%gather3A_1695] in [0] : vector<16xf32>, vector<16xi32> -> vector<16xf32>
        %get3A_1697 = arith.constant 1 : i32
        %get3A_1698 = arith.index_cast %get3A_1697 : i32 to index
        %get3A_1699 = arith.index_cast %select_n3A_666 : i32 to index
        %get3A_1700 = arith.index_cast %add3A_1692 : i32 to index
        %get3A_1701 = arith.constant 0 : index
        %get3A_1702 = tpu.vector_load %arg8[%get3A_1698, %get3A_1699, %get3A_1700, %get3A_1701] {strides = array<i32>} : memref<2x8x128x32xbf16, #tpu.memory_space<vmem>>, vector<32xbf16>,
        %bitcast3A_1703 = vector.bitcast %get3A_1702 : vector<32xbf16> to vector<16xi32>
        %shift_left3A_1704 = arith.constant 16 : i32
        %shift_left3A_1705 = vector.broadcast %shift_left3A_1704 : i32 to vector<16xi32>
        %shift_left3A_1706 = arith.shli %bitcast3A_1703, %shift_left3A_1705 : vector<16xi32>
        %bitcast3A_1707 = vector.bitcast %shift_left3A_1706 : vector<16xi32> to vector<16xf32>
        %and3A_1708 = arith.constant -65536 : i32
        %and3A_1709 = vector.broadcast %and3A_1708 : i32 to vector<16xi32>
        %and3A_1710 = arith.andi %bitcast3A_1703, %and3A_1709 : vector<16xi32>
        %bitcast3A_1711 = vector.bitcast %and3A_1710 : vector<16xi32> to vector<16xf32>
        %mul3A_1712 = arith.mulf %gather3A_1696, %bitcast3A_1707 : vector<16xf32>
        %add3A_1713 = arith.addf %add3A_1605, %mul3A_1712 : vector<16xf32>
        %mul3A_1714 = arith.mulf %gather3A_1696, %bitcast3A_1711 : vector<16xf32>
        %add3A_1715 = arith.addf %add3A_1607, %mul3A_1714 : vector<16xf32>
        %add3A_1716 = arith.constant 32 : i32
        %add3A_1717 = arith.addi %mul3A_684, %add3A_1716 : i32
        %add3A_1718 = arith.constant 5 : i32
        %add3A_1719 = arith.addi %add3A_1717, %add3A_1718 : i32
        %broadcast_in_dim3A_1720 = arith.constant 5 : i32
        %broadcast_in_dim3A_1721 = vector.broadcast %broadcast_in_dim3A_1720 : i32 to vector<16x1xi32>
        %gather3A_1722 = vector.shape_cast %broadcast_in_dim3A_1721 : vector<16x1xi32> to vector<16xi32>
        %gather3A_1723 = tpu.dynamic_gather %get3A_1580[%gather3A_1722] in [0] : vector<16xf32>, vector<16xi32> -> vector<16xf32>
        %get3A_1724 = arith.constant 1 : i32
        %get3A_1725 = arith.index_cast %get3A_1724 : i32 to index
        %get3A_1726 = arith.index_cast %select_n3A_666 : i32 to index
        %get3A_1727 = arith.index_cast %add3A_1719 : i32 to index
        %get3A_1728 = arith.constant 0 : index
        %get3A_1729 = tpu.vector_load %arg8[%get3A_1725, %get3A_1726, %get3A_1727, %get3A_1728] {strides = array<i32>} : memref<2x8x128x32xbf16, #tpu.memory_space<vmem>>, vector<32xbf16>,
        %bitcast3A_1730 = vector.bitcast %get3A_1729 : vector<32xbf16> to vector<16xi32>
        %shift_left3A_1731 = arith.constant 16 : i32
        %shift_left3A_1732 = vector.broadcast %shift_left3A_1731 : i32 to vector<16xi32>
        %shift_left3A_1733 = arith.shli %bitcast3A_1730, %shift_left3A_1732 : vector<16xi32>
        %bitcast3A_1734 = vector.bitcast %shift_left3A_1733 : vector<16xi32> to vector<16xf32>
        %and3A_1735 = arith.constant -65536 : i32
        %and3A_1736 = vector.broadcast %and3A_1735 : i32 to vector<16xi32>
        %and3A_1737 = arith.andi %bitcast3A_1730, %and3A_1736 : vector<16xi32>
        %bitcast3A_1738 = vector.bitcast %and3A_1737 : vector<16xi32> to vector<16xf32>
        %mul3A_1739 = arith.mulf %gather3A_1723, %bitcast3A_1734 : vector<16xf32>
        %add3A_1740 = arith.addf %add3A_1632, %mul3A_1739 : vector<16xf32>
        %mul3A_1741 = arith.mulf %gather3A_1723, %bitcast3A_1738 : vector<16xf32>
        %add3A_1742 = arith.addf %add3A_1634, %mul3A_1741 : vector<16xf32>
        %add3A_1743 = arith.constant 32 : i32
        %add3A_1744 = arith.addi %mul3A_684, %add3A_1743 : i32
        %add3A_1745 = arith.constant 6 : i32
        %add3A_1746 = arith.addi %add3A_1744, %add3A_1745 : i32
        %broadcast_in_dim3A_1747 = arith.constant 6 : i32
        %broadcast_in_dim3A_1748 = vector.broadcast %broadcast_in_dim3A_1747 : i32 to vector<16x1xi32>
        %gather3A_1749 = vector.shape_cast %broadcast_in_dim3A_1748 : vector<16x1xi32> to vector<16xi32>
        %gather3A_1750 = tpu.dynamic_gather %get3A_1580[%gather3A_1749] in [0] : vector<16xf32>, vector<16xi32> -> vector<16xf32>
        %get3A_1751 = arith.constant 1 : i32
        %get3A_1752 = arith.index_cast %get3A_1751 : i32 to index
        %get3A_1753 = arith.index_cast %select_n3A_666 : i32 to index
        %get3A_1754 = arith.index_cast %add3A_1746 : i32 to index
        %get3A_1755 = arith.constant 0 : index
        %get3A_1756 = tpu.vector_load %arg8[%get3A_1752, %get3A_1753, %get3A_1754, %get3A_1755] {strides = array<i32>} : memref<2x8x128x32xbf16, #tpu.memory_space<vmem>>, vector<32xbf16>,
        %bitcast3A_1757 = vector.bitcast %get3A_1756 : vector<32xbf16> to vector<16xi32>
        %shift_left3A_1758 = arith.constant 16 : i32
        %shift_left3A_1759 = vector.broadcast %shift_left3A_1758 : i32 to vector<16xi32>
        %shift_left3A_1760 = arith.shli %bitcast3A_1757, %shift_left3A_1759 : vector<16xi32>
        %bitcast3A_1761 = vector.bitcast %shift_left3A_1760 : vector<16xi32> to vector<16xf32>
        %and3A_1762 = arith.constant -65536 : i32
        %and3A_1763 = vector.broadcast %and3A_1762 : i32 to vector<16xi32>
        %and3A_1764 = arith.andi %bitcast3A_1757, %and3A_1763 : vector<16xi32>
        %bitcast3A_1765 = vector.bitcast %and3A_1764 : vector<16xi32> to vector<16xf32>
        %mul3A_1766 = arith.mulf %gather3A_1750, %bitcast3A_1761 : vector<16xf32>
        %add3A_1767 = arith.addf %add3A_1659, %mul3A_1766 : vector<16xf32>
        %mul3A_1768 = arith.mulf %gather3A_1750, %bitcast3A_1765 : vector<16xf32>
        %add3A_1769 = arith.addf %add3A_1661, %mul3A_1768 : vector<16xf32>
        %add3A_1770 = arith.constant 32 : i32
        %add3A_1771 = arith.addi %mul3A_684, %add3A_1770 : i32
        %add3A_1772 = arith.constant 7 : i32
        %add3A_1773 = arith.addi %add3A_1771, %add3A_1772 : i32
        %broadcast_in_dim3A_1774 = arith.constant 7 : i32
        %broadcast_in_dim3A_1775 = vector.broadcast %broadcast_in_dim3A_1774 : i32 to vector<16x1xi32>
        %gather3A_1776 = vector.shape_cast %broadcast_in_dim3A_1775 : vector<16x1xi32> to vector<16xi32>
        %gather3A_1777 = tpu.dynamic_gather %get3A_1580[%gather3A_1776] in [0] : vector<16xf32>, vector<16xi32> -> vector<16xf32>
        %get3A_1778 = arith.constant 1 : i32
        %get3A_1779 = arith.index_cast %get3A_1778 : i32 to index
        %get3A_1780 = arith.index_cast %select_n3A_666 : i32 to index
        %get3A_1781 = arith.index_cast %add3A_1773 : i32 to index
        %get3A_1782 = arith.constant 0 : index
        %get3A_1783 = tpu.vector_load %arg8[%get3A_1779, %get3A_1780, %get3A_1781, %get3A_1782] {strides = array<i32>} : memref<2x8x128x32xbf16, #tpu.memory_space<vmem>>, vector<32xbf16>,
        %bitcast3A_1784 = vector.bitcast %get3A_1783 : vector<32xbf16> to vector<16xi32>
        %shift_left3A_1785 = arith.constant 16 : i32
        %shift_left3A_1786 = vector.broadcast %shift_left3A_1785 : i32 to vector<16xi32>
        %shift_left3A_1787 = arith.shli %bitcast3A_1784, %shift_left3A_1786 : vector<16xi32>
        %bitcast3A_1788 = vector.bitcast %shift_left3A_1787 : vector<16xi32> to vector<16xf32>
        %and3A_1789 = arith.constant -65536 : i32
        %and3A_1790 = vector.broadcast %and3A_1789 : i32 to vector<16xi32>
        %and3A_1791 = arith.andi %bitcast3A_1784, %and3A_1790 : vector<16xi32>
        %bitcast3A_1792 = vector.bitcast %and3A_1791 : vector<16xi32> to vector<16xf32>
        %mul3A_1793 = arith.mulf %gather3A_1777, %bitcast3A_1788 : vector<16xf32>
        %add3A_1794 = arith.addf %add3A_1686, %mul3A_1793 : vector<16xf32>
        %mul3A_1795 = arith.mulf %gather3A_1777, %bitcast3A_1792 : vector<16xf32>
        %add3A_1796 = arith.addf %add3A_1688, %mul3A_1795 : vector<16xf32>
        %add3A_1797 = arith.constant 32 : i32
        %add3A_1798 = arith.addi %mul3A_684, %add3A_1797 : i32
        %add3A_1799 = arith.constant 8 : i32
        %add3A_1800 = arith.addi %add3A_1798, %add3A_1799 : i32
        %broadcast_in_dim3A_1801 = arith.constant 8 : i32
        %broadcast_in_dim3A_1802 = vector.broadcast %broadcast_in_dim3A_1801 : i32 to vector<16x1xi32>
        %gather3A_1803 = vector.shape_cast %broadcast_in_dim3A_1802 : vector<16x1xi32> to vector<16xi32>
        %gather3A_1804 = tpu.dynamic_gather %get3A_1580[%gather3A_1803] in [0] : vector<16xf32>, vector<16xi32> -> vector<16xf32>
        %get3A_1805 = arith.constant 1 : i32
        %get3A_1806 = arith.index_cast %get3A_1805 : i32 to index
        %get3A_1807 = arith.index_cast %select_n3A_666 : i32 to index
        %get3A_1808 = arith.index_cast %add3A_1800 : i32 to index
        %get3A_1809 = arith.constant 0 : index
        %get3A_1810 = tpu.vector_load %arg8[%get3A_1806, %get3A_1807, %get3A_1808, %get3A_1809] {strides = array<i32>} : memref<2x8x128x32xbf16, #tpu.memory_space<vmem>>, vector<32xbf16>,
        %bitcast3A_1811 = vector.bitcast %get3A_1810 : vector<32xbf16> to vector<16xi32>
        %shift_left3A_1812 = arith.constant 16 : i32
        %shift_left3A_1813 = vector.broadcast %shift_left3A_1812 : i32 to vector<16xi32>
        %shift_left3A_1814 = arith.shli %bitcast3A_1811, %shift_left3A_1813 : vector<16xi32>
        %bitcast3A_1815 = vector.bitcast %shift_left3A_1814 : vector<16xi32> to vector<16xf32>
        %and3A_1816 = arith.constant -65536 : i32
        %and3A_1817 = vector.broadcast %and3A_1816 : i32 to vector<16xi32>
        %and3A_1818 = arith.andi %bitcast3A_1811, %and3A_1817 : vector<16xi32>
        %bitcast3A_1819 = vector.bitcast %and3A_1818 : vector<16xi32> to vector<16xf32>
        %mul3A_1820 = arith.mulf %gather3A_1804, %bitcast3A_1815 : vector<16xf32>
        %add3A_1821 = arith.addf %add3A_1713, %mul3A_1820 : vector<16xf32>
        %mul3A_1822 = arith.mulf %gather3A_1804, %bitcast3A_1819 : vector<16xf32>
        %add3A_1823 = arith.addf %add3A_1715, %mul3A_1822 : vector<16xf32>
        %add3A_1824 = arith.constant 32 : i32
        %add3A_1825 = arith.addi %mul3A_684, %add3A_1824 : i32
        %add3A_1826 = arith.constant 9 : i32
        %add3A_1827 = arith.addi %add3A_1825, %add3A_1826 : i32
        %broadcast_in_dim3A_1828 = arith.constant 9 : i32
        %broadcast_in_dim3A_1829 = vector.broadcast %broadcast_in_dim3A_1828 : i32 to vector<16x1xi32>
        %gather3A_1830 = vector.shape_cast %broadcast_in_dim3A_1829 : vector<16x1xi32> to vector<16xi32>
        %gather3A_1831 = tpu.dynamic_gather %get3A_1580[%gather3A_1830] in [0] : vector<16xf32>, vector<16xi32> -> vector<16xf32>
        %get3A_1832 = arith.constant 1 : i32
        %get3A_1833 = arith.index_cast %get3A_1832 : i32 to index
        %get3A_1834 = arith.index_cast %select_n3A_666 : i32 to index
        %get3A_1835 = arith.index_cast %add3A_1827 : i32 to index
        %get3A_1836 = arith.constant 0 : index
        %get3A_1837 = tpu.vector_load %arg8[%get3A_1833, %get3A_1834, %get3A_1835, %get3A_1836] {strides = array<i32>} : memref<2x8x128x32xbf16, #tpu.memory_space<vmem>>, vector<32xbf16>,
        %bitcast3A_1838 = vector.bitcast %get3A_1837 : vector<32xbf16> to vector<16xi32>
        %shift_left3A_1839 = arith.constant 16 : i32
        %shift_left3A_1840 = vector.broadcast %shift_left3A_1839 : i32 to vector<16xi32>
        %shift_left3A_1841 = arith.shli %bitcast3A_1838, %shift_left3A_1840 : vector<16xi32>
        %bitcast3A_1842 = vector.bitcast %shift_left3A_1841 : vector<16xi32> to vector<16xf32>
        %and3A_1843 = arith.constant -65536 : i32
        %and3A_1844 = vector.broadcast %and3A_1843 : i32 to vector<16xi32>
        %and3A_1845 = arith.andi %bitcast3A_1838, %and3A_1844 : vector<16xi32>
        %bitcast3A_1846 = vector.bitcast %and3A_1845 : vector<16xi32> to vector<16xf32>
        %mul3A_1847 = arith.mulf %gather3A_1831, %bitcast3A_1842 : vector<16xf32>
        %add3A_1848 = arith.addf %add3A_1740, %mul3A_1847 : vector<16xf32>
        %mul3A_1849 = arith.mulf %gather3A_1831, %bitcast3A_1846 : vector<16xf32>
        %add3A_1850 = arith.addf %add3A_1742, %mul3A_1849 : vector<16xf32>
        %add3A_1851 = arith.constant 32 : i32
        %add3A_1852 = arith.addi %mul3A_684, %add3A_1851 : i32
        %add3A_1853 = arith.constant 10 : i32
        %add3A_1854 = arith.addi %add3A_1852, %add3A_1853 : i32
        %broadcast_in_dim3A_1855 = arith.constant 10 : i32
        %broadcast_in_dim3A_1856 = vector.broadcast %broadcast_in_dim3A_1855 : i32 to vector<16x1xi32>
        %gather3A_1857 = vector.shape_cast %broadcast_in_dim3A_1856 : vector<16x1xi32> to vector<16xi32>
        %gather3A_1858 = tpu.dynamic_gather %get3A_1580[%gather3A_1857] in [0] : vector<16xf32>, vector<16xi32> -> vector<16xf32>
        %get3A_1859 = arith.constant 1 : i32
        %get3A_1860 = arith.index_cast %get3A_1859 : i32 to index
        %get3A_1861 = arith.index_cast %select_n3A_666 : i32 to index
        %get3A_1862 = arith.index_cast %add3A_1854 : i32 to index
        %get3A_1863 = arith.constant 0 : index
        %get3A_1864 = tpu.vector_load %arg8[%get3A_1860, %get3A_1861, %get3A_1862, %get3A_1863] {strides = array<i32>} : memref<2x8x128x32xbf16, #tpu.memory_space<vmem>>, vector<32xbf16>,
        %bitcast3A_1865 = vector.bitcast %get3A_1864 : vector<32xbf16> to vector<16xi32>
        %shift_left3A_1866 = arith.constant 16 : i32
        %shift_left3A_1867 = vector.broadcast %shift_left3A_1866 : i32 to vector<16xi32>
        %shift_left3A_1868 = arith.shli %bitcast3A_1865, %shift_left3A_1867 : vector<16xi32>
        %bitcast3A_1869 = vector.bitcast %shift_left3A_1868 : vector<16xi32> to vector<16xf32>
        %and3A_1870 = arith.constant -65536 : i32
        %and3A_1871 = vector.broadcast %and3A_1870 : i32 to vector<16xi32>
        %and3A_1872 = arith.andi %bitcast3A_1865, %and3A_1871 : vector<16xi32>
        %bitcast3A_1873 = vector.bitcast %and3A_1872 : vector<16xi32> to vector<16xf32>
        %mul3A_1874 = arith.mulf %gather3A_1858, %bitcast3A_1869 : vector<16xf32>
        %add3A_1875 = arith.addf %add3A_1767, %mul3A_1874 : vector<16xf32>
        %mul3A_1876 = arith.mulf %gather3A_1858, %bitcast3A_1873 : vector<16xf32>
        %add3A_1877 = arith.addf %add3A_1769, %mul3A_1876 : vector<16xf32>
        %add3A_1878 = arith.constant 32 : i32
        %add3A_1879 = arith.addi %mul3A_684, %add3A_1878 : i32
        %add3A_1880 = arith.constant 11 : i32
        %add3A_1881 = arith.addi %add3A_1879, %add3A_1880 : i32
        %broadcast_in_dim3A_1882 = arith.constant 11 : i32
        %broadcast_in_dim3A_1883 = vector.broadcast %broadcast_in_dim3A_1882 : i32 to vector<16x1xi32>
        %gather3A_1884 = vector.shape_cast %broadcast_in_dim3A_1883 : vector<16x1xi32> to vector<16xi32>
        %gather3A_1885 = tpu.dynamic_gather %get3A_1580[%gather3A_1884] in [0] : vector<16xf32>, vector<16xi32> -> vector<16xf32>
        %get3A_1886 = arith.constant 1 : i32
        %get3A_1887 = arith.index_cast %get3A_1886 : i32 to index
        %get3A_1888 = arith.index_cast %select_n3A_666 : i32 to index
        %get3A_1889 = arith.index_cast %add3A_1881 : i32 to index
        %get3A_1890 = arith.constant 0 : index
        %get3A_1891 = tpu.vector_load %arg8[%get3A_1887, %get3A_1888, %get3A_1889, %get3A_1890] {strides = array<i32>} : memref<2x8x128x32xbf16, #tpu.memory_space<vmem>>, vector<32xbf16>,
        %bitcast3A_1892 = vector.bitcast %get3A_1891 : vector<32xbf16> to vector<16xi32>
        %shift_left3A_1893 = arith.constant 16 : i32
        %shift_left3A_1894 = vector.broadcast %shift_left3A_1893 : i32 to vector<16xi32>
        %shift_left3A_1895 = arith.shli %bitcast3A_1892, %shift_left3A_1894 : vector<16xi32>
        %bitcast3A_1896 = vector.bitcast %shift_left3A_1895 : vector<16xi32> to vector<16xf32>
        %and3A_1897 = arith.constant -65536 : i32
        %and3A_1898 = vector.broadcast %and3A_1897 : i32 to vector<16xi32>
        %and3A_1899 = arith.andi %bitcast3A_1892, %and3A_1898 : vector<16xi32>
        %bitcast3A_1900 = vector.bitcast %and3A_1899 : vector<16xi32> to vector<16xf32>
        %mul3A_1901 = arith.mulf %gather3A_1885, %bitcast3A_1896 : vector<16xf32>
        %add3A_1902 = arith.addf %add3A_1794, %mul3A_1901 : vector<16xf32>
        %mul3A_1903 = arith.mulf %gather3A_1885, %bitcast3A_1900 : vector<16xf32>
        %add3A_1904 = arith.addf %add3A_1796, %mul3A_1903 : vector<16xf32>
        %add3A_1905 = arith.constant 32 : i32
        %add3A_1906 = arith.addi %mul3A_684, %add3A_1905 : i32
        %add3A_1907 = arith.constant 12 : i32
        %add3A_1908 = arith.addi %add3A_1906, %add3A_1907 : i32
        %broadcast_in_dim3A_1909 = arith.constant 12 : i32
        %broadcast_in_dim3A_1910 = vector.broadcast %broadcast_in_dim3A_1909 : i32 to vector<16x1xi32>
        %gather3A_1911 = vector.shape_cast %broadcast_in_dim3A_1910 : vector<16x1xi32> to vector<16xi32>
        %gather3A_1912 = tpu.dynamic_gather %get3A_1580[%gather3A_1911] in [0] : vector<16xf32>, vector<16xi32> -> vector<16xf32>
        %get3A_1913 = arith.constant 1 : i32
        %get3A_1914 = arith.index_cast %get3A_1913 : i32 to index
        %get3A_1915 = arith.index_cast %select_n3A_666 : i32 to index
        %get3A_1916 = arith.index_cast %add3A_1908 : i32 to index
        %get3A_1917 = arith.constant 0 : index
        %get3A_1918 = tpu.vector_load %arg8[%get3A_1914, %get3A_1915, %get3A_1916, %get3A_1917] {strides = array<i32>} : memref<2x8x128x32xbf16, #tpu.memory_space<vmem>>, vector<32xbf16>,
        %bitcast3A_1919 = vector.bitcast %get3A_1918 : vector<32xbf16> to vector<16xi32>
        %shift_left3A_1920 = arith.constant 16 : i32
        %shift_left3A_1921 = vector.broadcast %shift_left3A_1920 : i32 to vector<16xi32>
        %shift_left3A_1922 = arith.shli %bitcast3A_1919, %shift_left3A_1921 : vector<16xi32>
        %bitcast3A_1923 = vector.bitcast %shift_left3A_1922 : vector<16xi32> to vector<16xf32>
        %and3A_1924 = arith.constant -65536 : i32
        %and3A_1925 = vector.broadcast %and3A_1924 : i32 to vector<16xi32>
        %and3A_1926 = arith.andi %bitcast3A_1919, %and3A_1925 : vector<16xi32>
        %bitcast3A_1927 = vector.bitcast %and3A_1926 : vector<16xi32> to vector<16xf32>
        %mul3A_1928 = arith.mulf %gather3A_1912, %bitcast3A_1923 : vector<16xf32>
        %add3A_1929 = arith.addf %add3A_1821, %mul3A_1928 : vector<16xf32>
        %mul3A_1930 = arith.mulf %gather3A_1912, %bitcast3A_1927 : vector<16xf32>
        %add3A_1931 = arith.addf %add3A_1823, %mul3A_1930 : vector<16xf32>
        %add3A_1932 = arith.constant 32 : i32
        %add3A_1933 = arith.addi %mul3A_684, %add3A_1932 : i32
        %add3A_1934 = arith.constant 13 : i32
        %add3A_1935 = arith.addi %add3A_1933, %add3A_1934 : i32
        %broadcast_in_dim3A_1936 = arith.constant 13 : i32
        %broadcast_in_dim3A_1937 = vector.broadcast %broadcast_in_dim3A_1936 : i32 to vector<16x1xi32>
        %gather3A_1938 = vector.shape_cast %broadcast_in_dim3A_1937 : vector<16x1xi32> to vector<16xi32>
        %gather3A_1939 = tpu.dynamic_gather %get3A_1580[%gather3A_1938] in [0] : vector<16xf32>, vector<16xi32> -> vector<16xf32>
        %get3A_1940 = arith.constant 1 : i32
        %get3A_1941 = arith.index_cast %get3A_1940 : i32 to index
        %get3A_1942 = arith.index_cast %select_n3A_666 : i32 to index
        %get3A_1943 = arith.index_cast %add3A_1935 : i32 to index
        %get3A_1944 = arith.constant 0 : index
        %get3A_1945 = tpu.vector_load %arg8[%get3A_1941, %get3A_1942, %get3A_1943, %get3A_1944] {strides = array<i32>} : memref<2x8x128x32xbf16, #tpu.memory_space<vmem>>, vector<32xbf16>,
        %bitcast3A_1946 = vector.bitcast %get3A_1945 : vector<32xbf16> to vector<16xi32>
        %shift_left3A_1947 = arith.constant 16 : i32
        %shift_left3A_1948 = vector.broadcast %shift_left3A_1947 : i32 to vector<16xi32>
        %shift_left3A_1949 = arith.shli %bitcast3A_1946, %shift_left3A_1948 : vector<16xi32>
        %bitcast3A_1950 = vector.bitcast %shift_left3A_1949 : vector<16xi32> to vector<16xf32>
        %and3A_1951 = arith.constant -65536 : i32
        %and3A_1952 = vector.broadcast %and3A_1951 : i32 to vector<16xi32>
        %and3A_1953 = arith.andi %bitcast3A_1946, %and3A_1952 : vector<16xi32>
        %bitcast3A_1954 = vector.bitcast %and3A_1953 : vector<16xi32> to vector<16xf32>
        %mul3A_1955 = arith.mulf %gather3A_1939, %bitcast3A_1950 : vector<16xf32>
        %add3A_1956 = arith.addf %add3A_1848, %mul3A_1955 : vector<16xf32>
        %mul3A_1957 = arith.mulf %gather3A_1939, %bitcast3A_1954 : vector<16xf32>
        %add3A_1958 = arith.addf %add3A_1850, %mul3A_1957 : vector<16xf32>
        %add3A_1959 = arith.constant 32 : i32
        %add3A_1960 = arith.addi %mul3A_684, %add3A_1959 : i32
        %add3A_1961 = arith.constant 14 : i32
        %add3A_1962 = arith.addi %add3A_1960, %add3A_1961 : i32
        %broadcast_in_dim3A_1963 = arith.constant 14 : i32
        %broadcast_in_dim3A_1964 = vector.broadcast %broadcast_in_dim3A_1963 : i32 to vector<16x1xi32>
        %gather3A_1965 = vector.shape_cast %broadcast_in_dim3A_1964 : vector<16x1xi32> to vector<16xi32>
        %gather3A_1966 = tpu.dynamic_gather %get3A_1580[%gather3A_1965] in [0] : vector<16xf32>, vector<16xi32> -> vector<16xf32>
        %get3A_1967 = arith.constant 1 : i32
        %get3A_1968 = arith.index_cast %get3A_1967 : i32 to index
        %get3A_1969 = arith.index_cast %select_n3A_666 : i32 to index
        %get3A_1970 = arith.index_cast %add3A_1962 : i32 to index
        %get3A_1971 = arith.constant 0 : index
        %get3A_1972 = tpu.vector_load %arg8[%get3A_1968, %get3A_1969, %get3A_1970, %get3A_1971] {strides = array<i32>} : memref<2x8x128x32xbf16, #tpu.memory_space<vmem>>, vector<32xbf16>,
        %bitcast3A_1973 = vector.bitcast %get3A_1972 : vector<32xbf16> to vector<16xi32>
        %shift_left3A_1974 = arith.constant 16 : i32
        %shift_left3A_1975 = vector.broadcast %shift_left3A_1974 : i32 to vector<16xi32>
        %shift_left3A_1976 = arith.shli %bitcast3A_1973, %shift_left3A_1975 : vector<16xi32>
        %bitcast3A_1977 = vector.bitcast %shift_left3A_1976 : vector<16xi32> to vector<16xf32>
        %and3A_1978 = arith.constant -65536 : i32
        %and3A_1979 = vector.broadcast %and3A_1978 : i32 to vector<16xi32>
        %and3A_1980 = arith.andi %bitcast3A_1973, %and3A_1979 : vector<16xi32>
        %bitcast3A_1981 = vector.bitcast %and3A_1980 : vector<16xi32> to vector<16xf32>
        %mul3A_1982 = arith.mulf %gather3A_1966, %bitcast3A_1977 : vector<16xf32>
        %add3A_1983 = arith.addf %add3A_1875, %mul3A_1982 : vector<16xf32>
        %mul3A_1984 = arith.mulf %gather3A_1966, %bitcast3A_1981 : vector<16xf32>
        %add3A_1985 = arith.addf %add3A_1877, %mul3A_1984 : vector<16xf32>
        %add3A_1986 = arith.constant 32 : i32
        %add3A_1987 = arith.addi %mul3A_684, %add3A_1986 : i32
        %add3A_1988 = arith.constant 15 : i32
        %add3A_1989 = arith.addi %add3A_1987, %add3A_1988 : i32
        %broadcast_in_dim3A_1990 = arith.constant 15 : i32
        %broadcast_in_dim3A_1991 = vector.broadcast %broadcast_in_dim3A_1990 : i32 to vector<16x1xi32>
        %gather3A_1992 = vector.shape_cast %broadcast_in_dim3A_1991 : vector<16x1xi32> to vector<16xi32>
        %gather3A_1993 = tpu.dynamic_gather %get3A_1580[%gather3A_1992] in [0] : vector<16xf32>, vector<16xi32> -> vector<16xf32>
        %get3A_1994 = arith.constant 1 : i32
        %get3A_1995 = arith.index_cast %get3A_1994 : i32 to index
        %get3A_1996 = arith.index_cast %select_n3A_666 : i32 to index
        %get3A_1997 = arith.index_cast %add3A_1989 : i32 to index
        %get3A_1998 = arith.constant 0 : index
        %get3A_1999 = tpu.vector_load %arg8[%get3A_1995, %get3A_1996, %get3A_1997, %get3A_1998] {strides = array<i32>} : memref<2x8x128x32xbf16, #tpu.memory_space<vmem>>, vector<32xbf16>,
        %bitcast3A_2000 = vector.bitcast %get3A_1999 : vector<32xbf16> to vector<16xi32>
        %shift_left3A_2001 = arith.constant 16 : i32
        %shift_left3A_2002 = vector.broadcast %shift_left3A_2001 : i32 to vector<16xi32>
        %shift_left3A_2003 = arith.shli %bitcast3A_2000, %shift_left3A_2002 : vector<16xi32>
        %bitcast3A_2004 = vector.bitcast %shift_left3A_2003 : vector<16xi32> to vector<16xf32>
        %and3A_2005 = arith.constant -65536 : i32
        %and3A_2006 = vector.broadcast %and3A_2005 : i32 to vector<16xi32>
        %and3A_2007 = arith.andi %bitcast3A_2000, %and3A_2006 : vector<16xi32>
        %bitcast3A_2008 = vector.bitcast %and3A_2007 : vector<16xi32> to vector<16xf32>
        %mul3A_2009 = arith.mulf %gather3A_1993, %bitcast3A_2004 : vector<16xf32>
        %add3A_2010 = arith.addf %add3A_1902, %mul3A_2009 : vector<16xf32>
        %mul3A_2011 = arith.mulf %gather3A_1993, %bitcast3A_2008 : vector<16xf32>
        %add3A_2012 = arith.addf %add3A_1904, %mul3A_2011 : vector<16xf32>
        %add3A_2013 = arith.constant 48 : i32
        %add3A_2014 = arith.addi %mul3A_684, %add3A_2013 : i32
        %get3A_2015 = arith.constant 1 : i32
        %get3A_2016 = arith.index_cast %get3A_2015 : i32 to index
        %get3A_2017 = arith.index_cast %select_n3A_666 : i32 to index
        %get3A_2018 = arith.index_cast %add3A_2014 : i32 to index
        %get3A_2019 = tpu.vector_load %arg7[%get3A_2016, %get3A_2017, %get3A_2018] {strides = array<i32>} : memref<2x8x128xf32, #tpu.memory_space<vmem>>, vector<16xf32>,
        %add3A_2020 = arith.constant 48 : i32
        %add3A_2021 = arith.addi %mul3A_684, %add3A_2020 : i32
        %add3A_2022 = arith.constant 0 : i32
        %add3A_2023 = arith.addi %add3A_2021, %add3A_2022 : i32
        %broadcast_in_dim3A_2024 = arith.constant 0 : i32
        %broadcast_in_dim3A_2025 = vector.broadcast %broadcast_in_dim3A_2024 : i32 to vector<16x1xi32>
        %gather3A_2026 = vector.shape_cast %broadcast_in_dim3A_2025 : vector<16x1xi32> to vector<16xi32>
        %gather3A_2027 = tpu.dynamic_gather %get3A_2019[%gather3A_2026] in [0] : vector<16xf32>, vector<16xi32> -> vector<16xf32>
        %get3A_2028 = arith.constant 1 : i32
        %get3A_2029 = arith.index_cast %get3A_2028 : i32 to index
        %get3A_2030 = arith.index_cast %select_n3A_666 : i32 to index
        %get3A_2031 = arith.index_cast %add3A_2023 : i32 to index
        %get3A_2032 = arith.constant 0 : index
        %get3A_2033 = tpu.vector_load %arg8[%get3A_2029, %get3A_2030, %get3A_2031, %get3A_2032] {strides = array<i32>} : memref<2x8x128x32xbf16, #tpu.memory_space<vmem>>, vector<32xbf16>,
        %bitcast3A_2034 = vector.bitcast %get3A_2033 : vector<32xbf16> to vector<16xi32>
        %shift_left3A_2035 = arith.constant 16 : i32
        %shift_left3A_2036 = vector.broadcast %shift_left3A_2035 : i32 to vector<16xi32>
        %shift_left3A_2037 = arith.shli %bitcast3A_2034, %shift_left3A_2036 : vector<16xi32>
        %bitcast3A_2038 = vector.bitcast %shift_left3A_2037 : vector<16xi32> to vector<16xf32>
        %and3A_2039 = arith.constant -65536 : i32
        %and3A_2040 = vector.broadcast %and3A_2039 : i32 to vector<16xi32>
        %and3A_2041 = arith.andi %bitcast3A_2034, %and3A_2040 : vector<16xi32>
        %bitcast3A_2042 = vector.bitcast %and3A_2041 : vector<16xi32> to vector<16xf32>
        %mul3A_2043 = arith.mulf %gather3A_2027, %bitcast3A_2038 : vector<16xf32>
        %add3A_2044 = arith.addf %add3A_1929, %mul3A_2043 : vector<16xf32>
        %mul3A_2045 = arith.mulf %gather3A_2027, %bitcast3A_2042 : vector<16xf32>
        %add3A_2046 = arith.addf %add3A_1931, %mul3A_2045 : vector<16xf32>
        %add3A_2047 = arith.constant 48 : i32
        %add3A_2048 = arith.addi %mul3A_684, %add3A_2047 : i32
        %add3A_2049 = arith.constant 1 : i32
        %add3A_2050 = arith.addi %add3A_2048, %add3A_2049 : i32
        %broadcast_in_dim3A_2051 = arith.constant 1 : i32
        %broadcast_in_dim3A_2052 = vector.broadcast %broadcast_in_dim3A_2051 : i32 to vector<16x1xi32>
        %gather3A_2053 = vector.shape_cast %broadcast_in_dim3A_2052 : vector<16x1xi32> to vector<16xi32>
        %gather3A_2054 = tpu.dynamic_gather %get3A_2019[%gather3A_2053] in [0] : vector<16xf32>, vector<16xi32> -> vector<16xf32>
        %get3A_2055 = arith.constant 1 : i32
        %get3A_2056 = arith.index_cast %get3A_2055 : i32 to index
        %get3A_2057 = arith.index_cast %select_n3A_666 : i32 to index
        %get3A_2058 = arith.index_cast %add3A_2050 : i32 to index
        %get3A_2059 = arith.constant 0 : index
        %get3A_2060 = tpu.vector_load %arg8[%get3A_2056, %get3A_2057, %get3A_2058, %get3A_2059] {strides = array<i32>} : memref<2x8x128x32xbf16, #tpu.memory_space<vmem>>, vector<32xbf16>,
        %bitcast3A_2061 = vector.bitcast %get3A_2060 : vector<32xbf16> to vector<16xi32>
        %shift_left3A_2062 = arith.constant 16 : i32
        %shift_left3A_2063 = vector.broadcast %shift_left3A_2062 : i32 to vector<16xi32>
        %shift_left3A_2064 = arith.shli %bitcast3A_2061, %shift_left3A_2063 : vector<16xi32>
        %bitcast3A_2065 = vector.bitcast %shift_left3A_2064 : vector<16xi32> to vector<16xf32>
        %and3A_2066 = arith.constant -65536 : i32
        %and3A_2067 = vector.broadcast %and3A_2066 : i32 to vector<16xi32>
        %and3A_2068 = arith.andi %bitcast3A_2061, %and3A_2067 : vector<16xi32>
        %bitcast3A_2069 = vector.bitcast %and3A_2068 : vector<16xi32> to vector<16xf32>
        %mul3A_2070 = arith.mulf %gather3A_2054, %bitcast3A_2065 : vector<16xf32>
        %add3A_2071 = arith.addf %add3A_1956, %mul3A_2070 : vector<16xf32>
        %mul3A_2072 = arith.mulf %gather3A_2054, %bitcast3A_2069 : vector<16xf32>
        %add3A_2073 = arith.addf %add3A_1958, %mul3A_2072 : vector<16xf32>
        %add3A_2074 = arith.constant 48 : i32
        %add3A_2075 = arith.addi %mul3A_684, %add3A_2074 : i32
        %add3A_2076 = arith.constant 2 : i32
        %add3A_2077 = arith.addi %add3A_2075, %add3A_2076 : i32
        %broadcast_in_dim3A_2078 = arith.constant 2 : i32
        %broadcast_in_dim3A_2079 = vector.broadcast %broadcast_in_dim3A_2078 : i32 to vector<16x1xi32>
        %gather3A_2080 = vector.shape_cast %broadcast_in_dim3A_2079 : vector<16x1xi32> to vector<16xi32>
        %gather3A_2081 = tpu.dynamic_gather %get3A_2019[%gather3A_2080] in [0] : vector<16xf32>, vector<16xi32> -> vector<16xf32>
        %get3A_2082 = arith.constant 1 : i32
        %get3A_2083 = arith.index_cast %get3A_2082 : i32 to index
        %get3A_2084 = arith.index_cast %select_n3A_666 : i32 to index
        %get3A_2085 = arith.index_cast %add3A_2077 : i32 to index
        %get3A_2086 = arith.constant 0 : index
        %get3A_2087 = tpu.vector_load %arg8[%get3A_2083, %get3A_2084, %get3A_2085, %get3A_2086] {strides = array<i32>} : memref<2x8x128x32xbf16, #tpu.memory_space<vmem>>, vector<32xbf16>,
        %bitcast3A_2088 = vector.bitcast %get3A_2087 : vector<32xbf16> to vector<16xi32>
        %shift_left3A_2089 = arith.constant 16 : i32
        %shift_left3A_2090 = vector.broadcast %shift_left3A_2089 : i32 to vector<16xi32>
        %shift_left3A_2091 = arith.shli %bitcast3A_2088, %shift_left3A_2090 : vector<16xi32>
        %bitcast3A_2092 = vector.bitcast %shift_left3A_2091 : vector<16xi32> to vector<16xf32>
        %and3A_2093 = arith.constant -65536 : i32
        %and3A_2094 = vector.broadcast %and3A_2093 : i32 to vector<16xi32>
        %and3A_2095 = arith.andi %bitcast3A_2088, %and3A_2094 : vector<16xi32>
        %bitcast3A_2096 = vector.bitcast %and3A_2095 : vector<16xi32> to vector<16xf32>
        %mul3A_2097 = arith.mulf %gather3A_2081, %bitcast3A_2092 : vector<16xf32>
        %add3A_2098 = arith.addf %add3A_1983, %mul3A_2097 : vector<16xf32>
        %mul3A_2099 = arith.mulf %gather3A_2081, %bitcast3A_2096 : vector<16xf32>
        %add3A_2100 = arith.addf %add3A_1985, %mul3A_2099 : vector<16xf32>
        %add3A_2101 = arith.constant 48 : i32
        %add3A_2102 = arith.addi %mul3A_684, %add3A_2101 : i32
        %add3A_2103 = arith.constant 3 : i32
        %add3A_2104 = arith.addi %add3A_2102, %add3A_2103 : i32
        %broadcast_in_dim3A_2105 = arith.constant 3 : i32
        %broadcast_in_dim3A_2106 = vector.broadcast %broadcast_in_dim3A_2105 : i32 to vector<16x1xi32>
        %gather3A_2107 = vector.shape_cast %broadcast_in_dim3A_2106 : vector<16x1xi32> to vector<16xi32>
        %gather3A_2108 = tpu.dynamic_gather %get3A_2019[%gather3A_2107] in [0] : vector<16xf32>, vector<16xi32> -> vector<16xf32>
        %get3A_2109 = arith.constant 1 : i32
        %get3A_2110 = arith.index_cast %get3A_2109 : i32 to index
        %get3A_2111 = arith.index_cast %select_n3A_666 : i32 to index
        %get3A_2112 = arith.index_cast %add3A_2104 : i32 to index
        %get3A_2113 = arith.constant 0 : index
        %get3A_2114 = tpu.vector_load %arg8[%get3A_2110, %get3A_2111, %get3A_2112, %get3A_2113] {strides = array<i32>} : memref<2x8x128x32xbf16, #tpu.memory_space<vmem>>, vector<32xbf16>,
        %bitcast3A_2115 = vector.bitcast %get3A_2114 : vector<32xbf16> to vector<16xi32>
        %shift_left3A_2116 = arith.constant 16 : i32
        %shift_left3A_2117 = vector.broadcast %shift_left3A_2116 : i32 to vector<16xi32>
        %shift_left3A_2118 = arith.shli %bitcast3A_2115, %shift_left3A_2117 : vector<16xi32>
        %bitcast3A_2119 = vector.bitcast %shift_left3A_2118 : vector<16xi32> to vector<16xf32>
        %and3A_2120 = arith.constant -65536 : i32
        %and3A_2121 = vector.broadcast %and3A_2120 : i32 to vector<16xi32>
        %and3A_2122 = arith.andi %bitcast3A_2115, %and3A_2121 : vector<16xi32>
        %bitcast3A_2123 = vector.bitcast %and3A_2122 : vector<16xi32> to vector<16xf32>
        %mul3A_2124 = arith.mulf %gather3A_2108, %bitcast3A_2119 : vector<16xf32>
        %add3A_2125 = arith.addf %add3A_2010, %mul3A_2124 : vector<16xf32>
        %mul3A_2126 = arith.mulf %gather3A_2108, %bitcast3A_2123 : vector<16xf32>
        %add3A_2127 = arith.addf %add3A_2012, %mul3A_2126 : vector<16xf32>
        %add3A_2128 = arith.constant 48 : i32
        %add3A_2129 = arith.addi %mul3A_684, %add3A_2128 : i32
        %add3A_2130 = arith.constant 4 : i32
        %add3A_2131 = arith.addi %add3A_2129, %add3A_2130 : i32
        %broadcast_in_dim3A_2132 = arith.constant 4 : i32
        %broadcast_in_dim3A_2133 = vector.broadcast %broadcast_in_dim3A_2132 : i32 to vector<16x1xi32>
        %gather3A_2134 = vector.shape_cast %broadcast_in_dim3A_2133 : vector<16x1xi32> to vector<16xi32>
        %gather3A_2135 = tpu.dynamic_gather %get3A_2019[%gather3A_2134] in [0] : vector<16xf32>, vector<16xi32> -> vector<16xf32>
        %get3A_2136 = arith.constant 1 : i32
        %get3A_2137 = arith.index_cast %get3A_2136 : i32 to index
        %get3A_2138 = arith.index_cast %select_n3A_666 : i32 to index
        %get3A_2139 = arith.index_cast %add3A_2131 : i32 to index
        %get3A_2140 = arith.constant 0 : index
        %get3A_2141 = tpu.vector_load %arg8[%get3A_2137, %get3A_2138, %get3A_2139, %get3A_2140] {strides = array<i32>} : memref<2x8x128x32xbf16, #tpu.memory_space<vmem>>, vector<32xbf16>,
        %bitcast3A_2142 = vector.bitcast %get3A_2141 : vector<32xbf16> to vector<16xi32>
        %shift_left3A_2143 = arith.constant 16 : i32
        %shift_left3A_2144 = vector.broadcast %shift_left3A_2143 : i32 to vector<16xi32>
        %shift_left3A_2145 = arith.shli %bitcast3A_2142, %shift_left3A_2144 : vector<16xi32>
        %bitcast3A_2146 = vector.bitcast %shift_left3A_2145 : vector<16xi32> to vector<16xf32>
        %and3A_2147 = arith.constant -65536 : i32
        %and3A_2148 = vector.broadcast %and3A_2147 : i32 to vector<16xi32>
        %and3A_2149 = arith.andi %bitcast3A_2142, %and3A_2148 : vector<16xi32>
        %bitcast3A_2150 = vector.bitcast %and3A_2149 : vector<16xi32> to vector<16xf32>
        %mul3A_2151 = arith.mulf %gather3A_2135, %bitcast3A_2146 : vector<16xf32>
        %add3A_2152 = arith.addf %add3A_2044, %mul3A_2151 : vector<16xf32>
        %mul3A_2153 = arith.mulf %gather3A_2135, %bitcast3A_2150 : vector<16xf32>
        %add3A_2154 = arith.addf %add3A_2046, %mul3A_2153 : vector<16xf32>
        %add3A_2155 = arith.constant 48 : i32
        %add3A_2156 = arith.addi %mul3A_684, %add3A_2155 : i32
        %add3A_2157 = arith.constant 5 : i32
        %add3A_2158 = arith.addi %add3A_2156, %add3A_2157 : i32
        %broadcast_in_dim3A_2159 = arith.constant 5 : i32
        %broadcast_in_dim3A_2160 = vector.broadcast %broadcast_in_dim3A_2159 : i32 to vector<16x1xi32>
        %gather3A_2161 = vector.shape_cast %broadcast_in_dim3A_2160 : vector<16x1xi32> to vector<16xi32>
        %gather3A_2162 = tpu.dynamic_gather %get3A_2019[%gather3A_2161] in [0] : vector<16xf32>, vector<16xi32> -> vector<16xf32>
        %get3A_2163 = arith.constant 1 : i32
        %get3A_2164 = arith.index_cast %get3A_2163 : i32 to index
        %get3A_2165 = arith.index_cast %select_n3A_666 : i32 to index
        %get3A_2166 = arith.index_cast %add3A_2158 : i32 to index
        %get3A_2167 = arith.constant 0 : index
        %get3A_2168 = tpu.vector_load %arg8[%get3A_2164, %get3A_2165, %get3A_2166, %get3A_2167] {strides = array<i32>} : memref<2x8x128x32xbf16, #tpu.memory_space<vmem>>, vector<32xbf16>,
        %bitcast3A_2169 = vector.bitcast %get3A_2168 : vector<32xbf16> to vector<16xi32>
        %shift_left3A_2170 = arith.constant 16 : i32
        %shift_left3A_2171 = vector.broadcast %shift_left3A_2170 : i32 to vector<16xi32>
        %shift_left3A_2172 = arith.shli %bitcast3A_2169, %shift_left3A_2171 : vector<16xi32>
        %bitcast3A_2173 = vector.bitcast %shift_left3A_2172 : vector<16xi32> to vector<16xf32>
        %and3A_2174 = arith.constant -65536 : i32
        %and3A_2175 = vector.broadcast %and3A_2174 : i32 to vector<16xi32>
        %and3A_2176 = arith.andi %bitcast3A_2169, %and3A_2175 : vector<16xi32>
        %bitcast3A_2177 = vector.bitcast %and3A_2176 : vector<16xi32> to vector<16xf32>
        %mul3A_2178 = arith.mulf %gather3A_2162, %bitcast3A_2173 : vector<16xf32>
        %add3A_2179 = arith.addf %add3A_2071, %mul3A_2178 : vector<16xf32>
        %mul3A_2180 = arith.mulf %gather3A_2162, %bitcast3A_2177 : vector<16xf32>
        %add3A_2181 = arith.addf %add3A_2073, %mul3A_2180 : vector<16xf32>
        %add3A_2182 = arith.constant 48 : i32
        %add3A_2183 = arith.addi %mul3A_684, %add3A_2182 : i32
        %add3A_2184 = arith.constant 6 : i32
        %add3A_2185 = arith.addi %add3A_2183, %add3A_2184 : i32
        %broadcast_in_dim3A_2186 = arith.constant 6 : i32
        %broadcast_in_dim3A_2187 = vector.broadcast %broadcast_in_dim3A_2186 : i32 to vector<16x1xi32>
        %gather3A_2188 = vector.shape_cast %broadcast_in_dim3A_2187 : vector<16x1xi32> to vector<16xi32>
        %gather3A_2189 = tpu.dynamic_gather %get3A_2019[%gather3A_2188] in [0] : vector<16xf32>, vector<16xi32> -> vector<16xf32>
        %get3A_2190 = arith.constant 1 : i32
        %get3A_2191 = arith.index_cast %get3A_2190 : i32 to index
        %get3A_2192 = arith.index_cast %select_n3A_666 : i32 to index
        %get3A_2193 = arith.index_cast %add3A_2185 : i32 to index
        %get3A_2194 = arith.constant 0 : index
        %get3A_2195 = tpu.vector_load %arg8[%get3A_2191, %get3A_2192, %get3A_2193, %get3A_2194] {strides = array<i32>} : memref<2x8x128x32xbf16, #tpu.memory_space<vmem>>, vector<32xbf16>,
        %bitcast3A_2196 = vector.bitcast %get3A_2195 : vector<32xbf16> to vector<16xi32>
        %shift_left3A_2197 = arith.constant 16 : i32
        %shift_left3A_2198 = vector.broadcast %shift_left3A_2197 : i32 to vector<16xi32>
        %shift_left3A_2199 = arith.shli %bitcast3A_2196, %shift_left3A_2198 : vector<16xi32>
        %bitcast3A_2200 = vector.bitcast %shift_left3A_2199 : vector<16xi32> to vector<16xf32>
        %and3A_2201 = arith.constant -65536 : i32
        %and3A_2202 = vector.broadcast %and3A_2201 : i32 to vector<16xi32>
        %and3A_2203 = arith.andi %bitcast3A_2196, %and3A_2202 : vector<16xi32>
        %bitcast3A_2204 = vector.bitcast %and3A_2203 : vector<16xi32> to vector<16xf32>
        %mul3A_2205 = arith.mulf %gather3A_2189, %bitcast3A_2200 : vector<16xf32>
        %add3A_2206 = arith.addf %add3A_2098, %mul3A_2205 : vector<16xf32>
        %mul3A_2207 = arith.mulf %gather3A_2189, %bitcast3A_2204 : vector<16xf32>
        %add3A_2208 = arith.addf %add3A_2100, %mul3A_2207 : vector<16xf32>
        %add3A_2209 = arith.constant 48 : i32
        %add3A_2210 = arith.addi %mul3A_684, %add3A_2209 : i32
        %add3A_2211 = arith.constant 7 : i32
        %add3A_2212 = arith.addi %add3A_2210, %add3A_2211 : i32
        %broadcast_in_dim3A_2213 = arith.constant 7 : i32
        %broadcast_in_dim3A_2214 = vector.broadcast %broadcast_in_dim3A_2213 : i32 to vector<16x1xi32>
        %gather3A_2215 = vector.shape_cast %broadcast_in_dim3A_2214 : vector<16x1xi32> to vector<16xi32>
        %gather3A_2216 = tpu.dynamic_gather %get3A_2019[%gather3A_2215] in [0] : vector<16xf32>, vector<16xi32> -> vector<16xf32>
        %get3A_2217 = arith.constant 1 : i32
        %get3A_2218 = arith.index_cast %get3A_2217 : i32 to index
        %get3A_2219 = arith.index_cast %select_n3A_666 : i32 to index
        %get3A_2220 = arith.index_cast %add3A_2212 : i32 to index
        %get3A_2221 = arith.constant 0 : index
        %get3A_2222 = tpu.vector_load %arg8[%get3A_2218, %get3A_2219, %get3A_2220, %get3A_2221] {strides = array<i32>} : memref<2x8x128x32xbf16, #tpu.memory_space<vmem>>, vector<32xbf16>,
        %bitcast3A_2223 = vector.bitcast %get3A_2222 : vector<32xbf16> to vector<16xi32>
        %shift_left3A_2224 = arith.constant 16 : i32
        %shift_left3A_2225 = vector.broadcast %shift_left3A_2224 : i32 to vector<16xi32>
        %shift_left3A_2226 = arith.shli %bitcast3A_2223, %shift_left3A_2225 : vector<16xi32>
        %bitcast3A_2227 = vector.bitcast %shift_left3A_2226 : vector<16xi32> to vector<16xf32>
        %and3A_2228 = arith.constant -65536 : i32
        %and3A_2229 = vector.broadcast %and3A_2228 : i32 to vector<16xi32>
        %and3A_2230 = arith.andi %bitcast3A_2223, %and3A_2229 : vector<16xi32>
        %bitcast3A_2231 = vector.bitcast %and3A_2230 : vector<16xi32> to vector<16xf32>
        %mul3A_2232 = arith.mulf %gather3A_2216, %bitcast3A_2227 : vector<16xf32>
        %add3A_2233 = arith.addf %add3A_2125, %mul3A_2232 : vector<16xf32>
        %mul3A_2234 = arith.mulf %gather3A_2216, %bitcast3A_2231 : vector<16xf32>
        %add3A_2235 = arith.addf %add3A_2127, %mul3A_2234 : vector<16xf32>
        %add3A_2236 = arith.constant 48 : i32
        %add3A_2237 = arith.addi %mul3A_684, %add3A_2236 : i32
        %add3A_2238 = arith.constant 8 : i32
        %add3A_2239 = arith.addi %add3A_2237, %add3A_2238 : i32
        %broadcast_in_dim3A_2240 = arith.constant 8 : i32
        %broadcast_in_dim3A_2241 = vector.broadcast %broadcast_in_dim3A_2240 : i32 to vector<16x1xi32>
        %gather3A_2242 = vector.shape_cast %broadcast_in_dim3A_2241 : vector<16x1xi32> to vector<16xi32>
        %gather3A_2243 = tpu.dynamic_gather %get3A_2019[%gather3A_2242] in [0] : vector<16xf32>, vector<16xi32> -> vector<16xf32>
        %get3A_2244 = arith.constant 1 : i32
        %get3A_2245 = arith.index_cast %get3A_2244 : i32 to index
        %get3A_2246 = arith.index_cast %select_n3A_666 : i32 to index
        %get3A_2247 = arith.index_cast %add3A_2239 : i32 to index
        %get3A_2248 = arith.constant 0 : index
        %get3A_2249 = tpu.vector_load %arg8[%get3A_2245, %get3A_2246, %get3A_2247, %get3A_2248] {strides = array<i32>} : memref<2x8x128x32xbf16, #tpu.memory_space<vmem>>, vector<32xbf16>,
        %bitcast3A_2250 = vector.bitcast %get3A_2249 : vector<32xbf16> to vector<16xi32>
        %shift_left3A_2251 = arith.constant 16 : i32
        %shift_left3A_2252 = vector.broadcast %shift_left3A_2251 : i32 to vector<16xi32>
        %shift_left3A_2253 = arith.shli %bitcast3A_2250, %shift_left3A_2252 : vector<16xi32>
        %bitcast3A_2254 = vector.bitcast %shift_left3A_2253 : vector<16xi32> to vector<16xf32>
        %and3A_2255 = arith.constant -65536 : i32
        %and3A_2256 = vector.broadcast %and3A_2255 : i32 to vector<16xi32>
        %and3A_2257 = arith.andi %bitcast3A_2250, %and3A_2256 : vector<16xi32>
        %bitcast3A_2258 = vector.bitcast %and3A_2257 : vector<16xi32> to vector<16xf32>
        %mul3A_2259 = arith.mulf %gather3A_2243, %bitcast3A_2254 : vector<16xf32>
        %add3A_2260 = arith.addf %add3A_2152, %mul3A_2259 : vector<16xf32>
        %mul3A_2261 = arith.mulf %gather3A_2243, %bitcast3A_2258 : vector<16xf32>
        %add3A_2262 = arith.addf %add3A_2154, %mul3A_2261 : vector<16xf32>
        %add3A_2263 = arith.constant 48 : i32
        %add3A_2264 = arith.addi %mul3A_684, %add3A_2263 : i32
        %add3A_2265 = arith.constant 9 : i32
        %add3A_2266 = arith.addi %add3A_2264, %add3A_2265 : i32
        %broadcast_in_dim3A_2267 = arith.constant 9 : i32
        %broadcast_in_dim3A_2268 = vector.broadcast %broadcast_in_dim3A_2267 : i32 to vector<16x1xi32>
        %gather3A_2269 = vector.shape_cast %broadcast_in_dim3A_2268 : vector<16x1xi32> to vector<16xi32>
        %gather3A_2270 = tpu.dynamic_gather %get3A_2019[%gather3A_2269] in [0] : vector<16xf32>, vector<16xi32> -> vector<16xf32>
        %get3A_2271 = arith.constant 1 : i32
        %get3A_2272 = arith.index_cast %get3A_2271 : i32 to index
        %get3A_2273 = arith.index_cast %select_n3A_666 : i32 to index
        %get3A_2274 = arith.index_cast %add3A_2266 : i32 to index
        %get3A_2275 = arith.constant 0 : index
        %get3A_2276 = tpu.vector_load %arg8[%get3A_2272, %get3A_2273, %get3A_2274, %get3A_2275] {strides = array<i32>} : memref<2x8x128x32xbf16, #tpu.memory_space<vmem>>, vector<32xbf16>,
        %bitcast3A_2277 = vector.bitcast %get3A_2276 : vector<32xbf16> to vector<16xi32>
        %shift_left3A_2278 = arith.constant 16 : i32
        %shift_left3A_2279 = vector.broadcast %shift_left3A_2278 : i32 to vector<16xi32>
        %shift_left3A_2280 = arith.shli %bitcast3A_2277, %shift_left3A_2279 : vector<16xi32>
        %bitcast3A_2281 = vector.bitcast %shift_left3A_2280 : vector<16xi32> to vector<16xf32>
        %and3A_2282 = arith.constant -65536 : i32
        %and3A_2283 = vector.broadcast %and3A_2282 : i32 to vector<16xi32>
        %and3A_2284 = arith.andi %bitcast3A_2277, %and3A_2283 : vector<16xi32>
        %bitcast3A_2285 = vector.bitcast %and3A_2284 : vector<16xi32> to vector<16xf32>
        %mul3A_2286 = arith.mulf %gather3A_2270, %bitcast3A_2281 : vector<16xf32>
        %add3A_2287 = arith.addf %add3A_2179, %mul3A_2286 : vector<16xf32>
        %mul3A_2288 = arith.mulf %gather3A_2270, %bitcast3A_2285 : vector<16xf32>
        %add3A_2289 = arith.addf %add3A_2181, %mul3A_2288 : vector<16xf32>
        %add3A_2290 = arith.constant 48 : i32
        %add3A_2291 = arith.addi %mul3A_684, %add3A_2290 : i32
        %add3A_2292 = arith.constant 10 : i32
        %add3A_2293 = arith.addi %add3A_2291, %add3A_2292 : i32
        %broadcast_in_dim3A_2294 = arith.constant 10 : i32
        %broadcast_in_dim3A_2295 = vector.broadcast %broadcast_in_dim3A_2294 : i32 to vector<16x1xi32>
        %gather3A_2296 = vector.shape_cast %broadcast_in_dim3A_2295 : vector<16x1xi32> to vector<16xi32>
        %gather3A_2297 = tpu.dynamic_gather %get3A_2019[%gather3A_2296] in [0] : vector<16xf32>, vector<16xi32> -> vector<16xf32>
        %get3A_2298 = arith.constant 1 : i32
        %get3A_2299 = arith.index_cast %get3A_2298 : i32 to index
        %get3A_2300 = arith.index_cast %select_n3A_666 : i32 to index
        %get3A_2301 = arith.index_cast %add3A_2293 : i32 to index
        %get3A_2302 = arith.constant 0 : index
        %get3A_2303 = tpu.vector_load %arg8[%get3A_2299, %get3A_2300, %get3A_2301, %get3A_2302] {strides = array<i32>} : memref<2x8x128x32xbf16, #tpu.memory_space<vmem>>, vector<32xbf16>,
        %bitcast3A_2304 = vector.bitcast %get3A_2303 : vector<32xbf16> to vector<16xi32>
        %shift_left3A_2305 = arith.constant 16 : i32
        %shift_left3A_2306 = vector.broadcast %shift_left3A_2305 : i32 to vector<16xi32>
        %shift_left3A_2307 = arith.shli %bitcast3A_2304, %shift_left3A_2306 : vector<16xi32>
        %bitcast3A_2308 = vector.bitcast %shift_left3A_2307 : vector<16xi32> to vector<16xf32>
        %and3A_2309 = arith.constant -65536 : i32
        %and3A_2310 = vector.broadcast %and3A_2309 : i32 to vector<16xi32>
        %and3A_2311 = arith.andi %bitcast3A_2304, %and3A_2310 : vector<16xi32>
        %bitcast3A_2312 = vector.bitcast %and3A_2311 : vector<16xi32> to vector<16xf32>
        %mul3A_2313 = arith.mulf %gather3A_2297, %bitcast3A_2308 : vector<16xf32>
        %add3A_2314 = arith.addf %add3A_2206, %mul3A_2313 : vector<16xf32>
        %mul3A_2315 = arith.mulf %gather3A_2297, %bitcast3A_2312 : vector<16xf32>
        %add3A_2316 = arith.addf %add3A_2208, %mul3A_2315 : vector<16xf32>
        %add3A_2317 = arith.constant 48 : i32
        %add3A_2318 = arith.addi %mul3A_684, %add3A_2317 : i32
        %add3A_2319 = arith.constant 11 : i32
        %add3A_2320 = arith.addi %add3A_2318, %add3A_2319 : i32
        %broadcast_in_dim3A_2321 = arith.constant 11 : i32
        %broadcast_in_dim3A_2322 = vector.broadcast %broadcast_in_dim3A_2321 : i32 to vector<16x1xi32>
        %gather3A_2323 = vector.shape_cast %broadcast_in_dim3A_2322 : vector<16x1xi32> to vector<16xi32>
        %gather3A_2324 = tpu.dynamic_gather %get3A_2019[%gather3A_2323] in [0] : vector<16xf32>, vector<16xi32> -> vector<16xf32>
        %get3A_2325 = arith.constant 1 : i32
        %get3A_2326 = arith.index_cast %get3A_2325 : i32 to index
        %get3A_2327 = arith.index_cast %select_n3A_666 : i32 to index
        %get3A_2328 = arith.index_cast %add3A_2320 : i32 to index
        %get3A_2329 = arith.constant 0 : index
        %get3A_2330 = tpu.vector_load %arg8[%get3A_2326, %get3A_2327, %get3A_2328, %get3A_2329] {strides = array<i32>} : memref<2x8x128x32xbf16, #tpu.memory_space<vmem>>, vector<32xbf16>,
        %bitcast3A_2331 = vector.bitcast %get3A_2330 : vector<32xbf16> to vector<16xi32>
        %shift_left3A_2332 = arith.constant 16 : i32
        %shift_left3A_2333 = vector.broadcast %shift_left3A_2332 : i32 to vector<16xi32>
        %shift_left3A_2334 = arith.shli %bitcast3A_2331, %shift_left3A_2333 : vector<16xi32>
        %bitcast3A_2335 = vector.bitcast %shift_left3A_2334 : vector<16xi32> to vector<16xf32>
        %and3A_2336 = arith.constant -65536 : i32
        %and3A_2337 = vector.broadcast %and3A_2336 : i32 to vector<16xi32>
        %and3A_2338 = arith.andi %bitcast3A_2331, %and3A_2337 : vector<16xi32>
        %bitcast3A_2339 = vector.bitcast %and3A_2338 : vector<16xi32> to vector<16xf32>
        %mul3A_2340 = arith.mulf %gather3A_2324, %bitcast3A_2335 : vector<16xf32>
        %add3A_2341 = arith.addf %add3A_2233, %mul3A_2340 : vector<16xf32>
        %mul3A_2342 = arith.mulf %gather3A_2324, %bitcast3A_2339 : vector<16xf32>
        %add3A_2343 = arith.addf %add3A_2235, %mul3A_2342 : vector<16xf32>
        %add3A_2344 = arith.constant 48 : i32
        %add3A_2345 = arith.addi %mul3A_684, %add3A_2344 : i32
        %add3A_2346 = arith.constant 12 : i32
        %add3A_2347 = arith.addi %add3A_2345, %add3A_2346 : i32
        %broadcast_in_dim3A_2348 = arith.constant 12 : i32
        %broadcast_in_dim3A_2349 = vector.broadcast %broadcast_in_dim3A_2348 : i32 to vector<16x1xi32>
        %gather3A_2350 = vector.shape_cast %broadcast_in_dim3A_2349 : vector<16x1xi32> to vector<16xi32>
        %gather3A_2351 = tpu.dynamic_gather %get3A_2019[%gather3A_2350] in [0] : vector<16xf32>, vector<16xi32> -> vector<16xf32>
        %get3A_2352 = arith.constant 1 : i32
        %get3A_2353 = arith.index_cast %get3A_2352 : i32 to index
        %get3A_2354 = arith.index_cast %select_n3A_666 : i32 to index
        %get3A_2355 = arith.index_cast %add3A_2347 : i32 to index
        %get3A_2356 = arith.constant 0 : index
        %get3A_2357 = tpu.vector_load %arg8[%get3A_2353, %get3A_2354, %get3A_2355, %get3A_2356] {strides = array<i32>} : memref<2x8x128x32xbf16, #tpu.memory_space<vmem>>, vector<32xbf16>,
        %bitcast3A_2358 = vector.bitcast %get3A_2357 : vector<32xbf16> to vector<16xi32>
        %shift_left3A_2359 = arith.constant 16 : i32
        %shift_left3A_2360 = vector.broadcast %shift_left3A_2359 : i32 to vector<16xi32>
        %shift_left3A_2361 = arith.shli %bitcast3A_2358, %shift_left3A_2360 : vector<16xi32>
        %bitcast3A_2362 = vector.bitcast %shift_left3A_2361 : vector<16xi32> to vector<16xf32>
        %and3A_2363 = arith.constant -65536 : i32
        %and3A_2364 = vector.broadcast %and3A_2363 : i32 to vector<16xi32>
        %and3A_2365 = arith.andi %bitcast3A_2358, %and3A_2364 : vector<16xi32>
        %bitcast3A_2366 = vector.bitcast %and3A_2365 : vector<16xi32> to vector<16xf32>
        %mul3A_2367 = arith.mulf %gather3A_2351, %bitcast3A_2362 : vector<16xf32>
        %add3A_2368 = arith.addf %add3A_2260, %mul3A_2367 : vector<16xf32>
        %mul3A_2369 = arith.mulf %gather3A_2351, %bitcast3A_2366 : vector<16xf32>
        %add3A_2370 = arith.addf %add3A_2262, %mul3A_2369 : vector<16xf32>
        %add3A_2371 = arith.constant 48 : i32
        %add3A_2372 = arith.addi %mul3A_684, %add3A_2371 : i32
        %add3A_2373 = arith.constant 13 : i32
        %add3A_2374 = arith.addi %add3A_2372, %add3A_2373 : i32
        %broadcast_in_dim3A_2375 = arith.constant 13 : i32
        %broadcast_in_dim3A_2376 = vector.broadcast %broadcast_in_dim3A_2375 : i32 to vector<16x1xi32>
        %gather3A_2377 = vector.shape_cast %broadcast_in_dim3A_2376 : vector<16x1xi32> to vector<16xi32>
        %gather3A_2378 = tpu.dynamic_gather %get3A_2019[%gather3A_2377] in [0] : vector<16xf32>, vector<16xi32> -> vector<16xf32>
        %get3A_2379 = arith.constant 1 : i32
        %get3A_2380 = arith.index_cast %get3A_2379 : i32 to index
        %get3A_2381 = arith.index_cast %select_n3A_666 : i32 to index
        %get3A_2382 = arith.index_cast %add3A_2374 : i32 to index
        %get3A_2383 = arith.constant 0 : index
        %get3A_2384 = tpu.vector_load %arg8[%get3A_2380, %get3A_2381, %get3A_2382, %get3A_2383] {strides = array<i32>} : memref<2x8x128x32xbf16, #tpu.memory_space<vmem>>, vector<32xbf16>,
        %bitcast3A_2385 = vector.bitcast %get3A_2384 : vector<32xbf16> to vector<16xi32>
        %shift_left3A_2386 = arith.constant 16 : i32
        %shift_left3A_2387 = vector.broadcast %shift_left3A_2386 : i32 to vector<16xi32>
        %shift_left3A_2388 = arith.shli %bitcast3A_2385, %shift_left3A_2387 : vector<16xi32>
        %bitcast3A_2389 = vector.bitcast %shift_left3A_2388 : vector<16xi32> to vector<16xf32>
        %and3A_2390 = arith.constant -65536 : i32
        %and3A_2391 = vector.broadcast %and3A_2390 : i32 to vector<16xi32>
        %and3A_2392 = arith.andi %bitcast3A_2385, %and3A_2391 : vector<16xi32>
        %bitcast3A_2393 = vector.bitcast %and3A_2392 : vector<16xi32> to vector<16xf32>
        %mul3A_2394 = arith.mulf %gather3A_2378, %bitcast3A_2389 : vector<16xf32>
        %add3A_2395 = arith.addf %add3A_2287, %mul3A_2394 : vector<16xf32>
        %mul3A_2396 = arith.mulf %gather3A_2378, %bitcast3A_2393 : vector<16xf32>
        %add3A_2397 = arith.addf %add3A_2289, %mul3A_2396 : vector<16xf32>
        %add3A_2398 = arith.constant 48 : i32
        %add3A_2399 = arith.addi %mul3A_684, %add3A_2398 : i32
        %add3A_2400 = arith.constant 14 : i32
        %add3A_2401 = arith.addi %add3A_2399, %add3A_2400 : i32
        %broadcast_in_dim3A_2402 = arith.constant 14 : i32
        %broadcast_in_dim3A_2403 = vector.broadcast %broadcast_in_dim3A_2402 : i32 to vector<16x1xi32>
        %gather3A_2404 = vector.shape_cast %broadcast_in_dim3A_2403 : vector<16x1xi32> to vector<16xi32>
        %gather3A_2405 = tpu.dynamic_gather %get3A_2019[%gather3A_2404] in [0] : vector<16xf32>, vector<16xi32> -> vector<16xf32>
        %get3A_2406 = arith.constant 1 : i32
        %get3A_2407 = arith.index_cast %get3A_2406 : i32 to index
        %get3A_2408 = arith.index_cast %select_n3A_666 : i32 to index
        %get3A_2409 = arith.index_cast %add3A_2401 : i32 to index
        %get3A_2410 = arith.constant 0 : index
        %get3A_2411 = tpu.vector_load %arg8[%get3A_2407, %get3A_2408, %get3A_2409, %get3A_2410] {strides = array<i32>} : memref<2x8x128x32xbf16, #tpu.memory_space<vmem>>, vector<32xbf16>,
        %bitcast3A_2412 = vector.bitcast %get3A_2411 : vector<32xbf16> to vector<16xi32>
        %shift_left3A_2413 = arith.constant 16 : i32
        %shift_left3A_2414 = vector.broadcast %shift_left3A_2413 : i32 to vector<16xi32>
        %shift_left3A_2415 = arith.shli %bitcast3A_2412, %shift_left3A_2414 : vector<16xi32>
        %bitcast3A_2416 = vector.bitcast %shift_left3A_2415 : vector<16xi32> to vector<16xf32>
        %and3A_2417 = arith.constant -65536 : i32
        %and3A_2418 = vector.broadcast %and3A_2417 : i32 to vector<16xi32>
        %and3A_2419 = arith.andi %bitcast3A_2412, %and3A_2418 : vector<16xi32>
        %bitcast3A_2420 = vector.bitcast %and3A_2419 : vector<16xi32> to vector<16xf32>
        %mul3A_2421 = arith.mulf %gather3A_2405, %bitcast3A_2416 : vector<16xf32>
        %add3A_2422 = arith.addf %add3A_2314, %mul3A_2421 : vector<16xf32>
        %mul3A_2423 = arith.mulf %gather3A_2405, %bitcast3A_2420 : vector<16xf32>
        %add3A_2424 = arith.addf %add3A_2316, %mul3A_2423 : vector<16xf32>
        %add3A_2425 = arith.constant 48 : i32
        %add3A_2426 = arith.addi %mul3A_684, %add3A_2425 : i32
        %add3A_2427 = arith.constant 15 : i32
        %add3A_2428 = arith.addi %add3A_2426, %add3A_2427 : i32
        %broadcast_in_dim3A_2429 = arith.constant 15 : i32
        %broadcast_in_dim3A_2430 = vector.broadcast %broadcast_in_dim3A_2429 : i32 to vector<16x1xi32>
        %gather3A_2431 = vector.shape_cast %broadcast_in_dim3A_2430 : vector<16x1xi32> to vector<16xi32>
        %gather3A_2432 = tpu.dynamic_gather %get3A_2019[%gather3A_2431] in [0] : vector<16xf32>, vector<16xi32> -> vector<16xf32>
        %get3A_2433 = arith.constant 1 : i32
        %get3A_2434 = arith.index_cast %get3A_2433 : i32 to index
        %get3A_2435 = arith.index_cast %select_n3A_666 : i32 to index
        %get3A_2436 = arith.index_cast %add3A_2428 : i32 to index
        %get3A_2437 = arith.constant 0 : index
        %get3A_2438 = tpu.vector_load %arg8[%get3A_2434, %get3A_2435, %get3A_2436, %get3A_2437] {strides = array<i32>} : memref<2x8x128x32xbf16, #tpu.memory_space<vmem>>, vector<32xbf16>,
        %bitcast3A_2439 = vector.bitcast %get3A_2438 : vector<32xbf16> to vector<16xi32>
        %shift_left3A_2440 = arith.constant 16 : i32
        %shift_left3A_2441 = vector.broadcast %shift_left3A_2440 : i32 to vector<16xi32>
        %shift_left3A_2442 = arith.shli %bitcast3A_2439, %shift_left3A_2441 : vector<16xi32>
        %bitcast3A_2443 = vector.bitcast %shift_left3A_2442 : vector<16xi32> to vector<16xf32>
        %and3A_2444 = arith.constant -65536 : i32
        %and3A_2445 = vector.broadcast %and3A_2444 : i32 to vector<16xi32>
        %and3A_2446 = arith.andi %bitcast3A_2439, %and3A_2445 : vector<16xi32>
        %bitcast3A_2447 = vector.bitcast %and3A_2446 : vector<16xi32> to vector<16xf32>
        %mul3A_2448 = arith.mulf %gather3A_2432, %bitcast3A_2443 : vector<16xf32>
        %add3A_2449 = arith.addf %add3A_2341, %mul3A_2448 : vector<16xf32>
        %mul3A_2450 = arith.mulf %gather3A_2432, %bitcast3A_2447 : vector<16xf32>
        %add3A_2451 = arith.addf %add3A_2343, %mul3A_2450 : vector<16xf32>
        %add3A_2452 = arith.addf %add3A_2368, %add3A_2395 : vector<16xf32>
        %add3A_2453 = arith.addf %add3A_2422, %add3A_2449 : vector<16xf32>
        %add3A_2454 = arith.addf %add3A_2452, %add3A_2453 : vector<16xf32>
        %add3A_2455 = arith.addf %add3A_2370, %add3A_2397 : vector<16xf32>
        %add3A_2456 = arith.addf %add3A_2424, %add3A_2451 : vector<16xf32>
        %add3A_2457 = arith.addf %add3A_2455, %add3A_2456 : vector<16xf32>
        %jit3A_2458 = arith.constant 4 : i32
        %div3A_2459 = arith.divsi %scan3A_642, %jit3A_2458 : i32
        %sign3A_2460 = arith.constant 0 : i32
        %sign3A_2461 = arith.cmpi sgt, %scan3A_642, %sign3A_2460 : i32
        %sign3A_2462 = arith.extui %sign3A_2461 : i1 to i32
        %sign3A_2463 = arith.constant 0 : i32
        %sign3A_2464 = arith.cmpi slt, %scan3A_642, %sign3A_2463 : i32
        %sign3A_2465 = arith.extui %sign3A_2464 : i1 to i32
        %sign3A_2466 = arith.subi %sign3A_2462, %sign3A_2465 : i32
        %sign3A_2467 = arith.constant 0 : i32
        %sign3A_2468 = arith.cmpi sgt, %jit3A_2458, %sign3A_2467 : i32
        %sign3A_2469 = arith.extui %sign3A_2468 : i1 to i32
        %sign3A_2470 = arith.constant 0 : i32
        %sign3A_2471 = arith.cmpi slt, %jit3A_2458, %sign3A_2470 : i32
        %sign3A_2472 = arith.extui %sign3A_2471 : i1 to i32
        %sign3A_2473 = arith.subi %sign3A_2469, %sign3A_2472 : i32
        %ne3A_2474 = arith.cmpi ne, %sign3A_2466, %sign3A_2473 : i32
        %rem3A_2475 = arith.remsi %scan3A_642, %jit3A_2458 : i32
        %ne3A_2476 = arith.constant 0 : i32
        %ne3A_2477 = arith.cmpi ne, %rem3A_2475, %ne3A_2476 : i32
        %and3A_2478 = arith.andi %ne3A_2474, %ne3A_2477 : i1
        %sub3A_2479 = arith.constant 1 : i32
        %sub3A_2480 = arith.subi %div3A_2459, %sub3A_2479 : i32
        %select_n3A_2481 = arith.select %and3A_2478, %sub3A_2480, %div3A_2459 : i32
        %jit3A_2482 = arith.constant 4 : i32
        %eq3A_2483 = arith.constant 0 : i32
        %eq3A_2484 = arith.cmpi eq, %jit3A_2482, %eq3A_2483 : i32
        %jit3A_2485 = arith.constant 1 : i32
        %select_n3A_2486 = arith.select %eq3A_2484, %jit3A_2485, %jit3A_2482 : i32
        %rem3A_2487 = arith.remsi %scan3A_642, %select_n3A_2486 : i32
        %ne3A_2488 = arith.constant 0 : i32
        %ne3A_2489 = arith.cmpi ne, %rem3A_2487, %ne3A_2488 : i32
        %lt3A_2490 = arith.constant 0 : i32
        %lt3A_2491 = arith.cmpi slt, %rem3A_2487, %lt3A_2490 : i32
        %lt3A_2492 = arith.constant 0 : i32
        %lt3A_2493 = arith.cmpi slt, %select_n3A_2486, %lt3A_2492 : i32
        %ne3A_2494 = arith.xori %lt3A_2491, %lt3A_2493 : i1
        %and3A_2495 = arith.andi %ne3A_2494, %ne3A_2489 : i1
        %add3A_2496 = arith.addi %rem3A_2487, %select_n3A_2486 : i32
        %select_n3A_2497 = arith.select %and3A_2495, %add3A_2496, %rem3A_2487 : i32
        %mul3A_2498 = arith.constant 32 : i32
        %mul3A_2499 = arith.muli %select_n3A_2497, %mul3A_2498 : i32
        %swap3A = arith.constant 1 : i32
        %swap3A_2500 = arith.index_cast %swap3A : i32 to index
        %swap3A_2501 = arith.index_cast %select_n3A_2481 : i32 to index
        %swap3A_2502 = arith.index_cast %mul3A_2499 : i32 to index
        %swap3A_2503 = tpu.vector_load %arg9[%swap3A_2500, %swap3A_2501, %swap3A_2502] {strides = array<i32>} : memref<2x4x128xf32, #tpu.memory_space<vmem>>, vector<16xf32>,
        tpu.vector_store %arg9[%swap3A_2500, %swap3A_2501, %swap3A_2502], %add3A_2454 {strides = array<i32>} : memref<2x4x128xf32, #tpu.memory_space<vmem>>, vector<16xf32>,
        %jit3A_2504 = arith.constant 4 : i32
        %div3A_2505 = arith.divsi %scan3A_642, %jit3A_2504 : i32
        %sign3A_2506 = arith.constant 0 : i32
        %sign3A_2507 = arith.cmpi sgt, %scan3A_642, %sign3A_2506 : i32
        %sign3A_2508 = arith.extui %sign3A_2507 : i1 to i32
        %sign3A_2509 = arith.constant 0 : i32
        %sign3A_2510 = arith.cmpi slt, %scan3A_642, %sign3A_2509 : i32
        %sign3A_2511 = arith.extui %sign3A_2510 : i1 to i32
        %sign3A_2512 = arith.subi %sign3A_2508, %sign3A_2511 : i32
        %sign3A_2513 = arith.constant 0 : i32
        %sign3A_2514 = arith.cmpi sgt, %jit3A_2504, %sign3A_2513 : i32
        %sign3A_2515 = arith.extui %sign3A_2514 : i1 to i32
        %sign3A_2516 = arith.constant 0 : i32
        %sign3A_2517 = arith.cmpi slt, %jit3A_2504, %sign3A_2516 : i32
        %sign3A_2518 = arith.extui %sign3A_2517 : i1 to i32
        %sign3A_2519 = arith.subi %sign3A_2515, %sign3A_2518 : i32
        %ne3A_2520 = arith.cmpi ne, %sign3A_2512, %sign3A_2519 : i32
        %rem3A_2521 = arith.remsi %scan3A_642, %jit3A_2504 : i32
        %ne3A_2522 = arith.constant 0 : i32
        %ne3A_2523 = arith.cmpi ne, %rem3A_2521, %ne3A_2522 : i32
        %and3A_2524 = arith.andi %ne3A_2520, %ne3A_2523 : i1
        %sub3A_2525 = arith.constant 1 : i32
        %sub3A_2526 = arith.subi %div3A_2505, %sub3A_2525 : i32
        %select_n3A_2527 = arith.select %and3A_2524, %sub3A_2526, %div3A_2505 : i32
        %jit3A_2528 = arith.constant 4 : i32
        %eq3A_2529 = arith.constant 0 : i32
        %eq3A_2530 = arith.cmpi eq, %jit3A_2528, %eq3A_2529 : i32
        %jit3A_2531 = arith.constant 1 : i32
        %select_n3A_2532 = arith.select %eq3A_2530, %jit3A_2531, %jit3A_2528 : i32
        %rem3A_2533 = arith.remsi %scan3A_642, %select_n3A_2532 : i32
        %ne3A_2534 = arith.constant 0 : i32
        %ne3A_2535 = arith.cmpi ne, %rem3A_2533, %ne3A_2534 : i32
        %lt3A_2536 = arith.constant 0 : i32
        %lt3A_2537 = arith.cmpi slt, %rem3A_2533, %lt3A_2536 : i32
        %lt3A_2538 = arith.constant 0 : i32
        %lt3A_2539 = arith.cmpi slt, %select_n3A_2532, %lt3A_2538 : i32
        %ne3A_2540 = arith.xori %lt3A_2537, %lt3A_2539 : i1
        %and3A_2541 = arith.andi %ne3A_2540, %ne3A_2535 : i1
        %add3A_2542 = arith.addi %rem3A_2533, %select_n3A_2532 : i32
        %select_n3A_2543 = arith.select %and3A_2541, %add3A_2542, %rem3A_2533 : i32
        %mul3A_2544 = arith.constant 32 : i32
        %mul3A_2545 = arith.muli %select_n3A_2543, %mul3A_2544 : i32
        %add3A_2546 = arith.constant 16 : i32
        %add3A_2547 = arith.addi %mul3A_2545, %add3A_2546 : i32
        %swap3A_2548 = arith.constant 1 : i32
        %swap3A_2549 = arith.index_cast %swap3A_2548 : i32 to index
        %swap3A_2550 = arith.index_cast %select_n3A_2527 : i32 to index
        %swap3A_2551 = arith.index_cast %add3A_2547 : i32 to index
        %swap3A_2552 = tpu.vector_load %arg9[%swap3A_2549, %swap3A_2550, %swap3A_2551] {strides = array<i32>} : memref<2x4x128xf32, #tpu.memory_space<vmem>>, vector<16xf32>,
        tpu.vector_store %arg9[%swap3A_2549, %swap3A_2550, %swap3A_2551], %add3A_2457 {strides = array<i32>} : memref<2x4x128xf32, #tpu.memory_space<vmem>>, vector<16xf32>,
      }
      %scan3A_577 = arith.constant 16 : i32
      %jit3A_578 = arith.constant 2 : i32
      %div3A_579 = arith.divsi %add3A_447, %jit3A_578 : i32
      %sign3A_580 = arith.constant 0 : i32
      %sign3A_581 = arith.cmpi sgt, %add3A_447, %sign3A_580 : i32
      %sign3A_582 = arith.extui %sign3A_581 : i1 to i32
      %sign3A_583 = arith.constant 0 : i32
      %sign3A_584 = arith.cmpi slt, %add3A_447, %sign3A_583 : i32
      %sign3A_585 = arith.extui %sign3A_584 : i1 to i32
      %sign3A_586 = arith.subi %sign3A_582, %sign3A_585 : i32
      %sign3A_587 = arith.constant 0 : i32
      %sign3A_588 = arith.cmpi sgt, %jit3A_578, %sign3A_587 : i32
      %sign3A_589 = arith.extui %sign3A_588 : i1 to i32
      %sign3A_590 = arith.constant 0 : i32
      %sign3A_591 = arith.cmpi slt, %jit3A_578, %sign3A_590 : i32
      %sign3A_592 = arith.extui %sign3A_591 : i1 to i32
      %sign3A_593 = arith.subi %sign3A_589, %sign3A_592 : i32
      %ne3A_594 = arith.cmpi ne, %sign3A_586, %sign3A_593 : i32
      %rem3A_595 = arith.remsi %add3A_447, %jit3A_578 : i32
      %ne3A_596 = arith.constant 0 : i32
      %ne3A_597 = arith.cmpi ne, %rem3A_595, %ne3A_596 : i32
      %and3A_598 = arith.andi %ne3A_594, %ne3A_597 : i1
      %sub3A_599 = arith.constant 1 : i32
      %sub3A_600 = arith.subi %div3A_579, %sub3A_599 : i32
      %select_n3A_601 = arith.select %and3A_598, %sub3A_600, %div3A_579 : i32
      %jit3A_602 = arith.constant 2 : i32
      %eq3A_603 = arith.constant 0 : i32
      %eq3A_604 = arith.cmpi eq, %jit3A_602, %eq3A_603 : i32
      %jit3A_605 = arith.constant 1 : i32
      %select_n3A_606 = arith.select %eq3A_604, %jit3A_605, %jit3A_602 : i32
      %rem3A_607 = arith.remsi %add3A_447, %select_n3A_606 : i32
      %ne3A_608 = arith.constant 0 : i32
      %ne3A_609 = arith.cmpi ne, %rem3A_607, %ne3A_608 : i32
      %lt3A_610 = arith.constant 0 : i32
      %lt3A_611 = arith.cmpi slt, %rem3A_607, %lt3A_610 : i32
      %lt3A_612 = arith.constant 0 : i32
      %lt3A_613 = arith.cmpi slt, %select_n3A_606, %lt3A_612 : i32
      %ne3A_614 = arith.xori %lt3A_611, %lt3A_613 : i1
      %and3A_615 = arith.andi %ne3A_614, %ne3A_609 : i1
      %add3A_616 = arith.addi %rem3A_607, %select_n3A_606 : i32
      %select_n3A_617 = arith.select %and3A_615, %add3A_616, %rem3A_607 : i32
      %mul3A_618 = arith.constant 4 : i32
      %mul3A_619 = arith.muli %select_n3A_617, %mul3A_618 : i32
      %dma_start3A_620 = arith.constant 1 : i32
      %dma_start3A_621 = arith.constant 0 : i32
      %dma_start3A_622 = arith.constant 0 : i32
      %dma_start3A_623 = tpu.memref_slice %arg9[%dma_start3A_620, %dma_start3A_621, %dma_start3A_622] : memref<2x4x128xf32, #tpu.memory_space<vmem>> -> memref<1x4x128xf32, #tpu.memory_space<vmem>>
      %dma_start3A_624 = tpu.memref_squeeze %dma_start3A_623 : memref<1x4x128xf32, #tpu.memory_space<vmem>> -> memref<4x128xf32, #tpu.memory_space<vmem>>
      %dma_start3A_625 = arith.constant 0 : i32
      %dma_start3A_626 = tpu.memref_slice %arg5[%add3A, %select_n3A_601, %mul3A_619, %dma_start3A_625] : memref<32x64x8x128xf32, #tpu.memory_space<hbm>> -> memref<1x1x4x128xf32, #tpu.memory_space<hbm>>
      %dma_start3A_627 = tpu.memref_squeeze %dma_start3A_626 : memref<1x1x4x128xf32, #tpu.memory_space<hbm>> -> memref<4x128xf32, #tpu.memory_space<hbm>>
      %dma_start3A_628 = arith.constant 0 : i32
      %dma_start3A_629 = tpu.memref_slice %arg5[%add3A, %select_n3A_601, %mul3A_619, %dma_start3A_628] : memref<32x64x8x128xf32, #tpu.memory_space<hbm>> -> memref<1x1x4x128xf32, #tpu.memory_space<hbm>>
      %dma_start3A_630 = tpu.memref_squeeze %dma_start3A_629 : memref<1x1x4x128xf32, #tpu.memory_space<hbm>> -> memref<4x128xf32, #tpu.memory_space<hbm>>
      %dma_start3A_631 = arith.constant 0 : i32
      %dma_start3A_632 = arith.constant 0 : i32
      %dma_start3A_633 = tpu.memref_slice %arg9[%dma_start3A_620, %dma_start3A_631, %dma_start3A_632] : memref<2x4x128xf32, #tpu.memory_space<vmem>> -> memref<1x4x128xf32, #tpu.memory_space<vmem>>
      %dma_start3A_634 = tpu.memref_squeeze %dma_start3A_633 : memref<1x4x128xf32, #tpu.memory_space<vmem>> -> memref<4x128xf32, #tpu.memory_space<vmem>>
      tpu.enqueue_dma source(%dma_start3A_634 : memref<4x128xf32, #tpu.memory_space<vmem>>) target(%dma_start3A_630 : memref<4x128xf32, #tpu.memory_space<hbm>>) target_semaphore(%arg15 : memref<!tpu.dma_semaphore, #tpu.memory_space<semaphore_mem>>)
      %add3A_635 = arith.constant 2 : i32
      %add3A_636 = arith.addi %add3A_447, %add3A_635 : i32
      %lt3A_637 = arith.constant 128 : i32
      %lt3A_638 = arith.cmpi slt, %add3A_636, %lt3A_637 : i32
      %convert_element_type3A_639 = arith.extui %lt3A_638 : i1 to i32
      %cond3A_640 = arith.constant 0 : i32
      %cond3A_641 = arith.cmpi ne, %convert_element_type3A_639, %cond3A_640 : i32
      scf.if %cond3A_641 {
        %add3A_642 = arith.constant 2 : i32
        %add3A_643 = arith.addi %add3A_447, %add3A_642 : i32
        %dma_start3A_644 = arith.constant 1 : i32
        %dma_start3A_645 = arith.constant 0 : i32
        %dma_start3A_646 = arith.constant 0 : i32
        %dma_start3A_647 = tpu.memref_slice %arg6[%dma_start3A_644, %dma_start3A_645, %dma_start3A_646] : memref<2x8x128xi32, #tpu.memory_space<vmem>> -> memref<1x8x128xi32, #tpu.memory_space<vmem>>
        %dma_start3A_648 = tpu.memref_squeeze %dma_start3A_647 : memref<1x8x128xi32, #tpu.memory_space<vmem>> -> memref<8x128xi32, #tpu.memory_space<vmem>>
        %dma_start3A_649 = arith.constant 0 : i32
        %dma_start3A_650 = arith.constant 0 : i32
        %dma_start3A_651 = tpu.memref_slice %arg3[%add3A, %add3A_643, %dma_start3A_649, %dma_start3A_650] : memref<32x128x8x128xi32, #tpu.memory_space<hbm>> -> memref<1x1x8x128xi32, #tpu.memory_space<hbm>>
        %dma_start3A_652 = tpu.memref_squeeze %dma_start3A_651 : memref<1x1x8x128xi32, #tpu.memory_space<hbm>> -> memref<8x128xi32, #tpu.memory_space<hbm>>
        %dma_start3A_653 = arith.constant 0 : i32
        %dma_start3A_654 = arith.constant 0 : i32
        %dma_start3A_655 = tpu.memref_slice %arg6[%dma_start3A_644, %dma_start3A_653, %dma_start3A_654] : memref<2x8x128xi32, #tpu.memory_space<vmem>> -> memref<1x8x128xi32, #tpu.memory_space<vmem>>
        %dma_start3A_656 = tpu.memref_squeeze %dma_start3A_655 : memref<1x8x128xi32, #tpu.memory_space<vmem>> -> memref<8x128xi32, #tpu.memory_space<vmem>>
        %dma_start3A_657 = arith.constant 0 : i32
        %dma_start3A_658 = arith.constant 0 : i32
        %dma_start3A_659 = tpu.memref_slice %arg3[%add3A, %add3A_643, %dma_start3A_657, %dma_start3A_658] : memref<32x128x8x128xi32, #tpu.memory_space<hbm>> -> memref<1x1x8x128xi32, #tpu.memory_space<hbm>>
        %dma_start3A_660 = tpu.memref_squeeze %dma_start3A_659 : memref<1x1x8x128xi32, #tpu.memory_space<hbm>> -> memref<8x128xi32, #tpu.memory_space<hbm>>
        tpu.enqueue_dma source(%dma_start3A_660 : memref<8x128xi32, #tpu.memory_space<hbm>>) target(%dma_start3A_656 : memref<8x128xi32, #tpu.memory_space<vmem>>) target_semaphore(%arg11 : memref<!tpu.dma_semaphore, #tpu.memory_space<semaphore_mem>>)
        %dma_start3A_661 = arith.constant 1 : i32
        %dma_start3A_662 = arith.constant 0 : i32
        %dma_start3A_663 = arith.constant 0 : i32
        %dma_start3A_664 = tpu.memref_slice %arg7[%dma_start3A_661, %dma_start3A_662, %dma_start3A_663] : memref<2x8x128xf32, #tpu.memory_space<vmem>> -> memref<1x8x128xf32, #tpu.memory_space<vmem>>
        %dma_start3A_665 = tpu.memref_squeeze %dma_start3A_664 : memref<1x8x128xf32, #tpu.memory_space<vmem>> -> memref<8x128xf32, #tpu.memory_space<vmem>>
        %dma_start3A_666 = arith.constant 0 : i32
        %dma_start3A_667 = arith.constant 0 : i32
        %dma_start3A_668 = tpu.memref_slice %arg4[%add3A, %add3A_643, %dma_start3A_666, %dma_start3A_667] : memref<32x128x8x128xf32, #tpu.memory_space<hbm>> -> memref<1x1x8x128xf32, #tpu.memory_space<hbm>>
        %dma_start3A_669 = tpu.memref_squeeze %dma_start3A_668 : memref<1x1x8x128xf32, #tpu.memory_space<hbm>> -> memref<8x128xf32, #tpu.memory_space<hbm>>
        %dma_start3A_670 = arith.constant 0 : i32
        %dma_start3A_671 = arith.constant 0 : i32
        %dma_start3A_672 = tpu.memref_slice %arg7[%dma_start3A_661, %dma_start3A_670, %dma_start3A_671] : memref<2x8x128xf32, #tpu.memory_space<vmem>> -> memref<1x8x128xf32, #tpu.memory_space<vmem>>
        %dma_start3A_673 = tpu.memref_squeeze %dma_start3A_672 : memref<1x8x128xf32, #tpu.memory_space<vmem>> -> memref<8x128xf32, #tpu.memory_space<vmem>>
        %dma_start3A_674 = arith.constant 0 : i32
        %dma_start3A_675 = arith.constant 0 : i32
        %dma_start3A_676 = tpu.memref_slice %arg4[%add3A, %add3A_643, %dma_start3A_674, %dma_start3A_675] : memref<32x128x8x128xf32, #tpu.memory_space<hbm>> -> memref<1x1x8x128xf32, #tpu.memory_space<hbm>>
        %dma_start3A_677 = tpu.memref_squeeze %dma_start3A_676 : memref<1x1x8x128xf32, #tpu.memory_space<hbm>> -> memref<8x128xf32, #tpu.memory_space<hbm>>
        tpu.enqueue_dma source(%dma_start3A_677 : memref<8x128xf32, #tpu.memory_space<hbm>>) target(%dma_start3A_673 : memref<8x128xf32, #tpu.memory_space<vmem>>) target_semaphore(%arg11 : memref<!tpu.dma_semaphore, #tpu.memory_space<semaphore_mem>>)
      } else {
      }
    }
    %scan3A_223 = arith.constant 64 : i32
    %dma_wait3A_224 = arith.constant 0 : i32
    %dma_wait3A_225 = arith.constant 0 : i32
    %dma_wait3A_226 = arith.constant 0 : i32
    %dma_wait3A_227 = arith.constant 0 : i32
    %dma_wait3A_228 = tpu.memref_slice %arg9[%dma_wait3A_224, %dma_wait3A_226, %dma_wait3A_227] : memref<2x4x128xf32, #tpu.memory_space<vmem>> -> memref<1x4x128xf32, #tpu.memory_space<vmem>>
    %dma_wait3A_229 = tpu.memref_squeeze %dma_wait3A_228 : memref<1x4x128xf32, #tpu.memory_space<vmem>> -> memref<4x128xf32, #tpu.memory_space<vmem>>
    %dma_wait3A_230 = arith.constant 0 : i32
    %dma_wait3A_231 = arith.constant 0 : i32
    %dma_wait3A_232 = tpu.memref_slice %arg5[%add3A, %dma_wait3A_225, %dma_wait3A_230, %dma_wait3A_231] : memref<32x64x8x128xf32, #tpu.memory_space<hbm>> -> memref<1x1x4x128xf32, #tpu.memory_space<hbm>>
    %dma_wait3A_233 = tpu.memref_squeeze %dma_wait3A_232 : memref<1x1x4x128xf32, #tpu.memory_space<hbm>> -> memref<4x128xf32, #tpu.memory_space<hbm>>
    %dma_wait3A_234 = arith.constant 0 : i32
    %dma_wait3A_235 = arith.constant 0 : i32
    %dma_wait3A_236 = tpu.memref_slice %arg5[%add3A, %dma_wait3A_225, %dma_wait3A_234, %dma_wait3A_235] : memref<32x64x8x128xf32, #tpu.memory_space<hbm>> -> memref<1x1x4x128xf32, #tpu.memory_space<hbm>>
    %dma_wait3A_237 = tpu.memref_squeeze %dma_wait3A_236 : memref<1x1x4x128xf32, #tpu.memory_space<hbm>> -> memref<4x128xf32, #tpu.memory_space<hbm>>
    %dma_wait3A_238 = arith.constant 0 : i32
    %dma_wait3A_239 = arith.constant 0 : i32
    %dma_wait3A_240 = tpu.memref_slice %arg9[%dma_wait3A_224, %dma_wait3A_238, %dma_wait3A_239] : memref<2x4x128xf32, #tpu.memory_space<vmem>> -> memref<1x4x128xf32, #tpu.memory_space<vmem>>
    %dma_wait3A_241 = tpu.memref_squeeze %dma_wait3A_240 : memref<1x4x128xf32, #tpu.memory_space<vmem>> -> memref<4x128xf32, #tpu.memory_space<vmem>>
    tpu.wait_dma2 semaphore(%arg14 : memref<!tpu.dma_semaphore, #tpu.memory_space<semaphore_mem>>) src(%dma_wait3A_241 : memref<4x128xf32, #tpu.memory_space<vmem>>) dst(%dma_wait3A_237 : memref<4x128xf32, #tpu.memory_space<hbm>>)
    %dma_wait3A_242 = arith.constant 1 : i32
    %dma_wait3A_243 = arith.constant 0 : i32
    %dma_wait3A_244 = arith.constant 0 : i32
    %dma_wait3A_245 = arith.constant 0 : i32
    %dma_wait3A_246 = tpu.memref_slice %arg9[%dma_wait3A_242, %dma_wait3A_244, %dma_wait3A_245] : memref<2x4x128xf32, #tpu.memory_space<vmem>> -> memref<1x4x128xf32, #tpu.memory_space<vmem>>
    %dma_wait3A_247 = tpu.memref_squeeze %dma_wait3A_246 : memref<1x4x128xf32, #tpu.memory_space<vmem>> -> memref<4x128xf32, #tpu.memory_space<vmem>>
    %dma_wait3A_248 = arith.constant 0 : i32
    %dma_wait3A_249 = arith.constant 0 : i32
    %dma_wait3A_250 = tpu.memref_slice %arg5[%add3A, %dma_wait3A_243, %dma_wait3A_248, %dma_wait3A_249] : memref<32x64x8x128xf32, #tpu.memory_space<hbm>> -> memref<1x1x4x128xf32, #tpu.memory_space<hbm>>
    %dma_wait3A_251 = tpu.memref_squeeze %dma_wait3A_250 : memref<1x1x4x128xf32, #tpu.memory_space<hbm>> -> memref<4x128xf32, #tpu.memory_space<hbm>>
    %dma_wait3A_252 = arith.constant 0 : i32
    %dma_wait3A_253 = arith.constant 0 : i32
    %dma_wait3A_254 = tpu.memref_slice %arg5[%add3A, %dma_wait3A_243, %dma_wait3A_252, %dma_wait3A_253] : memref<32x64x8x128xf32, #tpu.memory_space<hbm>> -> memref<1x1x4x128xf32, #tpu.memory_space<hbm>>
    %dma_wait3A_255 = tpu.memref_squeeze %dma_wait3A_254 : memref<1x1x4x128xf32, #tpu.memory_space<hbm>> -> memref<4x128xf32, #tpu.memory_space<hbm>>
    %dma_wait3A_256 = arith.constant 0 : i32
    %dma_wait3A_257 = arith.constant 0 : i32
    %dma_wait3A_258 = tpu.memref_slice %arg9[%dma_wait3A_242, %dma_wait3A_256, %dma_wait3A_257] : memref<2x4x128xf32, #tpu.memory_space<vmem>> -> memref<1x4x128xf32, #tpu.memory_space<vmem>>
    %dma_wait3A_259 = tpu.memref_squeeze %dma_wait3A_258 : memref<1x4x128xf32, #tpu.memory_space<vmem>> -> memref<4x128xf32, #tpu.memory_space<vmem>>
    tpu.wait_dma2 semaphore(%arg15 : memref<!tpu.dma_semaphore, #tpu.memory_space<semaphore_mem>>) src(%dma_wait3A_259 : memref<4x128xf32, #tpu.memory_space<vmem>>) dst(%dma_wait3A_255 : memref<4x128xf32, #tpu.memory_space<hbm>>)
    return
  }
}

module attributes {stable_mosaic.version = 14 : i64} {
  func.func @_vproj_body(%arg0: i32, %arg1: i32, %arg2: memref<1x1360x256xf32, #tpu.memory_space<vmem>>, %arg3: memref<256x256xf32, #tpu.memory_space<vmem>>, %arg4: memref<1x256xf32, #tpu.memory_space<vmem>>, %arg5: memref<1x1360x256xbf16, #tpu.memory_space<vmem>>) attributes {dimension_semantics = [#tpu.dimension_semantics<arbitrary>, #tpu.dimension_semantics<arbitrary>], iteration_bounds = array<i64: 4, 4>, scalar_prefetch = 0 : i64, scratch_operands = 0 : i64, tpu.core_type = #tpu.core_type<tc>, window_params = [{transform_indices = @transform_0, window_bounds = array<i64: 1, 1360, 256>}, {pipeline_mode = #tpu.pipeline_mode<synchronous>, transform_indices = @transform_1, window_bounds = array<i64: 256, 256>}, {pipeline_mode = #tpu.pipeline_mode<synchronous>, transform_indices = @transform_2, window_bounds = array<i64: 1, 256>}, {transform_indices = @transform_3, window_bounds = array<i64: 1, 1360, 256>}]} {
    %get3A = arith.constant 0 : index
    %get3A_0 = arith.constant 0 : index
    %get3A_1 = arith.constant 0 : index
    %get3A_2 = vector.load %arg2[%get3A, %get3A_0, %get3A_1] : memref<1x1360x256xf32, #tpu.memory_space<vmem>>, vector<1x1360x256xf32>
    %get3A_3 = vector.shape_cast %get3A_2 : vector<1x1360x256xf32> to vector<1360x256xf32>
    %get3A_4 = arith.constant 0 : index
    %get3A_5 = arith.constant 0 : index
    %get3A_6 = vector.load %arg3[%get3A_4, %get3A_5] : memref<256x256xf32, #tpu.memory_space<vmem>>, vector<256x256xf32>
    %dot_general3A = arith.constant dense<0.000000e+00> : vector<1360x256xf32>
    %dot_general3A_7 = tpu.matmul %get3A_3, %get3A_6, %dot_general3A {dimension_numbers = #tpu.dot_dimension_numbers<[1], [0], [0], [1], [0, 0, 1, 1], [], []>, transpose_lhs_hint = false} : vector<1360x256xf32>, vector<256x256xf32>, vector<1360x256xf32> -> vector<1360x256xf32>
    %get3A_8 = arith.constant 0 : index
    %get3A_9 = arith.constant 0 : index
    %get3A_10 = vector.load %arg4[%get3A_8, %get3A_9] : memref<1x256xf32, #tpu.memory_space<vmem>>, vector<1x256xf32>
    %add3A = vector.broadcast %get3A_10 : vector<1x256xf32> to vector<1360x256xf32>
    %add3A_11 = arith.addf %dot_general3A_7, %add3A : vector<1360x256xf32>
    %convert_element_type3A = arith.truncf %add3A_11 : vector<1360x256xf32> to vector<1360x256xbf16>
    %swap3A = arith.constant 0 : index
    %swap3A_12 = arith.constant 0 : index
    %swap3A_13 = arith.constant 0 : index
    %swap3A_14 = vector.load %arg5[%swap3A, %swap3A_12, %swap3A_13] : memref<1x1360x256xbf16, #tpu.memory_space<vmem>>, vector<1x1360x256xbf16>
    %swap3A_15 = vector.shape_cast %swap3A_14 : vector<1x1360x256xbf16> to vector<1360x256xbf16>
    %swap3A_16 = vector.shape_cast %convert_element_type3A : vector<1360x256xbf16> to vector<1x1360x256xbf16>
    tpu.vector_store %arg5[%swap3A, %swap3A_12, %swap3A_13], %swap3A_16 {strides = array<i32>} : memref<1x1360x256xbf16, #tpu.memory_space<vmem>>, vector<1x1360x256xbf16>,
    return
  }
  func.func @transform_0(%arg0: i32, %arg1: i32) -> (i32, i32, i32) {
    %c0_i32 = arith.constant 0 : i32
    %c0_i32_0 = arith.constant 0 : i32
    return %arg0, %arg1, %c0_i32 : i32, i32, i32
  }
  func.func @transform_1(%arg0: i32, %arg1: i32) -> (i32, i32) {
    %c0_i32 = arith.constant 0 : i32
    %c0_i32_0 = arith.constant 0 : i32
    %c0_i32_1 = arith.constant 0 : i32
    return %c0_i32, %c0_i32_0 : i32, i32
  }
  func.func @transform_2(%arg0: i32, %arg1: i32) -> (i32, i32) {
    %c0_i32 = arith.constant 0 : i32
    %c0_i32_0 = arith.constant 0 : i32
    %c0_i32_1 = arith.constant 0 : i32
    return %c0_i32, %c0_i32_0 : i32, i32
  }
  func.func @transform_3(%arg0: i32, %arg1: i32) -> (i32, i32, i32) {
    %c0_i32 = arith.constant 0 : i32
    %c0_i32_0 = arith.constant 0 : i32
    return %arg0, %arg1, %c0_i32 : i32, i32, i32
  }
}

module attributes {stable_mosaic.version = 14 : i64} {
  func.func @_prep_body(%arg0: i32, %arg1: i32, %arg2: memref<1x256x256xf32, #tpu.memory_space<vmem>>, %arg3: memref<1x256x8xf32, #tpu.memory_space<vmem>>, %arg4: memref<256x512xf32, #tpu.memory_space<vmem>>, %arg5: memref<256x512xf32, #tpu.memory_space<vmem>>, %arg6: memref<256x512xf32, #tpu.memory_space<vmem>>, %arg7: memref<1x512xf32, #tpu.memory_space<vmem>>, %arg8: memref<1x512xf32, #tpu.memory_space<vmem>>, %arg9: memref<1x512xf32, #tpu.memory_space<vmem>>, %arg10: memref<8x512xf32, #tpu.memory_space<vmem>>, %arg11: memref<8x512xf32, #tpu.memory_space<vmem>>, %arg12: memref<512x8xf32, #tpu.memory_space<vmem>>, %arg13: memref<8x512xf32, #tpu.memory_space<vmem>>, %arg14: memref<4x512xf32, #tpu.memory_space<vmem>>, %arg15: memref<3x512xi32, #tpu.memory_space<vmem>>, %arg16: memref<1x128x8x128xi32, #tpu.memory_space<vmem>>, %arg17: memref<1x128x8x128xf32, #tpu.memory_space<vmem>>) attributes {dimension_semantics = [#tpu.dimension_semantics<arbitrary>, #tpu.dimension_semantics<arbitrary>], iteration_bounds = array<i64: 4, 8>, scalar_prefetch = 0 : i64, scratch_operands = 0 : i64, tpu.core_type = #tpu.core_type<tc>, window_params = [{transform_indices = @transform_0, window_bounds = array<i64: 1, 256, 256>}, {transform_indices = @transform_1, window_bounds = array<i64: 1, 256, 8>}, {pipeline_mode = #tpu.pipeline_mode<synchronous>, transform_indices = @transform_2, window_bounds = array<i64: 256, 512>}, {pipeline_mode = #tpu.pipeline_mode<synchronous>, transform_indices = @transform_3, window_bounds = array<i64: 256, 512>}, {pipeline_mode = #tpu.pipeline_mode<synchronous>, transform_indices = @transform_4, window_bounds = array<i64: 256, 512>}, {pipeline_mode = #tpu.pipeline_mode<synchronous>, transform_indices = @transform_5, window_bounds = array<i64: 1, 512>}, {pipeline_mode = #tpu.pipeline_mode<synchronous>, transform_indices = @transform_6, window_bounds = array<i64: 1, 512>}, {pipeline_mode = #tpu.pipeline_mode<synchronous>, transform_indices = @transform_7, window_bounds = array<i64: 1, 512>}, {pipeline_mode = #tpu.pipeline_mode<synchronous>, transform_indices = @transform_8, window_bounds = array<i64: 8, 512>}, {pipeline_mode = #tpu.pipeline_mode<synchronous>, transform_indices = @transform_9, window_bounds = array<i64: 8, 512>}, {pipeline_mode = #tpu.pipeline_mode<synchronous>, transform_indices = @transform_10, window_bounds = array<i64: 512, 8>}, {pipeline_mode = #tpu.pipeline_mode<synchronous>, transform_indices = @transform_11, window_bounds = array<i64: 8, 512>}, {pipeline_mode = #tpu.pipeline_mode<synchronous>, transform_indices = @transform_12, window_bounds = array<i64: 4, 512>}, {pipeline_mode = #tpu.pipeline_mode<synchronous>, transform_indices = @transform_13, window_bounds = array<i64: 3, 512>}, {transform_indices = @transform_14, window_bounds = array<i64: 1, 128, 8, 128>}, {transform_indices = @transform_15, window_bounds = array<i64: 1, 128, 8, 128>}]} {
    %get3A = arith.constant 0 : index
    %get3A_0 = arith.constant 0 : index
    %get3A_1 = arith.constant 0 : index
    %get3A_2 = vector.load %arg2[%get3A, %get3A_0, %get3A_1] : memref<1x256x256xf32, #tpu.memory_space<vmem>>, vector<1x256x256xf32>
    %get3A_3 = vector.shape_cast %get3A_2 : vector<1x256x256xf32> to vector<256x256xf32>
    %get3A_4 = arith.constant 0 : index
    %get3A_5 = arith.constant 0 : index
    %get3A_6 = vector.load %arg4[%get3A_4, %get3A_5] : memref<256x512xf32, #tpu.memory_space<vmem>>, vector<256x512xf32>
    %dot_general3A = arith.constant dense<0.000000e+00> : vector<256x512xf32>
    %dot_general3A_7 = tpu.matmul %get3A_3, %get3A_6, %dot_general3A {dimension_numbers = #tpu.dot_dimension_numbers<[1], [0], [0], [1], [0, 0, 1, 1], [], []>, transpose_lhs_hint = false} : vector<256x256xf32>, vector<256x512xf32>, vector<256x512xf32> -> vector<256x512xf32>
    %get3A_8 = arith.constant 0 : index
    %get3A_9 = arith.constant 0 : index
    %get3A_10 = vector.load %arg7[%get3A_8, %get3A_9] : memref<1x512xf32, #tpu.memory_space<vmem>>, vector<1x512xf32>
    %add3A = vector.broadcast %get3A_10 : vector<1x512xf32> to vector<256x512xf32>
    %add3A_11 = arith.addf %dot_general3A_7, %add3A : vector<256x512xf32>
    %get3A_12 = arith.constant 0 : index
    %get3A_13 = arith.constant 0 : index
    %get3A_14 = vector.load %arg5[%get3A_12, %get3A_13] : memref<256x512xf32, #tpu.memory_space<vmem>>, vector<256x512xf32>
    %dot_general3A_15 = arith.constant dense<0.000000e+00> : vector<256x512xf32>
    %dot_general3A_16 = tpu.matmul %get3A_3, %get3A_14, %dot_general3A_15 {dimension_numbers = #tpu.dot_dimension_numbers<[1], [0], [0], [1], [0, 0, 1, 1], [], []>, transpose_lhs_hint = false} : vector<256x256xf32>, vector<256x512xf32>, vector<256x512xf32> -> vector<256x512xf32>
    %get3A_17 = arith.constant 0 : index
    %get3A_18 = arith.constant 0 : index
    %get3A_19 = vector.load %arg8[%get3A_17, %get3A_18] : memref<1x512xf32, #tpu.memory_space<vmem>>, vector<1x512xf32>
    %add3A_20 = vector.broadcast %get3A_19 : vector<1x512xf32> to vector<256x512xf32>
    %add3A_21 = arith.addf %dot_general3A_16, %add3A_20 : vector<256x512xf32>
    %get3A_22 = arith.constant 0 : index
    %get3A_23 = arith.constant 0 : index
    %get3A_24 = vector.load %arg6[%get3A_22, %get3A_23] : memref<256x512xf32, #tpu.memory_space<vmem>>, vector<256x512xf32>
    %dot_general3A_25 = arith.constant dense<0.000000e+00> : vector<256x512xf32>
    %dot_general3A_26 = tpu.matmul %get3A_3, %get3A_24, %dot_general3A_25 {dimension_numbers = #tpu.dot_dimension_numbers<[1], [0], [0], [1], [0, 0, 1, 1], [], []>, transpose_lhs_hint = false} : vector<256x256xf32>, vector<256x512xf32>, vector<256x512xf32> -> vector<256x512xf32>
    %get3A_27 = arith.constant 0 : index
    %get3A_28 = arith.constant 0 : index
    %get3A_29 = vector.load %arg9[%get3A_27, %get3A_28] : memref<1x512xf32, #tpu.memory_space<vmem>>, vector<1x512xf32>
    %add3A_30 = vector.broadcast %get3A_29 : vector<1x512xf32> to vector<256x512xf32>
    %add3A_31 = arith.addf %dot_general3A_26, %add3A_30 : vector<256x512xf32>
    %exp3A = math.exp %add3A_31 : vector<256x512xf32>
    %get3A_32 = arith.constant 0 : index
    %get3A_33 = arith.constant 0 : index
    %get3A_34 = vector.load %arg12[%get3A_32, %get3A_33] : memref<512x8xf32, #tpu.memory_space<vmem>>, vector<512x8xf32>
    %dot_general3A_35 = arith.constant dense<0.000000e+00> : vector<256x8xf32>
    %dot_general3A_36 = tpu.matmul %exp3A, %get3A_34, %dot_general3A_35 {dimension_numbers = #tpu.dot_dimension_numbers<[1], [0], [0], [1], [0, 0, 1, 1], [], []>, precision = #tpu.contract_precision<fp32>, transpose_lhs_hint = false} : vector<256x512xf32>, vector<512x8xf32>, vector<256x8xf32> -> vector<256x8xf32>
    %get3A_37 = arith.constant 0 : index
    %get3A_38 = arith.constant 0 : index
    %get3A_39 = vector.load %arg13[%get3A_37, %get3A_38] : memref<8x512xf32, #tpu.memory_space<vmem>>, vector<8x512xf32>
    %dot_general3A_40 = arith.constant dense<0.000000e+00> : vector<256x512xf32>
    %dot_general3A_41 = tpu.matmul %dot_general3A_36, %get3A_39, %dot_general3A_40 {dimension_numbers = #tpu.dot_dimension_numbers<[1], [0], [0], [1], [0, 0, 1, 1], [], []>, precision = #tpu.contract_precision<fp32>, transpose_lhs_hint = false} : vector<256x8xf32>, vector<8x512xf32>, vector<256x512xf32> -> vector<256x512xf32>
    %div3A = arith.divf %exp3A, %dot_general3A_41 : vector<256x512xf32>
    %get3A_42 = arith.constant 0 : index
    %get3A_43 = arith.constant 0 : index
    %get3A_44 = arith.constant 0 : index
    %get3A_45 = vector.load %arg3[%get3A_42, %get3A_43, %get3A_44] : memref<1x256x8xf32, #tpu.memory_space<vmem>>, vector<1x256x8xf32>
    %get3A_46 = vector.shape_cast %get3A_45 : vector<1x256x8xf32> to vector<256x8xf32>
    %get3A_47 = arith.constant 0 : index
    %get3A_48 = arith.constant 0 : index
    %get3A_49 = vector.load %arg10[%get3A_47, %get3A_48] : memref<8x512xf32, #tpu.memory_space<vmem>>, vector<8x512xf32>
    %dot_general3A_50 = arith.constant dense<0.000000e+00> : vector<256x512xf32>
    %dot_general3A_51 = tpu.matmul %get3A_46, %get3A_49, %dot_general3A_50 {dimension_numbers = #tpu.dot_dimension_numbers<[1], [0], [0], [1], [0, 0, 1, 1], [], []>, precision = #tpu.contract_precision<fp32>, transpose_lhs_hint = false} : vector<256x8xf32>, vector<8x512xf32>, vector<256x512xf32> -> vector<256x512xf32>
    %get3A_52 = arith.constant 0 : index
    %get3A_53 = arith.constant 0 : index
    %get3A_54 = vector.load %arg11[%get3A_52, %get3A_53] : memref<8x512xf32, #tpu.memory_space<vmem>>, vector<8x512xf32>
    %dot_general3A_55 = arith.constant dense<0.000000e+00> : vector<256x512xf32>
    %dot_general3A_56 = tpu.matmul %get3A_46, %get3A_54, %dot_general3A_55 {dimension_numbers = #tpu.dot_dimension_numbers<[1], [0], [0], [1], [0, 0, 1, 1], [], []>, precision = #tpu.contract_precision<fp32>, transpose_lhs_hint = false} : vector<256x8xf32>, vector<8x512xf32>, vector<256x512xf32> -> vector<256x512xf32>
    %get3A_57 = arith.constant 0 : index
    %get3A_58 = arith.constant 0 : index
    %get3A_59 = vector.load %arg14[%get3A_57, %get3A_58] : memref<4x512xf32, #tpu.memory_space<vmem>>, vector<1x512xf32>
    %get3A_60 = arith.constant 1 : index
    %get3A_61 = arith.constant 0 : index
    %get3A_62 = vector.load %arg14[%get3A_60, %get3A_61] : memref<4x512xf32, #tpu.memory_space<vmem>>, vector<1x512xf32>
    %get3A_63 = arith.constant 2 : index
    %get3A_64 = arith.constant 0 : index
    %get3A_65 = vector.load %arg14[%get3A_63, %get3A_64] : memref<4x512xf32, #tpu.memory_space<vmem>>, vector<1x512xf32>
    %get3A_66 = arith.constant 3 : index
    %get3A_67 = arith.constant 0 : index
    %get3A_68 = vector.load %arg14[%get3A_66, %get3A_67] : memref<4x512xf32, #tpu.memory_space<vmem>>, vector<1x512xf32>
    %mul3A = vector.broadcast %get3A_65 : vector<1x512xf32> to vector<256x512xf32>
    %mul3A_69 = arith.mulf %dot_general3A_51, %mul3A : vector<256x512xf32>
    %add3A_70 = arith.addf %mul3A_69, %add3A_11 : vector<256x512xf32>
    %sub3A = arith.constant 5.000000e-01 : f32
    %sub3A_71 = vector.broadcast %sub3A : f32 to vector<256x512xf32>
    %sub3A_72 = arith.subf %add3A_70, %sub3A_71 : vector<256x512xf32>
    %mul3A_73 = vector.broadcast %get3A_68 : vector<1x512xf32> to vector<256x512xf32>
    %mul3A_74 = arith.mulf %dot_general3A_56, %mul3A_73 : vector<256x512xf32>
    %add3A_75 = arith.addf %mul3A_74, %add3A_21 : vector<256x512xf32>
    %sub3A_76 = arith.constant 5.000000e-01 : f32
    %sub3A_77 = vector.broadcast %sub3A_76 : f32 to vector<256x512xf32>
    %sub3A_78 = arith.subf %add3A_75, %sub3A_77 : vector<256x512xf32>
    %floor3A = math.floor %sub3A_72 : vector<256x512xf32>
    %sub3A_79 = arith.subf %sub3A_72, %floor3A : vector<256x512xf32>
    %floor3A_80 = math.floor %sub3A_78 : vector<256x512xf32>
    %sub3A_81 = arith.subf %sub3A_78, %floor3A_80 : vector<256x512xf32>
    %add3A_82 = vector.broadcast %get3A_59 : vector<1x512xf32> to vector<256x512xf32>
    %add3A_83 = arith.addf %floor3A, %add3A_82 : vector<256x512xf32>
    %add3A_84 = vector.broadcast %get3A_62 : vector<1x512xf32> to vector<256x512xf32>
    %add3A_85 = arith.addf %floor3A_80, %add3A_84 : vector<256x512xf32>
    %sub3A_86 = arith.constant 1.000000e+00 : f32
    %sub3A_87 = vector.broadcast %sub3A_86 : f32 to vector<256x512xf32>
    %sub3A_88 = arith.subf %sub3A_87, %sub3A_79 : vector<256x512xf32>
    %mul3A_89 = arith.constant 2.000000e+00 : f32
    %mul3A_90 = vector.broadcast %mul3A_89 : f32 to vector<256x512xf32>
    %mul3A_91 = arith.mulf %mul3A_90, %sub3A_79 : vector<256x512xf32>
    %sub3A_92 = arith.constant 1.000000e+00 : f32
    %sub3A_93 = vector.broadcast %sub3A_92 : f32 to vector<256x512xf32>
    %sub3A_94 = arith.subf %mul3A_91, %sub3A_93 : vector<256x512xf32>
    %mul3A_95 = vector.broadcast %get3A_59 : vector<1x512xf32> to vector<256x512xf32>
    %mul3A_96 = arith.mulf %mul3A_95, %sub3A_94 : vector<256x512xf32>
    %add3A_97 = arith.addf %sub3A_88, %mul3A_96 : vector<256x512xf32>
    %sub3A_98 = arith.constant 1.000000e+00 : f32
    %sub3A_99 = vector.broadcast %sub3A_98 : f32 to vector<256x512xf32>
    %sub3A_100 = arith.subf %sub3A_99, %sub3A_81 : vector<256x512xf32>
    %mul3A_101 = arith.constant 2.000000e+00 : f32
    %mul3A_102 = vector.broadcast %mul3A_101 : f32 to vector<256x512xf32>
    %mul3A_103 = arith.mulf %mul3A_102, %sub3A_81 : vector<256x512xf32>
    %sub3A_104 = arith.constant 1.000000e+00 : f32
    %sub3A_105 = vector.broadcast %sub3A_104 : f32 to vector<256x512xf32>
    %sub3A_106 = arith.subf %mul3A_103, %sub3A_105 : vector<256x512xf32>
    %mul3A_107 = vector.broadcast %get3A_62 : vector<1x512xf32> to vector<256x512xf32>
    %mul3A_108 = arith.mulf %mul3A_107, %sub3A_106 : vector<256x512xf32>
    %add3A_109 = arith.addf %sub3A_100, %mul3A_108 : vector<256x512xf32>
    %ge3A = arith.constant 0.000000e+00 : f32
    %ge3A_110 = vector.broadcast %ge3A : f32 to vector<256x512xf32>
    %ge3A_111 = arith.cmpf oge, %add3A_83, %ge3A_110 : vector<256x512xf32>
    %sub3A_112 = arith.constant 1.000000e+00 : f32
    %sub3A_113 = vector.broadcast %sub3A_112 : f32 to vector<1x512xf32>
    %sub3A_114 = arith.subf %get3A_65, %sub3A_113 : vector<1x512xf32>
    %le3A = vector.broadcast %sub3A_114 : vector<1x512xf32> to vector<256x512xf32>
    %le3A_115 = arith.cmpf ole, %add3A_83, %le3A : vector<256x512xf32>
    %and3A = arith.andi %ge3A_111, %le3A_115 : vector<256x512xi1>
    %ge3A_116 = arith.constant 0.000000e+00 : f32
    %ge3A_117 = vector.broadcast %ge3A_116 : f32 to vector<256x512xf32>
    %ge3A_118 = arith.cmpf oge, %add3A_85, %ge3A_117 : vector<256x512xf32>
    %and3A_119 = arith.andi %and3A, %ge3A_118 : vector<256x512xi1>
    %sub3A_120 = arith.constant 1.000000e+00 : f32
    %sub3A_121 = vector.broadcast %sub3A_120 : f32 to vector<1x512xf32>
    %sub3A_122 = arith.subf %get3A_68, %sub3A_121 : vector<1x512xf32>
    %le3A_123 = vector.broadcast %sub3A_122 : vector<1x512xf32> to vector<256x512xf32>
    %le3A_124 = arith.cmpf ole, %add3A_85, %le3A_123 : vector<256x512xf32>
    %and3A_125 = arith.andi %and3A_119, %le3A_124 : vector<256x512xi1>
    %sub3A_126 = arith.constant 1.000000e+00 : f32
    %sub3A_127 = vector.broadcast %sub3A_126 : f32 to vector<1x512xf32>
    %sub3A_128 = arith.subf %get3A_65, %sub3A_127 : vector<1x512xf32>
    %jit3A = arith.constant 0.000000e+00 : f32
    %max3A = vector.broadcast %jit3A : f32 to vector<256x512xf32>
    %max3A_129 = arith.maximumf %max3A, %add3A_83 : vector<256x512xf32>
    %min3A = vector.broadcast %sub3A_128 : vector<1x512xf32> to vector<256x512xf32>
    %min3A_130 = arith.minimumf %min3A, %max3A_129 : vector<256x512xf32>
    %convert_element_type3A = arith.fptosi %min3A_130 : vector<256x512xf32> to vector<256x512xi32>
    %sub3A_131 = arith.constant 1.000000e+00 : f32
    %sub3A_132 = vector.broadcast %sub3A_131 : f32 to vector<1x512xf32>
    %sub3A_133 = arith.subf %get3A_68, %sub3A_132 : vector<1x512xf32>
    %jit3A_134 = arith.constant 0.000000e+00 : f32
    %max3A_135 = vector.broadcast %jit3A_134 : f32 to vector<256x512xf32>
    %max3A_136 = arith.maximumf %max3A_135, %add3A_85 : vector<256x512xf32>
    %min3A_137 = vector.broadcast %sub3A_133 : vector<1x512xf32> to vector<256x512xf32>
    %min3A_138 = arith.minimumf %min3A_137, %max3A_136 : vector<256x512xf32>
    %convert_element_type3A_139 = arith.fptosi %min3A_138 : vector<256x512xf32> to vector<256x512xi32>
    %get3A_140 = arith.constant 0 : index
    %get3A_141 = arith.constant 0 : index
    %get3A_142 = vector.load %arg15[%get3A_140, %get3A_141] : memref<3x512xi32, #tpu.memory_space<vmem>>, vector<1x512xi32>
    %get3A_143 = arith.constant 1 : index
    %get3A_144 = arith.constant 0 : index
    %get3A_145 = vector.load %arg15[%get3A_143, %get3A_144] : memref<3x512xi32, #tpu.memory_space<vmem>>, vector<1x512xi32>
    %get3A_146 = arith.constant 2 : index
    %get3A_147 = arith.constant 0 : index
    %get3A_148 = vector.load %arg15[%get3A_146, %get3A_147] : memref<3x512xi32, #tpu.memory_space<vmem>>, vector<1x512xi32>
    %mul3A_149 = vector.broadcast %get3A_142 : vector<1x512xi32> to vector<256x512xi32>
    %mul3A_150 = arith.muli %convert_element_type3A_139, %mul3A_149 : vector<256x512xi32>
    %add3A_151 = vector.broadcast %get3A_145 : vector<1x512xi32> to vector<256x512xi32>
    %add3A_152 = arith.addi %add3A_151, %mul3A_150 : vector<256x512xi32>
    %add3A_153 = arith.addi %add3A_152, %convert_element_type3A : vector<256x512xi32>
    %mul3A_154 = arith.constant 5440 : i32
    %mul3A_155 = arith.muli %arg0, %mul3A_154 : i32
    %add3A_156 = vector.broadcast %mul3A_155 : i32 to vector<256x512xi32>
    %add3A_157 = arith.addi %add3A_153, %add3A_156 : vector<256x512xi32>
    %mul3A_158 = arith.constant 8 : i32
    %mul3A_159 = vector.broadcast %mul3A_158 : i32 to vector<256x512xi32>
    %mul3A_160 = arith.muli %add3A_157, %mul3A_159 : vector<256x512xi32>
    %add3A_161 = vector.broadcast %get3A_148 : vector<1x512xi32> to vector<256x512xi32>
    %add3A_162 = arith.addi %mul3A_160, %add3A_161 : vector<256x512xi32>
    %reshape3A = vector.shape_cast %add3A_162 : vector<256x512xi32> to vector<128x8x128xi32>
    %swap3A = arith.constant 0 : index
    %swap3A_163 = arith.constant 0 : index
    %swap3A_164 = arith.constant 0 : index
    %swap3A_165 = arith.constant 0 : index
    %swap3A_166 = vector.load %arg16[%swap3A, %swap3A_163, %swap3A_164, %swap3A_165] : memref<1x128x8x128xi32, #tpu.memory_space<vmem>>, vector<1x128x8x128xi32>
    %swap3A_167 = vector.shape_cast %swap3A_166 : vector<1x128x8x128xi32> to vector<128x8x128xi32>
    %swap3A_168 = vector.shape_cast %reshape3A : vector<128x8x128xi32> to vector<1x128x8x128xi32>
    tpu.vector_store %arg16[%swap3A, %swap3A_163, %swap3A_164, %swap3A_165], %swap3A_168 {strides = array<i32>} : memref<1x128x8x128xi32, #tpu.memory_space<vmem>>, vector<1x128x8x128xi32>,
    %mul3A_169 = arith.mulf %div3A, %add3A_97 : vector<256x512xf32>
    %mul3A_170 = arith.mulf %mul3A_169, %add3A_109 : vector<256x512xf32>
    %convert_element_type3A_171 = arith.extui %and3A_125 : vector<256x512xi1> to vector<256x512xi32>
    %convert_element_type3A_172 = arith.sitofp %convert_element_type3A_171 : vector<256x512xi32> to vector<256x512xf32>
    %mul3A_173 = arith.mulf %mul3A_170, %convert_element_type3A_172 : vector<256x512xf32>
    %reshape3A_174 = vector.shape_cast %mul3A_173 : vector<256x512xf32> to vector<128x8x128xf32>
    %swap3A_175 = arith.constant 0 : index
    %swap3A_176 = arith.constant 0 : index
    %swap3A_177 = arith.constant 0 : index
    %swap3A_178 = arith.constant 0 : index
    %swap3A_179 = vector.load %arg17[%swap3A_175, %swap3A_176, %swap3A_177, %swap3A_178] : memref<1x128x8x128xf32, #tpu.memory_space<vmem>>, vector<1x128x8x128xf32>
    %swap3A_180 = vector.shape_cast %swap3A_179 : vector<1x128x8x128xf32> to vector<128x8x128xf32>
    %swap3A_181 = vector.shape_cast %reshape3A_174 : vector<128x8x128xf32> to vector<1x128x8x128xf32>
    tpu.vector_store %arg17[%swap3A_175, %swap3A_176, %swap3A_177, %swap3A_178], %swap3A_181 {strides = array<i32>} : memref<1x128x8x128xf32, #tpu.memory_space<vmem>>, vector<1x128x8x128xf32>,
    return
  }
  func.func @transform_0(%arg0: i32, %arg1: i32) -> (i32, i32, i32) {
    %c0_i32 = arith.constant 0 : i32
    %c0_i32_0 = arith.constant 0 : i32
    return %arg0, %arg1, %c0_i32 : i32, i32, i32
  }
  func.func @transform_1(%arg0: i32, %arg1: i32) -> (i32, i32, i32) {
    %c0_i32 = arith.constant 0 : i32
    %c0_i32_0 = arith.constant 0 : i32
    return %arg0, %arg1, %c0_i32 : i32, i32, i32
  }
  func.func @transform_2(%arg0: i32, %arg1: i32) -> (i32, i32) {
    %c0_i32 = arith.constant 0 : i32
    %c0_i32_0 = arith.constant 0 : i32
    %c0_i32_1 = arith.constant 0 : i32
    return %c0_i32, %c0_i32_0 : i32, i32
  }
  func.func @transform_3(%arg0: i32, %arg1: i32) -> (i32, i32) {
    %c0_i32 = arith.constant 0 : i32
    %c0_i32_0 = arith.constant 0 : i32
    %c0_i32_1 = arith.constant 0 : i32
    return %c0_i32, %c0_i32_0 : i32, i32
  }
  func.func @transform_4(%arg0: i32, %arg1: i32) -> (i32, i32) {
    %c0_i32 = arith.constant 0 : i32
    %c0_i32_0 = arith.constant 0 : i32
    %c0_i32_1 = arith.constant 0 : i32
    return %c0_i32, %c0_i32_0 : i32, i32
  }
  func.func @transform_5(%arg0: i32, %arg1: i32) -> (i32, i32) {
    %c0_i32 = arith.constant 0 : i32
    %c0_i32_0 = arith.constant 0 : i32
    %c0_i32_1 = arith.constant 0 : i32
    return %c0_i32, %c0_i32_0 : i32, i32
  }
  func.func @transform_6(%arg0: i32, %arg1: i32) -> (i32, i32) {
    %c0_i32 = arith.constant 0 : i32
    %c0_i32_0 = arith.constant 0 : i32
    %c0_i32_1 = arith.constant 0 : i32
    return %c0_i32, %c0_i32_0 : i32, i32
  }
  func.func @transform_7(%arg0: i32, %arg1: i32) -> (i32, i32) {
    %c0_i32 = arith.constant 0 : i32
    %c0_i32_0 = arith.constant 0 : i32
    %c0_i32_1 = arith.constant 0 : i32
    return %c0_i32, %c0_i32_0 : i32, i32
  }
  func.func @transform_8(%arg0: i32, %arg1: i32) -> (i32, i32) {
    %c0_i32 = arith.constant 0 : i32
    %c0_i32_0 = arith.constant 0 : i32
    %c0_i32_1 = arith.constant 0 : i32
    return %c0_i32, %c0_i32_0 : i32, i32
  }
  func.func @transform_9(%arg0: i32, %arg1: i32) -> (i32, i32) {
    %c0_i32 = arith.constant 0 : i32
    %c0_i32_0 = arith.constant 0 : i32
    %c0_i32_1 = arith.constant 0 : i32
    return %c0_i32, %c0_i32_0 : i32, i32
  }
  func.func @transform_10(%arg0: i32, %arg1: i32) -> (i32, i32) {
    %c0_i32 = arith.constant 0 : i32
    %c0_i32_0 = arith.constant 0 : i32
    %c0_i32_1 = arith.constant 0 : i32
    return %c0_i32, %c0_i32_0 : i32, i32
  }
  func.func @transform_11(%arg0: i32, %arg1: i32) -> (i32, i32) {
    %c0_i32 = arith.constant 0 : i32
    %c0_i32_0 = arith.constant 0 : i32
    %c0_i32_1 = arith.constant 0 : i32
    return %c0_i32, %c0_i32_0 : i32, i32
  }
  func.func @transform_12(%arg0: i32, %arg1: i32) -> (i32, i32) {
    %c0_i32 = arith.constant 0 : i32
    %c0_i32_0 = arith.constant 0 : i32
    %c0_i32_1 = arith.constant 0 : i32
    return %c0_i32, %c0_i32_0 : i32, i32
  }
  func.func @transform_13(%arg0: i32, %arg1: i32) -> (i32, i32) {
    %c0_i32 = arith.constant 0 : i32
    %c0_i32_0 = arith.constant 0 : i32
    %c0_i32_1 = arith.constant 0 : i32
    return %c0_i32, %c0_i32_0 : i32, i32
  }
  func.func @transform_14(%arg0: i32, %arg1: i32) -> (i32, i32, i32, i32) {
    %mul3A = arith.constant 8 : i32
    %mul3A_0 = arith.muli %arg0, %mul3A : i32
    %add3A = arith.addi %mul3A_0, %arg1 : i32
    %c0_i32 = arith.constant 0 : i32
    %c0_i32_1 = arith.constant 0 : i32
    %c0_i32_2 = arith.constant 0 : i32
    %c0_i32_3 = arith.constant 0 : i32
    return %add3A, %c0_i32, %c0_i32_1, %c0_i32_2 : i32, i32, i32, i32
  }
  func.func @transform_15(%arg0: i32, %arg1: i32) -> (i32, i32, i32, i32) {
    %mul3A = arith.constant 8 : i32
    %mul3A_0 = arith.muli %arg0, %mul3A : i32
    %add3A = arith.addi %mul3A_0, %arg1 : i32
    %c0_i32 = arith.constant 0 : i32
    %c0_i32_1 = arith.constant 0 : i32
    %c0_i32_2 = arith.constant 0 : i32
    %c0_i32_3 = arith.constant 0 : i32
    return %add3A, %c0_i32, %c0_i32_1, %c0_i32_2 : i32, i32, i32, i32
  }
}

module attributes {stable_mosaic.version = 14 : i64} {
  func.func @_outproj_body(%arg0: i32, %arg1: memref<8x64x8x128xf32, #tpu.memory_space<vmem>>, %arg2: memref<256x256xf32, #tpu.memory_space<vmem>>, %arg3: memref<1x256xf32, #tpu.memory_space<vmem>>, %arg4: memref<1x2048x256xf32, #tpu.memory_space<vmem>>) attributes {dimension_semantics = [#tpu.dimension_semantics<arbitrary>], iteration_bounds = array<i64: 4>, scalar_prefetch = 0 : i64, scratch_operands = 0 : i64, tpu.core_type = #tpu.core_type<tc>, window_params = [{transform_indices = @transform_0, window_bounds = array<i64: 8, 64, 8, 128>}, {pipeline_mode = #tpu.pipeline_mode<synchronous>, transform_indices = @transform_1, window_bounds = array<i64: 256, 256>}, {pipeline_mode = #tpu.pipeline_mode<synchronous>, transform_indices = @transform_2, window_bounds = array<i64: 1, 256>}, {transform_indices = @transform_3, window_bounds = array<i64: 1, 2048, 256>}]} {
    %get3A = arith.constant 0 : index
    %get3A_0 = arith.constant 0 : index
    %get3A_1 = arith.constant 0 : index
    %get3A_2 = arith.constant 0 : index
    %get3A_3 = vector.load %arg1[%get3A, %get3A_0, %get3A_1, %get3A_2] : memref<8x64x8x128xf32, #tpu.memory_space<vmem>>, vector<8x64x8x128xf32>
    %reshape3A = vector.shape_cast %get3A_3 : vector<8x64x8x128xf32> to vector<2048x256xf32>
    %get3A_4 = arith.constant 0 : index
    %get3A_5 = arith.constant 0 : index
    %get3A_6 = vector.load %arg2[%get3A_4, %get3A_5] : memref<256x256xf32, #tpu.memory_space<vmem>>, vector<256x256xf32>
    %dot_general3A = arith.constant dense<0.000000e+00> : vector<2048x256xf32>
    %dot_general3A_7 = tpu.matmul %reshape3A, %get3A_6, %dot_general3A {dimension_numbers = #tpu.dot_dimension_numbers<[1], [0], [0], [1], [0, 0, 1, 1], [], []>, transpose_lhs_hint = false} : vector<2048x256xf32>, vector<256x256xf32>, vector<2048x256xf32> -> vector<2048x256xf32>
    %get3A_8 = arith.constant 0 : index
    %get3A_9 = arith.constant 0 : index
    %get3A_10 = vector.load %arg3[%get3A_8, %get3A_9] : memref<1x256xf32, #tpu.memory_space<vmem>>, vector<1x256xf32>
    %add3A = vector.broadcast %get3A_10 : vector<1x256xf32> to vector<2048x256xf32>
    %add3A_11 = arith.addf %dot_general3A_7, %add3A : vector<2048x256xf32>
    %swap3A = arith.constant 0 : index
    %swap3A_12 = arith.constant 0 : index
    %swap3A_13 = arith.constant 0 : index
    %swap3A_14 = vector.load %arg4[%swap3A, %swap3A_12, %swap3A_13] : memref<1x2048x256xf32, #tpu.memory_space<vmem>>, vector<1x2048x256xf32>
    %swap3A_15 = vector.shape_cast %swap3A_14 : vector<1x2048x256xf32> to vector<2048x256xf32>
    %swap3A_16 = vector.shape_cast %add3A_11 : vector<2048x256xf32> to vector<1x2048x256xf32>
    tpu.vector_store %arg4[%swap3A, %swap3A_12, %swap3A_13], %swap3A_16 {strides = array<i32>} : memref<1x2048x256xf32, #tpu.memory_space<vmem>>, vector<1x2048x256xf32>,
    return
  }
  func.func @transform_0(%arg0: i32) -> (i32, i32, i32, i32) {
    %c0_i32 = arith.constant 0 : i32
    %c0_i32_0 = arith.constant 0 : i32
    %c0_i32_1 = arith.constant 0 : i32
    %c0_i32_2 = arith.constant 0 : i32
    return %arg0, %c0_i32, %c0_i32_0, %c0_i32_1 : i32, i32, i32, i32
  }
  func.func @transform_1(%arg0: i32) -> (i32, i32) {
    %c0_i32 = arith.constant 0 : i32
    %c0_i32_0 = arith.constant 0 : i32
    %c0_i32_1 = arith.constant 0 : i32
    return %c0_i32, %c0_i32_0 : i32, i32
  }
  func.func @transform_2(%arg0: i32) -> (i32, i32) {
    %c0_i32 = arith.constant 0 : i32
    %c0_i32_0 = arith.constant 0 : i32
    %c0_i32_1 = arith.constant 0 : i32
    return %c0_i32, %c0_i32_0 : i32, i32
  }
  func.func @transform_3(%arg0: i32) -> (i32, i32, i32) {
    %c0_i32 = arith.constant 0 : i32
    %c0_i32_0 = arith.constant 0 : i32
    %c0_i32_1 = arith.constant 0 : i32
    return %arg0, %c0_i32, %c0_i32_0 : i32, i32, i32
  }
}

</mosaic_0001>

<sc_bundles>
// kernel: kernel.6.cloned.1.call-start
scs
__scs_entry_jumppad:
0x0: {  	(pc) =	sbr.rel $0x88, $3  }
0x1: {  	(tag) =	ssettag $0x0;
	lr =	simm.s32 $0x1  }
0x2: {  	[smem:$0x3F96] =	sst lr;
	_ =	strace $0xD0000000  }
0x3: {  	_ = 	snop  }
0x4: {  	_ = 	snop  }
0x5: {  	_ = 	snop  }
0x6: {  	_ = 	snop  }
0x7: {  	_ = 	snop  }
__scs_overlays_trampoline_lowered:
0x8: {  	[smem:$0x3FA5] =	sst s0  }
0x9: {  	[smem:$0x3FA6] =	sst s1  }
0xa: {  	[smem:$0x3FA7] =	sst s2  }
0xb: {  	[smem:$0x3FA8] =	sst s3  }
0xc: {  	[smem:$0x3FA9] =	sst s4  }
0xd: {  	[smem:$0x3FAA] =	sst s5  }
0xe: {  	[smem:$0x3FAB] =	sst s6  }
0xf: {  	[smem:$0x3FAC] =	sst s7  }
0x10: {  	[smem:$0x3FAD] =	sst s8  }
0x11: {  	[smem:$0x3FAE] =	sst s9;
	s0 =	simm.s32 @!p0 $0x0  }
0x12: {  	s1 =	sld [smem:$0x3F94];
	s0 =	simm.s32 @p0 $0x1  }
0x13: {  	[smem:$0x3FAF] =	sst s0;
	s0 =	simm.s32 @!p1 $0x0  }
0x14: {  	s2 =	sld [smem:$0x3F93];
	s0 =	simm.s32 @p1 $0x1  }
0x15: {  	[smem:$0x3FB0] =	sst s0;
	s0 =	simm.s32 @!p2 $0x0  }
0x16: {  	s3 =	sld [smem:$0x3FDB];
	s0 =	simm.s32 @p2 $0x1  }
0x17: {  	s4 =	simm.s32 $0x1BF5;
	[smem:$0x3FB2] =	sst s0  }
0x18: {  	s0 =	sld [smem:$0x3F95];
	_ =	swait.ge [sflag:s4], $0x0  }
0x19: {  	s7 =	sld [smem:$0x3F96]  }
0x1a: {  	s8 =	sadd.s32 $0xFFFFE003, lr  }
0x1b: {  	s9 =	sadd.s32 $0xFFFFFEF7, lr;
	s5 =	simm.s32 $0xFFFFFFFF;
	p2 =	slt.u32 s8, $0xFFFFF086  }
0x1c: {  	p1 =	slt.u32 s9, $0xF7A;
	s5 =	simm.s32 @!p2 $0x0  }
0x1d: {  	s5 =	simm.s32 @p1 $0x1;
	p0 =	seq.s32 s7, s2  }
0x1e: {  	s7 =	smul.u32 @!p0 $0xF7A, s2;
	p2 =	seq.s32 @!p0 s5, $0x0  }
0x1f: {  	s9 =	smul.u32 $0xF7A, s1;
	s8 =	simm.s32 @!p0 $0x1BF5;
	p2 =	por !p2, p0  }
0x20: {  	[sflag:s8] =	ssyncset.s32 @!p0 $0xFFFFF086;
	s6 =	sadd.s32 @!p0 s3, s7;
	s7 =	simm.s32 @!p0 $0x108  }
0x21: {  	s3 =	sadd.s32 s3, s9;
	s6 =	sadd.s32 @!p0 $0x88, s6;
	s7 =	simm.s32 @p2 $0x1082  }
0x22: {  	[simem:s7], [sflag:s8] =	dma.local @!p0 [hbm:s6], $0xF7A  }
0x23: {  	s9 =	sor.u32 $0xD0000000, s2;
	s6 =	simm.s32 $0x108;
	_ =	swait.ge @!p0 [sflag:s8], $0x0  }
0x24: {  	s3 =	sadd.s32 $0x88, s3;
	s6 =	simm.s32 @!p1 $0x1082;
	[sflag:s4] =	ssyncset.s32 $0xFFFFF086  }
0x25: {  	[simem:s6], [sflag:s4] =	dma.local [hbm:s3], $0xF7A  }
0x26: {  	[smem:$0x3F96] =	sst s1;
	(tag) =	ssettag s2;
	_ =	strace s9  }
0x27: {  	s1 =	sld [smem:$0x3FA6]  }
0x28: {  	s2 =	sld [smem:$0x3FA7]  }
0x29: {  	s4 =	sld [smem:$0x3FA9]  }
0x2a: {  	p0 =	seq.s32 s5, $0x0;
	s5 =	sld [smem:$0x3FAA]  }
0x2b: {  	s6 =	sld [smem:$0x3FAB]  }
0x2c: {  	s7 =	sld [smem:$0x3FAC]  }
0x2d: {  	s3 =	simm.s32 $0x108;
	s8 =	sld [smem:$0x3FAD]  }
0x2e: {  	s3 =	simm.s32 @!p0 $0x1082;
	s9 =	sld [smem:$0x3FAE]  }
0x2f: {  	lr =	sadd.s32 s0, s3;
	s0 =	sld [smem:$0x3FA5]  }
0x30: {  	s3 =	sld [smem:$0x3FA8]  }
0x31: {  	[smem:$0x3FB1] =	sst s10  }
0x32: {  	s10 =	sld [smem:$0x3FAF];
	_ =	sdelay $0x3  }
0x33: {  	p0 =	seq.s32 s10, $0x1;
	s10 =	sld [smem:$0x3FB1];
	_ =	sdelay $0x3  }
0x34: {  	[smem:$0x3FB1] =	sst s10  }
0x35: {  	s10 =	sld [smem:$0x3FB0];
	_ =	sdelay $0x3  }
0x36: {  	p1 =	seq.s32 s10, $0x1;
	s10 =	sld [smem:$0x3FB1];
	_ =	sdelay $0x3  }
0x37: {  	[smem:$0x3FB1] =	sst s10  }
0x38: {  	s10 =	sld [smem:$0x3FB2]  }
0x39: {  	_ = 	snop;
	(pc) =	sbr.ind lr, $3  }
0x3a: {  	_ = 	snop  }
0x3b: {  	_ = 	snop  }
0x3c: {  	p2 =	seq.s32 s10, $0x1;
	s10 =	sld [smem:$0x3FB1]  }
0x3d: {  	_ =	shalt  }
0x3e: {  	_ =	shalt  }
0x3f: {  	_ =	shalt  }
0x40: {  	_ =	shalt  }
0x41: {  	_ =	shalt  }
0x42: {  	_ =	shalt  }
0x43: {  	_ =	shalt  }
0x44: {  	_ =	shalt  }
0x45: {  	_ =	shalt  }
0x46: {  	_ =	shalt  }
0x47: {  	_ =	shalt  }
0x48: {  	_ =	shalt  }
0x49: {  	_ =	shalt  }
0x4a: {  	_ =	shalt  }
0x4b: {  	_ =	shalt  }
0x4c: {  	_ =	shalt  }
0x4d: {  	_ =	shalt  }
0x4e: {  	_ =	shalt  }
0x4f: {  	_ =	shalt  }
0x50: {  	_ =	shalt  }
0x51: {  	_ =	shalt  }
0x52: {  	_ =	shalt  }
0x53: {  	_ =	shalt  }
0x54: {  	_ =	shalt  }
0x55: {  	_ =	shalt  }
0x56: {  	_ =	shalt  }
0x57: {  	_ =	shalt  }
0x58: {  	_ =	shalt  }
0x59: {  	_ =	shalt  }
0x5a: {  	_ =	shalt  }
0x5b: {  	_ =	shalt  }
0x5c: {  	_ =	shalt  }
0x5d: {  	_ =	shalt  }
0x5e: {  	_ =	shalt  }
0x5f: {  	_ =	shalt  }
0x60: {  	_ =	shalt  }
0x61: {  	_ =	shalt  }
0x62: {  	_ =	shalt  }
0x63: {  	_ =	shalt  }
0x64: {  	_ =	shalt  }
0x65: {  	_ =	shalt  }
0x66: {  	_ =	shalt  }
0x67: {  	_ =	shalt  }
0x68: {  	_ =	shalt  }
0x69: {  	_ =	shalt  }
0x6a: {  	_ =	shalt  }
0x6b: {  	_ =	shalt  }
0x6c: {  	_ =	shalt  }
0x6d: {  	_ =	shalt  }
0x6e: {  	_ =	shalt  }
0x6f: {  	_ =	shalt  }
0x70: {  	_ =	shalt  }
0x71: {  	_ =	shalt  }
0x72: {  	_ =	shalt  }
0x73: {  	_ =	shalt  }
0x74: {  	_ =	shalt  }
0x75: {  	_ =	shalt  }
0x76: {  	_ =	shalt  }
0x77: {  	_ =	shalt  }
0x78: {  	_ =	shalt  }
0x79: {  	_ =	shalt  }
0x7a: {  	_ =	shalt  }
0x7b: {  	_ =	shalt  }
0x7c: {  	_ =	shalt  }
0x7d: {  	_ =	shalt  }
0x7e: {  	_ =	shalt  }
0x7f: {  	_ =	shalt  }
0x80: {  	_ =	shalt  }
0x81: {  	_ =	shalt  }
0x82: {  	_ =	shalt  }
0x83: {  	_ =	shalt  }
0x84: {  	_ =	shalt  }
0x85: {  	_ =	shalt  }
0x86: {  	_ =	shalt  }
0x87: {  	_ =	shalt  }
.Lfunc_end0:
.L_simem_size_0:
called_computation_lowered:
.L_overlay_start_0:
0x88: {  	s2 =	sld [smem:$0x3FD9]  }
0x89: {  	s3 =	sld [smem:$0x3FFE];
	_ =	sdelay $0x1  }
0x8a: {  	s1 =	srdreg.scid  }
0x8b: {  	s0 =	sand.u32 $0x1, s1  }
0x8c: {  	s17 =	sshll.u32 s0, $0xA;
	s2 =	sadd.s32 s3, s2  }
0x8d: {  	s2 =	sadd.s32 s2, s17  }
0x8e: {  	[smem:$0x3FBD] =	sst s2  }
0x8f: {  	_ = 	snop  }
0x90: {  	s2 =	sld [smem:$0x3FD0];
	(tm) =	ssettm $0x1  }
0x91: {  	s18 =	sld [smem:$0x3FFB];
	_ =	sdelay $0x3  }
0x92: {  	_ =	strace s18  }
0x93: {  	s3 =	sld [smem:$0x3FFC];
	_ =	sdelay $0x3  }
0x94: {  	_ =	strace s3  }
0x95: {  	s3 =	sld [smem:$0x3FFD];
	_ =	sdelay $0x3  }
0x96: {  	_ =	strace s3  }
0x97: {  	_ =	strace $0x8FFFFFFF  }
0x98: {  	s19 =	sld [smem:$0x3FDB];
	_ =	sdelay $0x1  }
0x99: {  	s4 =	simm.s32 $_scs_section_size  }
0x9a: {  	s5 =	simm.s32 $_size__tile_overlayer_lowered;
	s6 =	simm.s32 $_tile_overlayer_lowered  }
0x9b: {  	s22 =	simm.s32 $0x1BFF;
	s21 =	sshll.u32 s6, $0x1;
	s3 =	sadd.s32 s4, s19  }
0x9c: {  	s7 =	simm.s32 $0x0;
	s20 =	sshll.u32 s5, $0x1;
	s5 =	sadd.s32 s21, s3  }
0x9d: {  	[timem:s7], [sflag:s22] =	dma.local [hbm:s5], s20  }
0x9e: {  	_ =	swait.ge [sflag:s22], s20  }
0x9f: {  	s4 =	ssub.s32 $0x0, s20;
	[sflag:s22] =	ssyncset.done $0x0  }
0xa0: {  	[sflag:s22] =	ssyncadd.s32 s4;
	_ =	sdelay $0x1  }
0xa1: {  	s23 =	simm.s32 $0x1B8B  }
0xa2: {  	_ =	swait.ge [sflag:s23], $0x1  }
0xa3: {  	[sflag:s23] =	ssyncset.done $0x0  }
0xa4: {  	s25 =	simm.s32 $0x1B8E;
	s24 =	sld [smem:$0x3FFE];
	[sflag:s23] =	ssyncadd.s32 $0xFFFFFFFF  }
0xa5: {  	s26 =	simm.s32 $execute0_lowered;
	[smem:$0x3FD2] =	sst s25  }
0xa6: {  	s5 =	sshll.u32 s26, $0x1;
	_ =	strace $0x80000046;
	[dreg:$0x1] =	wrdreg $0xFFFFFFFF  }
0xa7: {  	s28 =	simm.s32 $_size_execute0_lowered;
	s3 =	sadd.s32 s3, s5;
	[dreg:$0x0] =	wrdreg $0x0  }
0xa8: {  	s5 =	sshll.u32 s28, $0x1;
	[dreg:$0x2] =	wrdreg s3  }
0xa9: {  	[dreg:$0x3] =	wrdreg s5  }
0xaa: {  	[dreg:$0x4] =	wrdreg $0xC0  }
0xab: {  	_ =	task [dreg:s7], $0x5FFFF  }
0xac: {  	[dreg:$0x1] =	wrdreg $0xFFFFFFFF  }
0xad: {  	[dreg:$0x0] =	wrdreg $0x60  }
0xae: {  	[dreg:$0x2] =	wrdreg s24  }
0xaf: {  	[dreg:$0x3] =	wrdreg s2  }
0xb0: {  	[dreg:$0x4] =	wrdreg $0x9  }
0xb1: {  	_ =	task.clear_ibuf [dreg:s7], $0x5FFFF;
	_ =	strace $0x90000046  }
0xb2: {  	s29 =	simm.s32 $0x9;
	_ =	strace $0x80000048  }
0xb3: {  	_ =	swait.ge [sflag:s29], $0x1  }
0xb4: {  	[sflag:s29] =	ssyncadd.s32 $0xFFFFFFFF  }
0xb5: {  	_ =	strace $0x90000048  }
0xb6: {  	_ =	sfence  }
0xb7: {  	s30 =	sld [smem:$0x0];
	_ =	sdelay $0x2  }
0xb8: {  	s31 =	sshll.u32 s1, $0xD;
	s1 =	sshrl.u32 s1, $0x2  }
0xb9: {  	s3 =	sand.u32 $0x4000, s31;
	s1 =	sadd.s32 s1, s30  }
0xba: {  	s0 =	sor.u32 s3, s0;
	s1 =	sshll.u32 s1, $0x11  }
0xbb: {  	s0 =	sor.u32 s1, s0  }
0xbc: {  	s0 =	sadd.s32 $0x8F2B, s0  }
0xbd: {  	[sflag:s0] =	ssyncadd.remote.s32 $0x1  }
0xbe: {  	_ =	sfence.sel $0xFFFF  }
0xbf: {  	[dreg:$0x0] =	wrdreg $0xFFFFFFFF;
	(pc) =	sbr.abs _section_cstart, $3  }
0xc0: {  	[dreg:$0x1] =	wrdreg $0xFFFFFFFF  }
0xc1: {  	_ =	task.clear_ibuf [dreg:s7], $0x2FFFF;
	_ =	strace $0x9FFFFFFF  }
0xc2: {  	(tm) =	ssettm $0x7FFFFFFF  }
0xc3: {  	_ =	shalt  }
tec
execute0_lowered:
.L_overlay_start_1:
0x0: {  	(tag) =	ssettag $0x1  }
0x1: {  	s0 =	rddreg [dreg:$0x0]  }
0x2: {  	s9 =	rddreg [dreg:$0x1];
	s2 =	simm.s32 $0x0;
	s1 =	srdreg.scid  }
0x3: {  	s6 =	stileid.u32;
	s18 =	simm.s32 $0x80;
	s16 =	simm.s32 $0x400  }
0x4: {  	s20 =	simm.s32 $0x2;
	s15 =	simm.s32 $0x9000;
	s17 =	simm.s32 $0x4  }
0x5: {  	s21 =	simm.s32 $0x0;
	[smem:$0x7FF] =	sst s2;
	s1 =	sand.u32 $0x1, s1  }
0x6: {  	s4 =	sadd.s32 $0x3600, s0;
	s5 =	sadd.s32 $0x58600, s0;
	s13 =	sadd.s32 $0x40, s9  }
0x7: {  	s9 =	simm.s32 $0x8800;
	s3 =	sshll.u32 s1, $0x4;
	s1 =	ssub.s32 $0x2, s1  }
0x8: {  	_ =	strace $0x80000047;
	s3 =	sor.u32 s6, s3;
	s28 =	sshrl.u32 s1, $0x1  }
0x9: {  	s6 =	sadd.s32 $0xD8600, s0;
	s7 =	sshll.u32 s3, $0xE;
	s0 =	ssub.s32 s1, s28  }
0xa: {  	s29 =	sshll.u32 s3, $0x11;
	s11 =	sshll.u32 s3, $0xD;
	s3 =	simm.s32 $0x700  }
0xb: {  	v0 =	vimm.s32 $0x0;
	s1 =	simm.s32 $0x9200;
	s8 =	sor.u32 $0x80, s7;
	s10 =	sadd.s32 s5, s7  }
.Ltmp0:
0xc: {  	v1 =	vimm.s32 $0x1;
	v2 =	vimm.s32 $0x2;
	v3 =	vimm.s32 $0x3;
	s7 =	sadd.s32 s6, s7;
	[dreg:$0x3] =	wrdreg s10;
	(pc) =	sbr.rel .LBB2_1-.Ltmp0, $4  }
0xd: {  	v4 =	vimm.s32 $0x4;
	v5 =	vimm.s32 $0x5;
	v6 =	vimm.s32 $0x6;
	s12 =	sor.u32 $0x800, s29;
	s0 =	smax.u32 s0, $0x1;
	[dreg:$0x4] =	wrdreg s7  }
0xe: {  	v7 =	vimm.s32 $0x7;
	v8 =	vimm.s32 $0x8;
	v9 =	vimm.s32 $0x9;
	s14 =	sor.u32 $0xC00, s29;
	s30 =	sadd.s32 s5, s8;
	[dreg:$0x7] =	wrdreg s0  }
0xf: {  	v10 =	vimm.s32 $0xA;
	v11 =	vimm.s32 $0xB;
	v12 =	vimm.s32 $0xC;
	s31 =	sadd.s32 s6, s8;
	s7 =	simm.s32 $0x8000;
	[dreg:$0x5] =	wrdreg s30  }
0x10: {  	v13 =	vimm.s32 $0xD;
	v14 =	vimm.s32 $0xE;
	v15 =	vimm.s32 $0xF;
	s8 =	simm.s32 $0x780;
	s10 =	simm.s32 $0x3;
	[dreg:$0x6] =	wrdreg s31  }
.LBB2_8:
0x11: {  	s0 =	simm.s32 $0x5  }
0x12: {  	_ =	swait.ge [sflag:s0], $0x200  }
0x13: {  	[sflag:s0] =	ssyncset.done $0x0  }
0x14: {  	s19 =	simm.s32 $0x6;
	[sflag:s0] =	ssyncadd.s32 $0xFFFFFE00  }
0x15: {  	_ =	swait.ge [sflag:s19], $0x200  }
0x16: {  	s21 =	rddreg [dreg:$0x8]  }
0x17: {  	s31 =	rddreg [dreg:$0x7];
	s21 =	sadd.s32 $0x1, s21  }
0x18: {  	p0 =	sne.s32 s21, s31  }
.Ltmp1:
0x19: {  	_ = 	snop;
	(pc) =	sbr.rel @!p0 .LBB2_9-.Ltmp1, $3  }
0x1a: {  	_ =	sdelay $0x1  }
0x1b: {  	[sflag:s19] =	ssyncset.done $0x0  }
0x1c: {  	[sflag:s19] =	ssyncadd.s32 $0xFFFFFE00  }
.LBB2_1:
0x1d: {  	[dreg:$0x8] =	wrdreg s21  }
0x1e: {  	s0 =	rddreg [dreg:$0x3]  }
0x1f: {  	[tilespmem:s2], [sflag:$0x1] =	stream.linear.gather [hbm4b:s0+s2], $0x400, $0x38;
	[tilespmem:$0x9400] =	vst v63  }
0x20: {  	s23 =	rddreg [dreg:$0x4];
	s19 =	simm.s32 $0x800;
	s24 =	simm.s32 $0x1  }
0x21: {  	[tilespmem:s19], [sflag:$0x1] =	stream.linear.gather [hbm4b:s23+s2], $0x400, $0x38;
	[tilespmem:$0x9400] =	vst v63  }
0x22: {  	_ =	swait.ge [sflag:s24], $0x400  }
0x23: {  	[sflag:s24] =	ssyncset.done $0x0  }
0x24: {  	[sflag:s24] =	ssyncadd.s32 $0xFFFFFC00  }
0x25: {  	_ =	swait.ge [sflag:s24], $0x400  }
0x26: {  	[sflag:s24] =	ssyncset.done $0x0  }
0x27: {  	s25 =	simm.s32 $0x1000;
	[sflag:s24] =	ssyncadd.s32 $0xFFFFFC00  }
0x28: {  	[tilespmem:s25], [sflag:$0x3] =	stream.indirect.gather [hbm4b:s4+s18], $0x10, s2, s18, $0xb8;
	[tilespmem:$0x9400] =	vst v63  }
0x29: {  	s26 =	simm.s32 $0x1800  }
0x2a: {  	[tilespmem:s26], [sflag:$0x3] =	stream.indirect.gather [hbm4b:s4+s18], $0x10, s18, s18, $0xb8;
	[tilespmem:$0x9400] =	vst v63  }
0x2b: {  	s28 =	simm.s32 $0x100;
	s29 =	simm.s32 $0x2000  }
0x2c: {  	[tilespmem:s29], [sflag:$0x3] =	stream.indirect.gather [hbm4b:s4+s18], $0x10, s28, s18, $0xb8;
	[tilespmem:$0x9400] =	vst v63  }
0x2d: {  	s30 =	simm.s32 $0x180;
	s31 =	simm.s32 $0x2800  }
0x2e: {  	[tilespmem:s31], [sflag:$0x3] =	stream.indirect.gather [hbm4b:s4+s18], $0x10, s30, s18, $0xb8;
	[tilespmem:$0x9400] =	vst v63  }
0x2f: {  	s21 =	simm.s32 $0x3000;
	s19 =	simm.s32 $0x200  }
0x30: {  	[tilespmem:s21], [sflag:$0x3] =	stream.indirect.gather [hbm4b:s4+s18], $0x10, s19, s18, $0xb8;
	[tilespmem:$0x9400] =	vst v63  }
0x31: {  	s22 =	simm.s32 $0x280;
	s23 =	simm.s32 $0x3800  }
0x32: {  	[tilespmem:s23], [sflag:$0x3] =	stream.indirect.gather [hbm4b:s4+s18], $0x10, s22, s18, $0xb8;
	[tilespmem:$0x9400] =	vst v63  }
0x33: {  	s24 =	simm.s32 $0x300;
	s25 =	simm.s32 $0x4000  }
0x34: {  	[tilespmem:s25], [sflag:$0x3] =	stream.indirect.gather [hbm4b:s4+s18], $0x10, s24, s18, $0xb8;
	[tilespmem:$0x9400] =	vst v63  }
0x35: {  	s26 =	simm.s32 $0x380;
	s28 =	simm.s32 $0x4800  }
0x36: {  	[tilespmem:s28], [sflag:$0x3] =	stream.indirect.gather [hbm4b:s4+s18], $0x10, s26, s18, $0xb8;
	[tilespmem:$0x9400] =	vst v63  }
0x37: {  	s29 =	rddreg [dreg:$0x5]  }
0x38: {  	[tilespmem:s16], [sflag:$0x2] =	stream.linear.gather [hbm4b:s29+s2], $0x400, $0x38;
	[tilespmem:$0x9400] =	vst v63  }
0x39: {  	s30 =	rddreg [dreg:$0x6];
	s31 =	simm.s32 $0xC00;
	s19 =	simm.s32 $0x0  }
0x3a: {  	[tilespmem:s31], [sflag:$0x2] =	stream.linear.gather [hbm4b:s30+s2], $0x400, $0x38;
	[tilespmem:$0x9400] =	vst v63  }
.LBB2_2:
0x3b: {  	_ =	swait.ge [sflag:s20], $0x400  }
0x3c: {  	[sflag:s20] =	ssyncset.done $0x0  }
0x3d: {  	[sflag:s20] =	ssyncadd.s32 $0xFFFFFC00  }
0x3e: {  	_ =	swait.ge [sflag:s20], $0x400  }
0x3f: {  	[sflag:s20] =	ssyncset.done $0x0  }
0x40: {  	s0 =	simm.s32 $0x5000;
	[sflag:s20] =	ssyncadd.s32 $0xFFFFFC00  }
0x41: {  	[tilespmem:s0], [sflag:$0x4] =	stream.indirect.gather [hbm4b:s4+s18], $0x10, s16, s18, $0xb8;
	[tilespmem:$0x9400] =	vst v63  }
0x42: {  	s22 =	simm.s32 $0x480;
	s21 =	simm.s32 $0x5800  }
0x43: {  	[tilespmem:s21], [sflag:$0x4] =	stream.indirect.gather [hbm4b:s4+s18], $0x10, s22, s18, $0xb8;
	[tilespmem:$0x9400] =	vst v63  }
0x44: {  	s23 =	simm.s32 $0x500;
	s24 =	simm.s32 $0x6000  }
0x45: {  	[tilespmem:s24], [sflag:$0x4] =	stream.indirect.gather [hbm4b:s4+s18], $0x10, s23, s18, $0xb8;
	[tilespmem:$0x9400] =	vst v63  }
0x46: {  	s25 =	simm.s32 $0x580;
	s26 =	simm.s32 $0x6800  }
0x47: {  	[tilespmem:s26], [sflag:$0x4] =	stream.indirect.gather [hbm4b:s4+s18], $0x10, s25, s18, $0xb8;
	[tilespmem:$0x9400] =	vst v63  }
0x48: {  	s28 =	simm.s32 $0x600;
	s29 =	simm.s32 $0x7000  }
0x49: {  	[tilespmem:s29], [sflag:$0x4] =	stream.indirect.gather [hbm4b:s4+s18], $0x10, s28, s18, $0xb8;
	[tilespmem:$0x9400] =	vst v63  }
0x4a: {  	s30 =	simm.s32 $0x680;
	s31 =	simm.s32 $0x7800  }
0x4b: {  	[tilespmem:s31], [sflag:$0x4] =	stream.indirect.gather [hbm4b:s4+s18], $0x10, s30, s18, $0xb8;
	[tilespmem:$0x9400] =	vst v63  }
0x4c: {  	_ = 	snop  }
0x4d: {  	[tilespmem:s7], [sflag:$0x4] =	stream.indirect.gather [hbm4b:s4+s18], $0x10, s3, s18, $0xb8;
	[tilespmem:$0x9400] =	vst v63  }
0x4e: {  	_ = 	snop  }
0x4f: {  	[tilespmem:s9], [sflag:$0x4] =	stream.indirect.gather [hbm4b:s4+s18], $0x10, s8, s18, $0xb8;
	[tilespmem:$0x9400] =	vst v63  }
0x50: {  	_ =	swait.ge [sflag:s10], $0x800  }
0x51: {  	[sflag:s10] =	ssyncset.done $0x0  }
0x52: {  	[sflag:s10] =	ssyncadd.s32 $0xFFFFF800  }
0x53: {  	_ =	swait.ge [sflag:s10], $0x800  }
0x54: {  	[sflag:s10] =	ssyncset.done $0x0  }
0x55: {  	[sflag:s10] =	ssyncadd.s32 $0xFFFFF800  }
0x56: {  	_ =	swait.ge [sflag:s10], $0x800  }
0x57: {  	[sflag:s10] =	ssyncset.done $0x0  }
0x58: {  	[sflag:s10] =	ssyncadd.s32 $0xFFFFF800  }
0x59: {  	_ =	swait.ge [sflag:s10], $0x800  }
0x5a: {  	[sflag:s10] =	ssyncset.done $0x0  }
0x5b: {  	[sflag:s10] =	ssyncadd.s32 $0xFFFFF800  }
0x5c: {  	_ =	swait.ge [sflag:s10], $0x800  }
0x5d: {  	[sflag:s10] =	ssyncset.done $0x0  }
0x5e: {  	[sflag:s10] =	ssyncadd.s32 $0xFFFFF800  }
0x5f: {  	_ =	swait.ge [sflag:s10], $0x800  }
0x60: {  	[sflag:s10] =	ssyncset.done $0x0  }
0x61: {  	[sflag:s10] =	ssyncadd.s32 $0xFFFFF800  }
0x62: {  	_ =	swait.ge [sflag:s10], $0x800  }
0x63: {  	[sflag:s10] =	ssyncset.done $0x0  }
0x64: {  	[sflag:s10] =	ssyncadd.s32 $0xFFFFF800  }
0x65: {  	_ =	swait.ge [sflag:s10], $0x800  }
0x66: {  	p0 =	seq.s32 s19, $0x0;
	[sflag:s10] =	ssyncset.done $0x0  }
0x67: {  	s22 =	simm.s32 @!p0 $0x5;
	[sflag:s10] =	ssyncadd.s32 $0xFFFFF800  }
0x68: {  	_ =	swait.ge @!p0 [sflag:s22], $0x200  }
0x69: {  	s21 =	sshll.u32 s19, $0xB;
	s23 =	simm.s32 $0x0;
	[sflag:s22] =	ssyncset.done @!p0 $0x0  }
0x6a: {  	s24 =	simm.s32 $0x0;
	[sflag:s22] =	ssyncadd.s32 @!p0 $0xFFFFFE00;
	s22 =	simm.s32 $0x0  }
.LBB2_3:
0x6b: {  	s25 =	sshll.u32 s24, $0x6  }
0x6c: {  	s26 =	sshll.u32 s24, $0xA;
	s25 =	sand.u32 $0x3FFFFF80, s25  }
0x6d: {  	s29 =	sand.u32 $0x40, s23;
	s26 =	sand.u32 $0x3FFFF800, s26;
	s28 =	sadd.s32 $0x800, s25  }
0x6e: {  	s31 =	sshll.u32 s29, $0x4;
	s26 =	sadd.s32 $0x1000, s26;
	s30 =	sor.u32 s29, s28  }
0x6f: {  	s25 =	sor.u32 s31, s26;
	v17 =	vld [tilespmem:s30+$0x0]  }
0x70: {  	v16 =	vld [tilespmem:s25+$0x0]  }
0x71: {  	v18 =	vld [tilespmem:s25+$0x10]  }
0x72: {  	v21 =	vld [tilespmem:s25+$0x20]  }
0x73: {  	v24 =	vld [tilespmem:s25+$0x30]  }
0x74: {  	v25 =	vld [tilespmem:s25+$0x40]  }
0x75: {  	v43 =	vld [tilespmem:s25+$0x50];
	v19 =	vperm.xlane v17, v0;
	v20 =	vshll.u32 v16, $0x10;
	v16 =	vand.u32 $0xFFFF0000, v16  }
0x76: {  	v29 =	vld [tilespmem:s25+$0x60];
	v22 =	vperm.xlane v17, v1;
	v41 =	vshll.u32 v18, $0x10;
	v18 =	vand.u32 $0xFFFF0000, v18  }
0x77: {  	v31 =	vld [tilespmem:s25+$0x70];
	v23 =	vperm.xlane v17, v2;
	v42 =	vshll.u32 v21, $0x10;
	v21 =	vand.u32 $0xFFFF0000, v21  }
0x78: {  	v51 =	vld [tilespmem:s25+$0x80];
	v26 =	vperm.xlane v17, v3;
	v27 =	vshll.u32 v24, $0x10;
	v24 =	vand.u32 $0xFFFF0000, v24  }
0x79: {  	v28 =	vperm.xlane v17, v4;
	v44 =	vshll.u32 v25, $0x10;
	v25 =	vand.u32 $0xFFFF0000, v25  }
0x7a: {  	v30 =	vperm.xlane v17, v5;
	v45 =	vshll.u32 v43, $0x10;
	v47 =	vperm.xlane v17, v6  }
0x7b: {  	v32 =	vld [tilespmem:s25+$0x90];
	v48 =	vshll.u32 v29, $0x10;
	v49 =	vand.u32 $0xFFFF0000, v29;
	v50 =	vperm.xlane v17, v7  }
0x7c: {  	v52 =	vshll.u32 v31, $0x10;
	v56 =	vperm.xlane v17, v8;
	v59 =	vperm.xlane v17, v9  }
0x7d: {  	v55 =	vld [tilespmem:s25+$0xA0];
	v57 =	vshll.u32 v51, $0x10;
	v63 =	vperm.xlane v17, v10;
	v37 =	vperm.xlane v17, v11  }
0x7e: {  	v61 =	vld [tilespmem:s25+$0xB0];
	v58 =	vand.u32 $0xFFFF0000, v51;
	v40 =	vperm.xlane v17, v12;
	v51 =	vperm.xlane v17, v14  }
0x7f: {  	v31 =	vand.u32 $0xFFFF0000, v31;
	v20 =	vmul.f32 v20, v19;
	v16 =	vmul.f32 v16, v19  }
0x80: {  	v60 =	vshll.u32 v32, $0x10;
	v19 =	vmul.f32 v41, v22;
	v18 =	vmul.f32 v18, v22  }
0x81: {  	v62 =	vand.u32 $0xFFFF0000, v32;
	v22 =	vmul.f32 v42, v23;
	v21 =	vmul.f32 v21, v23  }
0x82: {  	v35 =	vld [tilespmem:s25+$0xC0];
	v34 =	vshll.u32 v55, $0x10;
	v27 =	vmul.f32 v27, v26;
	v24 =	vmul.f32 v24, v26  }
0x83: {  	v38 =	vshll.u32 v61, $0x10;
	v26 =	vmul.f32 v44, v28;
	v25 =	vmul.f32 v25, v28  }
0x84: {  	v39 =	vand.u32 $0xFFFF0000, v61;
	v46 =	vmul.f32 v45, v30;
	v53 =	vmul.f32 v52, v50  }
0x85: {  	v23 =	vand.u32 $0xFFFF0000, v43;
	v54 =	vmul.f32 v31, v50;
	v28 =	vmul.f32 v60, v59  }
0x86: {  	v33 =	vmul.f32 v62, v59;
	v36 =	vmul.f32 v34, v63;
	v20 =	vadd.f32 $0.0e+00, v20  }
0x87: {  	v42 =	vshll.u32 v35, $0x10;
	v16 =	vadd.f32 $0.0e+00, v16;
	v19 =	vadd.f32 $0.0e+00, v19  }
0x88: {  	v31 =	vand.u32 $0xFFFF0000, v35;
	v18 =	vadd.f32 $0.0e+00, v18;
	v22 =	vadd.f32 $0.0e+00, v22  }
0x89: {  	v41 =	vld [tilespmem:s25+$0xD0];
	v23 =	vmul.f32 v23, v30;
	v21 =	vadd.f32 $0.0e+00, v21;
	v27 =	vadd.f32 $0.0e+00, v27  }
0x8a: {  	v43 =	vld [tilespmem:s25+$0xE0];
	v44 =	vmul.f32 v42, v40;
	v24 =	vadd.f32 $0.0e+00, v24;
	v20 =	vadd.f32 v26, v20  }
0x8b: {  	v62 =	vld [tilespmem:s25+$0x120];
	v45 =	vmul.f32 v31, v40;
	v16 =	vadd.f32 v25, v16;
	v19 =	vadd.f32 v46, v19  }
0x8c: {  	v26 =	vmul.f32 v48, v47;
	v25 =	vmul.f32 v49, v47;
	v18 =	vadd.f32 v23, v18  }
0x8d: {  	v23 =	vadd.f32 v53, v27;
	v24 =	vadd.f32 v54, v24;
	v27 =	vmul.f32 v57, v56  }
0x8e: {  	v48 =	vperm.xlane v17, v13;
	v17 =	vperm.xlane v17, v15;
	v49 =	vshll.u32 v41, $0x10  }
0x8f: {  	v50 =	vand.u32 $0xFFFF0000, v41;
	v52 =	vshll.u32 v43, $0x10;
	v32 =	vand.u32 $0xFFFF0000, v43  }
0x90: {  	s0 =	sor.u32 $0x10, s29;
	v42 =	vshll.u32 v62, $0x10;
	v43 =	vand.u32 $0xFFFF0000, v62;
	v22 =	vadd.f32 v26, v22  }
0x91: {  	s30 =	sshll.u32 s0, $0x4;
	v40 =	vld [tilespmem:s25+$0x140];
	v21 =	vadd.f32 v25, v21;
	v26 =	vmul.f32 v58, v56;
	v20 =	vadd.f32 v27, v20  }
0x92: {  	s30 =	sor.u32 s30, s26;
	v46 =	vld [tilespmem:s25+$0xF0];
	v19 =	vadd.f32 v28, v19;
	v18 =	vadd.f32 v33, v18;
	v27 =	vmul.f32 v39, v37  }
0x93: {  	v53 =	vld [tilespmem:s30+$0x0];
	v25 =	vand.u32 $0xFFFF0000, v55;
	v28 =	vmul.f32 v49, v48;
	v29 =	vmul.f32 v52, v51  }
0x94: {  	v54 =	vmul.f32 v32, v51;
	v25 =	vmul.f32 v25, v63;
	v16 =	vadd.f32 v26, v16  }
0x95: {  	s31 =	sor.u32 s0, s28;
	v56 =	vld [tilespmem:s25+$0x110];
	v22 =	vadd.f32 v36, v22;
	v26 =	vmul.f32 v38, v37;
	v24 =	vadd.f32 v27, v24  }
0x96: {  	v20 =	vadd.f32 v44, v20;
	v27 =	vmul.f32 v50, v48;
	v47 =	vadd.f32 v45, v16;
	v16 =	vld [tilespmem:s31+$0x0]  }
0x97: {  	v19 =	vadd.f32 v28, v19;
	v50 =	vshll.u32 v40, $0x10;
	v21 =	vadd.f32 v25, v21  }
0x98: {  	v55 =	vshll.u32 v46, $0x10;
	v59 =	vshll.u32 v53, $0x10;
	v60 =	vand.u32 $0xFFFF0000, v53  }
0x99: {  	v23 =	vadd.f32 v26, v23;
	v18 =	vadd.f32 v27, v18;
	v26 =	vand.u32 $0xFFFF0000, v46;
	v46 =	vld [tilespmem:s25+$0x150]  }
0x9a: {  	v22 =	vadd.f32 v29, v22;
	v57 =	vmul.f32 v55, v17;
	v21 =	vadd.f32 v54, v21  }
0x9b: {  	v51 =	vld [tilespmem:s25+$0x160];
	v17 =	vmul.f32 v26, v17;
	v63 =	vshll.u32 v56, $0x10;
	v58 =	vperm.xlane v16, v0  }
0x9c: {  	v36 =	vand.u32 $0xFFFF0000, v56;
	v61 =	vperm.xlane v16, v1;
	v41 =	vperm.xlane v16, v2  }
0x9d: {  	v37 =	vld [tilespmem:s25+$0x130];
	v23 =	vadd.f32 v57, v23;
	v44 =	vperm.xlane v16, v3;
	v48 =	vperm.xlane v16, v4  }
0x9e: {  	v53 =	vperm.xlane v16, v5;
	v55 =	vshll.u32 v46, $0x10;
	v57 =	vperm.xlane v16, v6  }
0x9f: {  	v56 =	vand.u32 $0xFFFF0000, v46;
	v34 =	vperm.xlane v16, v7;
	v46 =	vperm.xlane v16, v10  }
0xa0: {  	v31 =	vand.u32 $0xFFFF0000, v51;
	v33 =	vperm.xlane v16, v14;
	v26 =	vmul.f32 v59, v58  }
0xa1: {  	v17 =	vadd.f32 v17, v24;
	v27 =	vmul.f32 v60, v58;
	v38 =	vmul.f32 v63, v61  }
0xa2: {  	v45 =	vshll.u32 v37, $0x10;
	v39 =	vmul.f32 v36, v61;
	v24 =	vmul.f32 v43, v41  }
0xa3: {  	v28 =	vmul.f32 v45, v44;
	v52 =	vmul.f32 v50, v48;
	v59 =	vshll.u32 v51, $0x10  }
0xa4: {  	v62 =	vmul.f32 v31, v57;
	v50 =	vperm.xlane v16, v11;
	v20 =	vadd.f32 v26, v20  }
0xa5: {  	v61 =	vmul.f32 v59, v57;
	v25 =	vadd.f32 v27, v47;
	v19 =	vadd.f32 v38, v19  }
0xa6: {  	v58 =	vld [tilespmem:s25+$0x170];
	v18 =	vadd.f32 v39, v18;
	v27 =	vmul.f32 v42, v41;
	v47 =	vand.u32 $0xFFFF0000, v37  }
0xa7: {  	v60 =	vld [tilespmem:s25+$0x180];
	v21 =	vadd.f32 v24, v21;
	v26 =	vand.u32 $0xFFFF0000, v40;
	v37 =	vperm.xlane v16, v8  }
0xa8: {  	v63 =	vld [tilespmem:s25+$0x190];
	v23 =	vadd.f32 v28, v23;
	v49 =	vmul.f32 v47, v44;
	v54 =	vmul.f32 v26, v48  }
0xa9: {  	v51 =	vld [tilespmem:s25+$0x1C0];
	v26 =	vmul.f32 v55, v53;
	v22 =	vadd.f32 v27, v22;
	v20 =	vadd.f32 v52, v20  }
0xaa: {  	v41 =	vperm.xlane v16, v9;
	v21 =	vadd.f32 v62, v21;
	v17 =	vadd.f32 v49, v17  }
0xab: {  	v27 =	vmul.f32 v56, v53;
	v24 =	vadd.f32 v54, v25;
	v19 =	vadd.f32 v26, v19  }
0xac: {  	v35 =	vshll.u32 v58, $0x10;
	v36 =	vand.u32 $0xFFFF0000, v58;
	v38 =	vshll.u32 v60, $0x10  }
0xad: {  	v39 =	vld [tilespmem:s25+$0x1A0];
	v40 =	vand.u32 $0xFFFF0000, v60;
	v43 =	vshll.u32 v63, $0x10;
	v26 =	vand.u32 $0xFFFF0000, v63  }
0xae: {  	v58 =	vshll.u32 v51, $0x10;
	v59 =	vand.u32 $0xFFFF0000, v51;
	v60 =	vperm.xlane v16, v13  }
0xaf: {  	v44 =	vld [tilespmem:s25+$0x1B0];
	v18 =	vadd.f32 v27, v18;
	v27 =	vmul.f32 v35, v34;
	v25 =	vmul.f32 v36, v34  }
0xb0: {  	v53 =	vld [tilespmem:s25+$0x1D0];
	v22 =	vadd.f32 v61, v22;
	v28 =	vmul.f32 v38, v37;
	v42 =	vmul.f32 v40, v37  }
0xb1: {  	v56 =	vld [tilespmem:s25+$0x1E0];
	v45 =	vmul.f32 v43, v41;
	v47 =	vmul.f32 v26, v41;
	v23 =	vadd.f32 v27, v23  }
0xb2: {  	v48 =	vshll.u32 v39, $0x10;
	v17 =	vadd.f32 v25, v17;
	v20 =	vadd.f32 v28, v20  }
0xb3: {  	v49 =	vand.u32 $0xFFFF0000, v39;
	v24 =	vadd.f32 v42, v24;
	v19 =	vadd.f32 v45, v19  }
0xb4: {  	s30 =	sor.u32 $0x20, s29;
	v26 =	vmul.f32 v48, v46;
	v27 =	vmul.f32 v49, v46;
	v52 =	vshll.u32 v44, $0x10  }
0xb5: {  	s0 =	sor.u32 s30, s28;
	s30 =	sshll.u32 s30, $0x4;
	v31 =	vand.u32 $0xFFFF0000, v44;
	v18 =	vadd.f32 v47, v18;
	v54 =	vmul.f32 v52, v50  }
0xb6: {  	s30 =	sor.u32 s30, s26;
	v61 =	vld [tilespmem:s25+$0x1F0];
	v55 =	vmul.f32 v31, v50;
	v62 =	vand.u32 $0xFFFF0000, v53;
	v35 =	vshll.u32 v56, $0x10  }
0xb7: {  	v36 =	vld [tilespmem:s30+$0x0];
	v22 =	vadd.f32 v26, v22;
	v21 =	vadd.f32 v27, v21;
	v34 =	vmul.f32 v62, v60  }
0xb8: {  	v41 =	vld [tilespmem:s25+$0x210];
	v37 =	vmul.f32 v35, v33;
	v57 =	vadd.f32 v55, v17;
	v17 =	vperm.xlane v16, v12  }
0xb9: {  	v43 =	vld [tilespmem:s25+$0x220];
	v26 =	vand.u32 $0xFFFF0000, v56;
	v23 =	vadd.f32 v54, v23;
	v16 =	vperm.xlane v16, v15  }
0xba: {  	v46 =	vld [tilespmem:s25+$0x230];
	v27 =	vmul.f32 v58, v17;
	v28 =	vmul.f32 v59, v17;
	v17 =	vshll.u32 v53, $0x10  }
0xbb: {  	v26 =	vmul.f32 v26, v33;
	v38 =	vshll.u32 v61, $0x10;
	v63 =	vmul.f32 v17, v60;
	v17 =	vld [tilespmem:s0+$0x0]  }
0xbc: {  	v39 =	vand.u32 $0xFFFF0000, v61;
	v42 =	vshll.u32 v36, $0x10;
	v31 =	vand.u32 $0xFFFF0000, v36  }
0xbd: {  	v52 =	vld [tilespmem:s25+$0x240];
	v48 =	vshll.u32 v41, $0x10;
	v49 =	vand.u32 $0xFFFF0000, v41;
	v18 =	vadd.f32 v34, v18  }
0xbe: {  	v51 =	vshll.u32 v43, $0x10;
	v22 =	vadd.f32 v37, v22;
	v21 =	vadd.f32 v26, v21  }
0xbf: {  	v53 =	vand.u32 $0xFFFF0000, v43;
	v20 =	vadd.f32 v27, v20;
	v27 =	vmul.f32 v38, v16  }
0xc0: {  	v56 =	vshll.u32 v46, $0x10;
	v16 =	vmul.f32 v39, v16;
	v40 =	vperm.xlane v17, v0  }
0xc1: {  	v25 =	vand.u32 $0xFFFF0000, v46;
	v47 =	vperm.xlane v17, v1;
	v50 =	vperm.xlane v17, v2  }
0xc2: {  	v37 =	vld [tilespmem:s25+$0x270];
	v60 =	vshll.u32 v52, $0x10;
	v54 =	vperm.xlane v17, v3;
	v59 =	vperm.xlane v17, v4  }
0xc3: {  	v19 =	vadd.f32 v63, v19;
	v63 =	vld [tilespmem:s25+$0x260];
	v62 =	vperm.xlane v17, v5;
	v41 =	vperm.xlane v17, v6  }
0xc4: {  	v46 =	vld [tilespmem:s25+$0x290];
	v23 =	vadd.f32 v27, v23;
	v34 =	vperm.xlane v17, v11;
	v44 =	vmul.f32 v42, v40  }
0xc5: {  	v16 =	vadd.f32 v16, v57;
	v57 =	vld [tilespmem:s25+$0x250];
	v45 =	vmul.f32 v31, v40;
	v27 =	vmul.f32 v48, v47  }
0xc6: {  	v24 =	vadd.f32 v28, v24;
	v26 =	vmul.f32 v49, v47;
	v28 =	vmul.f32 v51, v50  }
0xc7: {  	v61 =	vand.u32 $0xFFFF0000, v52;
	v55 =	vmul.f32 v53, v50;
	v58 =	vmul.f32 v56, v54  }
0xc8: {  	v25 =	vmul.f32 v25, v54;
	v42 =	vshll.u32 v63, $0x10;
	v43 =	vand.u32 $0xFFFF0000, v63  }
0xc9: {  	v47 =	vand.u32 $0xFFFF0000, v37;
	v48 =	vperm.xlane v17, v8;
	v53 =	vperm.xlane v17, v9  }
0xca: {  	v56 =	vand.u32 $0xFFFF0000, v46;
	v36 =	vshll.u32 v57, $0x10;
	v20 =	vadd.f32 v44, v20  }
0xcb: {  	v31 =	vand.u32 $0xFFFF0000, v57;
	v24 =	vadd.f32 v45, v24;
	v19 =	vadd.f32 v27, v19  }
0xcc: {  	v57 =	vperm.xlane v17, v10;
	v18 =	vadd.f32 v26, v18;
	v22 =	vadd.f32 v28, v22  }
0xcd: {  	v21 =	vadd.f32 v55, v21;
	v26 =	vmul.f32 v60, v59;
	v27 =	vmul.f32 v61, v59  }
0xce: {  	v23 =	vadd.f32 v58, v23;
	v38 =	vmul.f32 v36, v62;
	v39 =	vmul.f32 v31, v62  }
0xcf: {  	v40 =	vld [tilespmem:s25+$0x280];
	v16 =	vadd.f32 v25, v16;
	v44 =	vperm.xlane v17, v7;
	v25 =	vmul.f32 v43, v41  }
0xd0: {  	v51 =	vld [tilespmem:s25+$0x2A0];
	v45 =	vshll.u32 v37, $0x10;
	v55 =	vshll.u32 v46, $0x10;
	v20 =	vadd.f32 v26, v20  }
0xd1: {  	v63 =	vld [tilespmem:s25+$0x2D0];
	v37 =	vperm.xlane v17, v12;
	v24 =	vadd.f32 v27, v24;
	v19 =	vadd.f32 v38, v19  }
0xd2: {  	v18 =	vadd.f32 v39, v18;
	v27 =	vmul.f32 v42, v41;
	v28 =	vmul.f32 v45, v44  }
0xd3: {  	v49 =	vmul.f32 v47, v44;
	v21 =	vadd.f32 v25, v21;
	v41 =	vperm.xlane v17, v13  }
0xd4: {  	v58 =	vld [tilespmem:s25+$0x2B0];
	v45 =	vperm.xlane v17, v14;
	v17 =	vperm.xlane v17, v15;
	v50 =	vshll.u32 v40, $0x10  }
0xd5: {  	v60 =	vld [tilespmem:s25+$0x2C0];
	v26 =	vand.u32 $0xFFFF0000, v40;
	v59 =	vshll.u32 v51, $0x10;
	v31 =	vand.u32 $0xFFFF0000, v51  }
0xd6: {  	v43 =	vshll.u32 v63, $0x10;
	v22 =	vadd.f32 v27, v22;
	v52 =	vmul.f32 v50, v48  }
0xd7: {  	v23 =	vadd.f32 v28, v23;
	v54 =	vmul.f32 v26, v48;
	v26 =	vmul.f32 v55, v53  }
0xd8: {  	v16 =	vadd.f32 v49, v16;
	v27 =	vmul.f32 v56, v53;
	v61 =	vmul.f32 v59, v57  }
0xd9: {  	v39 =	vld [tilespmem:s25+$0x2E0];
	v62 =	vmul.f32 v31, v57;
	v35 =	vshll.u32 v58, $0x10;
	v36 =	vand.u32 $0xFFFF0000, v58  }
0xda: {  	v38 =	vshll.u32 v60, $0x10;
	v20 =	vadd.f32 v52, v20;
	v24 =	vadd.f32 v54, v24  }
0xdb: {  	s29 =	sor.u32 $0x30, s29;
	v44 =	vld [tilespmem:s25+$0x2F0];
	v40 =	vand.u32 $0xFFFF0000, v60;
	v19 =	vadd.f32 v26, v19;
	v18 =	vadd.f32 v27, v18  }
0xdc: {  	s28 =	sor.u32 s29, s28;
	s29 =	sshll.u32 s29, $0x4;
	v22 =	vadd.f32 v61, v22;
	v21 =	vadd.f32 v62, v21;
	v27 =	vmul.f32 v35, v34  }
0xdd: {  	s26 =	sor.u32 s29, s26;
	v25 =	vmul.f32 v36, v34;
	v28 =	vmul.f32 v38, v37;
	v26 =	vand.u32 $0xFFFF0000, v63  }
0xde: {  	v48 =	vld [tilespmem:s26+$0x0];
	v42 =	vmul.f32 v40, v37;
	v26 =	vmul.f32 v26, v41;
	v46 =	vshll.u32 v39, $0x10  }
0xdf: {  	v50 =	vld [tilespmem:s25+$0x310];
	v47 =	vand.u32 $0xFFFF0000, v39;
	v25 =	vadd.f32 v25, v16;
	v16 =	vmul.f32 v43, v41  }
0xe0: {  	v58 =	vld [tilespmem:s25+$0x330];
	v49 =	vshll.u32 v44, $0x10;
	v31 =	vand.u32 $0xFFFF0000, v44;
	v23 =	vadd.f32 v27, v23  }
0xe1: {  	v20 =	vadd.f32 v28, v20;
	v28 =	vmul.f32 v46, v45;
	v19 =	vadd.f32 v16, v19;
	v16 =	vld [tilespmem:s28+$0x0]  }
0xe2: {  	v24 =	vadd.f32 v42, v24;
	v27 =	vmul.f32 v47, v45;
	v51 =	vmul.f32 v49, v17  }
0xe3: {  	v52 =	vld [tilespmem:s25+$0x320];
	v17 =	vmul.f32 v31, v17;
	v18 =	vadd.f32 v26, v18;
	v54 =	vshll.u32 v48, $0x10  }
0xe4: {  	v63 =	vld [tilespmem:s25+$0x340];
	v55 =	vand.u32 $0xFFFF0000, v48;
	v57 =	vshll.u32 v50, $0x10;
	v22 =	vadd.f32 v28, v22  }
0xe5: {  	v59 =	vand.u32 $0xFFFF0000, v50;
	v21 =	vadd.f32 v27, v21;
	v23 =	vadd.f32 v51, v23  }
0xe6: {  	v17 =	vadd.f32 v17, v25;
	v37 =	vshll.u32 v58, $0x10;
	v53 =	vperm.xlane v16, v0  }
0xe7: {  	v40 =	vld [tilespmem:s25+$0x350];
	v38 =	vand.u32 $0xFFFF0000, v58;
	v56 =	vperm.xlane v16, v1;
	v60 =	vperm.xlane v16, v2  }
0xe8: {  	v62 =	vshll.u32 v52, $0x10;
	v35 =	vperm.xlane v16, v3;
	v39 =	vperm.xlane v16, v4  }
0xe9: {  	v42 =	vld [tilespmem:s25+$0x360];
	v41 =	vshll.u32 v63, $0x10;
	v46 =	vperm.xlane v16, v5;
	v49 =	vperm.xlane v16, v6  }
0xea: {  	v45 =	vld [tilespmem:s25+$0x370];
	v31 =	vand.u32 $0xFFFF0000, v63;
	v58 =	vperm.xlane v16, v8;
	v63 =	vperm.xlane v16, v9  }
0xeb: {  	v51 =	vld [tilespmem:s25+$0x380];
	v34 =	vand.u32 $0xFFFF0000, v52;
	v26 =	vmul.f32 v54, v53;
	v25 =	vmul.f32 v55, v53  }
0xec: {  	v47 =	vshll.u32 v40, $0x10;
	v28 =	vmul.f32 v57, v56;
	v61 =	vmul.f32 v59, v56  }
0xed: {  	v48 =	vand.u32 $0xFFFF0000, v40;
	v33 =	vmul.f32 v62, v60;
	v36 =	vmul.f32 v34, v60  }
0xee: {  	v50 =	vshll.u32 v42, $0x10;
	v27 =	vmul.f32 v38, v35;
	v43 =	vmul.f32 v41, v39  }
0xef: {  	v52 =	vand.u32 $0xFFFF0000, v42;
	v44 =	vmul.f32 v31, v39;
	v53 =	vperm.xlane v16, v7  }
0xf0: {  	v54 =	vmul.f32 v52, v49;
	v55 =	vshll.u32 v45, $0x10;
	v60 =	vshll.u32 v51, $0x10  }
0xf1: {  	v62 =	vand.u32 $0xFFFF0000, v51;
	v20 =	vadd.f32 v26, v20;
	v24 =	vadd.f32 v25, v24  }
0xf2: {  	v41 =	vperm.xlane v16, v10;
	v19 =	vadd.f32 v28, v19;
	v18 =	vadd.f32 v61, v18  }
0xf3: {  	v22 =	vadd.f32 v33, v22;
	v26 =	vmul.f32 v37, v35;
	v21 =	vadd.f32 v36, v21  }
0xf4: {  	v17 =	vadd.f32 v27, v17;
	v27 =	vmul.f32 v47, v46;
	v25 =	vmul.f32 v48, v46  }
0xf5: {  	v56 =	vld [tilespmem:s25+$0x390];
	v28 =	vmul.f32 v50, v49;
	v57 =	vmul.f32 v55, v53;
	v23 =	vadd.f32 v26, v23  }
0xf6: {  	v37 =	vmul.f32 v62, v58;
	v20 =	vadd.f32 v43, v20;
	v24 =	vadd.f32 v44, v24  }
0xf7: {  	v51 =	vld [tilespmem:s25+$0x3E0];
	v50 =	vperm.xlane v16, v12;
	v19 =	vadd.f32 v27, v19;
	v18 =	vadd.f32 v25, v18  }
0xf8: {  	v61 =	vld [tilespmem:s25+$0x3A0];
	v22 =	vadd.f32 v28, v22;
	v26 =	vand.u32 $0xFFFF0000, v45;
	v43 =	vperm.xlane v16, v11  }
0xf9: {  	v36 =	vld [tilespmem:s25+$0x3B0];
	v21 =	vadd.f32 v54, v21;
	v54 =	vperm.xlane v16, v13;
	v59 =	vmul.f32 v26, v53  }
0xfa: {  	v46 =	vld [tilespmem:s25+$0x3D0];
	v26 =	vmul.f32 v60, v58;
	v38 =	vshll.u32 v56, $0x10;
	v39 =	vand.u32 $0xFFFF0000, v56  }
0xfb: {  	v55 =	vld [tilespmem:s25+$0x3F0];
	v58 =	vperm.xlane v16, v14;
	v16 =	vperm.xlane v16, v15;
	v23 =	vadd.f32 v57, v23  }
0xfc: {  	v27 =	vmul.f32 v38, v63;
	v24 =	vadd.f32 v37, v24;
	v40 =	vmul.f32 v39, v63  }
0xfd: {  	v17 =	vadd.f32 v59, v17;
	v20 =	vadd.f32 v26, v20;
	v42 =	vshll.u32 v61, $0x10  }
0xfe: {  	v44 =	vld [tilespmem:s25+$0x3C0];
	v28 =	vand.u32 $0xFFFF0000, v61;
	v45 =	vshll.u32 v36, $0x10;
	v48 =	vand.u32 $0xFFFF0000, v36  }
0xff: {  	v56 =	vshll.u32 v46, $0x10;
	v57 =	vand.u32 $0xFFFF0000, v46;
	v59 =	vshll.u32 v51, $0x10  }
0x100: {  	v60 =	vshll.u32 v55, $0x10;
	v61 =	vand.u32 $0xFFFF0000, v55;
	v29 =	vmul.f32 v42, v41  }
0x101: {  	v26 =	vmul.f32 v28, v41;
	v19 =	vadd.f32 v27, v19;
	v47 =	vmul.f32 v45, v43  }
0x102: {  	v18 =	vadd.f32 v40, v18;
	v49 =	vmul.f32 v48, v43;
	v25 =	vmul.f32 v57, v54  }
0x103: {  	v27 =	vand.u32 $0xFFFF0000, v51;
	v52 =	vshll.u32 v44, $0x10;
	v53 =	vand.u32 $0xFFFF0000, v44  }
0x104: {  	v62 =	vmul.f32 v27, v58;
	v22 =	vadd.f32 v29, v22;
	v28 =	vmul.f32 v52, v50  }
0x105: {  	v21 =	vadd.f32 v26, v21;
	v23 =	vadd.f32 v47, v23;
	v29 =	vmul.f32 v56, v54  }
0x106: {  	v26 =	vmul.f32 v53, v50;
	v17 =	vadd.f32 v49, v17;
	v20 =	vadd.f32 v28, v20  }
0x107: {  	v19 =	vadd.f32 v29, v19;
	v28 =	vmul.f32 v59, v58;
	v29 =	vmul.f32 v60, v16  }
0x108: {  	v18 =	vadd.f32 v25, v18;
	v24 =	vadd.f32 v26, v24;
	v16 =	vmul.f32 v61, v16  }
0x109: {  	v22 =	vadd.f32 v28, v22;
	v23 =	vadd.f32 v29, v23  }
0x10a: {  	v21 =	vadd.f32 v62, v21;
	v16 =	vadd.f32 v16, v17  }
0x10b: {  	p1 =	sne.s32 s24, $0xF;
	v17 =	vadd.f32 v19, v20;
	v63 =	vadd.f32 v23, v22  }
.Ltmp2:
0x10c: {  	v18 =	vadd.f32 v18, v24;
	v16 =	vadd.f32 v16, v21;
	(pc) =	sbr.rel @p1 .LBB2_3-.Ltmp2, $4  }
0x10d: {  	v17 =	vadd.f32 v63, v17  }
0x10e: {  	s31 =	sand.u32 $0x1E0, s22;
	v16 =	vadd.f32 v16, v18  }
0x10f: {  	[tilespmem:s31+$0x9000] =	vst v17  }
0x110: {  	s23 =	sadd.s32 $0x40, s23;
	s24 =	sadd.s32 $0x1, s24;
	s22 =	sadd.s32 $0x20, s22;
	[tilespmem:s31+$0x9010] =	vst v16  }
0x111: {  	s22 =	sshll.u32 s19, $0x7  }
0x112: {  	s0 =	rddreg [dreg:$0x1];
	s22 =	sadd.s32 s11, s22  }
0x113: {  	p1 =	seq.s32 s19, $0x3F;
	s23 =	sadd.s32 s0, s22  }
0x114: {  	[hbm4b:s23+s2] =	stream.linear.scatter [tilespmem:s15], [sflag:$0x5], $0x200, $0x38;
	[tilespmem:$0x9400] =	vst v63  }
0x115: {  	s23 =	sadd.s32 @!p1 s21, s12  }
0x116: {  	s23 =	sshrl.u32 @!p1 s23, $0x3  }
0x117: {  	s25 =	simm.s32 @!p1 $0x0;
	s24 =	sadd.s32 @!p1 s5, s23  }
0x118: {  	[tilespmem:s25], [sflag:$0x1] =	stream.linear.gather @!p1 [hbm4b:s24+s25], $0x400, $0x38;
	[tilespmem:$0x9400] =	vst v63  }
0x119: {  	s23 =	sadd.s32 @!p1 s6, s23;
	s24 =	simm.s32 @!p1 $0x800  }
0x11a: {  	[tilespmem:s24], [sflag:$0x1] =	stream.linear.gather @!p1 [hbm4b:s23+s25], $0x400, $0x38;
	[tilespmem:$0x9400] =	vst v63  }
0x11b: {  	s23 =	simm.s32 @!p1 $0x1  }
0x11c: {  	_ =	swait.ge @!p1 [sflag:s23], $0x400  }
0x11d: {  	[sflag:s23] =	ssyncset.done @!p1 $0x0  }
0x11e: {  	[sflag:s23] =	ssyncadd.s32 @!p1 $0xFFFFFC00  }
0x11f: {  	_ =	swait.ge @!p1 [sflag:s23], $0x400  }
0x120: {  	[sflag:s23] =	ssyncset.done @!p1 $0x0  }
0x121: {  	s24 =	simm.s32 @!p1 $0x1000;
	[sflag:s23] =	ssyncadd.s32 @!p1 $0xFFFFFC00;
	s23 =	simm.s32 @!p1 $0x80  }
0x122: {  	[tilespmem:s24], [sflag:$0x3] =	stream.indirect.gather @!p1 [hbm4b:s4+s23], $0x10, s25, s23, $0xb8;
	[tilespmem:$0x9400] =	vst v63  }
0x123: {  	s24 =	simm.s32 @!p1 $0x1800  }
0x124: {  	[tilespmem:s24], [sflag:$0x3] =	stream.indirect.gather @!p1 [hbm4b:s4+s23], $0x10, s23, s23, $0xb8;
	[tilespmem:$0x9400] =	vst v63  }
0x125: {  	s25 =	simm.s32 @!p1 $0x2000;
	s24 =	simm.s32 @!p1 $0x100  }
0x126: {  	[tilespmem:s25], [sflag:$0x3] =	stream.indirect.gather @!p1 [hbm4b:s4+s23], $0x10, s24, s23, $0xb8;
	[tilespmem:$0x9400] =	vst v63  }
0x127: {  	s24 =	simm.s32 @!p1 $0x180;
	s25 =	simm.s32 @!p1 $0x2800  }
0x128: {  	[tilespmem:s25], [sflag:$0x3] =	stream.indirect.gather @!p1 [hbm4b:s4+s23], $0x10, s24, s23, $0xb8;
	[tilespmem:$0x9400] =	vst v63  }
0x129: {  	s24 =	simm.s32 @!p1 $0x200;
	s25 =	simm.s32 @!p1 $0x3000  }
0x12a: {  	[tilespmem:s25], [sflag:$0x3] =	stream.indirect.gather @!p1 [hbm4b:s4+s23], $0x10, s24, s23, $0xb8;
	[tilespmem:$0x9400] =	vst v63  }
0x12b: {  	s24 =	simm.s32 @!p1 $0x280;
	s25 =	simm.s32 @!p1 $0x3800  }
0x12c: {  	[tilespmem:s25], [sflag:$0x3] =	stream.indirect.gather @!p1 [hbm4b:s4+s23], $0x10, s24, s23, $0xb8;
	[tilespmem:$0x9400] =	vst v63  }
0x12d: {  	s24 =	simm.s32 @!p1 $0x300;
	s25 =	simm.s32 @!p1 $0x4000  }
0x12e: {  	[tilespmem:s25], [sflag:$0x3] =	stream.indirect.gather @!p1 [hbm4b:s4+s23], $0x10, s24, s23, $0xb8;
	[tilespmem:$0x9400] =	vst v63  }
0x12f: {  	s24 =	simm.s32 @!p1 $0x380;
	s25 =	simm.s32 @!p1 $0x4800  }
0x130: {  	[tilespmem:s25], [sflag:$0x3] =	stream.indirect.gather @!p1 [hbm4b:s4+s23], $0x10, s24, s23, $0xb8;
	[tilespmem:$0x9400] =	vst v63  }
0x131: {  	_ =	swait.ge [sflag:s17], $0x800  }
0x132: {  	[sflag:s17] =	ssyncset.done $0x0  }
0x133: {  	[sflag:s17] =	ssyncadd.s32 $0xFFFFF800  }
0x134: {  	_ =	swait.ge [sflag:s17], $0x800  }
0x135: {  	[sflag:s17] =	ssyncset.done $0x0  }
0x136: {  	[sflag:s17] =	ssyncadd.s32 $0xFFFFF800  }
0x137: {  	_ =	swait.ge [sflag:s17], $0x800  }
0x138: {  	[sflag:s17] =	ssyncset.done $0x0  }
0x139: {  	[sflag:s17] =	ssyncadd.s32 $0xFFFFF800  }
0x13a: {  	_ =	swait.ge [sflag:s17], $0x800  }
0x13b: {  	[sflag:s17] =	ssyncset.done $0x0  }
0x13c: {  	[sflag:s17] =	ssyncadd.s32 $0xFFFFF800  }
0x13d: {  	_ =	swait.ge [sflag:s17], $0x800  }
0x13e: {  	[sflag:s17] =	ssyncset.done $0x0  }
0x13f: {  	[sflag:s17] =	ssyncadd.s32 $0xFFFFF800  }
0x140: {  	_ =	swait.ge [sflag:s17], $0x800  }
0x141: {  	[sflag:s17] =	ssyncset.done $0x0  }
0x142: {  	[sflag:s17] =	ssyncadd.s32 $0xFFFFF800  }
0x143: {  	_ =	swait.ge [sflag:s17], $0x800  }
0x144: {  	[sflag:s17] =	ssyncset.done $0x0  }
0x145: {  	[sflag:s17] =	ssyncadd.s32 $0xFFFFF800  }
0x146: {  	_ =	swait.ge [sflag:s17], $0x800  }
0x147: {  	[sflag:s17] =	ssyncset.done $0x0  }
0x148: {  	s23 =	simm.s32 @!p0 $0x6;
	[sflag:s17] =	ssyncadd.s32 $0xFFFFF800  }
0x149: {  	_ =	swait.ge @!p0 [sflag:s23], $0x200  }
0x14a: {  	s24 =	simm.s32 $0x0;
	[sflag:s23] =	ssyncset.done @!p0 $0x0  }
0x14b: {  	s25 =	simm.s32 $0x0;
	[sflag:s23] =	ssyncadd.s32 @!p0 $0xFFFFFE00;
	s23 =	simm.s32 $0x0  }
.LBB2_5:
0x14c: {  	s26 =	sshll.u32 s25, $0x6  }
0x14d: {  	s28 =	sshll.u32 s25, $0xA;
	s26 =	sand.u32 $0x3FFFFF80, s26  }
0x14e: {  	s30 =	sand.u32 $0x40, s24;
	s28 =	sand.u32 $0x3FFFF800, s28;
	s29 =	sadd.s32 $0xC00, s26  }
0x14f: {  	s0 =	sshll.u32 s30, $0x4;
	s28 =	sadd.s32 $0x5000, s28;
	s31 =	sor.u32 s30, s29  }
0x150: {  	s26 =	sor.u32 s0, s28;
	v17 =	vld [tilespmem:s31+$0x0]  }
0x151: {  	v16 =	vld [tilespmem:s26+$0x0]  }
0x152: {  	v18 =	vld [tilespmem:s26+$0x10]  }
0x153: {  	v21 =	vld [tilespmem:s26+$0x20]  }
0x154: {  	v24 =	vld [tilespmem:s26+$0x30]  }
0x155: {  	v25 =	vld [tilespmem:s26+$0x40]  }
0x156: {  	v43 =	vld [tilespmem:s26+$0x50];
	v19 =	vperm.xlane v17, v0;
	v20 =	vshll.u32 v16, $0x10;
	v16 =	vand.u32 $0xFFFF0000, v16  }
0x157: {  	v29 =	vld [tilespmem:s26+$0x60];
	v22 =	vperm.xlane v17, v1;
	v41 =	vshll.u32 v18, $0x10;
	v18 =	vand.u32 $0xFFFF0000, v18  }
0x158: {  	v31 =	vld [tilespmem:s26+$0x70];
	v23 =	vperm.xlane v17, v2;
	v42 =	vshll.u32 v21, $0x10;
	v21 =	vand.u32 $0xFFFF0000, v21  }
0x159: {  	v51 =	vld [tilespmem:s26+$0x80];
	v26 =	vperm.xlane v17, v3;
	v27 =	vshll.u32 v24, $0x10;
	v24 =	vand.u32 $0xFFFF0000, v24  }
0x15a: {  	v28 =	vperm.xlane v17, v4;
	v44 =	vshll.u32 v25, $0x10;
	v25 =	vand.u32 $0xFFFF0000, v25  }
0x15b: {  	v30 =	vperm.xlane v17, v5;
	v45 =	vshll.u32 v43, $0x10;
	v47 =	vperm.xlane v17, v6  }
0x15c: {  	v32 =	vld [tilespmem:s26+$0x90];
	v48 =	vshll.u32 v29, $0x10;
	v49 =	vand.u32 $0xFFFF0000, v29;
	v50 =	vperm.xlane v17, v7  }
0x15d: {  	v52 =	vshll.u32 v31, $0x10;
	v56 =	vperm.xlane v17, v8;
	v59 =	vperm.xlane v17, v9  }
0x15e: {  	v55 =	vld [tilespmem:s26+$0xA0];
	v57 =	vshll.u32 v51, $0x10;
	v63 =	vperm.xlane v17, v10;
	v37 =	vperm.xlane v17, v11  }
0x15f: {  	v61 =	vld [tilespmem:s26+$0xB0];
	v58 =	vand.u32 $0xFFFF0000, v51;
	v40 =	vperm.xlane v17, v12;
	v51 =	vperm.xlane v17, v14  }
0x160: {  	v31 =	vand.u32 $0xFFFF0000, v31;
	v20 =	vmul.f32 v20, v19;
	v16 =	vmul.f32 v16, v19  }
0x161: {  	v60 =	vshll.u32 v32, $0x10;
	v19 =	vmul.f32 v41, v22;
	v18 =	vmul.f32 v18, v22  }
0x162: {  	v62 =	vand.u32 $0xFFFF0000, v32;
	v22 =	vmul.f32 v42, v23;
	v21 =	vmul.f32 v21, v23  }
0x163: {  	v35 =	vld [tilespmem:s26+$0xC0];
	v34 =	vshll.u32 v55, $0x10;
	v27 =	vmul.f32 v27, v26;
	v24 =	vmul.f32 v24, v26  }
0x164: {  	v38 =	vshll.u32 v61, $0x10;
	v26 =	vmul.f32 v44, v28;
	v25 =	vmul.f32 v25, v28  }
0x165: {  	v39 =	vand.u32 $0xFFFF0000, v61;
	v46 =	vmul.f32 v45, v30;
	v53 =	vmul.f32 v52, v50  }
0x166: {  	v23 =	vand.u32 $0xFFFF0000, v43;
	v54 =	vmul.f32 v31, v50;
	v28 =	vmul.f32 v60, v59  }
0x167: {  	v33 =	vmul.f32 v62, v59;
	v36 =	vmul.f32 v34, v63;
	v20 =	vadd.f32 $0.0e+00, v20  }
0x168: {  	v42 =	vshll.u32 v35, $0x10;
	v16 =	vadd.f32 $0.0e+00, v16;
	v19 =	vadd.f32 $0.0e+00, v19  }
0x169: {  	v31 =	vand.u32 $0xFFFF0000, v35;
	v18 =	vadd.f32 $0.0e+00, v18;
	v22 =	vadd.f32 $0.0e+00, v22  }
0x16a: {  	v41 =	vld [tilespmem:s26+$0xD0];
	v23 =	vmul.f32 v23, v30;
	v21 =	vadd.f32 $0.0e+00, v21;
	v27 =	vadd.f32 $0.0e+00, v27  }
0x16b: {  	v43 =	vld [tilespmem:s26+$0xE0];
	v44 =	vmul.f32 v42, v40;
	v24 =	vadd.f32 $0.0e+00, v24;
	v20 =	vadd.f32 v26, v20  }
0x16c: {  	v62 =	vld [tilespmem:s26+$0x120];
	v45 =	vmul.f32 v31, v40;
	v16 =	vadd.f32 v25, v16;
	v19 =	vadd.f32 v46, v19  }
0x16d: {  	v26 =	vmul.f32 v48, v47;
	v25 =	vmul.f32 v49, v47;
	v18 =	vadd.f32 v23, v18  }
0x16e: {  	v23 =	vadd.f32 v53, v27;
	v24 =	vadd.f32 v54, v24;
	v27 =	vmul.f32 v57, v56  }
0x16f: {  	v48 =	vperm.xlane v17, v13;
	v17 =	vperm.xlane v17, v15;
	v49 =	vshll.u32 v41, $0x10  }
0x170: {  	v50 =	vand.u32 $0xFFFF0000, v41;
	v52 =	vshll.u32 v43, $0x10;
	v32 =	vand.u32 $0xFFFF0000, v43  }
0x171: {  	s31 =	sor.u32 $0x10, s30;
	v42 =	vshll.u32 v62, $0x10;
	v43 =	vand.u32 $0xFFFF0000, v62;
	v22 =	vadd.f32 v26, v22  }
0x172: {  	s0 =	sor.u32 s31, s29;
	s31 =	sshll.u32 s31, $0x4;
	v40 =	vld [tilespmem:s26+$0x140];
	v21 =	vadd.f32 v25, v21;
	v26 =	vmul.f32 v58, v56;
	v20 =	vadd.f32 v27, v20  }
0x173: {  	s31 =	sor.u32 s31, s28;
	v46 =	vld [tilespmem:s26+$0xF0];
	v19 =	vadd.f32 v28, v19;
	v18 =	vadd.f32 v33, v18;
	v27 =	vmul.f32 v39, v37  }
0x174: {  	v53 =	vld [tilespmem:s31+$0x0];
	v25 =	vand.u32 $0xFFFF0000, v55;
	v28 =	vmul.f32 v49, v48;
	v29 =	vmul.f32 v52, v51  }
0x175: {  	v54 =	vmul.f32 v32, v51;
	v25 =	vmul.f32 v25, v63;
	v16 =	vadd.f32 v26, v16  }
0x176: {  	v56 =	vld [tilespmem:s26+$0x110];
	v22 =	vadd.f32 v36, v22;
	v26 =	vmul.f32 v38, v37;
	v24 =	vadd.f32 v27, v24  }
0x177: {  	v20 =	vadd.f32 v44, v20;
	v27 =	vmul.f32 v50, v48;
	v47 =	vadd.f32 v45, v16;
	v16 =	vld [tilespmem:s0+$0x0]  }
0x178: {  	v19 =	vadd.f32 v28, v19;
	v50 =	vshll.u32 v40, $0x10;
	v21 =	vadd.f32 v25, v21  }
0x179: {  	v55 =	vshll.u32 v46, $0x10;
	v59 =	vshll.u32 v53, $0x10;
	v60 =	vand.u32 $0xFFFF0000, v53  }
0x17a: {  	v23 =	vadd.f32 v26, v23;
	v18 =	vadd.f32 v27, v18;
	v26 =	vand.u32 $0xFFFF0000, v46;
	v46 =	vld [tilespmem:s26+$0x150]  }
0x17b: {  	v22 =	vadd.f32 v29, v22;
	v57 =	vmul.f32 v55, v17;
	v21 =	vadd.f32 v54, v21  }
0x17c: {  	v51 =	vld [tilespmem:s26+$0x160];
	v17 =	vmul.f32 v26, v17;
	v63 =	vshll.u32 v56, $0x10;
	v58 =	vperm.xlane v16, v0  }
0x17d: {  	v36 =	vand.u32 $0xFFFF0000, v56;
	v61 =	vperm.xlane v16, v1;
	v41 =	vperm.xlane v16, v2  }
0x17e: {  	v37 =	vld [tilespmem:s26+$0x130];
	v23 =	vadd.f32 v57, v23;
	v44 =	vperm.xlane v16, v3;
	v48 =	vperm.xlane v16, v4  }
0x17f: {  	v53 =	vperm.xlane v16, v5;
	v55 =	vshll.u32 v46, $0x10;
	v57 =	vperm.xlane v16, v6  }
0x180: {  	v56 =	vand.u32 $0xFFFF0000, v46;
	v34 =	vperm.xlane v16, v7;
	v46 =	vperm.xlane v16, v10  }
0x181: {  	v31 =	vand.u32 $0xFFFF0000, v51;
	v33 =	vperm.xlane v16, v14;
	v26 =	vmul.f32 v59, v58  }
0x182: {  	v17 =	vadd.f32 v17, v24;
	v27 =	vmul.f32 v60, v58;
	v38 =	vmul.f32 v63, v61  }
0x183: {  	v45 =	vshll.u32 v37, $0x10;
	v39 =	vmul.f32 v36, v61;
	v24 =	vmul.f32 v43, v41  }
0x184: {  	v28 =	vmul.f32 v45, v44;
	v52 =	vmul.f32 v50, v48;
	v59 =	vshll.u32 v51, $0x10  }
0x185: {  	v62 =	vmul.f32 v31, v57;
	v50 =	vperm.xlane v16, v11;
	v20 =	vadd.f32 v26, v20  }
0x186: {  	v61 =	vmul.f32 v59, v57;
	v25 =	vadd.f32 v27, v47;
	v19 =	vadd.f32 v38, v19  }
0x187: {  	v58 =	vld [tilespmem:s26+$0x170];
	v18 =	vadd.f32 v39, v18;
	v27 =	vmul.f32 v42, v41;
	v47 =	vand.u32 $0xFFFF0000, v37  }
0x188: {  	v60 =	vld [tilespmem:s26+$0x180];
	v21 =	vadd.f32 v24, v21;
	v26 =	vand.u32 $0xFFFF0000, v40;
	v37 =	vperm.xlane v16, v8  }
0x189: {  	v63 =	vld [tilespmem:s26+$0x190];
	v23 =	vadd.f32 v28, v23;
	v49 =	vmul.f32 v47, v44;
	v54 =	vmul.f32 v26, v48  }
0x18a: {  	v51 =	vld [tilespmem:s26+$0x1C0];
	v26 =	vmul.f32 v55, v53;
	v22 =	vadd.f32 v27, v22;
	v20 =	vadd.f32 v52, v20  }
0x18b: {  	v41 =	vperm.xlane v16, v9;
	v21 =	vadd.f32 v62, v21;
	v17 =	vadd.f32 v49, v17  }
0x18c: {  	v27 =	vmul.f32 v56, v53;
	v24 =	vadd.f32 v54, v25;
	v19 =	vadd.f32 v26, v19  }
0x18d: {  	v35 =	vshll.u32 v58, $0x10;
	v36 =	vand.u32 $0xFFFF0000, v58;
	v38 =	vshll.u32 v60, $0x10  }
0x18e: {  	v39 =	vld [tilespmem:s26+$0x1A0];
	v40 =	vand.u32 $0xFFFF0000, v60;
	v43 =	vshll.u32 v63, $0x10;
	v26 =	vand.u32 $0xFFFF0000, v63  }
0x18f: {  	v58 =	vshll.u32 v51, $0x10;
	v59 =	vand.u32 $0xFFFF0000, v51;
	v60 =	vperm.xlane v16, v13  }
0x190: {  	v44 =	vld [tilespmem:s26+$0x1B0];
	v18 =	vadd.f32 v27, v18;
	v27 =	vmul.f32 v35, v34;
	v25 =	vmul.f32 v36, v34  }
0x191: {  	v53 =	vld [tilespmem:s26+$0x1D0];
	v22 =	vadd.f32 v61, v22;
	v28 =	vmul.f32 v38, v37;
	v42 =	vmul.f32 v40, v37  }
0x192: {  	v56 =	vld [tilespmem:s26+$0x1E0];
	v45 =	vmul.f32 v43, v41;
	v47 =	vmul.f32 v26, v41;
	v23 =	vadd.f32 v27, v23  }
0x193: {  	v48 =	vshll.u32 v39, $0x10;
	v17 =	vadd.f32 v25, v17;
	v20 =	vadd.f32 v28, v20  }
0x194: {  	v49 =	vand.u32 $0xFFFF0000, v39;
	v24 =	vadd.f32 v42, v24;
	v19 =	vadd.f32 v45, v19  }
0x195: {  	s0 =	sor.u32 $0x20, s30;
	v26 =	vmul.f32 v48, v46;
	v27 =	vmul.f32 v49, v46;
	v52 =	vshll.u32 v44, $0x10  }
0x196: {  	s31 =	sor.u32 s0, s29;
	s0 =	sshll.u32 s0, $0x4;
	v31 =	vand.u32 $0xFFFF0000, v44;
	v18 =	vadd.f32 v47, v18;
	v54 =	vmul.f32 v52, v50  }
0x197: {  	s0 =	sor.u32 s0, s28;
	v61 =	vld [tilespmem:s26+$0x1F0];
	v55 =	vmul.f32 v31, v50;
	v62 =	vand.u32 $0xFFFF0000, v53;
	v35 =	vshll.u32 v56, $0x10  }
0x198: {  	v36 =	vld [tilespmem:s0+$0x0];
	v22 =	vadd.f32 v26, v22;
	v21 =	vadd.f32 v27, v21;
	v34 =	vmul.f32 v62, v60  }
0x199: {  	v41 =	vld [tilespmem:s26+$0x210];
	v37 =	vmul.f32 v35, v33;
	v57 =	vadd.f32 v55, v17;
	v17 =	vperm.xlane v16, v12  }
0x19a: {  	v43 =	vld [tilespmem:s26+$0x220];
	v26 =	vand.u32 $0xFFFF0000, v56;
	v23 =	vadd.f32 v54, v23;
	v16 =	vperm.xlane v16, v15  }
0x19b: {  	v46 =	vld [tilespmem:s26+$0x230];
	v27 =	vmul.f32 v58, v17;
	v28 =	vmul.f32 v59, v17;
	v17 =	vshll.u32 v53, $0x10  }
0x19c: {  	v26 =	vmul.f32 v26, v33;
	v38 =	vshll.u32 v61, $0x10;
	v63 =	vmul.f32 v17, v60;
	v17 =	vld [tilespmem:s31+$0x0]  }
0x19d: {  	v39 =	vand.u32 $0xFFFF0000, v61;
	v42 =	vshll.u32 v36, $0x10;
	v31 =	vand.u32 $0xFFFF0000, v36  }
0x19e: {  	v52 =	vld [tilespmem:s26+$0x240];
	v48 =	vshll.u32 v41, $0x10;
	v49 =	vand.u32 $0xFFFF0000, v41;
	v18 =	vadd.f32 v34, v18  }
0x19f: {  	v51 =	vshll.u32 v43, $0x10;
	v22 =	vadd.f32 v37, v22;
	v21 =	vadd.f32 v26, v21  }
0x1a0: {  	v53 =	vand.u32 $0xFFFF0000, v43;
	v20 =	vadd.f32 v27, v20;
	v27 =	vmul.f32 v38, v16  }
0x1a1: {  	v56 =	vshll.u32 v46, $0x10;
	v16 =	vmul.f32 v39, v16;
	v40 =	vperm.xlane v17, v0  }
0x1a2: {  	v25 =	vand.u32 $0xFFFF0000, v46;
	v47 =	vperm.xlane v17, v1;
	v50 =	vperm.xlane v17, v2  }
0x1a3: {  	v37 =	vld [tilespmem:s26+$0x270];
	v60 =	vshll.u32 v52, $0x10;
	v54 =	vperm.xlane v17, v3;
	v59 =	vperm.xlane v17, v4  }
0x1a4: {  	v19 =	vadd.f32 v63, v19;
	v63 =	vld [tilespmem:s26+$0x260];
	v62 =	vperm.xlane v17, v5;
	v41 =	vperm.xlane v17, v6  }
0x1a5: {  	v46 =	vld [tilespmem:s26+$0x290];
	v23 =	vadd.f32 v27, v23;
	v34 =	vperm.xlane v17, v11;
	v44 =	vmul.f32 v42, v40  }
0x1a6: {  	v16 =	vadd.f32 v16, v57;
	v57 =	vld [tilespmem:s26+$0x250];
	v45 =	vmul.f32 v31, v40;
	v27 =	vmul.f32 v48, v47  }
0x1a7: {  	v24 =	vadd.f32 v28, v24;
	v26 =	vmul.f32 v49, v47;
	v28 =	vmul.f32 v51, v50  }
0x1a8: {  	v61 =	vand.u32 $0xFFFF0000, v52;
	v55 =	vmul.f32 v53, v50;
	v58 =	vmul.f32 v56, v54  }
0x1a9: {  	v25 =	vmul.f32 v25, v54;
	v42 =	vshll.u32 v63, $0x10;
	v43 =	vand.u32 $0xFFFF0000, v63  }
0x1aa: {  	v47 =	vand.u32 $0xFFFF0000, v37;
	v48 =	vperm.xlane v17, v8;
	v53 =	vperm.xlane v17, v9  }
0x1ab: {  	v56 =	vand.u32 $0xFFFF0000, v46;
	v36 =	vshll.u32 v57, $0x10;
	v20 =	vadd.f32 v44, v20  }
0x1ac: {  	v31 =	vand.u32 $0xFFFF0000, v57;
	v24 =	vadd.f32 v45, v24;
	v19 =	vadd.f32 v27, v19  }
0x1ad: {  	v57 =	vperm.xlane v17, v10;
	v18 =	vadd.f32 v26, v18;
	v22 =	vadd.f32 v28, v22  }
0x1ae: {  	v21 =	vadd.f32 v55, v21;
	v26 =	vmul.f32 v60, v59;
	v27 =	vmul.f32 v61, v59  }
0x1af: {  	v23 =	vadd.f32 v58, v23;
	v38 =	vmul.f32 v36, v62;
	v39 =	vmul.f32 v31, v62  }
0x1b0: {  	v40 =	vld [tilespmem:s26+$0x280];
	v16 =	vadd.f32 v25, v16;
	v44 =	vperm.xlane v17, v7;
	v25 =	vmul.f32 v43, v41  }
0x1b1: {  	v51 =	vld [tilespmem:s26+$0x2A0];
	v45 =	vshll.u32 v37, $0x10;
	v55 =	vshll.u32 v46, $0x10;
	v20 =	vadd.f32 v26, v20  }
0x1b2: {  	v63 =	vld [tilespmem:s26+$0x2D0];
	v37 =	vperm.xlane v17, v12;
	v24 =	vadd.f32 v27, v24;
	v19 =	vadd.f32 v38, v19  }
0x1b3: {  	v18 =	vadd.f32 v39, v18;
	v27 =	vmul.f32 v42, v41;
	v28 =	vmul.f32 v45, v44  }
0x1b4: {  	v49 =	vmul.f32 v47, v44;
	v21 =	vadd.f32 v25, v21;
	v41 =	vperm.xlane v17, v13  }
0x1b5: {  	v58 =	vld [tilespmem:s26+$0x2B0];
	v45 =	vperm.xlane v17, v14;
	v17 =	vperm.xlane v17, v15;
	v50 =	vshll.u32 v40, $0x10  }
0x1b6: {  	v60 =	vld [tilespmem:s26+$0x2C0];
	v26 =	vand.u32 $0xFFFF0000, v40;
	v59 =	vshll.u32 v51, $0x10;
	v31 =	vand.u32 $0xFFFF0000, v51  }
0x1b7: {  	v43 =	vshll.u32 v63, $0x10;
	v22 =	vadd.f32 v27, v22;
	v52 =	vmul.f32 v50, v48  }
0x1b8: {  	v23 =	vadd.f32 v28, v23;
	v54 =	vmul.f32 v26, v48;
	v26 =	vmul.f32 v55, v53  }
0x1b9: {  	v16 =	vadd.f32 v49, v16;
	v27 =	vmul.f32 v56, v53;
	v61 =	vmul.f32 v59, v57  }
0x1ba: {  	v39 =	vld [tilespmem:s26+$0x2E0];
	v62 =	vmul.f32 v31, v57;
	v35 =	vshll.u32 v58, $0x10;
	v36 =	vand.u32 $0xFFFF0000, v58  }
0x1bb: {  	v38 =	vshll.u32 v60, $0x10;
	v20 =	vadd.f32 v52, v20;
	v24 =	vadd.f32 v54, v24  }
0x1bc: {  	s30 =	sor.u32 $0x30, s30;
	v44 =	vld [tilespmem:s26+$0x2F0];
	v40 =	vand.u32 $0xFFFF0000, v60;
	v19 =	vadd.f32 v26, v19;
	v18 =	vadd.f32 v27, v18  }
0x1bd: {  	s0 =	sshll.u32 s30, $0x4;
	v22 =	vadd.f32 v61, v22;
	v21 =	vadd.f32 v62, v21;
	v27 =	vmul.f32 v35, v34  }
0x1be: {  	s0 =	sor.u32 s0, s28;
	v25 =	vmul.f32 v36, v34;
	v28 =	vmul.f32 v38, v37;
	v26 =	vand.u32 $0xFFFF0000, v63  }
0x1bf: {  	v48 =	vld [tilespmem:s0+$0x0];
	v42 =	vmul.f32 v40, v37;
	v26 =	vmul.f32 v26, v41;
	v46 =	vshll.u32 v39, $0x10  }
0x1c0: {  	v50 =	vld [tilespmem:s26+$0x310];
	v47 =	vand.u32 $0xFFFF0000, v39;
	v25 =	vadd.f32 v25, v16;
	v16 =	vmul.f32 v43, v41  }
0x1c1: {  	s29 =	sor.u32 s30, s29;
	v58 =	vld [tilespmem:s26+$0x330];
	v49 =	vshll.u32 v44, $0x10;
	v31 =	vand.u32 $0xFFFF0000, v44;
	v23 =	vadd.f32 v27, v23  }
0x1c2: {  	v20 =	vadd.f32 v28, v20;
	v28 =	vmul.f32 v46, v45;
	v19 =	vadd.f32 v16, v19;
	v16 =	vld [tilespmem:s29+$0x0]  }
0x1c3: {  	v24 =	vadd.f32 v42, v24;
	v27 =	vmul.f32 v47, v45;
	v51 =	vmul.f32 v49, v17  }
0x1c4: {  	v52 =	vld [tilespmem:s26+$0x320];
	v17 =	vmul.f32 v31, v17;
	v18 =	vadd.f32 v26, v18;
	v54 =	vshll.u32 v48, $0x10  }
0x1c5: {  	v63 =	vld [tilespmem:s26+$0x340];
	v55 =	vand.u32 $0xFFFF0000, v48;
	v57 =	vshll.u32 v50, $0x10;
	v22 =	vadd.f32 v28, v22  }
0x1c6: {  	v59 =	vand.u32 $0xFFFF0000, v50;
	v21 =	vadd.f32 v27, v21;
	v23 =	vadd.f32 v51, v23  }
0x1c7: {  	v17 =	vadd.f32 v17, v25;
	v37 =	vshll.u32 v58, $0x10;
	v53 =	vperm.xlane v16, v0  }
0x1c8: {  	v40 =	vld [tilespmem:s26+$0x350];
	v38 =	vand.u32 $0xFFFF0000, v58;
	v56 =	vperm.xlane v16, v1;
	v60 =	vperm.xlane v16, v2  }
0x1c9: {  	v62 =	vshll.u32 v52, $0x10;
	v35 =	vperm.xlane v16, v3;
	v39 =	vperm.xlane v16, v4  }
0x1ca: {  	v42 =	vld [tilespmem:s26+$0x360];
	v41 =	vshll.u32 v63, $0x10;
	v46 =	vperm.xlane v16, v5;
	v49 =	vperm.xlane v16, v6  }
0x1cb: {  	v45 =	vld [tilespmem:s26+$0x370];
	v31 =	vand.u32 $0xFFFF0000, v63;
	v58 =	vperm.xlane v16, v8;
	v63 =	vperm.xlane v16, v9  }
0x1cc: {  	v51 =	vld [tilespmem:s26+$0x380];
	v34 =	vand.u32 $0xFFFF0000, v52;
	v26 =	vmul.f32 v54, v53;
	v25 =	vmul.f32 v55, v53  }
0x1cd: {  	v47 =	vshll.u32 v40, $0x10;
	v28 =	vmul.f32 v57, v56;
	v61 =	vmul.f32 v59, v56  }
0x1ce: {  	v48 =	vand.u32 $0xFFFF0000, v40;
	v33 =	vmul.f32 v62, v60;
	v36 =	vmul.f32 v34, v60  }
0x1cf: {  	v50 =	vshll.u32 v42, $0x10;
	v27 =	vmul.f32 v38, v35;
	v43 =	vmul.f32 v41, v39  }
0x1d0: {  	v52 =	vand.u32 $0xFFFF0000, v42;
	v44 =	vmul.f32 v31, v39;
	v53 =	vperm.xlane v16, v7  }
0x1d1: {  	v54 =	vmul.f32 v52, v49;
	v55 =	vshll.u32 v45, $0x10;
	v60 =	vshll.u32 v51, $0x10  }
0x1d2: {  	v62 =	vand.u32 $0xFFFF0000, v51;
	v20 =	vadd.f32 v26, v20;
	v24 =	vadd.f32 v25, v24  }
0x1d3: {  	v41 =	vperm.xlane v16, v10;
	v19 =	vadd.f32 v28, v19;
	v18 =	vadd.f32 v61, v18  }
0x1d4: {  	v22 =	vadd.f32 v33, v22;
	v26 =	vmul.f32 v37, v35;
	v21 =	vadd.f32 v36, v21  }
0x1d5: {  	v17 =	vadd.f32 v27, v17;
	v27 =	vmul.f32 v47, v46;
	v25 =	vmul.f32 v48, v46  }
0x1d6: {  	v56 =	vld [tilespmem:s26+$0x390];
	v28 =	vmul.f32 v50, v49;
	v57 =	vmul.f32 v55, v53;
	v23 =	vadd.f32 v26, v23  }
0x1d7: {  	v37 =	vmul.f32 v62, v58;
	v20 =	vadd.f32 v43, v20;
	v24 =	vadd.f32 v44, v24  }
0x1d8: {  	v51 =	vld [tilespmem:s26+$0x3E0];
	v50 =	vperm.xlane v16, v12;
	v19 =	vadd.f32 v27, v19;
	v18 =	vadd.f32 v25, v18  }
0x1d9: {  	v61 =	vld [tilespmem:s26+$0x3A0];
	v22 =	vadd.f32 v28, v22;
	v26 =	vand.u32 $0xFFFF0000, v45;
	v43 =	vperm.xlane v16, v11  }
0x1da: {  	v36 =	vld [tilespmem:s26+$0x3B0];
	v21 =	vadd.f32 v54, v21;
	v54 =	vperm.xlane v16, v13;
	v59 =	vmul.f32 v26, v53  }
0x1db: {  	v46 =	vld [tilespmem:s26+$0x3D0];
	v26 =	vmul.f32 v60, v58;
	v38 =	vshll.u32 v56, $0x10;
	v39 =	vand.u32 $0xFFFF0000, v56  }
0x1dc: {  	v55 =	vld [tilespmem:s26+$0x3F0];
	v58 =	vperm.xlane v16, v14;
	v16 =	vperm.xlane v16, v15;
	v23 =	vadd.f32 v57, v23  }
0x1dd: {  	v27 =	vmul.f32 v38, v63;
	v24 =	vadd.f32 v37, v24;
	v40 =	vmul.f32 v39, v63  }
0x1de: {  	v17 =	vadd.f32 v59, v17;
	v20 =	vadd.f32 v26, v20;
	v42 =	vshll.u32 v61, $0x10  }
0x1df: {  	v44 =	vld [tilespmem:s26+$0x3C0];
	v28 =	vand.u32 $0xFFFF0000, v61;
	v45 =	vshll.u32 v36, $0x10;
	v48 =	vand.u32 $0xFFFF0000, v36  }
0x1e0: {  	v56 =	vshll.u32 v46, $0x10;
	v57 =	vand.u32 $0xFFFF0000, v46;
	v59 =	vshll.u32 v51, $0x10  }
0x1e1: {  	v60 =	vshll.u32 v55, $0x10;
	v61 =	vand.u32 $0xFFFF0000, v55;
	v29 =	vmul.f32 v42, v41  }
0x1e2: {  	v26 =	vmul.f32 v28, v41;
	v19 =	vadd.f32 v27, v19;
	v47 =	vmul.f32 v45, v43  }
0x1e3: {  	v18 =	vadd.f32 v40, v18;
	v49 =	vmul.f32 v48, v43;
	v25 =	vmul.f32 v57, v54  }
0x1e4: {  	v27 =	vand.u32 $0xFFFF0000, v51;
	v52 =	vshll.u32 v44, $0x10;
	v53 =	vand.u32 $0xFFFF0000, v44  }
0x1e5: {  	v62 =	vmul.f32 v27, v58;
	v22 =	vadd.f32 v29, v22;
	v28 =	vmul.f32 v52, v50  }
0x1e6: {  	v21 =	vadd.f32 v26, v21;
	v23 =	vadd.f32 v47, v23;
	v29 =	vmul.f32 v56, v54  }
0x1e7: {  	v26 =	vmul.f32 v53, v50;
	v17 =	vadd.f32 v49, v17;
	v20 =	vadd.f32 v28, v20  }
0x1e8: {  	v19 =	vadd.f32 v29, v19;
	v28 =	vmul.f32 v59, v58;
	v29 =	vmul.f32 v60, v16  }
0x1e9: {  	v18 =	vadd.f32 v25, v18;
	v24 =	vadd.f32 v26, v24;
	v16 =	vmul.f32 v61, v16  }
0x1ea: {  	v22 =	vadd.f32 v28, v22;
	v23 =	vadd.f32 v29, v23  }
0x1eb: {  	v21 =	vadd.f32 v62, v21;
	v16 =	vadd.f32 v16, v17  }
0x1ec: {  	p0 =	sne.s32 s25, $0xF;
	v17 =	vadd.f32 v19, v20;
	v63 =	vadd.f32 v23, v22  }
.Ltmp3:
0x1ed: {  	v18 =	vadd.f32 v18, v24;
	v16 =	vadd.f32 v16, v21;
	(pc) =	sbr.rel @p0 .LBB2_5-.Ltmp3, $4  }
0x1ee: {  	v17 =	vadd.f32 v63, v17  }
0x1ef: {  	s31 =	sand.u32 $0x1E0, s23;
	v16 =	vadd.f32 v16, v18  }
0x1f0: {  	[tilespmem:s31+$0x9200] =	vst v17  }
0x1f1: {  	s24 =	sadd.s32 $0x40, s24;
	s25 =	sadd.s32 $0x1, s25;
	s23 =	sadd.s32 $0x20, s23;
	[tilespmem:s31+$0x9210] =	vst v16  }
.Ltmp4:
0x1f2: {  	(pc) =	sbr.rel @p1 .LBB2_8-.Ltmp4, $3  }
0x1f3: {  	_ =	sdelay $0x1  }
0x1f4: {  	s0 =	sadd.s32 s22, s13  }
0x1f5: {  	[hbm4b:s0+s2] =	stream.linear.scatter [tilespmem:s1], [sflag:$0x6], $0x200, $0x38;
	[tilespmem:$0x9400] =	vst v63  }
0x1f6: {  	s0 =	sadd.s32 s21, s14  }
.Ltmp5:
0x1f7: {  	s0 =	sshrl.u32 s0, $0x3;
	(pc) =	sbr.rel .LBB2_2-.Ltmp5, $4  }
0x1f8: {  	s30 =	sadd.s32 s5, s0  }
0x1f9: {  	[tilespmem:s16], [sflag:$0x2] =	stream.linear.gather [hbm4b:s30+s2], $0x400, $0x38;
	[tilespmem:$0x9400] =	vst v63  }
0x1fa: {  	s31 =	simm.s32 $0xC00;
	s19 =	sadd.s32 $0x1, s19;
	s0 =	sadd.s32 s6, s0  }
0x1fb: {  	[tilespmem:s31], [sflag:$0x2] =	stream.linear.gather [hbm4b:s0+s2], $0x400, $0x38;
	[tilespmem:$0x9400] =	vst v63  }
.LBB2_9:
0x1fc: {  	_ =	sfence.sel $0x180000  }
0x1fd: {  	[bflag:$0x0] =	sbarrier.arrive $0xFFFF  }
0x1fe: {  	_ =	strace $0x90000047  }
0x1ff: {  	s0 =	stileid.u32;
	[bflag:$0x2] =	sbarrier.arrive $0xFFFF  }
0x200: {  	p0 =	sne.s32 s0, $0x0;
	s0 =	rddreg [dreg:$0x2]  }
0x201: {  	s0 =	sadd.s32 @!p0 $0x100000, s0  }
0x202: {  	[sflag:s0] =	ssyncadd.tile.s32 @!p0 $0x1;
	_ =	shalt  }
.Lfunc_end2:
_tile_overlayer_lowered:
.L_overlay_start_2:
0x203: {  	(tag) =	ssettag $0x2  }
0x204: {  	s0 =	rddreg [dreg:$0x0];
	s2 =	stileid.u32  }
0x205: {  	s1 =	rddreg [dreg:$0x1];
	p0 =	sne.s32 s2, $0x0  }
0x206: {  	s3 =	rddreg [dreg:$0x2];
	[bflag:$0x3] =	sbarrier.arrive $0xFFFF;
	s2 =	simm.s32 @!p0 $0x1C07  }
0x207: {  	[timem:s3], [sflag:s2] =	dma.local @!p0 [hbm:s0], s1  }
0x208: {  	s0 =	simm.s32 @!p0 $0x7  }
0x209: {  	_ =	swait.ge @!p0 [sflag:s0], s1  }
0x20a: {  	s1 =	ssub.s32 @!p0 $0x0, s1;
	[sflag:s0] =	ssyncset.done @!p0 $0x0  }
0x20b: {  	[sflag:s0] =	ssyncadd.s32 @!p0 s1  }
0x20c: {  	[bflag:$0x3] =	sbarrier.arrive $0xFFFF  }
0x20d: {  	_ =	shalt  }

</sc_bundles>
